<compile_context>
chip_gen: v7x
topology: tpu7x:2x2x1
jax: 0.10.2.dev20260603
libtpu: 0.0.44.dev20260713+nightly
codegen_flags: <defaults>
</compile_context>

<pallas_src>
import functools

import jax
import jax.numpy as jnp
from jax import lax
from jax.experimental import pallas as pl
from jax.experimental.pallas import tpu as pltpu
from jax.experimental.pallas import tpu_sc as plsc

MAX_PATH = 512
D = 32
B0, N = 8, 512
NC, NS, L = 2, 16, 16
NW = NC * NS
W_PER_B = NW // B0
ROWS_W = N // W_PER_B
CR = 2
CHUNK = CR * N
ROWS = CHUNK // 128
NCHUNK = ROWS_W // CR

_mesh = plsc.VectorSubcoreMesh(core_axis_name="c", subcore_axis_name="s")


@functools.partial(
    pl.kernel,
    out_type=jax.ShapeDtypeStruct((B0, N, N, D), jnp.float32),
    mesh=_mesh,
    scratch_types=[
        pltpu.VMEM((CR, N), jnp.int32),
        pltpu.VMEM((CR, N), jnp.int32),
        pltpu.VMEM((CR, N, D), jnp.float32),
        pltpu.VMEM((CR, N, D), jnp.float32),
        pltpu.SemaphoreType.DMA,
        pltpu.SemaphoreType.DMA,
        pltpu.SemaphoreType.DMA,
        pltpu.SemaphoreType.DMA,
    ],
    compiler_params=pltpu.CompilerParams(use_tc_tiling_on_sc=False),
)
def _lookup(idx_hbm, table_hbm, out_hbm,
            idx0, idx1, rows0, rows1, gs0, gs1, ws0, ws1):
    idxb = (idx0, idx1)
    rowsb = (rows0, rows1)
    gs = (gs0, gs1)
    ws = (ws0, ws1)

    wid = lax.axis_index("s") * NC + lax.axis_index("c")
    bi = wid // W_PER_B
    r0 = (wid % W_PER_B) * ROWS_W
    toff = wid * MAX_PATH

    def stage(c, b):
        pltpu.sync_copy(idx_hbm.at[bi, pl.ds(r0 + c * CR, CR)], idxb[b])
        for r in range(CR):
            for k in range(N // L):
                v = idxb[b][r, pl.ds(k * L, L)]
                idxb[b][r, pl.ds(k * L, L)] = (
                    jnp.minimum(jnp.maximum(v, 0), MAX_PATH - 1) + toff)
        for j in range(ROWS):
            r, k = divmod(j, N // 128)
            pltpu.async_copy(
                table_hbm.at[idxb[b].at[r, pl.ds(k * 128, 128)]],
                rowsb[b].at[r, pl.ds(k * 128, 128)],
                gs[b],
            )

    def drain_gather(b):
        for j in range(ROWS):
            r, k = divmod(j, N // 128)
            pltpu.make_async_copy(
                table_hbm.at[idxb[b].at[r, pl.ds(k * 128, 128)]],
                rowsb[b].at[r, pl.ds(k * 128, 128)],
                gs[b],
            ).wait()

    def fire_writeback(c, b):
        pltpu.async_copy(rowsb[b], out_hbm.at[bi, pl.ds(r0 + c * CR, CR)],
                         ws[b])

    def wait_writeback(c, b):
        pltpu.make_async_copy(
            rowsb[b], out_hbm.at[bi, pl.ds(r0 + c * CR, CR)], ws[b]).wait()

    stage(0, 0)

    def pair_body(g2, _):
        g = g2 * 2
        for b in range(2):
            c = g + b
            nb = 1 - b
            drain_gather(b)
            fire_writeback(c, b)

            @pl.when(c + 1 < NCHUNK)
            def _():
                @pl.when(c >= 1)
                def _():
                    wait_writeback(c - 1, nb)

                stage(c + 1, nb)

        return 0

    lax.fori_loop(0, NCHUNK // 2, pair_body, 0)

    wait_writeback(NCHUNK - 2, 0)
    wait_writeback(NCHUNK - 1, 1)


def kernel(spatial_matrix, spatial_embedding):
    table_rep = jnp.tile(spatial_embedding, (NW, 1))
    return _lookup(spatial_matrix, table_rep)

# --- scband reference (transcript-rebuilt; emitter-appended) ---
"""Pipeline reference for scband-spatial-encoder-17308718203037 (READ-ONLY COPY).

The authoritative reference and input builder live on the scoring server;
editing this copy changes nothing except your own understanding.
"""

import jax, jax.numpy as jnp
import numpy as np

MAX_PATH_LENGTH = 512
HIDDEN_DIM = 32

def setup_inputs(seed: int = 0) -> dict:
    key = jax.random.key(seed)
    k1, k2 = jax.random.split(key)
    spatial_matrix = jax.random.randint(k1, (8, 512, 512), 0, MAX_PATH_LENGTH, dtype=jnp.int64 if jax.config.jax_enable_x64 else jnp.int32).astype(jnp.int32)
    spatial_embedding = jax.random.normal(k2, (MAX_PATH_LENGTH, HIDDEN_DIM), dtype=jnp.float32) * 0.02
    return {"spatial_matrix": spatial_matrix, "spatial_embedding": spatial_embedding}

def reference(spatial_matrix, spatial_embedding):
    idx = jnp.clip(spatial_matrix, 0, MAX_PATH_LENGTH - 1)
    return jnp.take(spatial_embedding, idx, axis=0)

if __name__ == "__main__":
    import jax
    _d = setup_inputs()
    print(jax.jit(kernel)(*tuple(_d.values())))

</pallas_src>

<mosaic_0001>
#map = affine_map<(d0, d1) -> (0, 0, 0)>
#map1 = affine_map<(d0, d1) -> (0, 0)>
#map2 = affine_map<(d0, d1) -> (0, 0, 0, 0)>
module attributes {stable_mosaic.version = 14 : i64} {
  func.func @_lookup(%arg0: i32, %arg1: i32, %arg2: memref<8x512x512xi32, #tpu.memory_space<hbm>>, %arg3: memref<16384x32xf32, #tpu.memory_space<hbm>>, %arg4: memref<8x512x512x32xf32, #tpu.memory_space<hbm>>, %arg5: memref<2x512xi32, #tpu.memory_space<vmem>>, %arg6: memref<2x512xi32, #tpu.memory_space<vmem>>, %arg7: memref<2x512x32xf32, #tpu.memory_space<vmem>>, %arg8: memref<2x512x32xf32, #tpu.memory_space<vmem>>, %arg9: memref<!tpu.dma_semaphore, #tpu.memory_space<semaphore_mem>>, %arg10: memref<!tpu.dma_semaphore, #tpu.memory_space<semaphore_mem>>, %arg11: memref<!tpu.dma_semaphore, #tpu.memory_space<semaphore_mem>>, %arg12: memref<!tpu.dma_semaphore, #tpu.memory_space<semaphore_mem>>) attributes {dimension_semantics = [#tpu.dimension_semantics<core_parallel>, #tpu.dimension_semantics<subcore_parallel>], iteration_bounds = array<i64: 2, 16>, scalar_prefetch = 0 : i64, scratch_operands = 8 : i64, tpu.core_type = #tpu.core_type<sc_vector_subcore>, window_params = [{transform_indices = #map}, {transform_indices = #map1}, {transform_indices = #map2}]} {
    %mul3A = arith.constant 2 : i32
    %mul3A_0 = arith.muli %arg1, %mul3A : i32
    %add3A = arith.addi %mul3A_0, %arg0 : i32
    %jit3A = arith.constant 4 : i32
    %div3A = arith.divsi %add3A, %jit3A : i32
    %sign3A = arith.constant 0 : i32
    %sign3A_1 = arith.cmpi sgt, %add3A, %sign3A : i32
    %sign3A_2 = arith.extui %sign3A_1 : i1 to i32
    %sign3A_3 = arith.constant 0 : i32
    %sign3A_4 = arith.cmpi slt, %add3A, %sign3A_3 : i32
    %sign3A_5 = arith.extui %sign3A_4 : i1 to i32
    %sign3A_6 = arith.subi %sign3A_2, %sign3A_5 : i32
    %sign3A_7 = arith.constant 0 : i32
    %sign3A_8 = arith.cmpi sgt, %jit3A, %sign3A_7 : i32
    %sign3A_9 = arith.extui %sign3A_8 : i1 to i32
    %sign3A_10 = arith.constant 0 : i32
    %sign3A_11 = arith.cmpi slt, %jit3A, %sign3A_10 : i32
    %sign3A_12 = arith.extui %sign3A_11 : i1 to i32
    %sign3A_13 = arith.subi %sign3A_9, %sign3A_12 : i32
    %ne3A = arith.cmpi ne, %sign3A_6, %sign3A_13 : i32
    %rem3A = arith.remsi %add3A, %jit3A : i32
    %ne3A_14 = arith.constant 0 : i32
    %ne3A_15 = arith.cmpi ne, %rem3A, %ne3A_14 : i32
    %and3A = arith.andi %ne3A, %ne3A_15 : i1
    %sub3A = arith.constant 1 : i32
    %sub3A_16 = arith.subi %div3A, %sub3A : i32
    %select_n3A = arith.select %and3A, %sub3A_16, %div3A : i32
    %jit3A_17 = arith.constant 4 : i32
    %eq3A = arith.constant 0 : i32
    %eq3A_18 = arith.cmpi eq, %jit3A_17, %eq3A : i32
    %jit3A_19 = arith.constant 1 : i32
    %select_n3A_20 = arith.select %eq3A_18, %jit3A_19, %jit3A_17 : i32
    %rem3A_21 = arith.remsi %add3A, %select_n3A_20 : i32
    %ne3A_22 = arith.constant 0 : i32
    %ne3A_23 = arith.cmpi ne, %rem3A_21, %ne3A_22 : i32
    %lt3A = arith.constant 0 : i32
    %lt3A_24 = arith.cmpi slt, %rem3A_21, %lt3A : i32
    %lt3A_25 = arith.constant 0 : i32
    %lt3A_26 = arith.cmpi slt, %select_n3A_20, %lt3A_25 : i32
    %ne3A_27 = arith.xori %lt3A_24, %lt3A_26 : i1
    %and3A_28 = arith.andi %ne3A_27, %ne3A_23 : i1
    %add3A_29 = arith.addi %rem3A_21, %select_n3A_20 : i32
    %select_n3A_30 = arith.select %and3A_28, %add3A_29, %rem3A_21 : i32
    %mul3A_31 = arith.constant 128 : i32
    %mul3A_32 = arith.muli %select_n3A_30, %mul3A_31 : i32
    %mul3A_33 = arith.constant 512 : i32
    %mul3A_34 = arith.muli %add3A, %mul3A_33 : i32
    %add3A_35 = arith.constant 0 : i32
    %add3A_36 = arith.addi %mul3A_32, %add3A_35 : i32
    "tpu.region"() ({
      %run_scoped3A = tpu.sem_alloc : memref<!tpu.dma_semaphore, #tpu.memory_space<semaphore_mem>>
      %dma_start3A_1369 = arith.constant 0 : i32
      %dma_start3A_1370 = tpu.memref_slice %arg2[%select_n3A, %add3A_36, %dma_start3A_1369] : memref<8x512x512xi32, #tpu.memory_space<hbm>> -> memref<1x2x512xi32, #tpu.memory_space<hbm>>
      %dma_start3A_1371 = tpu.memref_squeeze %dma_start3A_1370 : memref<1x2x512xi32, #tpu.memory_space<hbm>> -> memref<2x512xi32, #tpu.memory_space<hbm>>
      %dma_start3A_1372 = arith.constant 0 : i32
      %dma_start3A_1373 = tpu.memref_slice %arg2[%select_n3A, %add3A_36, %dma_start3A_1372] : memref<8x512x512xi32, #tpu.memory_space<hbm>> -> memref<1x2x512xi32, #tpu.memory_space<hbm>>
      %dma_start3A_1374 = tpu.memref_squeeze %dma_start3A_1373 : memref<1x2x512xi32, #tpu.memory_space<hbm>> -> memref<2x512xi32, #tpu.memory_space<hbm>>
      tpu.enqueue_dma source(%dma_start3A_1374 : memref<2x512xi32, #tpu.memory_space<hbm>>) target(%arg5 : memref<2x512xi32, #tpu.memory_space<vmem>>) target_semaphore(%run_scoped3A : memref<!tpu.dma_semaphore, #tpu.memory_space<semaphore_mem>>)
      %dma_wait3A_1375 = arith.constant 0 : i32
      %dma_wait3A_1376 = tpu.memref_slice %arg2[%select_n3A, %add3A_36, %dma_wait3A_1375] : memref<8x512x512xi32, #tpu.memory_space<hbm>> -> memref<1x2x512xi32, #tpu.memory_space<hbm>>
      %dma_wait3A_1377 = tpu.memref_squeeze %dma_wait3A_1376 : memref<1x2x512xi32, #tpu.memory_space<hbm>> -> memref<2x512xi32, #tpu.memory_space<hbm>>
      %dma_wait3A_1378 = arith.constant 0 : i32
      %dma_wait3A_1379 = tpu.memref_slice %arg2[%select_n3A, %add3A_36, %dma_wait3A_1378] : memref<8x512x512xi32, #tpu.memory_space<hbm>> -> memref<1x2x512xi32, #tpu.memory_space<hbm>>
      %dma_wait3A_1380 = tpu.memref_squeeze %dma_wait3A_1379 : memref<1x2x512xi32, #tpu.memory_space<hbm>> -> memref<2x512xi32, #tpu.memory_space<hbm>>
      tpu.wait_dma2 semaphore(%run_scoped3A : memref<!tpu.dma_semaphore, #tpu.memory_space<semaphore_mem>>) src(%dma_wait3A_1380 : memref<2x512xi32, #tpu.memory_space<hbm>>) dst(%arg5 : memref<2x512xi32, #tpu.memory_space<vmem>>)
      tpu.yield
    }) : () -> ()
    %get3A = arith.constant 0 : i32
    %get3A_37 = arith.index_cast %get3A : i32 to index
    %get3A_38 = arith.constant 0 : index
    %get3A_39 = tpu.vector_load %arg5[%get3A_37, %get3A_38] {strides = array<i32>} : memref<2x512xi32, #tpu.memory_space<vmem>>, vector<1x16xi32>,
    %get3A_40 = vector.shape_cast %get3A_39 : vector<1x16xi32> to vector<16xi32>
    %max3A = arith.constant 0 : i32
    %max3A_41 = vector.broadcast %max3A : i32 to vector<16xi32>
    %max3A_42 = arith.maxsi %get3A_40, %max3A_41 : vector<16xi32>
    %min3A = arith.constant 511 : i32
    %min3A_43 = vector.broadcast %min3A : i32 to vector<16xi32>
    %min3A_44 = arith.minsi %max3A_42, %min3A_43 : vector<16xi32>
    %add3A_45 = vector.broadcast %mul3A_34 : i32 to vector<16xi32>
    %add3A_46 = arith.addi %min3A_44, %add3A_45 : vector<16xi32>
    %swap3A = arith.constant 0 : i32
    %swap3A_47 = arith.index_cast %swap3A : i32 to index
    %swap3A_48 = arith.constant 0 : index
    %swap3A_49 = tpu.vector_load %arg5[%swap3A_47, %swap3A_48] {strides = array<i32>} : memref<2x512xi32, #tpu.memory_space<vmem>>, vector<1x16xi32>,
    %swap3A_50 = vector.shape_cast %swap3A_49 : vector<1x16xi32> to vector<16xi32>
    %swap3A_51 = vector.shape_cast %add3A_46 : vector<16xi32> to vector<1x16xi32>
    tpu.vector_store %arg5[%swap3A_47, %swap3A_48], %swap3A_51 {strides = array<i32>} : memref<2x512xi32, #tpu.memory_space<vmem>>, vector<1x16xi32>,
    %get3A_52 = arith.constant 0 : i32
    %get3A_53 = arith.index_cast %get3A_52 : i32 to index
    %get3A_54 = arith.constant 16 : index
    %get3A_55 = tpu.vector_load %arg5[%get3A_53, %get3A_54] {strides = array<i32>} : memref<2x512xi32, #tpu.memory_space<vmem>>, vector<1x16xi32>,
    %get3A_56 = vector.shape_cast %get3A_55 : vector<1x16xi32> to vector<16xi32>
    %max3A_57 = arith.constant 0 : i32
    %max3A_58 = vector.broadcast %max3A_57 : i32 to vector<16xi32>
    %max3A_59 = arith.maxsi %get3A_56, %max3A_58 : vector<16xi32>
    %min3A_60 = arith.constant 511 : i32
    %min3A_61 = vector.broadcast %min3A_60 : i32 to vector<16xi32>
    %min3A_62 = arith.minsi %max3A_59, %min3A_61 : vector<16xi32>
    %add3A_63 = vector.broadcast %mul3A_34 : i32 to vector<16xi32>
    %add3A_64 = arith.addi %min3A_62, %add3A_63 : vector<16xi32>
    %swap3A_65 = arith.constant 0 : i32
    %swap3A_66 = arith.index_cast %swap3A_65 : i32 to index
    %swap3A_67 = arith.constant 16 : index
    %swap3A_68 = tpu.vector_load %arg5[%swap3A_66, %swap3A_67] {strides = array<i32>} : memref<2x512xi32, #tpu.memory_space<vmem>>, vector<1x16xi32>,
    %swap3A_69 = vector.shape_cast %swap3A_68 : vector<1x16xi32> to vector<16xi32>
    %swap3A_70 = vector.shape_cast %add3A_64 : vector<16xi32> to vector<1x16xi32>
    tpu.vector_store %arg5[%swap3A_66, %swap3A_67], %swap3A_70 {strides = array<i32>} : memref<2x512xi32, #tpu.memory_space<vmem>>, vector<1x16xi32>,
    %get3A_71 = arith.constant 0 : i32
    %get3A_72 = arith.index_cast %get3A_71 : i32 to index
    %get3A_73 = arith.constant 32 : index
    %get3A_74 = tpu.vector_load %arg5[%get3A_72, %get3A_73] {strides = array<i32>} : memref<2x512xi32, #tpu.memory_space<vmem>>, vector<1x16xi32>,
    %get3A_75 = vector.shape_cast %get3A_74 : vector<1x16xi32> to vector<16xi32>
    %max3A_76 = arith.constant 0 : i32
    %max3A_77 = vector.broadcast %max3A_76 : i32 to vector<16xi32>
    %max3A_78 = arith.maxsi %get3A_75, %max3A_77 : vector<16xi32>
    %min3A_79 = arith.constant 511 : i32
    %min3A_80 = vector.broadcast %min3A_79 : i32 to vector<16xi32>
    %min3A_81 = arith.minsi %max3A_78, %min3A_80 : vector<16xi32>
    %add3A_82 = vector.broadcast %mul3A_34 : i32 to vector<16xi32>
    %add3A_83 = arith.addi %min3A_81, %add3A_82 : vector<16xi32>
    %swap3A_84 = arith.constant 0 : i32
    %swap3A_85 = arith.index_cast %swap3A_84 : i32 to index
    %swap3A_86 = arith.constant 32 : index
    %swap3A_87 = tpu.vector_load %arg5[%swap3A_85, %swap3A_86] {strides = array<i32>} : memref<2x512xi32, #tpu.memory_space<vmem>>, vector<1x16xi32>,
    %swap3A_88 = vector.shape_cast %swap3A_87 : vector<1x16xi32> to vector<16xi32>
    %swap3A_89 = vector.shape_cast %add3A_83 : vector<16xi32> to vector<1x16xi32>
    tpu.vector_store %arg5[%swap3A_85, %swap3A_86], %swap3A_89 {strides = array<i32>} : memref<2x512xi32, #tpu.memory_space<vmem>>, vector<1x16xi32>,
    %get3A_90 = arith.constant 0 : i32
    %get3A_91 = arith.index_cast %get3A_90 : i32 to index
    %get3A_92 = arith.constant 48 : index
    %get3A_93 = tpu.vector_load %arg5[%get3A_91, %get3A_92] {strides = array<i32>} : memref<2x512xi32, #tpu.memory_space<vmem>>, vector<1x16xi32>,
    %get3A_94 = vector.shape_cast %get3A_93 : vector<1x16xi32> to vector<16xi32>
    %max3A_95 = arith.constant 0 : i32
    %max3A_96 = vector.broadcast %max3A_95 : i32 to vector<16xi32>
    %max3A_97 = arith.maxsi %get3A_94, %max3A_96 : vector<16xi32>
    %min3A_98 = arith.constant 511 : i32
    %min3A_99 = vector.broadcast %min3A_98 : i32 to vector<16xi32>
    %min3A_100 = arith.minsi %max3A_97, %min3A_99 : vector<16xi32>
    %add3A_101 = vector.broadcast %mul3A_34 : i32 to vector<16xi32>
    %add3A_102 = arith.addi %min3A_100, %add3A_101 : vector<16xi32>
    %swap3A_103 = arith.constant 0 : i32
    %swap3A_104 = arith.index_cast %swap3A_103 : i32 to index
    %swap3A_105 = arith.constant 48 : index
    %swap3A_106 = tpu.vector_load %arg5[%swap3A_104, %swap3A_105] {strides = array<i32>} : memref<2x512xi32, #tpu.memory_space<vmem>>, vector<1x16xi32>,
    %swap3A_107 = vector.shape_cast %swap3A_106 : vector<1x16xi32> to vector<16xi32>
    %swap3A_108 = vector.shape_cast %add3A_102 : vector<16xi32> to vector<1x16xi32>
    tpu.vector_store %arg5[%swap3A_104, %swap3A_105], %swap3A_108 {strides = array<i32>} : memref<2x512xi32, #tpu.memory_space<vmem>>, vector<1x16xi32>,
    %get3A_109 = arith.constant 0 : i32
    %get3A_110 = arith.index_cast %get3A_109 : i32 to index
    %get3A_111 = arith.constant 64 : index
    %get3A_112 = tpu.vector_load %arg5[%get3A_110, %get3A_111] {strides = array<i32>} : memref<2x512xi32, #tpu.memory_space<vmem>>, vector<1x16xi32>,
    %get3A_113 = vector.shape_cast %get3A_112 : vector<1x16xi32> to vector<16xi32>
    %max3A_114 = arith.constant 0 : i32
    %max3A_115 = vector.broadcast %max3A_114 : i32 to vector<16xi32>
    %max3A_116 = arith.maxsi %get3A_113, %max3A_115 : vector<16xi32>
    %min3A_117 = arith.constant 511 : i32
    %min3A_118 = vector.broadcast %min3A_117 : i32 to vector<16xi32>
    %min3A_119 = arith.minsi %max3A_116, %min3A_118 : vector<16xi32>
    %add3A_120 = vector.broadcast %mul3A_34 : i32 to vector<16xi32>
    %add3A_121 = arith.addi %min3A_119, %add3A_120 : vector<16xi32>
    %swap3A_122 = arith.constant 0 : i32
    %swap3A_123 = arith.index_cast %swap3A_122 : i32 to index
    %swap3A_124 = arith.constant 64 : index
    %swap3A_125 = tpu.vector_load %arg5[%swap3A_123, %swap3A_124] {strides = array<i32>} : memref<2x512xi32, #tpu.memory_space<vmem>>, vector<1x16xi32>,
    %swap3A_126 = vector.shape_cast %swap3A_125 : vector<1x16xi32> to vector<16xi32>
    %swap3A_127 = vector.shape_cast %add3A_121 : vector<16xi32> to vector<1x16xi32>
    tpu.vector_store %arg5[%swap3A_123, %swap3A_124], %swap3A_127 {strides = array<i32>} : memref<2x512xi32, #tpu.memory_space<vmem>>, vector<1x16xi32>,
    %get3A_128 = arith.constant 0 : i32
    %get3A_129 = arith.index_cast %get3A_128 : i32 to index
    %get3A_130 = arith.constant 80 : index
    %get3A_131 = tpu.vector_load %arg5[%get3A_129, %get3A_130] {strides = array<i32>} : memref<2x512xi32, #tpu.memory_space<vmem>>, vector<1x16xi32>,
    %get3A_132 = vector.shape_cast %get3A_131 : vector<1x16xi32> to vector<16xi32>
    %max3A_133 = arith.constant 0 : i32
    %max3A_134 = vector.broadcast %max3A_133 : i32 to vector<16xi32>
    %max3A_135 = arith.maxsi %get3A_132, %max3A_134 : vector<16xi32>
    %min3A_136 = arith.constant 511 : i32
    %min3A_137 = vector.broadcast %min3A_136 : i32 to vector<16xi32>
    %min3A_138 = arith.minsi %max3A_135, %min3A_137 : vector<16xi32>
    %add3A_139 = vector.broadcast %mul3A_34 : i32 to vector<16xi32>
    %add3A_140 = arith.addi %min3A_138, %add3A_139 : vector<16xi32>
    %swap3A_141 = arith.constant 0 : i32
    %swap3A_142 = arith.index_cast %swap3A_141 : i32 to index
    %swap3A_143 = arith.constant 80 : index
    %swap3A_144 = tpu.vector_load %arg5[%swap3A_142, %swap3A_143] {strides = array<i32>} : memref<2x512xi32, #tpu.memory_space<vmem>>, vector<1x16xi32>,
    %swap3A_145 = vector.shape_cast %swap3A_144 : vector<1x16xi32> to vector<16xi32>
    %swap3A_146 = vector.shape_cast %add3A_140 : vector<16xi32> to vector<1x16xi32>
    tpu.vector_store %arg5[%swap3A_142, %swap3A_143], %swap3A_146 {strides = array<i32>} : memref<2x512xi32, #tpu.memory_space<vmem>>, vector<1x16xi32>,
    %get3A_147 = arith.constant 0 : i32
    %get3A_148 = arith.index_cast %get3A_147 : i32 to index
    %get3A_149 = arith.constant 96 : index
    %get3A_150 = tpu.vector_load %arg5[%get3A_148, %get3A_149] {strides = array<i32>} : memref<2x512xi32, #tpu.memory_space<vmem>>, vector<1x16xi32>,
    %get3A_151 = vector.shape_cast %get3A_150 : vector<1x16xi32> to vector<16xi32>
    %max3A_152 = arith.constant 0 : i32
    %max3A_153 = vector.broadcast %max3A_152 : i32 to vector<16xi32>
    %max3A_154 = arith.maxsi %get3A_151, %max3A_153 : vector<16xi32>
    %min3A_155 = arith.constant 511 : i32
    %min3A_156 = vector.broadcast %min3A_155 : i32 to vector<16xi32>
    %min3A_157 = arith.minsi %max3A_154, %min3A_156 : vector<16xi32>
    %add3A_158 = vector.broadcast %mul3A_34 : i32 to vector<16xi32>
    %add3A_159 = arith.addi %min3A_157, %add3A_158 : vector<16xi32>
    %swap3A_160 = arith.constant 0 : i32
    %swap3A_161 = arith.index_cast %swap3A_160 : i32 to index
    %swap3A_162 = arith.constant 96 : index
    %swap3A_163 = tpu.vector_load %arg5[%swap3A_161, %swap3A_162] {strides = array<i32>} : memref<2x512xi32, #tpu.memory_space<vmem>>, vector<1x16xi32>,
    %swap3A_164 = vector.shape_cast %swap3A_163 : vector<1x16xi32> to vector<16xi32>
    %swap3A_165 = vector.shape_cast %add3A_159 : vector<16xi32> to vector<1x16xi32>
    tpu.vector_store %arg5[%swap3A_161, %swap3A_162], %swap3A_165 {strides = array<i32>} : memref<2x512xi32, #tpu.memory_space<vmem>>, vector<1x16xi32>,
    %get3A_166 = arith.constant 0 : i32
    %get3A_167 = arith.index_cast %get3A_166 : i32 to index
    %get3A_168 = arith.constant 112 : index
    %get3A_169 = tpu.vector_load %arg5[%get3A_167, %get3A_168] {strides = array<i32>} : memref<2x512xi32, #tpu.memory_space<vmem>>, vector<1x16xi32>,
    %get3A_170 = vector.shape_cast %get3A_169 : vector<1x16xi32> to vector<16xi32>
    %max3A_171 = arith.constant 0 : i32
    %max3A_172 = vector.broadcast %max3A_171 : i32 to vector<16xi32>
    %max3A_173 = arith.maxsi %get3A_170, %max3A_172 : vector<16xi32>
    %min3A_174 = arith.constant 511 : i32
    %min3A_175 = vector.broadcast %min3A_174 : i32 to vector<16xi32>
    %min3A_176 = arith.minsi %max3A_173, %min3A_175 : vector<16xi32>
    %add3A_177 = vector.broadcast %mul3A_34 : i32 to vector<16xi32>
    %add3A_178 = arith.addi %min3A_176, %add3A_177 : vector<16xi32>
    %swap3A_179 = arith.constant 0 : i32
    %swap3A_180 = arith.index_cast %swap3A_179 : i32 to index
    %swap3A_181 = arith.constant 112 : index
    %swap3A_182 = tpu.vector_load %arg5[%swap3A_180, %swap3A_181] {strides = array<i32>} : memref<2x512xi32, #tpu.memory_space<vmem>>, vector<1x16xi32>,
    %swap3A_183 = vector.shape_cast %swap3A_182 : vector<1x16xi32> to vector<16xi32>
    %swap3A_184 = vector.shape_cast %add3A_178 : vector<16xi32> to vector<1x16xi32>
    tpu.vector_store %arg5[%swap3A_180, %swap3A_181], %swap3A_184 {strides = array<i32>} : memref<2x512xi32, #tpu.memory_space<vmem>>, vector<1x16xi32>,
    %get3A_185 = arith.constant 0 : i32
    %get3A_186 = arith.index_cast %get3A_185 : i32 to index
    %get3A_187 = arith.constant 128 : index
    %get3A_188 = tpu.vector_load %arg5[%get3A_186, %get3A_187] {strides = array<i32>} : memref<2x512xi32, #tpu.memory_space<vmem>>, vector<1x16xi32>,
    %get3A_189 = vector.shape_cast %get3A_188 : vector<1x16xi32> to vector<16xi32>
    %max3A_190 = arith.constant 0 : i32
    %max3A_191 = vector.broadcast %max3A_190 : i32 to vector<16xi32>
    %max3A_192 = arith.maxsi %get3A_189, %max3A_191 : vector<16xi32>
    %min3A_193 = arith.constant 511 : i32
    %min3A_194 = vector.broadcast %min3A_193 : i32 to vector<16xi32>
    %min3A_195 = arith.minsi %max3A_192, %min3A_194 : vector<16xi32>
    %add3A_196 = vector.broadcast %mul3A_34 : i32 to vector<16xi32>
    %add3A_197 = arith.addi %min3A_195, %add3A_196 : vector<16xi32>
    %swap3A_198 = arith.constant 0 : i32
    %swap3A_199 = arith.index_cast %swap3A_198 : i32 to index
    %swap3A_200 = arith.constant 128 : index
    %swap3A_201 = tpu.vector_load %arg5[%swap3A_199, %swap3A_200] {strides = array<i32>} : memref<2x512xi32, #tpu.memory_space<vmem>>, vector<1x16xi32>,
    %swap3A_202 = vector.shape_cast %swap3A_201 : vector<1x16xi32> to vector<16xi32>
    %swap3A_203 = vector.shape_cast %add3A_197 : vector<16xi32> to vector<1x16xi32>
    tpu.vector_store %arg5[%swap3A_199, %swap3A_200], %swap3A_203 {strides = array<i32>} : memref<2x512xi32, #tpu.memory_space<vmem>>, vector<1x16xi32>,
    %get3A_204 = arith.constant 0 : i32
    %get3A_205 = arith.index_cast %get3A_204 : i32 to index
    %get3A_206 = arith.constant 144 : index
    %get3A_207 = tpu.vector_load %arg5[%get3A_205, %get3A_206] {strides = array<i32>} : memref<2x512xi32, #tpu.memory_space<vmem>>, vector<1x16xi32>,
    %get3A_208 = vector.shape_cast %get3A_207 : vector<1x16xi32> to vector<16xi32>
    %max3A_209 = arith.constant 0 : i32
    %max3A_210 = vector.broadcast %max3A_209 : i32 to vector<16xi32>
    %max3A_211 = arith.maxsi %get3A_208, %max3A_210 : vector<16xi32>
    %min3A_212 = arith.constant 511 : i32
    %min3A_213 = vector.broadcast %min3A_212 : i32 to vector<16xi32>
    %min3A_214 = arith.minsi %max3A_211, %min3A_213 : vector<16xi32>
    %add3A_215 = vector.broadcast %mul3A_34 : i32 to vector<16xi32>
    %add3A_216 = arith.addi %min3A_214, %add3A_215 : vector<16xi32>
    %swap3A_217 = arith.constant 0 : i32
    %swap3A_218 = arith.index_cast %swap3A_217 : i32 to index
    %swap3A_219 = arith.constant 144 : index
    %swap3A_220 = tpu.vector_load %arg5[%swap3A_218, %swap3A_219] {strides = array<i32>} : memref<2x512xi32, #tpu.memory_space<vmem>>, vector<1x16xi32>,
    %swap3A_221 = vector.shape_cast %swap3A_220 : vector<1x16xi32> to vector<16xi32>
    %swap3A_222 = vector.shape_cast %add3A_216 : vector<16xi32> to vector<1x16xi32>
    tpu.vector_store %arg5[%swap3A_218, %swap3A_219], %swap3A_222 {strides = array<i32>} : memref<2x512xi32, #tpu.memory_space<vmem>>, vector<1x16xi32>,
    %get3A_223 = arith.constant 0 : i32
    %get3A_224 = arith.index_cast %get3A_223 : i32 to index
    %get3A_225 = arith.constant 160 : index
    %get3A_226 = tpu.vector_load %arg5[%get3A_224, %get3A_225] {strides = array<i32>} : memref<2x512xi32, #tpu.memory_space<vmem>>, vector<1x16xi32>,
    %get3A_227 = vector.shape_cast %get3A_226 : vector<1x16xi32> to vector<16xi32>
    %max3A_228 = arith.constant 0 : i32
    %max3A_229 = vector.broadcast %max3A_228 : i32 to vector<16xi32>
    %max3A_230 = arith.maxsi %get3A_227, %max3A_229 : vector<16xi32>
    %min3A_231 = arith.constant 511 : i32
    %min3A_232 = vector.broadcast %min3A_231 : i32 to vector<16xi32>
    %min3A_233 = arith.minsi %max3A_230, %min3A_232 : vector<16xi32>
    %add3A_234 = vector.broadcast %mul3A_34 : i32 to vector<16xi32>
    %add3A_235 = arith.addi %min3A_233, %add3A_234 : vector<16xi32>
    %swap3A_236 = arith.constant 0 : i32
    %swap3A_237 = arith.index_cast %swap3A_236 : i32 to index
    %swap3A_238 = arith.constant 160 : index
    %swap3A_239 = tpu.vector_load %arg5[%swap3A_237, %swap3A_238] {strides = array<i32>} : memref<2x512xi32, #tpu.memory_space<vmem>>, vector<1x16xi32>,
    %swap3A_240 = vector.shape_cast %swap3A_239 : vector<1x16xi32> to vector<16xi32>
    %swap3A_241 = vector.shape_cast %add3A_235 : vector<16xi32> to vector<1x16xi32>
    tpu.vector_store %arg5[%swap3A_237, %swap3A_238], %swap3A_241 {strides = array<i32>} : memref<2x512xi32, #tpu.memory_space<vmem>>, vector<1x16xi32>,
    %get3A_242 = arith.constant 0 : i32
    %get3A_243 = arith.index_cast %get3A_242 : i32 to index
    %get3A_244 = arith.constant 176 : index
    %get3A_245 = tpu.vector_load %arg5[%get3A_243, %get3A_244] {strides = array<i32>} : memref<2x512xi32, #tpu.memory_space<vmem>>, vector<1x16xi32>,
    %get3A_246 = vector.shape_cast %get3A_245 : vector<1x16xi32> to vector<16xi32>
    %max3A_247 = arith.constant 0 : i32
    %max3A_248 = vector.broadcast %max3A_247 : i32 to vector<16xi32>
    %max3A_249 = arith.maxsi %get3A_246, %max3A_248 : vector<16xi32>
    %min3A_250 = arith.constant 511 : i32
    %min3A_251 = vector.broadcast %min3A_250 : i32 to vector<16xi32>
    %min3A_252 = arith.minsi %max3A_249, %min3A_251 : vector<16xi32>
    %add3A_253 = vector.broadcast %mul3A_34 : i32 to vector<16xi32>
    %add3A_254 = arith.addi %min3A_252, %add3A_253 : vector<16xi32>
    %swap3A_255 = arith.constant 0 : i32
    %swap3A_256 = arith.index_cast %swap3A_255 : i32 to index
    %swap3A_257 = arith.constant 176 : index
    %swap3A_258 = tpu.vector_load %arg5[%swap3A_256, %swap3A_257] {strides = array<i32>} : memref<2x512xi32, #tpu.memory_space<vmem>>, vector<1x16xi32>,
    %swap3A_259 = vector.shape_cast %swap3A_258 : vector<1x16xi32> to vector<16xi32>
    %swap3A_260 = vector.shape_cast %add3A_254 : vector<16xi32> to vector<1x16xi32>
    tpu.vector_store %arg5[%swap3A_256, %swap3A_257], %swap3A_260 {strides = array<i32>} : memref<2x512xi32, #tpu.memory_space<vmem>>, vector<1x16xi32>,
    %get3A_261 = arith.constant 0 : i32
    %get3A_262 = arith.index_cast %get3A_261 : i32 to index
    %get3A_263 = arith.constant 192 : index
    %get3A_264 = tpu.vector_load %arg5[%get3A_262, %get3A_263] {strides = array<i32>} : memref<2x512xi32, #tpu.memory_space<vmem>>, vector<1x16xi32>,
    %get3A_265 = vector.shape_cast %get3A_264 : vector<1x16xi32> to vector<16xi32>
    %max3A_266 = arith.constant 0 : i32
    %max3A_267 = vector.broadcast %max3A_266 : i32 to vector<16xi32>
    %max3A_268 = arith.maxsi %get3A_265, %max3A_267 : vector<16xi32>
    %min3A_269 = arith.constant 511 : i32
    %min3A_270 = vector.broadcast %min3A_269 : i32 to vector<16xi32>
    %min3A_271 = arith.minsi %max3A_268, %min3A_270 : vector<16xi32>
    %add3A_272 = vector.broadcast %mul3A_34 : i32 to vector<16xi32>
    %add3A_273 = arith.addi %min3A_271, %add3A_272 : vector<16xi32>
    %swap3A_274 = arith.constant 0 : i32
    %swap3A_275 = arith.index_cast %swap3A_274 : i32 to index
    %swap3A_276 = arith.constant 192 : index
    %swap3A_277 = tpu.vector_load %arg5[%swap3A_275, %swap3A_276] {strides = array<i32>} : memref<2x512xi32, #tpu.memory_space<vmem>>, vector<1x16xi32>,
    %swap3A_278 = vector.shape_cast %swap3A_277 : vector<1x16xi32> to vector<16xi32>
    %swap3A_279 = vector.shape_cast %add3A_273 : vector<16xi32> to vector<1x16xi32>
    tpu.vector_store %arg5[%swap3A_275, %swap3A_276], %swap3A_279 {strides = array<i32>} : memref<2x512xi32, #tpu.memory_space<vmem>>, vector<1x16xi32>,
    %get3A_280 = arith.constant 0 : i32
    %get3A_281 = arith.index_cast %get3A_280 : i32 to index
    %get3A_282 = arith.constant 208 : index
    %get3A_283 = tpu.vector_load %arg5[%get3A_281, %get3A_282] {strides = array<i32>} : memref<2x512xi32, #tpu.memory_space<vmem>>, vector<1x16xi32>,
    %get3A_284 = vector.shape_cast %get3A_283 : vector<1x16xi32> to vector<16xi32>
    %max3A_285 = arith.constant 0 : i32
    %max3A_286 = vector.broadcast %max3A_285 : i32 to vector<16xi32>
    %max3A_287 = arith.maxsi %get3A_284, %max3A_286 : vector<16xi32>
    %min3A_288 = arith.constant 511 : i32
    %min3A_289 = vector.broadcast %min3A_288 : i32 to vector<16xi32>
    %min3A_290 = arith.minsi %max3A_287, %min3A_289 : vector<16xi32>
    %add3A_291 = vector.broadcast %mul3A_34 : i32 to vector<16xi32>
    %add3A_292 = arith.addi %min3A_290, %add3A_291 : vector<16xi32>
    %swap3A_293 = arith.constant 0 : i32
    %swap3A_294 = arith.index_cast %swap3A_293 : i32 to index
    %swap3A_295 = arith.constant 208 : index
    %swap3A_296 = tpu.vector_load %arg5[%swap3A_294, %swap3A_295] {strides = array<i32>} : memref<2x512xi32, #tpu.memory_space<vmem>>, vector<1x16xi32>,
    %swap3A_297 = vector.shape_cast %swap3A_296 : vector<1x16xi32> to vector<16xi32>
    %swap3A_298 = vector.shape_cast %add3A_292 : vector<16xi32> to vector<1x16xi32>
    tpu.vector_store %arg5[%swap3A_294, %swap3A_295], %swap3A_298 {strides = array<i32>} : memref<2x512xi32, #tpu.memory_space<vmem>>, vector<1x16xi32>,
    %get3A_299 = arith.constant 0 : i32
    %get3A_300 = arith.index_cast %get3A_299 : i32 to index
    %get3A_301 = arith.constant 224 : index
    %get3A_302 = tpu.vector_load %arg5[%get3A_300, %get3A_301] {strides = array<i32>} : memref<2x512xi32, #tpu.memory_space<vmem>>, vector<1x16xi32>,
    %get3A_303 = vector.shape_cast %get3A_302 : vector<1x16xi32> to vector<16xi32>
    %max3A_304 = arith.constant 0 : i32
    %max3A_305 = vector.broadcast %max3A_304 : i32 to vector<16xi32>
    %max3A_306 = arith.maxsi %get3A_303, %max3A_305 : vector<16xi32>
    %min3A_307 = arith.constant 511 : i32
    %min3A_308 = vector.broadcast %min3A_307 : i32 to vector<16xi32>
    %min3A_309 = arith.minsi %max3A_306, %min3A_308 : vector<16xi32>
    %add3A_310 = vector.broadcast %mul3A_34 : i32 to vector<16xi32>
    %add3A_311 = arith.addi %min3A_309, %add3A_310 : vector<16xi32>
    %swap3A_312 = arith.constant 0 : i32
    %swap3A_313 = arith.index_cast %swap3A_312 : i32 to index
    %swap3A_314 = arith.constant 224 : index
    %swap3A_315 = tpu.vector_load %arg5[%swap3A_313, %swap3A_314] {strides = array<i32>} : memref<2x512xi32, #tpu.memory_space<vmem>>, vector<1x16xi32>,
    %swap3A_316 = vector.shape_cast %swap3A_315 : vector<1x16xi32> to vector<16xi32>
    %swap3A_317 = vector.shape_cast %add3A_311 : vector<16xi32> to vector<1x16xi32>
    tpu.vector_store %arg5[%swap3A_313, %swap3A_314], %swap3A_317 {strides = array<i32>} : memref<2x512xi32, #tpu.memory_space<vmem>>, vector<1x16xi32>,
    %get3A_318 = arith.constant 0 : i32
    %get3A_319 = arith.index_cast %get3A_318 : i32 to index
    %get3A_320 = arith.constant 240 : index
    %get3A_321 = tpu.vector_load %arg5[%get3A_319, %get3A_320] {strides = array<i32>} : memref<2x512xi32, #tpu.memory_space<vmem>>, vector<1x16xi32>,
    %get3A_322 = vector.shape_cast %get3A_321 : vector<1x16xi32> to vector<16xi32>
    %max3A_323 = arith.constant 0 : i32
    %max3A_324 = vector.broadcast %max3A_323 : i32 to vector<16xi32>
    %max3A_325 = arith.maxsi %get3A_322, %max3A_324 : vector<16xi32>
    %min3A_326 = arith.constant 511 : i32
    %min3A_327 = vector.broadcast %min3A_326 : i32 to vector<16xi32>
    %min3A_328 = arith.minsi %max3A_325, %min3A_327 : vector<16xi32>
    %add3A_329 = vector.broadcast %mul3A_34 : i32 to vector<16xi32>
    %add3A_330 = arith.addi %min3A_328, %add3A_329 : vector<16xi32>
    %swap3A_331 = arith.constant 0 : i32
    %swap3A_332 = arith.index_cast %swap3A_331 : i32 to index
    %swap3A_333 = arith.constant 240 : index
    %swap3A_334 = tpu.vector_load %arg5[%swap3A_332, %swap3A_333] {strides = array<i32>} : memref<2x512xi32, #tpu.memory_space<vmem>>, vector<1x16xi32>,
    %swap3A_335 = vector.shape_cast %swap3A_334 : vector<1x16xi32> to vector<16xi32>
    %swap3A_336 = vector.shape_cast %add3A_330 : vector<16xi32> to vector<1x16xi32>
    tpu.vector_store %arg5[%swap3A_332, %swap3A_333], %swap3A_336 {strides = array<i32>} : memref<2x512xi32, #tpu.memory_space<vmem>>, vector<1x16xi32>,
    %get3A_337 = arith.constant 0 : i32
    %get3A_338 = arith.index_cast %get3A_337 : i32 to index
    %get3A_339 = arith.constant 256 : index
    %get3A_340 = tpu.vector_load %arg5[%get3A_338, %get3A_339] {strides = array<i32>} : memref<2x512xi32, #tpu.memory_space<vmem>>, vector<1x16xi32>,
    %get3A_341 = vector.shape_cast %get3A_340 : vector<1x16xi32> to vector<16xi32>
    %max3A_342 = arith.constant 0 : i32
    %max3A_343 = vector.broadcast %max3A_342 : i32 to vector<16xi32>
    %max3A_344 = arith.maxsi %get3A_341, %max3A_343 : vector<16xi32>
    %min3A_345 = arith.constant 511 : i32
    %min3A_346 = vector.broadcast %min3A_345 : i32 to vector<16xi32>
    %min3A_347 = arith.minsi %max3A_344, %min3A_346 : vector<16xi32>
    %add3A_348 = vector.broadcast %mul3A_34 : i32 to vector<16xi32>
    %add3A_349 = arith.addi %min3A_347, %add3A_348 : vector<16xi32>
    %swap3A_350 = arith.constant 0 : i32
    %swap3A_351 = arith.index_cast %swap3A_350 : i32 to index
    %swap3A_352 = arith.constant 256 : index
    %swap3A_353 = tpu.vector_load %arg5[%swap3A_351, %swap3A_352] {strides = array<i32>} : memref<2x512xi32, #tpu.memory_space<vmem>>, vector<1x16xi32>,
    %swap3A_354 = vector.shape_cast %swap3A_353 : vector<1x16xi32> to vector<16xi32>
    %swap3A_355 = vector.shape_cast %add3A_349 : vector<16xi32> to vector<1x16xi32>
    tpu.vector_store %arg5[%swap3A_351, %swap3A_352], %swap3A_355 {strides = array<i32>} : memref<2x512xi32, #tpu.memory_space<vmem>>, vector<1x16xi32>,
    %get3A_356 = arith.constant 0 : i32
    %get3A_357 = arith.index_cast %get3A_356 : i32 to index
    %get3A_358 = arith.constant 272 : index
    %get3A_359 = tpu.vector_load %arg5[%get3A_357, %get3A_358] {strides = array<i32>} : memref<2x512xi32, #tpu.memory_space<vmem>>, vector<1x16xi32>,
    %get3A_360 = vector.shape_cast %get3A_359 : vector<1x16xi32> to vector<16xi32>
    %max3A_361 = arith.constant 0 : i32
    %max3A_362 = vector.broadcast %max3A_361 : i32 to vector<16xi32>
    %max3A_363 = arith.maxsi %get3A_360, %max3A_362 : vector<16xi32>
    %min3A_364 = arith.constant 511 : i32
    %min3A_365 = vector.broadcast %min3A_364 : i32 to vector<16xi32>
    %min3A_366 = arith.minsi %max3A_363, %min3A_365 : vector<16xi32>
    %add3A_367 = vector.broadcast %mul3A_34 : i32 to vector<16xi32>
    %add3A_368 = arith.addi %min3A_366, %add3A_367 : vector<16xi32>
    %swap3A_369 = arith.constant 0 : i32
    %swap3A_370 = arith.index_cast %swap3A_369 : i32 to index
    %swap3A_371 = arith.constant 272 : index
    %swap3A_372 = tpu.vector_load %arg5[%swap3A_370, %swap3A_371] {strides = array<i32>} : memref<2x512xi32, #tpu.memory_space<vmem>>, vector<1x16xi32>,
    %swap3A_373 = vector.shape_cast %swap3A_372 : vector<1x16xi32> to vector<16xi32>
    %swap3A_374 = vector.shape_cast %add3A_368 : vector<16xi32> to vector<1x16xi32>
    tpu.vector_store %arg5[%swap3A_370, %swap3A_371], %swap3A_374 {strides = array<i32>} : memref<2x512xi32, #tpu.memory_space<vmem>>, vector<1x16xi32>,
    %get3A_375 = arith.constant 0 : i32
    %get3A_376 = arith.index_cast %get3A_375 : i32 to index
    %get3A_377 = arith.constant 288 : index
    %get3A_378 = tpu.vector_load %arg5[%get3A_376, %get3A_377] {strides = array<i32>} : memref<2x512xi32, #tpu.memory_space<vmem>>, vector<1x16xi32>,
    %get3A_379 = vector.shape_cast %get3A_378 : vector<1x16xi32> to vector<16xi32>
    %max3A_380 = arith.constant 0 : i32
    %max3A_381 = vector.broadcast %max3A_380 : i32 to vector<16xi32>
    %max3A_382 = arith.maxsi %get3A_379, %max3A_381 : vector<16xi32>
    %min3A_383 = arith.constant 511 : i32
    %min3A_384 = vector.broadcast %min3A_383 : i32 to vector<16xi32>
    %min3A_385 = arith.minsi %max3A_382, %min3A_384 : vector<16xi32>
    %add3A_386 = vector.broadcast %mul3A_34 : i32 to vector<16xi32>
    %add3A_387 = arith.addi %min3A_385, %add3A_386 : vector<16xi32>
    %swap3A_388 = arith.constant 0 : i32
    %swap3A_389 = arith.index_cast %swap3A_388 : i32 to index
    %swap3A_390 = arith.constant 288 : index
    %swap3A_391 = tpu.vector_load %arg5[%swap3A_389, %swap3A_390] {strides = array<i32>} : memref<2x512xi32, #tpu.memory_space<vmem>>, vector<1x16xi32>,
    %swap3A_392 = vector.shape_cast %swap3A_391 : vector<1x16xi32> to vector<16xi32>
    %swap3A_393 = vector.shape_cast %add3A_387 : vector<16xi32> to vector<1x16xi32>
    tpu.vector_store %arg5[%swap3A_389, %swap3A_390], %swap3A_393 {strides = array<i32>} : memref<2x512xi32, #tpu.memory_space<vmem>>, vector<1x16xi32>,
    %get3A_394 = arith.constant 0 : i32
    %get3A_395 = arith.index_cast %get3A_394 : i32 to index
    %get3A_396 = arith.constant 304 : index
    %get3A_397 = tpu.vector_load %arg5[%get3A_395, %get3A_396] {strides = array<i32>} : memref<2x512xi32, #tpu.memory_space<vmem>>, vector<1x16xi32>,
    %get3A_398 = vector.shape_cast %get3A_397 : vector<1x16xi32> to vector<16xi32>
    %max3A_399 = arith.constant 0 : i32
    %max3A_400 = vector.broadcast %max3A_399 : i32 to vector<16xi32>
    %max3A_401 = arith.maxsi %get3A_398, %max3A_400 : vector<16xi32>
    %min3A_402 = arith.constant 511 : i32
    %min3A_403 = vector.broadcast %min3A_402 : i32 to vector<16xi32>
    %min3A_404 = arith.minsi %max3A_401, %min3A_403 : vector<16xi32>
    %add3A_405 = vector.broadcast %mul3A_34 : i32 to vector<16xi32>
    %add3A_406 = arith.addi %min3A_404, %add3A_405 : vector<16xi32>
    %swap3A_407 = arith.constant 0 : i32
    %swap3A_408 = arith.index_cast %swap3A_407 : i32 to index
    %swap3A_409 = arith.constant 304 : index
    %swap3A_410 = tpu.vector_load %arg5[%swap3A_408, %swap3A_409] {strides = array<i32>} : memref<2x512xi32, #tpu.memory_space<vmem>>, vector<1x16xi32>,
    %swap3A_411 = vector.shape_cast %swap3A_410 : vector<1x16xi32> to vector<16xi32>
    %swap3A_412 = vector.shape_cast %add3A_406 : vector<16xi32> to vector<1x16xi32>
    tpu.vector_store %arg5[%swap3A_408, %swap3A_409], %swap3A_412 {strides = array<i32>} : memref<2x512xi32, #tpu.memory_space<vmem>>, vector<1x16xi32>,
    %get3A_413 = arith.constant 0 : i32
    %get3A_414 = arith.index_cast %get3A_413 : i32 to index
    %get3A_415 = arith.constant 320 : index
    %get3A_416 = tpu.vector_load %arg5[%get3A_414, %get3A_415] {strides = array<i32>} : memref<2x512xi32, #tpu.memory_space<vmem>>, vector<1x16xi32>,
    %get3A_417 = vector.shape_cast %get3A_416 : vector<1x16xi32> to vector<16xi32>
    %max3A_418 = arith.constant 0 : i32
    %max3A_419 = vector.broadcast %max3A_418 : i32 to vector<16xi32>
    %max3A_420 = arith.maxsi %get3A_417, %max3A_419 : vector<16xi32>
    %min3A_421 = arith.constant 511 : i32
    %min3A_422 = vector.broadcast %min3A_421 : i32 to vector<16xi32>
    %min3A_423 = arith.minsi %max3A_420, %min3A_422 : vector<16xi32>
    %add3A_424 = vector.broadcast %mul3A_34 : i32 to vector<16xi32>
    %add3A_425 = arith.addi %min3A_423, %add3A_424 : vector<16xi32>
    %swap3A_426 = arith.constant 0 : i32
    %swap3A_427 = arith.index_cast %swap3A_426 : i32 to index
    %swap3A_428 = arith.constant 320 : index
    %swap3A_429 = tpu.vector_load %arg5[%swap3A_427, %swap3A_428] {strides = array<i32>} : memref<2x512xi32, #tpu.memory_space<vmem>>, vector<1x16xi32>,
    %swap3A_430 = vector.shape_cast %swap3A_429 : vector<1x16xi32> to vector<16xi32>
    %swap3A_431 = vector.shape_cast %add3A_425 : vector<16xi32> to vector<1x16xi32>
    tpu.vector_store %arg5[%swap3A_427, %swap3A_428], %swap3A_431 {strides = array<i32>} : memref<2x512xi32, #tpu.memory_space<vmem>>, vector<1x16xi32>,
    %get3A_432 = arith.constant 0 : i32
    %get3A_433 = arith.index_cast %get3A_432 : i32 to index
    %get3A_434 = arith.constant 336 : index
    %get3A_435 = tpu.vector_load %arg5[%get3A_433, %get3A_434] {strides = array<i32>} : memref<2x512xi32, #tpu.memory_space<vmem>>, vector<1x16xi32>,
    %get3A_436 = vector.shape_cast %get3A_435 : vector<1x16xi32> to vector<16xi32>
    %max3A_437 = arith.constant 0 : i32
    %max3A_438 = vector.broadcast %max3A_437 : i32 to vector<16xi32>
    %max3A_439 = arith.maxsi %get3A_436, %max3A_438 : vector<16xi32>
    %min3A_440 = arith.constant 511 : i32
    %min3A_441 = vector.broadcast %min3A_440 : i32 to vector<16xi32>
    %min3A_442 = arith.minsi %max3A_439, %min3A_441 : vector<16xi32>
    %add3A_443 = vector.broadcast %mul3A_34 : i32 to vector<16xi32>
    %add3A_444 = arith.addi %min3A_442, %add3A_443 : vector<16xi32>
    %swap3A_445 = arith.constant 0 : i32
    %swap3A_446 = arith.index_cast %swap3A_445 : i32 to index
    %swap3A_447 = arith.constant 336 : index
    %swap3A_448 = tpu.vector_load %arg5[%swap3A_446, %swap3A_447] {strides = array<i32>} : memref<2x512xi32, #tpu.memory_space<vmem>>, vector<1x16xi32>,
    %swap3A_449 = vector.shape_cast %swap3A_448 : vector<1x16xi32> to vector<16xi32>
    %swap3A_450 = vector.shape_cast %add3A_444 : vector<16xi32> to vector<1x16xi32>
    tpu.vector_store %arg5[%swap3A_446, %swap3A_447], %swap3A_450 {strides = array<i32>} : memref<2x512xi32, #tpu.memory_space<vmem>>, vector<1x16xi32>,
    %get3A_451 = arith.constant 0 : i32
    %get3A_452 = arith.index_cast %get3A_451 : i32 to index
    %get3A_453 = arith.constant 352 : index
    %get3A_454 = tpu.vector_load %arg5[%get3A_452, %get3A_453] {strides = array<i32>} : memref<2x512xi32, #tpu.memory_space<vmem>>, vector<1x16xi32>,
    %get3A_455 = vector.shape_cast %get3A_454 : vector<1x16xi32> to vector<16xi32>
    %max3A_456 = arith.constant 0 : i32
    %max3A_457 = vector.broadcast %max3A_456 : i32 to vector<16xi32>
    %max3A_458 = arith.maxsi %get3A_455, %max3A_457 : vector<16xi32>
    %min3A_459 = arith.constant 511 : i32
    %min3A_460 = vector.broadcast %min3A_459 : i32 to vector<16xi32>
    %min3A_461 = arith.minsi %max3A_458, %min3A_460 : vector<16xi32>
    %add3A_462 = vector.broadcast %mul3A_34 : i32 to vector<16xi32>
    %add3A_463 = arith.addi %min3A_461, %add3A_462 : vector<16xi32>
    %swap3A_464 = arith.constant 0 : i32
    %swap3A_465 = arith.index_cast %swap3A_464 : i32 to index
    %swap3A_466 = arith.constant 352 : index
    %swap3A_467 = tpu.vector_load %arg5[%swap3A_465, %swap3A_466] {strides = array<i32>} : memref<2x512xi32, #tpu.memory_space<vmem>>, vector<1x16xi32>,
    %swap3A_468 = vector.shape_cast %swap3A_467 : vector<1x16xi32> to vector<16xi32>
    %swap3A_469 = vector.shape_cast %add3A_463 : vector<16xi32> to vector<1x16xi32>
    tpu.vector_store %arg5[%swap3A_465, %swap3A_466], %swap3A_469 {strides = array<i32>} : memref<2x512xi32, #tpu.memory_space<vmem>>, vector<1x16xi32>,
    %get3A_470 = arith.constant 0 : i32
    %get3A_471 = arith.index_cast %get3A_470 : i32 to index
    %get3A_472 = arith.constant 368 : index
    %get3A_473 = tpu.vector_load %arg5[%get3A_471, %get3A_472] {strides = array<i32>} : memref<2x512xi32, #tpu.memory_space<vmem>>, vector<1x16xi32>,
    %get3A_474 = vector.shape_cast %get3A_473 : vector<1x16xi32> to vector<16xi32>
    %max3A_475 = arith.constant 0 : i32
    %max3A_476 = vector.broadcast %max3A_475 : i32 to vector<16xi32>
    %max3A_477 = arith.maxsi %get3A_474, %max3A_476 : vector<16xi32>
    %min3A_478 = arith.constant 511 : i32
    %min3A_479 = vector.broadcast %min3A_478 : i32 to vector<16xi32>
    %min3A_480 = arith.minsi %max3A_477, %min3A_479 : vector<16xi32>
    %add3A_481 = vector.broadcast %mul3A_34 : i32 to vector<16xi32>
    %add3A_482 = arith.addi %min3A_480, %add3A_481 : vector<16xi32>
    %swap3A_483 = arith.constant 0 : i32
    %swap3A_484 = arith.index_cast %swap3A_483 : i32 to index
    %swap3A_485 = arith.constant 368 : index
    %swap3A_486 = tpu.vector_load %arg5[%swap3A_484, %swap3A_485] {strides = array<i32>} : memref<2x512xi32, #tpu.memory_space<vmem>>, vector<1x16xi32>,
    %swap3A_487 = vector.shape_cast %swap3A_486 : vector<1x16xi32> to vector<16xi32>
    %swap3A_488 = vector.shape_cast %add3A_482 : vector<16xi32> to vector<1x16xi32>
    tpu.vector_store %arg5[%swap3A_484, %swap3A_485], %swap3A_488 {strides = array<i32>} : memref<2x512xi32, #tpu.memory_space<vmem>>, vector<1x16xi32>,
    %get3A_489 = arith.constant 0 : i32
    %get3A_490 = arith.index_cast %get3A_489 : i32 to index
    %get3A_491 = arith.constant 384 : index
    %get3A_492 = tpu.vector_load %arg5[%get3A_490, %get3A_491] {strides = array<i32>} : memref<2x512xi32, #tpu.memory_space<vmem>>, vector<1x16xi32>,
    %get3A_493 = vector.shape_cast %get3A_492 : vector<1x16xi32> to vector<16xi32>
    %max3A_494 = arith.constant 0 : i32
    %max3A_495 = vector.broadcast %max3A_494 : i32 to vector<16xi32>
    %max3A_496 = arith.maxsi %get3A_493, %max3A_495 : vector<16xi32>
    %min3A_497 = arith.constant 511 : i32
    %min3A_498 = vector.broadcast %min3A_497 : i32 to vector<16xi32>
    %min3A_499 = arith.minsi %max3A_496, %min3A_498 : vector<16xi32>
    %add3A_500 = vector.broadcast %mul3A_34 : i32 to vector<16xi32>
    %add3A_501 = arith.addi %min3A_499, %add3A_500 : vector<16xi32>
    %swap3A_502 = arith.constant 0 : i32
    %swap3A_503 = arith.index_cast %swap3A_502 : i32 to index
    %swap3A_504 = arith.constant 384 : index
    %swap3A_505 = tpu.vector_load %arg5[%swap3A_503, %swap3A_504] {strides = array<i32>} : memref<2x512xi32, #tpu.memory_space<vmem>>, vector<1x16xi32>,
    %swap3A_506 = vector.shape_cast %swap3A_505 : vector<1x16xi32> to vector<16xi32>
    %swap3A_507 = vector.shape_cast %add3A_501 : vector<16xi32> to vector<1x16xi32>
    tpu.vector_store %arg5[%swap3A_503, %swap3A_504], %swap3A_507 {strides = array<i32>} : memref<2x512xi32, #tpu.memory_space<vmem>>, vector<1x16xi32>,
    %get3A_508 = arith.constant 0 : i32
    %get3A_509 = arith.index_cast %get3A_508 : i32 to index
    %get3A_510 = arith.constant 400 : index
    %get3A_511 = tpu.vector_load %arg5[%get3A_509, %get3A_510] {strides = array<i32>} : memref<2x512xi32, #tpu.memory_space<vmem>>, vector<1x16xi32>,
    %get3A_512 = vector.shape_cast %get3A_511 : vector<1x16xi32> to vector<16xi32>
    %max3A_513 = arith.constant 0 : i32
    %max3A_514 = vector.broadcast %max3A_513 : i32 to vector<16xi32>
    %max3A_515 = arith.maxsi %get3A_512, %max3A_514 : vector<16xi32>
    %min3A_516 = arith.constant 511 : i32
    %min3A_517 = vector.broadcast %min3A_516 : i32 to vector<16xi32>
    %min3A_518 = arith.minsi %max3A_515, %min3A_517 : vector<16xi32>
    %add3A_519 = vector.broadcast %mul3A_34 : i32 to vector<16xi32>
    %add3A_520 = arith.addi %min3A_518, %add3A_519 : vector<16xi32>
    %swap3A_521 = arith.constant 0 : i32
    %swap3A_522 = arith.index_cast %swap3A_521 : i32 to index
    %swap3A_523 = arith.constant 400 : index
    %swap3A_524 = tpu.vector_load %arg5[%swap3A_522, %swap3A_523] {strides = array<i32>} : memref<2x512xi32, #tpu.memory_space<vmem>>, vector<1x16xi32>,
    %swap3A_525 = vector.shape_cast %swap3A_524 : vector<1x16xi32> to vector<16xi32>
    %swap3A_526 = vector.shape_cast %add3A_520 : vector<16xi32> to vector<1x16xi32>
    tpu.vector_store %arg5[%swap3A_522, %swap3A_523], %swap3A_526 {strides = array<i32>} : memref<2x512xi32, #tpu.memory_space<vmem>>, vector<1x16xi32>,
    %get3A_527 = arith.constant 0 : i32
    %get3A_528 = arith.index_cast %get3A_527 : i32 to index
    %get3A_529 = arith.constant 416 : index
    %get3A_530 = tpu.vector_load %arg5[%get3A_528, %get3A_529] {strides = array<i32>} : memref<2x512xi32, #tpu.memory_space<vmem>>, vector<1x16xi32>,
    %get3A_531 = vector.shape_cast %get3A_530 : vector<1x16xi32> to vector<16xi32>
    %max3A_532 = arith.constant 0 : i32
    %max3A_533 = vector.broadcast %max3A_532 : i32 to vector<16xi32>
    %max3A_534 = arith.maxsi %get3A_531, %max3A_533 : vector<16xi32>
    %min3A_535 = arith.constant 511 : i32
    %min3A_536 = vector.broadcast %min3A_535 : i32 to vector<16xi32>
    %min3A_537 = arith.minsi %max3A_534, %min3A_536 : vector<16xi32>
    %add3A_538 = vector.broadcast %mul3A_34 : i32 to vector<16xi32>
    %add3A_539 = arith.addi %min3A_537, %add3A_538 : vector<16xi32>
    %swap3A_540 = arith.constant 0 : i32
    %swap3A_541 = arith.index_cast %swap3A_540 : i32 to index
    %swap3A_542 = arith.constant 416 : index
    %swap3A_543 = tpu.vector_load %arg5[%swap3A_541, %swap3A_542] {strides = array<i32>} : memref<2x512xi32, #tpu.memory_space<vmem>>, vector<1x16xi32>,
    %swap3A_544 = vector.shape_cast %swap3A_543 : vector<1x16xi32> to vector<16xi32>
    %swap3A_545 = vector.shape_cast %add3A_539 : vector<16xi32> to vector<1x16xi32>
    tpu.vector_store %arg5[%swap3A_541, %swap3A_542], %swap3A_545 {strides = array<i32>} : memref<2x512xi32, #tpu.memory_space<vmem>>, vector<1x16xi32>,
    %get3A_546 = arith.constant 0 : i32
    %get3A_547 = arith.index_cast %get3A_546 : i32 to index
    %get3A_548 = arith.constant 432 : index
    %get3A_549 = tpu.vector_load %arg5[%get3A_547, %get3A_548] {strides = array<i32>} : memref<2x512xi32, #tpu.memory_space<vmem>>, vector<1x16xi32>,
    %get3A_550 = vector.shape_cast %get3A_549 : vector<1x16xi32> to vector<16xi32>
    %max3A_551 = arith.constant 0 : i32
    %max3A_552 = vector.broadcast %max3A_551 : i32 to vector<16xi32>
    %max3A_553 = arith.maxsi %get3A_550, %max3A_552 : vector<16xi32>
    %min3A_554 = arith.constant 511 : i32
    %min3A_555 = vector.broadcast %min3A_554 : i32 to vector<16xi32>
    %min3A_556 = arith.minsi %max3A_553, %min3A_555 : vector<16xi32>
    %add3A_557 = vector.broadcast %mul3A_34 : i32 to vector<16xi32>
    %add3A_558 = arith.addi %min3A_556, %add3A_557 : vector<16xi32>
    %swap3A_559 = arith.constant 0 : i32
    %swap3A_560 = arith.index_cast %swap3A_559 : i32 to index
    %swap3A_561 = arith.constant 432 : index
    %swap3A_562 = tpu.vector_load %arg5[%swap3A_560, %swap3A_561] {strides = array<i32>} : memref<2x512xi32, #tpu.memory_space<vmem>>, vector<1x16xi32>,
    %swap3A_563 = vector.shape_cast %swap3A_562 : vector<1x16xi32> to vector<16xi32>
    %swap3A_564 = vector.shape_cast %add3A_558 : vector<16xi32> to vector<1x16xi32>
    tpu.vector_store %arg5[%swap3A_560, %swap3A_561], %swap3A_564 {strides = array<i32>} : memref<2x512xi32, #tpu.memory_space<vmem>>, vector<1x16xi32>,
    %get3A_565 = arith.constant 0 : i32
    %get3A_566 = arith.index_cast %get3A_565 : i32 to index
    %get3A_567 = arith.constant 448 : index
    %get3A_568 = tpu.vector_load %arg5[%get3A_566, %get3A_567] {strides = array<i32>} : memref<2x512xi32, #tpu.memory_space<vmem>>, vector<1x16xi32>,
    %get3A_569 = vector.shape_cast %get3A_568 : vector<1x16xi32> to vector<16xi32>
    %max3A_570 = arith.constant 0 : i32
    %max3A_571 = vector.broadcast %max3A_570 : i32 to vector<16xi32>
    %max3A_572 = arith.maxsi %get3A_569, %max3A_571 : vector<16xi32>
    %min3A_573 = arith.constant 511 : i32
    %min3A_574 = vector.broadcast %min3A_573 : i32 to vector<16xi32>
    %min3A_575 = arith.minsi %max3A_572, %min3A_574 : vector<16xi32>
    %add3A_576 = vector.broadcast %mul3A_34 : i32 to vector<16xi32>
    %add3A_577 = arith.addi %min3A_575, %add3A_576 : vector<16xi32>
    %swap3A_578 = arith.constant 0 : i32
    %swap3A_579 = arith.index_cast %swap3A_578 : i32 to index
    %swap3A_580 = arith.constant 448 : index
    %swap3A_581 = tpu.vector_load %arg5[%swap3A_579, %swap3A_580] {strides = array<i32>} : memref<2x512xi32, #tpu.memory_space<vmem>>, vector<1x16xi32>,
    %swap3A_582 = vector.shape_cast %swap3A_581 : vector<1x16xi32> to vector<16xi32>
    %swap3A_583 = vector.shape_cast %add3A_577 : vector<16xi32> to vector<1x16xi32>
    tpu.vector_store %arg5[%swap3A_579, %swap3A_580], %swap3A_583 {strides = array<i32>} : memref<2x512xi32, #tpu.memory_space<vmem>>, vector<1x16xi32>,
    %get3A_584 = arith.constant 0 : i32
    %get3A_585 = arith.index_cast %get3A_584 : i32 to index
    %get3A_586 = arith.constant 464 : index
    %get3A_587 = tpu.vector_load %arg5[%get3A_585, %get3A_586] {strides = array<i32>} : memref<2x512xi32, #tpu.memory_space<vmem>>, vector<1x16xi32>,
    %get3A_588 = vector.shape_cast %get3A_587 : vector<1x16xi32> to vector<16xi32>
    %max3A_589 = arith.constant 0 : i32
    %max3A_590 = vector.broadcast %max3A_589 : i32 to vector<16xi32>
    %max3A_591 = arith.maxsi %get3A_588, %max3A_590 : vector<16xi32>
    %min3A_592 = arith.constant 511 : i32
    %min3A_593 = vector.broadcast %min3A_592 : i32 to vector<16xi32>
    %min3A_594 = arith.minsi %max3A_591, %min3A_593 : vector<16xi32>
    %add3A_595 = vector.broadcast %mul3A_34 : i32 to vector<16xi32>
    %add3A_596 = arith.addi %min3A_594, %add3A_595 : vector<16xi32>
    %swap3A_597 = arith.constant 0 : i32
    %swap3A_598 = arith.index_cast %swap3A_597 : i32 to index
    %swap3A_599 = arith.constant 464 : index
    %swap3A_600 = tpu.vector_load %arg5[%swap3A_598, %swap3A_599] {strides = array<i32>} : memref<2x512xi32, #tpu.memory_space<vmem>>, vector<1x16xi32>,
    %swap3A_601 = vector.shape_cast %swap3A_600 : vector<1x16xi32> to vector<16xi32>
    %swap3A_602 = vector.shape_cast %add3A_596 : vector<16xi32> to vector<1x16xi32>
    tpu.vector_store %arg5[%swap3A_598, %swap3A_599], %swap3A_602 {strides = array<i32>} : memref<2x512xi32, #tpu.memory_space<vmem>>, vector<1x16xi32>,
    %get3A_603 = arith.constant 0 : i32
    %get3A_604 = arith.index_cast %get3A_603 : i32 to index
    %get3A_605 = arith.constant 480 : index
    %get3A_606 = tpu.vector_load %arg5[%get3A_604, %get3A_605] {strides = array<i32>} : memref<2x512xi32, #tpu.memory_space<vmem>>, vector<1x16xi32>,
    %get3A_607 = vector.shape_cast %get3A_606 : vector<1x16xi32> to vector<16xi32>
    %max3A_608 = arith.constant 0 : i32
    %max3A_609 = vector.broadcast %max3A_608 : i32 to vector<16xi32>
    %max3A_610 = arith.maxsi %get3A_607, %max3A_609 : vector<16xi32>
    %min3A_611 = arith.constant 511 : i32
    %min3A_612 = vector.broadcast %min3A_611 : i32 to vector<16xi32>
    %min3A_613 = arith.minsi %max3A_610, %min3A_612 : vector<16xi32>
    %add3A_614 = vector.broadcast %mul3A_34 : i32 to vector<16xi32>
    %add3A_615 = arith.addi %min3A_613, %add3A_614 : vector<16xi32>
    %swap3A_616 = arith.constant 0 : i32
    %swap3A_617 = arith.index_cast %swap3A_616 : i32 to index
    %swap3A_618 = arith.constant 480 : index
    %swap3A_619 = tpu.vector_load %arg5[%swap3A_617, %swap3A_618] {strides = array<i32>} : memref<2x512xi32, #tpu.memory_space<vmem>>, vector<1x16xi32>,
    %swap3A_620 = vector.shape_cast %swap3A_619 : vector<1x16xi32> to vector<16xi32>
    %swap3A_621 = vector.shape_cast %add3A_615 : vector<16xi32> to vector<1x16xi32>
    tpu.vector_store %arg5[%swap3A_617, %swap3A_618], %swap3A_621 {strides = array<i32>} : memref<2x512xi32, #tpu.memory_space<vmem>>, vector<1x16xi32>,
    %get3A_622 = arith.constant 0 : i32
    %get3A_623 = arith.index_cast %get3A_622 : i32 to index
    %get3A_624 = arith.constant 496 : index
    %get3A_625 = tpu.vector_load %arg5[%get3A_623, %get3A_624] {strides = array<i32>} : memref<2x512xi32, #tpu.memory_space<vmem>>, vector<1x16xi32>,
    %get3A_626 = vector.shape_cast %get3A_625 : vector<1x16xi32> to vector<16xi32>
    %max3A_627 = arith.constant 0 : i32
    %max3A_628 = vector.broadcast %max3A_627 : i32 to vector<16xi32>
    %max3A_629 = arith.maxsi %get3A_626, %max3A_628 : vector<16xi32>
    %min3A_630 = arith.constant 511 : i32
    %min3A_631 = vector.broadcast %min3A_630 : i32 to vector<16xi32>
    %min3A_632 = arith.minsi %max3A_629, %min3A_631 : vector<16xi32>
    %add3A_633 = vector.broadcast %mul3A_34 : i32 to vector<16xi32>
    %add3A_634 = arith.addi %min3A_632, %add3A_633 : vector<16xi32>
    %swap3A_635 = arith.constant 0 : i32
    %swap3A_636 = arith.index_cast %swap3A_635 : i32 to index
    %swap3A_637 = arith.constant 496 : index
    %swap3A_638 = tpu.vector_load %arg5[%swap3A_636, %swap3A_637] {strides = array<i32>} : memref<2x512xi32, #tpu.memory_space<vmem>>, vector<1x16xi32>,
    %swap3A_639 = vector.shape_cast %swap3A_638 : vector<1x16xi32> to vector<16xi32>
    %swap3A_640 = vector.shape_cast %add3A_634 : vector<16xi32> to vector<1x16xi32>
    tpu.vector_store %arg5[%swap3A_636, %swap3A_637], %swap3A_640 {strides = array<i32>} : memref<2x512xi32, #tpu.memory_space<vmem>>, vector<1x16xi32>,
    %get3A_641 = arith.constant 1 : i32
    %get3A_642 = arith.index_cast %get3A_641 : i32 to index
    %get3A_643 = arith.constant 0 : index
    %get3A_644 = tpu.vector_load %arg5[%get3A_642, %get3A_643] {strides = array<i32>} : memref<2x512xi32, #tpu.memory_space<vmem>>, vector<1x16xi32>,
    %get3A_645 = vector.shape_cast %get3A_644 : vector<1x16xi32> to vector<16xi32>
    %max3A_646 = arith.constant 0 : i32
    %max3A_647 = vector.broadcast %max3A_646 : i32 to vector<16xi32>
    %max3A_648 = arith.maxsi %get3A_645, %max3A_647 : vector<16xi32>
    %min3A_649 = arith.constant 511 : i32
    %min3A_650 = vector.broadcast %min3A_649 : i32 to vector<16xi32>
    %min3A_651 = arith.minsi %max3A_648, %min3A_650 : vector<16xi32>
    %add3A_652 = vector.broadcast %mul3A_34 : i32 to vector<16xi32>
    %add3A_653 = arith.addi %min3A_651, %add3A_652 : vector<16xi32>
    %swap3A_654 = arith.constant 1 : i32
    %swap3A_655 = arith.index_cast %swap3A_654 : i32 to index
    %swap3A_656 = arith.constant 0 : index
    %swap3A_657 = tpu.vector_load %arg5[%swap3A_655, %swap3A_656] {strides = array<i32>} : memref<2x512xi32, #tpu.memory_space<vmem>>, vector<1x16xi32>,
    %swap3A_658 = vector.shape_cast %swap3A_657 : vector<1x16xi32> to vector<16xi32>
    %swap3A_659 = vector.shape_cast %add3A_653 : vector<16xi32> to vector<1x16xi32>
    tpu.vector_store %arg5[%swap3A_655, %swap3A_656], %swap3A_659 {strides = array<i32>} : memref<2x512xi32, #tpu.memory_space<vmem>>, vector<1x16xi32>,
    %get3A_660 = arith.constant 1 : i32
    %get3A_661 = arith.index_cast %get3A_660 : i32 to index
    %get3A_662 = arith.constant 16 : index
    %get3A_663 = tpu.vector_load %arg5[%get3A_661, %get3A_662] {strides = array<i32>} : memref<2x512xi32, #tpu.memory_space<vmem>>, vector<1x16xi32>,
    %get3A_664 = vector.shape_cast %get3A_663 : vector<1x16xi32> to vector<16xi32>
    %max3A_665 = arith.constant 0 : i32
    %max3A_666 = vector.broadcast %max3A_665 : i32 to vector<16xi32>
    %max3A_667 = arith.maxsi %get3A_664, %max3A_666 : vector<16xi32>
    %min3A_668 = arith.constant 511 : i32
    %min3A_669 = vector.broadcast %min3A_668 : i32 to vector<16xi32>
    %min3A_670 = arith.minsi %max3A_667, %min3A_669 : vector<16xi32>
    %add3A_671 = vector.broadcast %mul3A_34 : i32 to vector<16xi32>
    %add3A_672 = arith.addi %min3A_670, %add3A_671 : vector<16xi32>
    %swap3A_673 = arith.constant 1 : i32
    %swap3A_674 = arith.index_cast %swap3A_673 : i32 to index
    %swap3A_675 = arith.constant 16 : index
    %swap3A_676 = tpu.vector_load %arg5[%swap3A_674, %swap3A_675] {strides = array<i32>} : memref<2x512xi32, #tpu.memory_space<vmem>>, vector<1x16xi32>,
    %swap3A_677 = vector.shape_cast %swap3A_676 : vector<1x16xi32> to vector<16xi32>
    %swap3A_678 = vector.shape_cast %add3A_672 : vector<16xi32> to vector<1x16xi32>
    tpu.vector_store %arg5[%swap3A_674, %swap3A_675], %swap3A_678 {strides = array<i32>} : memref<2x512xi32, #tpu.memory_space<vmem>>, vector<1x16xi32>,
    %get3A_679 = arith.constant 1 : i32
    %get3A_680 = arith.index_cast %get3A_679 : i32 to index
    %get3A_681 = arith.constant 32 : index
    %get3A_682 = tpu.vector_load %arg5[%get3A_680, %get3A_681] {strides = array<i32>} : memref<2x512xi32, #tpu.memory_space<vmem>>, vector<1x16xi32>,
    %get3A_683 = vector.shape_cast %get3A_682 : vector<1x16xi32> to vector<16xi32>
    %max3A_684 = arith.constant 0 : i32
    %max3A_685 = vector.broadcast %max3A_684 : i32 to vector<16xi32>
    %max3A_686 = arith.maxsi %get3A_683, %max3A_685 : vector<16xi32>
    %min3A_687 = arith.constant 511 : i32
    %min3A_688 = vector.broadcast %min3A_687 : i32 to vector<16xi32>
    %min3A_689 = arith.minsi %max3A_686, %min3A_688 : vector<16xi32>
    %add3A_690 = vector.broadcast %mul3A_34 : i32 to vector<16xi32>
    %add3A_691 = arith.addi %min3A_689, %add3A_690 : vector<16xi32>
    %swap3A_692 = arith.constant 1 : i32
    %swap3A_693 = arith.index_cast %swap3A_692 : i32 to index
    %swap3A_694 = arith.constant 32 : index
    %swap3A_695 = tpu.vector_load %arg5[%swap3A_693, %swap3A_694] {strides = array<i32>} : memref<2x512xi32, #tpu.memory_space<vmem>>, vector<1x16xi32>,
    %swap3A_696 = vector.shape_cast %swap3A_695 : vector<1x16xi32> to vector<16xi32>
    %swap3A_697 = vector.shape_cast %add3A_691 : vector<16xi32> to vector<1x16xi32>
    tpu.vector_store %arg5[%swap3A_693, %swap3A_694], %swap3A_697 {strides = array<i32>} : memref<2x512xi32, #tpu.memory_space<vmem>>, vector<1x16xi32>,
    %get3A_698 = arith.constant 1 : i32
    %get3A_699 = arith.index_cast %get3A_698 : i32 to index
    %get3A_700 = arith.constant 48 : index
    %get3A_701 = tpu.vector_load %arg5[%get3A_699, %get3A_700] {strides = array<i32>} : memref<2x512xi32, #tpu.memory_space<vmem>>, vector<1x16xi32>,
    %get3A_702 = vector.shape_cast %get3A_701 : vector<1x16xi32> to vector<16xi32>
    %max3A_703 = arith.constant 0 : i32
    %max3A_704 = vector.broadcast %max3A_703 : i32 to vector<16xi32>
    %max3A_705 = arith.maxsi %get3A_702, %max3A_704 : vector<16xi32>
    %min3A_706 = arith.constant 511 : i32
    %min3A_707 = vector.broadcast %min3A_706 : i32 to vector<16xi32>
    %min3A_708 = arith.minsi %max3A_705, %min3A_707 : vector<16xi32>
    %add3A_709 = vector.broadcast %mul3A_34 : i32 to vector<16xi32>
    %add3A_710 = arith.addi %min3A_708, %add3A_709 : vector<16xi32>
    %swap3A_711 = arith.constant 1 : i32
    %swap3A_712 = arith.index_cast %swap3A_711 : i32 to index
    %swap3A_713 = arith.constant 48 : index
    %swap3A_714 = tpu.vector_load %arg5[%swap3A_712, %swap3A_713] {strides = array<i32>} : memref<2x512xi32, #tpu.memory_space<vmem>>, vector<1x16xi32>,
    %swap3A_715 = vector.shape_cast %swap3A_714 : vector<1x16xi32> to vector<16xi32>
    %swap3A_716 = vector.shape_cast %add3A_710 : vector<16xi32> to vector<1x16xi32>
    tpu.vector_store %arg5[%swap3A_712, %swap3A_713], %swap3A_716 {strides = array<i32>} : memref<2x512xi32, #tpu.memory_space<vmem>>, vector<1x16xi32>,
    %get3A_717 = arith.constant 1 : i32
    %get3A_718 = arith.index_cast %get3A_717 : i32 to index
    %get3A_719 = arith.constant 64 : index
    %get3A_720 = tpu.vector_load %arg5[%get3A_718, %get3A_719] {strides = array<i32>} : memref<2x512xi32, #tpu.memory_space<vmem>>, vector<1x16xi32>,
    %get3A_721 = vector.shape_cast %get3A_720 : vector<1x16xi32> to vector<16xi32>
    %max3A_722 = arith.constant 0 : i32
    %max3A_723 = vector.broadcast %max3A_722 : i32 to vector<16xi32>
    %max3A_724 = arith.maxsi %get3A_721, %max3A_723 : vector<16xi32>
    %min3A_725 = arith.constant 511 : i32
    %min3A_726 = vector.broadcast %min3A_725 : i32 to vector<16xi32>
    %min3A_727 = arith.minsi %max3A_724, %min3A_726 : vector<16xi32>
    %add3A_728 = vector.broadcast %mul3A_34 : i32 to vector<16xi32>
    %add3A_729 = arith.addi %min3A_727, %add3A_728 : vector<16xi32>
    %swap3A_730 = arith.constant 1 : i32
    %swap3A_731 = arith.index_cast %swap3A_730 : i32 to index
    %swap3A_732 = arith.constant 64 : index
    %swap3A_733 = tpu.vector_load %arg5[%swap3A_731, %swap3A_732] {strides = array<i32>} : memref<2x512xi32, #tpu.memory_space<vmem>>, vector<1x16xi32>,
    %swap3A_734 = vector.shape_cast %swap3A_733 : vector<1x16xi32> to vector<16xi32>
    %swap3A_735 = vector.shape_cast %add3A_729 : vector<16xi32> to vector<1x16xi32>
    tpu.vector_store %arg5[%swap3A_731, %swap3A_732], %swap3A_735 {strides = array<i32>} : memref<2x512xi32, #tpu.memory_space<vmem>>, vector<1x16xi32>,
    %get3A_736 = arith.constant 1 : i32
    %get3A_737 = arith.index_cast %get3A_736 : i32 to index
    %get3A_738 = arith.constant 80 : index
    %get3A_739 = tpu.vector_load %arg5[%get3A_737, %get3A_738] {strides = array<i32>} : memref<2x512xi32, #tpu.memory_space<vmem>>, vector<1x16xi32>,
    %get3A_740 = vector.shape_cast %get3A_739 : vector<1x16xi32> to vector<16xi32>
    %max3A_741 = arith.constant 0 : i32
    %max3A_742 = vector.broadcast %max3A_741 : i32 to vector<16xi32>
    %max3A_743 = arith.maxsi %get3A_740, %max3A_742 : vector<16xi32>
    %min3A_744 = arith.constant 511 : i32
    %min3A_745 = vector.broadcast %min3A_744 : i32 to vector<16xi32>
    %min3A_746 = arith.minsi %max3A_743, %min3A_745 : vector<16xi32>
    %add3A_747 = vector.broadcast %mul3A_34 : i32 to vector<16xi32>
    %add3A_748 = arith.addi %min3A_746, %add3A_747 : vector<16xi32>
    %swap3A_749 = arith.constant 1 : i32
    %swap3A_750 = arith.index_cast %swap3A_749 : i32 to index
    %swap3A_751 = arith.constant 80 : index
    %swap3A_752 = tpu.vector_load %arg5[%swap3A_750, %swap3A_751] {strides = array<i32>} : memref<2x512xi32, #tpu.memory_space<vmem>>, vector<1x16xi32>,
    %swap3A_753 = vector.shape_cast %swap3A_752 : vector<1x16xi32> to vector<16xi32>
    %swap3A_754 = vector.shape_cast %add3A_748 : vector<16xi32> to vector<1x16xi32>
    tpu.vector_store %arg5[%swap3A_750, %swap3A_751], %swap3A_754 {strides = array<i32>} : memref<2x512xi32, #tpu.memory_space<vmem>>, vector<1x16xi32>,
    %get3A_755 = arith.constant 1 : i32
    %get3A_756 = arith.index_cast %get3A_755 : i32 to index
    %get3A_757 = arith.constant 96 : index
    %get3A_758 = tpu.vector_load %arg5[%get3A_756, %get3A_757] {strides = array<i32>} : memref<2x512xi32, #tpu.memory_space<vmem>>, vector<1x16xi32>,
    %get3A_759 = vector.shape_cast %get3A_758 : vector<1x16xi32> to vector<16xi32>
    %max3A_760 = arith.constant 0 : i32
    %max3A_761 = vector.broadcast %max3A_760 : i32 to vector<16xi32>
    %max3A_762 = arith.maxsi %get3A_759, %max3A_761 : vector<16xi32>
    %min3A_763 = arith.constant 511 : i32
    %min3A_764 = vector.broadcast %min3A_763 : i32 to vector<16xi32>
    %min3A_765 = arith.minsi %max3A_762, %min3A_764 : vector<16xi32>
    %add3A_766 = vector.broadcast %mul3A_34 : i32 to vector<16xi32>
    %add3A_767 = arith.addi %min3A_765, %add3A_766 : vector<16xi32>
    %swap3A_768 = arith.constant 1 : i32
    %swap3A_769 = arith.index_cast %swap3A_768 : i32 to index
    %swap3A_770 = arith.constant 96 : index
    %swap3A_771 = tpu.vector_load %arg5[%swap3A_769, %swap3A_770] {strides = array<i32>} : memref<2x512xi32, #tpu.memory_space<vmem>>, vector<1x16xi32>,
    %swap3A_772 = vector.shape_cast %swap3A_771 : vector<1x16xi32> to vector<16xi32>
    %swap3A_773 = vector.shape_cast %add3A_767 : vector<16xi32> to vector<1x16xi32>
    tpu.vector_store %arg5[%swap3A_769, %swap3A_770], %swap3A_773 {strides = array<i32>} : memref<2x512xi32, #tpu.memory_space<vmem>>, vector<1x16xi32>,
    %get3A_774 = arith.constant 1 : i32
    %get3A_775 = arith.index_cast %get3A_774 : i32 to index
    %get3A_776 = arith.constant 112 : index
    %get3A_777 = tpu.vector_load %arg5[%get3A_775, %get3A_776] {strides = array<i32>} : memref<2x512xi32, #tpu.memory_space<vmem>>, vector<1x16xi32>,
    %get3A_778 = vector.shape_cast %get3A_777 : vector<1x16xi32> to vector<16xi32>
    %max3A_779 = arith.constant 0 : i32
    %max3A_780 = vector.broadcast %max3A_779 : i32 to vector<16xi32>
    %max3A_781 = arith.maxsi %get3A_778, %max3A_780 : vector<16xi32>
    %min3A_782 = arith.constant 511 : i32
    %min3A_783 = vector.broadcast %min3A_782 : i32 to vector<16xi32>
    %min3A_784 = arith.minsi %max3A_781, %min3A_783 : vector<16xi32>
    %add3A_785 = vector.broadcast %mul3A_34 : i32 to vector<16xi32>
    %add3A_786 = arith.addi %min3A_784, %add3A_785 : vector<16xi32>
    %swap3A_787 = arith.constant 1 : i32
    %swap3A_788 = arith.index_cast %swap3A_787 : i32 to index
    %swap3A_789 = arith.constant 112 : index
    %swap3A_790 = tpu.vector_load %arg5[%swap3A_788, %swap3A_789] {strides = array<i32>} : memref<2x512xi32, #tpu.memory_space<vmem>>, vector<1x16xi32>,
    %swap3A_791 = vector.shape_cast %swap3A_790 : vector<1x16xi32> to vector<16xi32>
    %swap3A_792 = vector.shape_cast %add3A_786 : vector<16xi32> to vector<1x16xi32>
    tpu.vector_store %arg5[%swap3A_788, %swap3A_789], %swap3A_792 {strides = array<i32>} : memref<2x512xi32, #tpu.memory_space<vmem>>, vector<1x16xi32>,
    %get3A_793 = arith.constant 1 : i32
    %get3A_794 = arith.index_cast %get3A_793 : i32 to index
    %get3A_795 = arith.constant 128 : index
    %get3A_796 = tpu.vector_load %arg5[%get3A_794, %get3A_795] {strides = array<i32>} : memref<2x512xi32, #tpu.memory_space<vmem>>, vector<1x16xi32>,
    %get3A_797 = vector.shape_cast %get3A_796 : vector<1x16xi32> to vector<16xi32>
    %max3A_798 = arith.constant 0 : i32
    %max3A_799 = vector.broadcast %max3A_798 : i32 to vector<16xi32>
    %max3A_800 = arith.maxsi %get3A_797, %max3A_799 : vector<16xi32>
    %min3A_801 = arith.constant 511 : i32
    %min3A_802 = vector.broadcast %min3A_801 : i32 to vector<16xi32>
    %min3A_803 = arith.minsi %max3A_800, %min3A_802 : vector<16xi32>
    %add3A_804 = vector.broadcast %mul3A_34 : i32 to vector<16xi32>
    %add3A_805 = arith.addi %min3A_803, %add3A_804 : vector<16xi32>
    %swap3A_806 = arith.constant 1 : i32
    %swap3A_807 = arith.index_cast %swap3A_806 : i32 to index
    %swap3A_808 = arith.constant 128 : index
    %swap3A_809 = tpu.vector_load %arg5[%swap3A_807, %swap3A_808] {strides = array<i32>} : memref<2x512xi32, #tpu.memory_space<vmem>>, vector<1x16xi32>,
    %swap3A_810 = vector.shape_cast %swap3A_809 : vector<1x16xi32> to vector<16xi32>
    %swap3A_811 = vector.shape_cast %add3A_805 : vector<16xi32> to vector<1x16xi32>
    tpu.vector_store %arg5[%swap3A_807, %swap3A_808], %swap3A_811 {strides = array<i32>} : memref<2x512xi32, #tpu.memory_space<vmem>>, vector<1x16xi32>,
    %get3A_812 = arith.constant 1 : i32
    %get3A_813 = arith.index_cast %get3A_812 : i32 to index
    %get3A_814 = arith.constant 144 : index
    %get3A_815 = tpu.vector_load %arg5[%get3A_813, %get3A_814] {strides = array<i32>} : memref<2x512xi32, #tpu.memory_space<vmem>>, vector<1x16xi32>,
    %get3A_816 = vector.shape_cast %get3A_815 : vector<1x16xi32> to vector<16xi32>
    %max3A_817 = arith.constant 0 : i32
    %max3A_818 = vector.broadcast %max3A_817 : i32 to vector<16xi32>
    %max3A_819 = arith.maxsi %get3A_816, %max3A_818 : vector<16xi32>
    %min3A_820 = arith.constant 511 : i32
    %min3A_821 = vector.broadcast %min3A_820 : i32 to vector<16xi32>
    %min3A_822 = arith.minsi %max3A_819, %min3A_821 : vector<16xi32>
    %add3A_823 = vector.broadcast %mul3A_34 : i32 to vector<16xi32>
    %add3A_824 = arith.addi %min3A_822, %add3A_823 : vector<16xi32>
    %swap3A_825 = arith.constant 1 : i32
    %swap3A_826 = arith.index_cast %swap3A_825 : i32 to index
    %swap3A_827 = arith.constant 144 : index
    %swap3A_828 = tpu.vector_load %arg5[%swap3A_826, %swap3A_827] {strides = array<i32>} : memref<2x512xi32, #tpu.memory_space<vmem>>, vector<1x16xi32>,
    %swap3A_829 = vector.shape_cast %swap3A_828 : vector<1x16xi32> to vector<16xi32>
    %swap3A_830 = vector.shape_cast %add3A_824 : vector<16xi32> to vector<1x16xi32>
    tpu.vector_store %arg5[%swap3A_826, %swap3A_827], %swap3A_830 {strides = array<i32>} : memref<2x512xi32, #tpu.memory_space<vmem>>, vector<1x16xi32>,
    %get3A_831 = arith.constant 1 : i32
    %get3A_832 = arith.index_cast %get3A_831 : i32 to index
    %get3A_833 = arith.constant 160 : index
    %get3A_834 = tpu.vector_load %arg5[%get3A_832, %get3A_833] {strides = array<i32>} : memref<2x512xi32, #tpu.memory_space<vmem>>, vector<1x16xi32>,
    %get3A_835 = vector.shape_cast %get3A_834 : vector<1x16xi32> to vector<16xi32>
    %max3A_836 = arith.constant 0 : i32
    %max3A_837 = vector.broadcast %max3A_836 : i32 to vector<16xi32>
    %max3A_838 = arith.maxsi %get3A_835, %max3A_837 : vector<16xi32>
    %min3A_839 = arith.constant 511 : i32
    %min3A_840 = vector.broadcast %min3A_839 : i32 to vector<16xi32>
    %min3A_841 = arith.minsi %max3A_838, %min3A_840 : vector<16xi32>
    %add3A_842 = vector.broadcast %mul3A_34 : i32 to vector<16xi32>
    %add3A_843 = arith.addi %min3A_841, %add3A_842 : vector<16xi32>
    %swap3A_844 = arith.constant 1 : i32
    %swap3A_845 = arith.index_cast %swap3A_844 : i32 to index
    %swap3A_846 = arith.constant 160 : index
    %swap3A_847 = tpu.vector_load %arg5[%swap3A_845, %swap3A_846] {strides = array<i32>} : memref<2x512xi32, #tpu.memory_space<vmem>>, vector<1x16xi32>,
    %swap3A_848 = vector.shape_cast %swap3A_847 : vector<1x16xi32> to vector<16xi32>
    %swap3A_849 = vector.shape_cast %add3A_843 : vector<16xi32> to vector<1x16xi32>
    tpu.vector_store %arg5[%swap3A_845, %swap3A_846], %swap3A_849 {strides = array<i32>} : memref<2x512xi32, #tpu.memory_space<vmem>>, vector<1x16xi32>,
    %get3A_850 = arith.constant 1 : i32
    %get3A_851 = arith.index_cast %get3A_850 : i32 to index
    %get3A_852 = arith.constant 176 : index
    %get3A_853 = tpu.vector_load %arg5[%get3A_851, %get3A_852] {strides = array<i32>} : memref<2x512xi32, #tpu.memory_space<vmem>>, vector<1x16xi32>,
    %get3A_854 = vector.shape_cast %get3A_853 : vector<1x16xi32> to vector<16xi32>
    %max3A_855 = arith.constant 0 : i32
    %max3A_856 = vector.broadcast %max3A_855 : i32 to vector<16xi32>
    %max3A_857 = arith.maxsi %get3A_854, %max3A_856 : vector<16xi32>
    %min3A_858 = arith.constant 511 : i32
    %min3A_859 = vector.broadcast %min3A_858 : i32 to vector<16xi32>
    %min3A_860 = arith.minsi %max3A_857, %min3A_859 : vector<16xi32>
    %add3A_861 = vector.broadcast %mul3A_34 : i32 to vector<16xi32>
    %add3A_862 = arith.addi %min3A_860, %add3A_861 : vector<16xi32>
    %swap3A_863 = arith.constant 1 : i32
    %swap3A_864 = arith.index_cast %swap3A_863 : i32 to index
    %swap3A_865 = arith.constant 176 : index
    %swap3A_866 = tpu.vector_load %arg5[%swap3A_864, %swap3A_865] {strides = array<i32>} : memref<2x512xi32, #tpu.memory_space<vmem>>, vector<1x16xi32>,
    %swap3A_867 = vector.shape_cast %swap3A_866 : vector<1x16xi32> to vector<16xi32>
    %swap3A_868 = vector.shape_cast %add3A_862 : vector<16xi32> to vector<1x16xi32>
    tpu.vector_store %arg5[%swap3A_864, %swap3A_865], %swap3A_868 {strides = array<i32>} : memref<2x512xi32, #tpu.memory_space<vmem>>, vector<1x16xi32>,
    %get3A_869 = arith.constant 1 : i32
    %get3A_870 = arith.index_cast %get3A_869 : i32 to index
    %get3A_871 = arith.constant 192 : index
    %get3A_872 = tpu.vector_load %arg5[%get3A_870, %get3A_871] {strides = array<i32>} : memref<2x512xi32, #tpu.memory_space<vmem>>, vector<1x16xi32>,
    %get3A_873 = vector.shape_cast %get3A_872 : vector<1x16xi32> to vector<16xi32>
    %max3A_874 = arith.constant 0 : i32
    %max3A_875 = vector.broadcast %max3A_874 : i32 to vector<16xi32>
    %max3A_876 = arith.maxsi %get3A_873, %max3A_875 : vector<16xi32>
    %min3A_877 = arith.constant 511 : i32
    %min3A_878 = vector.broadcast %min3A_877 : i32 to vector<16xi32>
    %min3A_879 = arith.minsi %max3A_876, %min3A_878 : vector<16xi32>
    %add3A_880 = vector.broadcast %mul3A_34 : i32 to vector<16xi32>
    %add3A_881 = arith.addi %min3A_879, %add3A_880 : vector<16xi32>
    %swap3A_882 = arith.constant 1 : i32
    %swap3A_883 = arith.index_cast %swap3A_882 : i32 to index
    %swap3A_884 = arith.constant 192 : index
    %swap3A_885 = tpu.vector_load %arg5[%swap3A_883, %swap3A_884] {strides = array<i32>} : memref<2x512xi32, #tpu.memory_space<vmem>>, vector<1x16xi32>,
    %swap3A_886 = vector.shape_cast %swap3A_885 : vector<1x16xi32> to vector<16xi32>
    %swap3A_887 = vector.shape_cast %add3A_881 : vector<16xi32> to vector<1x16xi32>
    tpu.vector_store %arg5[%swap3A_883, %swap3A_884], %swap3A_887 {strides = array<i32>} : memref<2x512xi32, #tpu.memory_space<vmem>>, vector<1x16xi32>,
    %get3A_888 = arith.constant 1 : i32
    %get3A_889 = arith.index_cast %get3A_888 : i32 to index
    %get3A_890 = arith.constant 208 : index
    %get3A_891 = tpu.vector_load %arg5[%get3A_889, %get3A_890] {strides = array<i32>} : memref<2x512xi32, #tpu.memory_space<vmem>>, vector<1x16xi32>,
    %get3A_892 = vector.shape_cast %get3A_891 : vector<1x16xi32> to vector<16xi32>
    %max3A_893 = arith.constant 0 : i32
    %max3A_894 = vector.broadcast %max3A_893 : i32 to vector<16xi32>
    %max3A_895 = arith.maxsi %get3A_892, %max3A_894 : vector<16xi32>
    %min3A_896 = arith.constant 511 : i32
    %min3A_897 = vector.broadcast %min3A_896 : i32 to vector<16xi32>
    %min3A_898 = arith.minsi %max3A_895, %min3A_897 : vector<16xi32>
    %add3A_899 = vector.broadcast %mul3A_34 : i32 to vector<16xi32>
    %add3A_900 = arith.addi %min3A_898, %add3A_899 : vector<16xi32>
    %swap3A_901 = arith.constant 1 : i32
    %swap3A_902 = arith.index_cast %swap3A_901 : i32 to index
    %swap3A_903 = arith.constant 208 : index
    %swap3A_904 = tpu.vector_load %arg5[%swap3A_902, %swap3A_903] {strides = array<i32>} : memref<2x512xi32, #tpu.memory_space<vmem>>, vector<1x16xi32>,
    %swap3A_905 = vector.shape_cast %swap3A_904 : vector<1x16xi32> to vector<16xi32>
    %swap3A_906 = vector.shape_cast %add3A_900 : vector<16xi32> to vector<1x16xi32>
    tpu.vector_store %arg5[%swap3A_902, %swap3A_903], %swap3A_906 {strides = array<i32>} : memref<2x512xi32, #tpu.memory_space<vmem>>, vector<1x16xi32>,
    %get3A_907 = arith.constant 1 : i32
    %get3A_908 = arith.index_cast %get3A_907 : i32 to index
    %get3A_909 = arith.constant 224 : index
    %get3A_910 = tpu.vector_load %arg5[%get3A_908, %get3A_909] {strides = array<i32>} : memref<2x512xi32, #tpu.memory_space<vmem>>, vector<1x16xi32>,
    %get3A_911 = vector.shape_cast %get3A_910 : vector<1x16xi32> to vector<16xi32>
    %max3A_912 = arith.constant 0 : i32
    %max3A_913 = vector.broadcast %max3A_912 : i32 to vector<16xi32>
    %max3A_914 = arith.maxsi %get3A_911, %max3A_913 : vector<16xi32>
    %min3A_915 = arith.constant 511 : i32
    %min3A_916 = vector.broadcast %min3A_915 : i32 to vector<16xi32>
    %min3A_917 = arith.minsi %max3A_914, %min3A_916 : vector<16xi32>
    %add3A_918 = vector.broadcast %mul3A_34 : i32 to vector<16xi32>
    %add3A_919 = arith.addi %min3A_917, %add3A_918 : vector<16xi32>
    %swap3A_920 = arith.constant 1 : i32
    %swap3A_921 = arith.index_cast %swap3A_920 : i32 to index
    %swap3A_922 = arith.constant 224 : index
    %swap3A_923 = tpu.vector_load %arg5[%swap3A_921, %swap3A_922] {strides = array<i32>} : memref<2x512xi32, #tpu.memory_space<vmem>>, vector<1x16xi32>,
    %swap3A_924 = vector.shape_cast %swap3A_923 : vector<1x16xi32> to vector<16xi32>
    %swap3A_925 = vector.shape_cast %add3A_919 : vector<16xi32> to vector<1x16xi32>
    tpu.vector_store %arg5[%swap3A_921, %swap3A_922], %swap3A_925 {strides = array<i32>} : memref<2x512xi32, #tpu.memory_space<vmem>>, vector<1x16xi32>,
    %get3A_926 = arith.constant 1 : i32
    %get3A_927 = arith.index_cast %get3A_926 : i32 to index
    %get3A_928 = arith.constant 240 : index
    %get3A_929 = tpu.vector_load %arg5[%get3A_927, %get3A_928] {strides = array<i32>} : memref<2x512xi32, #tpu.memory_space<vmem>>, vector<1x16xi32>,
    %get3A_930 = vector.shape_cast %get3A_929 : vector<1x16xi32> to vector<16xi32>
    %max3A_931 = arith.constant 0 : i32
    %max3A_932 = vector.broadcast %max3A_931 : i32 to vector<16xi32>
    %max3A_933 = arith.maxsi %get3A_930, %max3A_932 : vector<16xi32>
    %min3A_934 = arith.constant 511 : i32
    %min3A_935 = vector.broadcast %min3A_934 : i32 to vector<16xi32>
    %min3A_936 = arith.minsi %max3A_933, %min3A_935 : vector<16xi32>
    %add3A_937 = vector.broadcast %mul3A_34 : i32 to vector<16xi32>
    %add3A_938 = arith.addi %min3A_936, %add3A_937 : vector<16xi32>
    %swap3A_939 = arith.constant 1 : i32
    %swap3A_940 = arith.index_cast %swap3A_939 : i32 to index
    %swap3A_941 = arith.constant 240 : index
    %swap3A_942 = tpu.vector_load %arg5[%swap3A_940, %swap3A_941] {strides = array<i32>} : memref<2x512xi32, #tpu.memory_space<vmem>>, vector<1x16xi32>,
    %swap3A_943 = vector.shape_cast %swap3A_942 : vector<1x16xi32> to vector<16xi32>
    %swap3A_944 = vector.shape_cast %add3A_938 : vector<16xi32> to vector<1x16xi32>
    tpu.vector_store %arg5[%swap3A_940, %swap3A_941], %swap3A_944 {strides = array<i32>} : memref<2x512xi32, #tpu.memory_space<vmem>>, vector<1x16xi32>,
    %get3A_945 = arith.constant 1 : i32
    %get3A_946 = arith.index_cast %get3A_945 : i32 to index
    %get3A_947 = arith.constant 256 : index
    %get3A_948 = tpu.vector_load %arg5[%get3A_946, %get3A_947] {strides = array<i32>} : memref<2x512xi32, #tpu.memory_space<vmem>>, vector<1x16xi32>,
    %get3A_949 = vector.shape_cast %get3A_948 : vector<1x16xi32> to vector<16xi32>
    %max3A_950 = arith.constant 0 : i32
    %max3A_951 = vector.broadcast %max3A_950 : i32 to vector<16xi32>
    %max3A_952 = arith.maxsi %get3A_949, %max3A_951 : vector<16xi32>
    %min3A_953 = arith.constant 511 : i32
    %min3A_954 = vector.broadcast %min3A_953 : i32 to vector<16xi32>
    %min3A_955 = arith.minsi %max3A_952, %min3A_954 : vector<16xi32>
    %add3A_956 = vector.broadcast %mul3A_34 : i32 to vector<16xi32>
    %add3A_957 = arith.addi %min3A_955, %add3A_956 : vector<16xi32>
    %swap3A_958 = arith.constant 1 : i32
    %swap3A_959 = arith.index_cast %swap3A_958 : i32 to index
    %swap3A_960 = arith.constant 256 : index
    %swap3A_961 = tpu.vector_load %arg5[%swap3A_959, %swap3A_960] {strides = array<i32>} : memref<2x512xi32, #tpu.memory_space<vmem>>, vector<1x16xi32>,
    %swap3A_962 = vector.shape_cast %swap3A_961 : vector<1x16xi32> to vector<16xi32>
    %swap3A_963 = vector.shape_cast %add3A_957 : vector<16xi32> to vector<1x16xi32>
    tpu.vector_store %arg5[%swap3A_959, %swap3A_960], %swap3A_963 {strides = array<i32>} : memref<2x512xi32, #tpu.memory_space<vmem>>, vector<1x16xi32>,
    %get3A_964 = arith.constant 1 : i32
    %get3A_965 = arith.index_cast %get3A_964 : i32 to index
    %get3A_966 = arith.constant 272 : index
    %get3A_967 = tpu.vector_load %arg5[%get3A_965, %get3A_966] {strides = array<i32>} : memref<2x512xi32, #tpu.memory_space<vmem>>, vector<1x16xi32>,
    %get3A_968 = vector.shape_cast %get3A_967 : vector<1x16xi32> to vector<16xi32>
    %max3A_969 = arith.constant 0 : i32
    %max3A_970 = vector.broadcast %max3A_969 : i32 to vector<16xi32>
    %max3A_971 = arith.maxsi %get3A_968, %max3A_970 : vector<16xi32>
    %min3A_972 = arith.constant 511 : i32
    %min3A_973 = vector.broadcast %min3A_972 : i32 to vector<16xi32>
    %min3A_974 = arith.minsi %max3A_971, %min3A_973 : vector<16xi32>
    %add3A_975 = vector.broadcast %mul3A_34 : i32 to vector<16xi32>
    %add3A_976 = arith.addi %min3A_974, %add3A_975 : vector<16xi32>
    %swap3A_977 = arith.constant 1 : i32
    %swap3A_978 = arith.index_cast %swap3A_977 : i32 to index
    %swap3A_979 = arith.constant 272 : index
    %swap3A_980 = tpu.vector_load %arg5[%swap3A_978, %swap3A_979] {strides = array<i32>} : memref<2x512xi32, #tpu.memory_space<vmem>>, vector<1x16xi32>,
    %swap3A_981 = vector.shape_cast %swap3A_980 : vector<1x16xi32> to vector<16xi32>
    %swap3A_982 = vector.shape_cast %add3A_976 : vector<16xi32> to vector<1x16xi32>
    tpu.vector_store %arg5[%swap3A_978, %swap3A_979], %swap3A_982 {strides = array<i32>} : memref<2x512xi32, #tpu.memory_space<vmem>>, vector<1x16xi32>,
    %get3A_983 = arith.constant 1 : i32
    %get3A_984 = arith.index_cast %get3A_983 : i32 to index
    %get3A_985 = arith.constant 288 : index
    %get3A_986 = tpu.vector_load %arg5[%get3A_984, %get3A_985] {strides = array<i32>} : memref<2x512xi32, #tpu.memory_space<vmem>>, vector<1x16xi32>,
    %get3A_987 = vector.shape_cast %get3A_986 : vector<1x16xi32> to vector<16xi32>
    %max3A_988 = arith.constant 0 : i32
    %max3A_989 = vector.broadcast %max3A_988 : i32 to vector<16xi32>
    %max3A_990 = arith.maxsi %get3A_987, %max3A_989 : vector<16xi32>
    %min3A_991 = arith.constant 511 : i32
    %min3A_992 = vector.broadcast %min3A_991 : i32 to vector<16xi32>
    %min3A_993 = arith.minsi %max3A_990, %min3A_992 : vector<16xi32>
    %add3A_994 = vector.broadcast %mul3A_34 : i32 to vector<16xi32>
    %add3A_995 = arith.addi %min3A_993, %add3A_994 : vector<16xi32>
    %swap3A_996 = arith.constant 1 : i32
    %swap3A_997 = arith.index_cast %swap3A_996 : i32 to index
    %swap3A_998 = arith.constant 288 : index
    %swap3A_999 = tpu.vector_load %arg5[%swap3A_997, %swap3A_998] {strides = array<i32>} : memref<2x512xi32, #tpu.memory_space<vmem>>, vector<1x16xi32>,
    %swap3A_1000 = vector.shape_cast %swap3A_999 : vector<1x16xi32> to vector<16xi32>
    %swap3A_1001 = vector.shape_cast %add3A_995 : vector<16xi32> to vector<1x16xi32>
    tpu.vector_store %arg5[%swap3A_997, %swap3A_998], %swap3A_1001 {strides = array<i32>} : memref<2x512xi32, #tpu.memory_space<vmem>>, vector<1x16xi32>,
    %get3A_1002 = arith.constant 1 : i32
    %get3A_1003 = arith.index_cast %get3A_1002 : i32 to index
    %get3A_1004 = arith.constant 304 : index
    %get3A_1005 = tpu.vector_load %arg5[%get3A_1003, %get3A_1004] {strides = array<i32>} : memref<2x512xi32, #tpu.memory_space<vmem>>, vector<1x16xi32>,
    %get3A_1006 = vector.shape_cast %get3A_1005 : vector<1x16xi32> to vector<16xi32>
    %max3A_1007 = arith.constant 0 : i32
    %max3A_1008 = vector.broadcast %max3A_1007 : i32 to vector<16xi32>
    %max3A_1009 = arith.maxsi %get3A_1006, %max3A_1008 : vector<16xi32>
    %min3A_1010 = arith.constant 511 : i32
    %min3A_1011 = vector.broadcast %min3A_1010 : i32 to vector<16xi32>
    %min3A_1012 = arith.minsi %max3A_1009, %min3A_1011 : vector<16xi32>
    %add3A_1013 = vector.broadcast %mul3A_34 : i32 to vector<16xi32>
    %add3A_1014 = arith.addi %min3A_1012, %add3A_1013 : vector<16xi32>
    %swap3A_1015 = arith.constant 1 : i32
    %swap3A_1016 = arith.index_cast %swap3A_1015 : i32 to index
    %swap3A_1017 = arith.constant 304 : index
    %swap3A_1018 = tpu.vector_load %arg5[%swap3A_1016, %swap3A_1017] {strides = array<i32>} : memref<2x512xi32, #tpu.memory_space<vmem>>, vector<1x16xi32>,
    %swap3A_1019 = vector.shape_cast %swap3A_1018 : vector<1x16xi32> to vector<16xi32>
    %swap3A_1020 = vector.shape_cast %add3A_1014 : vector<16xi32> to vector<1x16xi32>
    tpu.vector_store %arg5[%swap3A_1016, %swap3A_1017], %swap3A_1020 {strides = array<i32>} : memref<2x512xi32, #tpu.memory_space<vmem>>, vector<1x16xi32>,
    %get3A_1021 = arith.constant 1 : i32
    %get3A_1022 = arith.index_cast %get3A_1021 : i32 to index
    %get3A_1023 = arith.constant 320 : index
    %get3A_1024 = tpu.vector_load %arg5[%get3A_1022, %get3A_1023] {strides = array<i32>} : memref<2x512xi32, #tpu.memory_space<vmem>>, vector<1x16xi32>,
    %get3A_1025 = vector.shape_cast %get3A_1024 : vector<1x16xi32> to vector<16xi32>
    %max3A_1026 = arith.constant 0 : i32
    %max3A_1027 = vector.broadcast %max3A_1026 : i32 to vector<16xi32>
    %max3A_1028 = arith.maxsi %get3A_1025, %max3A_1027 : vector<16xi32>
    %min3A_1029 = arith.constant 511 : i32
    %min3A_1030 = vector.broadcast %min3A_1029 : i32 to vector<16xi32>
    %min3A_1031 = arith.minsi %max3A_1028, %min3A_1030 : vector<16xi32>
    %add3A_1032 = vector.broadcast %mul3A_34 : i32 to vector<16xi32>
    %add3A_1033 = arith.addi %min3A_1031, %add3A_1032 : vector<16xi32>
    %swap3A_1034 = arith.constant 1 : i32
    %swap3A_1035 = arith.index_cast %swap3A_1034 : i32 to index
    %swap3A_1036 = arith.constant 320 : index
    %swap3A_1037 = tpu.vector_load %arg5[%swap3A_1035, %swap3A_1036] {strides = array<i32>} : memref<2x512xi32, #tpu.memory_space<vmem>>, vector<1x16xi32>,
    %swap3A_1038 = vector.shape_cast %swap3A_1037 : vector<1x16xi32> to vector<16xi32>
    %swap3A_1039 = vector.shape_cast %add3A_1033 : vector<16xi32> to vector<1x16xi32>
    tpu.vector_store %arg5[%swap3A_1035, %swap3A_1036], %swap3A_1039 {strides = array<i32>} : memref<2x512xi32, #tpu.memory_space<vmem>>, vector<1x16xi32>,
    %get3A_1040 = arith.constant 1 : i32
    %get3A_1041 = arith.index_cast %get3A_1040 : i32 to index
    %get3A_1042 = arith.constant 336 : index
    %get3A_1043 = tpu.vector_load %arg5[%get3A_1041, %get3A_1042] {strides = array<i32>} : memref<2x512xi32, #tpu.memory_space<vmem>>, vector<1x16xi32>,
    %get3A_1044 = vector.shape_cast %get3A_1043 : vector<1x16xi32> to vector<16xi32>
    %max3A_1045 = arith.constant 0 : i32
    %max3A_1046 = vector.broadcast %max3A_1045 : i32 to vector<16xi32>
    %max3A_1047 = arith.maxsi %get3A_1044, %max3A_1046 : vector<16xi32>
    %min3A_1048 = arith.constant 511 : i32
    %min3A_1049 = vector.broadcast %min3A_1048 : i32 to vector<16xi32>
    %min3A_1050 = arith.minsi %max3A_1047, %min3A_1049 : vector<16xi32>
    %add3A_1051 = vector.broadcast %mul3A_34 : i32 to vector<16xi32>
    %add3A_1052 = arith.addi %min3A_1050, %add3A_1051 : vector<16xi32>
    %swap3A_1053 = arith.constant 1 : i32
    %swap3A_1054 = arith.index_cast %swap3A_1053 : i32 to index
    %swap3A_1055 = arith.constant 336 : index
    %swap3A_1056 = tpu.vector_load %arg5[%swap3A_1054, %swap3A_1055] {strides = array<i32>} : memref<2x512xi32, #tpu.memory_space<vmem>>, vector<1x16xi32>,
    %swap3A_1057 = vector.shape_cast %swap3A_1056 : vector<1x16xi32> to vector<16xi32>
    %swap3A_1058 = vector.shape_cast %add3A_1052 : vector<16xi32> to vector<1x16xi32>
    tpu.vector_store %arg5[%swap3A_1054, %swap3A_1055], %swap3A_1058 {strides = array<i32>} : memref<2x512xi32, #tpu.memory_space<vmem>>, vector<1x16xi32>,
    %get3A_1059 = arith.constant 1 : i32
    %get3A_1060 = arith.index_cast %get3A_1059 : i32 to index
    %get3A_1061 = arith.constant 352 : index
    %get3A_1062 = tpu.vector_load %arg5[%get3A_1060, %get3A_1061] {strides = array<i32>} : memref<2x512xi32, #tpu.memory_space<vmem>>, vector<1x16xi32>,
    %get3A_1063 = vector.shape_cast %get3A_1062 : vector<1x16xi32> to vector<16xi32>
    %max3A_1064 = arith.constant 0 : i32
    %max3A_1065 = vector.broadcast %max3A_1064 : i32 to vector<16xi32>
    %max3A_1066 = arith.maxsi %get3A_1063, %max3A_1065 : vector<16xi32>
    %min3A_1067 = arith.constant 511 : i32
    %min3A_1068 = vector.broadcast %min3A_1067 : i32 to vector<16xi32>
    %min3A_1069 = arith.minsi %max3A_1066, %min3A_1068 : vector<16xi32>
    %add3A_1070 = vector.broadcast %mul3A_34 : i32 to vector<16xi32>
    %add3A_1071 = arith.addi %min3A_1069, %add3A_1070 : vector<16xi32>
    %swap3A_1072 = arith.constant 1 : i32
    %swap3A_1073 = arith.index_cast %swap3A_1072 : i32 to index
    %swap3A_1074 = arith.constant 352 : index
    %swap3A_1075 = tpu.vector_load %arg5[%swap3A_1073, %swap3A_1074] {strides = array<i32>} : memref<2x512xi32, #tpu.memory_space<vmem>>, vector<1x16xi32>,
    %swap3A_1076 = vector.shape_cast %swap3A_1075 : vector<1x16xi32> to vector<16xi32>
    %swap3A_1077 = vector.shape_cast %add3A_1071 : vector<16xi32> to vector<1x16xi32>
    tpu.vector_store %arg5[%swap3A_1073, %swap3A_1074], %swap3A_1077 {strides = array<i32>} : memref<2x512xi32, #tpu.memory_space<vmem>>, vector<1x16xi32>,
    %get3A_1078 = arith.constant 1 : i32
    %get3A_1079 = arith.index_cast %get3A_1078 : i32 to index
    %get3A_1080 = arith.constant 368 : index
    %get3A_1081 = tpu.vector_load %arg5[%get3A_1079, %get3A_1080] {strides = array<i32>} : memref<2x512xi32, #tpu.memory_space<vmem>>, vector<1x16xi32>,
    %get3A_1082 = vector.shape_cast %get3A_1081 : vector<1x16xi32> to vector<16xi32>
    %max3A_1083 = arith.constant 0 : i32
    %max3A_1084 = vector.broadcast %max3A_1083 : i32 to vector<16xi32>
    %max3A_1085 = arith.maxsi %get3A_1082, %max3A_1084 : vector<16xi32>
    %min3A_1086 = arith.constant 511 : i32
    %min3A_1087 = vector.broadcast %min3A_1086 : i32 to vector<16xi32>
    %min3A_1088 = arith.minsi %max3A_1085, %min3A_1087 : vector<16xi32>
    %add3A_1089 = vector.broadcast %mul3A_34 : i32 to vector<16xi32>
    %add3A_1090 = arith.addi %min3A_1088, %add3A_1089 : vector<16xi32>
    %swap3A_1091 = arith.constant 1 : i32
    %swap3A_1092 = arith.index_cast %swap3A_1091 : i32 to index
    %swap3A_1093 = arith.constant 368 : index
    %swap3A_1094 = tpu.vector_load %arg5[%swap3A_1092, %swap3A_1093] {strides = array<i32>} : memref<2x512xi32, #tpu.memory_space<vmem>>, vector<1x16xi32>,
    %swap3A_1095 = vector.shape_cast %swap3A_1094 : vector<1x16xi32> to vector<16xi32>
    %swap3A_1096 = vector.shape_cast %add3A_1090 : vector<16xi32> to vector<1x16xi32>
    tpu.vector_store %arg5[%swap3A_1092, %swap3A_1093], %swap3A_1096 {strides = array<i32>} : memref<2x512xi32, #tpu.memory_space<vmem>>, vector<1x16xi32>,
    %get3A_1097 = arith.constant 1 : i32
    %get3A_1098 = arith.index_cast %get3A_1097 : i32 to index
    %get3A_1099 = arith.constant 384 : index
    %get3A_1100 = tpu.vector_load %arg5[%get3A_1098, %get3A_1099] {strides = array<i32>} : memref<2x512xi32, #tpu.memory_space<vmem>>, vector<1x16xi32>,
    %get3A_1101 = vector.shape_cast %get3A_1100 : vector<1x16xi32> to vector<16xi32>
    %max3A_1102 = arith.constant 0 : i32
    %max3A_1103 = vector.broadcast %max3A_1102 : i32 to vector<16xi32>
    %max3A_1104 = arith.maxsi %get3A_1101, %max3A_1103 : vector<16xi32>
    %min3A_1105 = arith.constant 511 : i32
    %min3A_1106 = vector.broadcast %min3A_1105 : i32 to vector<16xi32>
    %min3A_1107 = arith.minsi %max3A_1104, %min3A_1106 : vector<16xi32>
    %add3A_1108 = vector.broadcast %mul3A_34 : i32 to vector<16xi32>
    %add3A_1109 = arith.addi %min3A_1107, %add3A_1108 : vector<16xi32>
    %swap3A_1110 = arith.constant 1 : i32
    %swap3A_1111 = arith.index_cast %swap3A_1110 : i32 to index
    %swap3A_1112 = arith.constant 384 : index
    %swap3A_1113 = tpu.vector_load %arg5[%swap3A_1111, %swap3A_1112] {strides = array<i32>} : memref<2x512xi32, #tpu.memory_space<vmem>>, vector<1x16xi32>,
    %swap3A_1114 = vector.shape_cast %swap3A_1113 : vector<1x16xi32> to vector<16xi32>
    %swap3A_1115 = vector.shape_cast %add3A_1109 : vector<16xi32> to vector<1x16xi32>
    tpu.vector_store %arg5[%swap3A_1111, %swap3A_1112], %swap3A_1115 {strides = array<i32>} : memref<2x512xi32, #tpu.memory_space<vmem>>, vector<1x16xi32>,
    %get3A_1116 = arith.constant 1 : i32
    %get3A_1117 = arith.index_cast %get3A_1116 : i32 to index
    %get3A_1118 = arith.constant 400 : index
    %get3A_1119 = tpu.vector_load %arg5[%get3A_1117, %get3A_1118] {strides = array<i32>} : memref<2x512xi32, #tpu.memory_space<vmem>>, vector<1x16xi32>,
    %get3A_1120 = vector.shape_cast %get3A_1119 : vector<1x16xi32> to vector<16xi32>
    %max3A_1121 = arith.constant 0 : i32
    %max3A_1122 = vector.broadcast %max3A_1121 : i32 to vector<16xi32>
    %max3A_1123 = arith.maxsi %get3A_1120, %max3A_1122 : vector<16xi32>
    %min3A_1124 = arith.constant 511 : i32
    %min3A_1125 = vector.broadcast %min3A_1124 : i32 to vector<16xi32>
    %min3A_1126 = arith.minsi %max3A_1123, %min3A_1125 : vector<16xi32>
    %add3A_1127 = vector.broadcast %mul3A_34 : i32 to vector<16xi32>
    %add3A_1128 = arith.addi %min3A_1126, %add3A_1127 : vector<16xi32>
    %swap3A_1129 = arith.constant 1 : i32
    %swap3A_1130 = arith.index_cast %swap3A_1129 : i32 to index
    %swap3A_1131 = arith.constant 400 : index
    %swap3A_1132 = tpu.vector_load %arg5[%swap3A_1130, %swap3A_1131] {strides = array<i32>} : memref<2x512xi32, #tpu.memory_space<vmem>>, vector<1x16xi32>,
    %swap3A_1133 = vector.shape_cast %swap3A_1132 : vector<1x16xi32> to vector<16xi32>
    %swap3A_1134 = vector.shape_cast %add3A_1128 : vector<16xi32> to vector<1x16xi32>
    tpu.vector_store %arg5[%swap3A_1130, %swap3A_1131], %swap3A_1134 {strides = array<i32>} : memref<2x512xi32, #tpu.memory_space<vmem>>, vector<1x16xi32>,
    %get3A_1135 = arith.constant 1 : i32
    %get3A_1136 = arith.index_cast %get3A_1135 : i32 to index
    %get3A_1137 = arith.constant 416 : index
    %get3A_1138 = tpu.vector_load %arg5[%get3A_1136, %get3A_1137] {strides = array<i32>} : memref<2x512xi32, #tpu.memory_space<vmem>>, vector<1x16xi32>,
    %get3A_1139 = vector.shape_cast %get3A_1138 : vector<1x16xi32> to vector<16xi32>
    %max3A_1140 = arith.constant 0 : i32
    %max3A_1141 = vector.broadcast %max3A_1140 : i32 to vector<16xi32>
    %max3A_1142 = arith.maxsi %get3A_1139, %max3A_1141 : vector<16xi32>
    %min3A_1143 = arith.constant 511 : i32
    %min3A_1144 = vector.broadcast %min3A_1143 : i32 to vector<16xi32>
    %min3A_1145 = arith.minsi %max3A_1142, %min3A_1144 : vector<16xi32>
    %add3A_1146 = vector.broadcast %mul3A_34 : i32 to vector<16xi32>
    %add3A_1147 = arith.addi %min3A_1145, %add3A_1146 : vector<16xi32>
    %swap3A_1148 = arith.constant 1 : i32
    %swap3A_1149 = arith.index_cast %swap3A_1148 : i32 to index
    %swap3A_1150 = arith.constant 416 : index
    %swap3A_1151 = tpu.vector_load %arg5[%swap3A_1149, %swap3A_1150] {strides = array<i32>} : memref<2x512xi32, #tpu.memory_space<vmem>>, vector<1x16xi32>,
    %swap3A_1152 = vector.shape_cast %swap3A_1151 : vector<1x16xi32> to vector<16xi32>
    %swap3A_1153 = vector.shape_cast %add3A_1147 : vector<16xi32> to vector<1x16xi32>
    tpu.vector_store %arg5[%swap3A_1149, %swap3A_1150], %swap3A_1153 {strides = array<i32>} : memref<2x512xi32, #tpu.memory_space<vmem>>, vector<1x16xi32>,
    %get3A_1154 = arith.constant 1 : i32
    %get3A_1155 = arith.index_cast %get3A_1154 : i32 to index
    %get3A_1156 = arith.constant 432 : index
    %get3A_1157 = tpu.vector_load %arg5[%get3A_1155, %get3A_1156] {strides = array<i32>} : memref<2x512xi32, #tpu.memory_space<vmem>>, vector<1x16xi32>,
    %get3A_1158 = vector.shape_cast %get3A_1157 : vector<1x16xi32> to vector<16xi32>
    %max3A_1159 = arith.constant 0 : i32
    %max3A_1160 = vector.broadcast %max3A_1159 : i32 to vector<16xi32>
    %max3A_1161 = arith.maxsi %get3A_1158, %max3A_1160 : vector<16xi32>
    %min3A_1162 = arith.constant 511 : i32
    %min3A_1163 = vector.broadcast %min3A_1162 : i32 to vector<16xi32>
    %min3A_1164 = arith.minsi %max3A_1161, %min3A_1163 : vector<16xi32>
    %add3A_1165 = vector.broadcast %mul3A_34 : i32 to vector<16xi32>
    %add3A_1166 = arith.addi %min3A_1164, %add3A_1165 : vector<16xi32>
    %swap3A_1167 = arith.constant 1 : i32
    %swap3A_1168 = arith.index_cast %swap3A_1167 : i32 to index
    %swap3A_1169 = arith.constant 432 : index
    %swap3A_1170 = tpu.vector_load %arg5[%swap3A_1168, %swap3A_1169] {strides = array<i32>} : memref<2x512xi32, #tpu.memory_space<vmem>>, vector<1x16xi32>,
    %swap3A_1171 = vector.shape_cast %swap3A_1170 : vector<1x16xi32> to vector<16xi32>
    %swap3A_1172 = vector.shape_cast %add3A_1166 : vector<16xi32> to vector<1x16xi32>
    tpu.vector_store %arg5[%swap3A_1168, %swap3A_1169], %swap3A_1172 {strides = array<i32>} : memref<2x512xi32, #tpu.memory_space<vmem>>, vector<1x16xi32>,
    %get3A_1173 = arith.constant 1 : i32
    %get3A_1174 = arith.index_cast %get3A_1173 : i32 to index
    %get3A_1175 = arith.constant 448 : index
    %get3A_1176 = tpu.vector_load %arg5[%get3A_1174, %get3A_1175] {strides = array<i32>} : memref<2x512xi32, #tpu.memory_space<vmem>>, vector<1x16xi32>,
    %get3A_1177 = vector.shape_cast %get3A_1176 : vector<1x16xi32> to vector<16xi32>
    %max3A_1178 = arith.constant 0 : i32
    %max3A_1179 = vector.broadcast %max3A_1178 : i32 to vector<16xi32>
    %max3A_1180 = arith.maxsi %get3A_1177, %max3A_1179 : vector<16xi32>
    %min3A_1181 = arith.constant 511 : i32
    %min3A_1182 = vector.broadcast %min3A_1181 : i32 to vector<16xi32>
    %min3A_1183 = arith.minsi %max3A_1180, %min3A_1182 : vector<16xi32>
    %add3A_1184 = vector.broadcast %mul3A_34 : i32 to vector<16xi32>
    %add3A_1185 = arith.addi %min3A_1183, %add3A_1184 : vector<16xi32>
    %swap3A_1186 = arith.constant 1 : i32
    %swap3A_1187 = arith.index_cast %swap3A_1186 : i32 to index
    %swap3A_1188 = arith.constant 448 : index
    %swap3A_1189 = tpu.vector_load %arg5[%swap3A_1187, %swap3A_1188] {strides = array<i32>} : memref<2x512xi32, #tpu.memory_space<vmem>>, vector<1x16xi32>,
    %swap3A_1190 = vector.shape_cast %swap3A_1189 : vector<1x16xi32> to vector<16xi32>
    %swap3A_1191 = vector.shape_cast %add3A_1185 : vector<16xi32> to vector<1x16xi32>
    tpu.vector_store %arg5[%swap3A_1187, %swap3A_1188], %swap3A_1191 {strides = array<i32>} : memref<2x512xi32, #tpu.memory_space<vmem>>, vector<1x16xi32>,
    %get3A_1192 = arith.constant 1 : i32
    %get3A_1193 = arith.index_cast %get3A_1192 : i32 to index
    %get3A_1194 = arith.constant 464 : index
    %get3A_1195 = tpu.vector_load %arg5[%get3A_1193, %get3A_1194] {strides = array<i32>} : memref<2x512xi32, #tpu.memory_space<vmem>>, vector<1x16xi32>,
    %get3A_1196 = vector.shape_cast %get3A_1195 : vector<1x16xi32> to vector<16xi32>
    %max3A_1197 = arith.constant 0 : i32
    %max3A_1198 = vector.broadcast %max3A_1197 : i32 to vector<16xi32>
    %max3A_1199 = arith.maxsi %get3A_1196, %max3A_1198 : vector<16xi32>
    %min3A_1200 = arith.constant 511 : i32
    %min3A_1201 = vector.broadcast %min3A_1200 : i32 to vector<16xi32>
    %min3A_1202 = arith.minsi %max3A_1199, %min3A_1201 : vector<16xi32>
    %add3A_1203 = vector.broadcast %mul3A_34 : i32 to vector<16xi32>
    %add3A_1204 = arith.addi %min3A_1202, %add3A_1203 : vector<16xi32>
    %swap3A_1205 = arith.constant 1 : i32
    %swap3A_1206 = arith.index_cast %swap3A_1205 : i32 to index
    %swap3A_1207 = arith.constant 464 : index
    %swap3A_1208 = tpu.vector_load %arg5[%swap3A_1206, %swap3A_1207] {strides = array<i32>} : memref<2x512xi32, #tpu.memory_space<vmem>>, vector<1x16xi32>,
    %swap3A_1209 = vector.shape_cast %swap3A_1208 : vector<1x16xi32> to vector<16xi32>
    %swap3A_1210 = vector.shape_cast %add3A_1204 : vector<16xi32> to vector<1x16xi32>
    tpu.vector_store %arg5[%swap3A_1206, %swap3A_1207], %swap3A_1210 {strides = array<i32>} : memref<2x512xi32, #tpu.memory_space<vmem>>, vector<1x16xi32>,
    %get3A_1211 = arith.constant 1 : i32
    %get3A_1212 = arith.index_cast %get3A_1211 : i32 to index
    %get3A_1213 = arith.constant 480 : index
    %get3A_1214 = tpu.vector_load %arg5[%get3A_1212, %get3A_1213] {strides = array<i32>} : memref<2x512xi32, #tpu.memory_space<vmem>>, vector<1x16xi32>,
    %get3A_1215 = vector.shape_cast %get3A_1214 : vector<1x16xi32> to vector<16xi32>
    %max3A_1216 = arith.constant 0 : i32
    %max3A_1217 = vector.broadcast %max3A_1216 : i32 to vector<16xi32>
    %max3A_1218 = arith.maxsi %get3A_1215, %max3A_1217 : vector<16xi32>
    %min3A_1219 = arith.constant 511 : i32
    %min3A_1220 = vector.broadcast %min3A_1219 : i32 to vector<16xi32>
    %min3A_1221 = arith.minsi %max3A_1218, %min3A_1220 : vector<16xi32>
    %add3A_1222 = vector.broadcast %mul3A_34 : i32 to vector<16xi32>
    %add3A_1223 = arith.addi %min3A_1221, %add3A_1222 : vector<16xi32>
    %swap3A_1224 = arith.constant 1 : i32
    %swap3A_1225 = arith.index_cast %swap3A_1224 : i32 to index
    %swap3A_1226 = arith.constant 480 : index
    %swap3A_1227 = tpu.vector_load %arg5[%swap3A_1225, %swap3A_1226] {strides = array<i32>} : memref<2x512xi32, #tpu.memory_space<vmem>>, vector<1x16xi32>,
    %swap3A_1228 = vector.shape_cast %swap3A_1227 : vector<1x16xi32> to vector<16xi32>
    %swap3A_1229 = vector.shape_cast %add3A_1223 : vector<16xi32> to vector<1x16xi32>
    tpu.vector_store %arg5[%swap3A_1225, %swap3A_1226], %swap3A_1229 {strides = array<i32>} : memref<2x512xi32, #tpu.memory_space<vmem>>, vector<1x16xi32>,
    %get3A_1230 = arith.constant 1 : i32
    %get3A_1231 = arith.index_cast %get3A_1230 : i32 to index
    %get3A_1232 = arith.constant 496 : index
    %get3A_1233 = tpu.vector_load %arg5[%get3A_1231, %get3A_1232] {strides = array<i32>} : memref<2x512xi32, #tpu.memory_space<vmem>>, vector<1x16xi32>,
    %get3A_1234 = vector.shape_cast %get3A_1233 : vector<1x16xi32> to vector<16xi32>
    %max3A_1235 = arith.constant 0 : i32
    %max3A_1236 = vector.broadcast %max3A_1235 : i32 to vector<16xi32>
    %max3A_1237 = arith.maxsi %get3A_1234, %max3A_1236 : vector<16xi32>
    %min3A_1238 = arith.constant 511 : i32
    %min3A_1239 = vector.broadcast %min3A_1238 : i32 to vector<16xi32>
    %min3A_1240 = arith.minsi %max3A_1237, %min3A_1239 : vector<16xi32>
    %add3A_1241 = vector.broadcast %mul3A_34 : i32 to vector<16xi32>
    %add3A_1242 = arith.addi %min3A_1240, %add3A_1241 : vector<16xi32>
    %swap3A_1243 = arith.constant 1 : i32
    %swap3A_1244 = arith.index_cast %swap3A_1243 : i32 to index
    %swap3A_1245 = arith.constant 496 : index
    %swap3A_1246 = tpu.vector_load %arg5[%swap3A_1244, %swap3A_1245] {strides = array<i32>} : memref<2x512xi32, #tpu.memory_space<vmem>>, vector<1x16xi32>,
    %swap3A_1247 = vector.shape_cast %swap3A_1246 : vector<1x16xi32> to vector<16xi32>
    %swap3A_1248 = vector.shape_cast %add3A_1242 : vector<16xi32> to vector<1x16xi32>
    tpu.vector_store %arg5[%swap3A_1244, %swap3A_1245], %swap3A_1248 {strides = array<i32>} : memref<2x512xi32, #tpu.memory_space<vmem>>, vector<1x16xi32>,
    %dma_start3A = arith.constant 0 : i32
    %dma_start3A_1249 = arith.constant 0 : i32
    %dma_start3A_1250 = arith.constant 0 : i32
    %dma_start3A_1251 = arith.constant 0 : i32
    %dma_start3A_1252 = tpu.memref_slice %arg7[%dma_start3A_1249, %dma_start3A_1250, %dma_start3A_1251] : memref<2x512x32xf32, #tpu.memory_space<vmem>> -> memref<1x128x32xf32, #tpu.memory_space<vmem>>
    %dma_start3A_1253 = tpu.memref_squeeze %dma_start3A_1252 : memref<1x128x32xf32, #tpu.memory_space<vmem>> -> memref<128x32xf32, #tpu.memory_space<vmem>>
    %dma_start3A_1254 = arith.constant 0 : i32
    %dma_start3A_1255 = tpu.memref_slice %arg5[%dma_start3A, %dma_start3A_1254] : memref<2x512xi32, #tpu.memory_space<vmem>> -> memref<1x128xi32, #tpu.memory_space<vmem>>
    %dma_start3A_1256 = tpu.memref_squeeze %dma_start3A_1255 : memref<1x128xi32, #tpu.memory_space<vmem>> -> memref<128xi32, #tpu.memory_space<vmem>>
    %dma_start3A_1257 = arith.constant 0 : i32
    %dma_start3A_1258 = arith.constant 0 : i32
    %dma_start3A_1259 = tpu.memref_slice %arg3[%dma_start3A_1257, %dma_start3A_1258] : memref<16384x32xf32, #tpu.memory_space<hbm>> -> memref<16384x32xf32, #tpu.memory_space<hbm>>
    tpu.enqueue_indirect_dma source(%dma_start3A_1259 : memref<16384x32xf32, #tpu.memory_space<hbm>>) target(%dma_start3A_1253 : memref<128x32xf32, #tpu.memory_space<vmem>>) offsets(%dma_start3A_1256 : memref<128xi32, #tpu.memory_space<vmem>>) semaphore(%arg9 : memref<!tpu.dma_semaphore, #tpu.memory_space<semaphore_mem>>)
    %dma_start3A_1260 = arith.constant 0 : i32
    %dma_start3A_1261 = arith.constant 0 : i32
    %dma_start3A_1262 = arith.constant 128 : i32
    %dma_start3A_1263 = arith.constant 0 : i32
    %dma_start3A_1264 = tpu.memref_slice %arg7[%dma_start3A_1261, %dma_start3A_1262, %dma_start3A_1263] : memref<2x512x32xf32, #tpu.memory_space<vmem>> -> memref<1x128x32xf32, #tpu.memory_space<vmem>>
    %dma_start3A_1265 = tpu.memref_squeeze %dma_start3A_1264 : memref<1x128x32xf32, #tpu.memory_space<vmem>> -> memref<128x32xf32, #tpu.memory_space<vmem>>
    %dma_start3A_1266 = arith.constant 128 : i32
    %dma_start3A_1267 = tpu.memref_slice %arg5[%dma_start3A_1260, %dma_start3A_1266] : memref<2x512xi32, #tpu.memory_space<vmem>> -> memref<1x128xi32, #tpu.memory_space<vmem>>
    %dma_start3A_1268 = tpu.memref_squeeze %dma_start3A_1267 : memref<1x128xi32, #tpu.memory_space<vmem>> -> memref<128xi32, #tpu.memory_space<vmem>>
    %dma_start3A_1269 = arith.constant 0 : i32
    %dma_start3A_1270 = arith.constant 0 : i32
    %dma_start3A_1271 = tpu.memref_slice %arg3[%dma_start3A_1269, %dma_start3A_1270] : memref<16384x32xf32, #tpu.memory_space<hbm>> -> memref<16384x32xf32, #tpu.memory_space<hbm>>
    tpu.enqueue_indirect_dma source(%dma_start3A_1271 : memref<16384x32xf32, #tpu.memory_space<hbm>>) target(%dma_start3A_1265 : memref<128x32xf32, #tpu.memory_space<vmem>>) offsets(%dma_start3A_1268 : memref<128xi32, #tpu.memory_space<vmem>>) semaphore(%arg9 : memref<!tpu.dma_semaphore, #tpu.memory_space<semaphore_mem>>)
    %dma_start3A_1272 = arith.constant 0 : i32
    %dma_start3A_1273 = arith.constant 0 : i32
    %dma_start3A_1274 = arith.constant 256 : i32
    %dma_start3A_1275 = arith.constant 0 : i32
    %dma_start3A_1276 = tpu.memref_slice %arg7[%dma_start3A_1273, %dma_start3A_1274, %dma_start3A_1275] : memref<2x512x32xf32, #tpu.memory_space<vmem>> -> memref<1x128x32xf32, #tpu.memory_space<vmem>>
    %dma_start3A_1277 = tpu.memref_squeeze %dma_start3A_1276 : memref<1x128x32xf32, #tpu.memory_space<vmem>> -> memref<128x32xf32, #tpu.memory_space<vmem>>
    %dma_start3A_1278 = arith.constant 256 : i32
    %dma_start3A_1279 = tpu.memref_slice %arg5[%dma_start3A_1272, %dma_start3A_1278] : memref<2x512xi32, #tpu.memory_space<vmem>> -> memref<1x128xi32, #tpu.memory_space<vmem>>
    %dma_start3A_1280 = tpu.memref_squeeze %dma_start3A_1279 : memref<1x128xi32, #tpu.memory_space<vmem>> -> memref<128xi32, #tpu.memory_space<vmem>>
    %dma_start3A_1281 = arith.constant 0 : i32
    %dma_start3A_1282 = arith.constant 0 : i32
    %dma_start3A_1283 = tpu.memref_slice %arg3[%dma_start3A_1281, %dma_start3A_1282] : memref<16384x32xf32, #tpu.memory_space<hbm>> -> memref<16384x32xf32, #tpu.memory_space<hbm>>
    tpu.enqueue_indirect_dma source(%dma_start3A_1283 : memref<16384x32xf32, #tpu.memory_space<hbm>>) target(%dma_start3A_1277 : memref<128x32xf32, #tpu.memory_space<vmem>>) offsets(%dma_start3A_1280 : memref<128xi32, #tpu.memory_space<vmem>>) semaphore(%arg9 : memref<!tpu.dma_semaphore, #tpu.memory_space<semaphore_mem>>)
    %dma_start3A_1284 = arith.constant 0 : i32
    %dma_start3A_1285 = arith.constant 0 : i32
    %dma_start3A_1286 = arith.constant 384 : i32
    %dma_start3A_1287 = arith.constant 0 : i32
    %dma_start3A_1288 = tpu.memref_slice %arg7[%dma_start3A_1285, %dma_start3A_1286, %dma_start3A_1287] : memref<2x512x32xf32, #tpu.memory_space<vmem>> -> memref<1x128x32xf32, #tpu.memory_space<vmem>>
    %dma_start3A_1289 = tpu.memref_squeeze %dma_start3A_1288 : memref<1x128x32xf32, #tpu.memory_space<vmem>> -> memref<128x32xf32, #tpu.memory_space<vmem>>
    %dma_start3A_1290 = arith.constant 384 : i32
    %dma_start3A_1291 = tpu.memref_slice %arg5[%dma_start3A_1284, %dma_start3A_1290] : memref<2x512xi32, #tpu.memory_space<vmem>> -> memref<1x128xi32, #tpu.memory_space<vmem>>
    %dma_start3A_1292 = tpu.memref_squeeze %dma_start3A_1291 : memref<1x128xi32, #tpu.memory_space<vmem>> -> memref<128xi32, #tpu.memory_space<vmem>>
    %dma_start3A_1293 = arith.constant 0 : i32
    %dma_start3A_1294 = arith.constant 0 : i32
    %dma_start3A_1295 = tpu.memref_slice %arg3[%dma_start3A_1293, %dma_start3A_1294] : memref<16384x32xf32, #tpu.memory_space<hbm>> -> memref<16384x32xf32, #tpu.memory_space<hbm>>
    tpu.enqueue_indirect_dma source(%dma_start3A_1295 : memref<16384x32xf32, #tpu.memory_space<hbm>>) target(%dma_start3A_1289 : memref<128x32xf32, #tpu.memory_space<vmem>>) offsets(%dma_start3A_1292 : memref<128xi32, #tpu.memory_space<vmem>>) semaphore(%arg9 : memref<!tpu.dma_semaphore, #tpu.memory_space<semaphore_mem>>)
    %dma_start3A_1296 = arith.constant 1 : i32
    %dma_start3A_1297 = arith.constant 1 : i32
    %dma_start3A_1298 = arith.constant 0 : i32
    %dma_start3A_1299 = arith.constant 0 : i32
    %dma_start3A_1300 = tpu.memref_slice %arg7[%dma_start3A_1297, %dma_start3A_1298, %dma_start3A_1299] : memref<2x512x32xf32, #tpu.memory_space<vmem>> -> memref<1x128x32xf32, #tpu.memory_space<vmem>>
    %dma_start3A_1301 = tpu.memref_squeeze %dma_start3A_1300 : memref<1x128x32xf32, #tpu.memory_space<vmem>> -> memref<128x32xf32, #tpu.memory_space<vmem>>
    %dma_start3A_1302 = arith.constant 0 : i32
    %dma_start3A_1303 = tpu.memref_slice %arg5[%dma_start3A_1296, %dma_start3A_1302] : memref<2x512xi32, #tpu.memory_space<vmem>> -> memref<1x128xi32, #tpu.memory_space<vmem>>
    %dma_start3A_1304 = tpu.memref_squeeze %dma_start3A_1303 : memref<1x128xi32, #tpu.memory_space<vmem>> -> memref<128xi32, #tpu.memory_space<vmem>>
    %dma_start3A_1305 = arith.constant 0 : i32
    %dma_start3A_1306 = arith.constant 0 : i32
    %dma_start3A_1307 = tpu.memref_slice %arg3[%dma_start3A_1305, %dma_start3A_1306] : memref<16384x32xf32, #tpu.memory_space<hbm>> -> memref<16384x32xf32, #tpu.memory_space<hbm>>
    tpu.enqueue_indirect_dma source(%dma_start3A_1307 : memref<16384x32xf32, #tpu.memory_space<hbm>>) target(%dma_start3A_1301 : memref<128x32xf32, #tpu.memory_space<vmem>>) offsets(%dma_start3A_1304 : memref<128xi32, #tpu.memory_space<vmem>>) semaphore(%arg9 : memref<!tpu.dma_semaphore, #tpu.memory_space<semaphore_mem>>)
    %dma_start3A_1308 = arith.constant 1 : i32
    %dma_start3A_1309 = arith.constant 1 : i32
    %dma_start3A_1310 = arith.constant 128 : i32
    %dma_start3A_1311 = arith.constant 0 : i32
    %dma_start3A_1312 = tpu.memref_slice %arg7[%dma_start3A_1309, %dma_start3A_1310, %dma_start3A_1311] : memref<2x512x32xf32, #tpu.memory_space<vmem>> -> memref<1x128x32xf32, #tpu.memory_space<vmem>>
    %dma_start3A_1313 = tpu.memref_squeeze %dma_start3A_1312 : memref<1x128x32xf32, #tpu.memory_space<vmem>> -> memref<128x32xf32, #tpu.memory_space<vmem>>
    %dma_start3A_1314 = arith.constant 128 : i32
    %dma_start3A_1315 = tpu.memref_slice %arg5[%dma_start3A_1308, %dma_start3A_1314] : memref<2x512xi32, #tpu.memory_space<vmem>> -> memref<1x128xi32, #tpu.memory_space<vmem>>
    %dma_start3A_1316 = tpu.memref_squeeze %dma_start3A_1315 : memref<1x128xi32, #tpu.memory_space<vmem>> -> memref<128xi32, #tpu.memory_space<vmem>>
    %dma_start3A_1317 = arith.constant 0 : i32
    %dma_start3A_1318 = arith.constant 0 : i32
    %dma_start3A_1319 = tpu.memref_slice %arg3[%dma_start3A_1317, %dma_start3A_1318] : memref<16384x32xf32, #tpu.memory_space<hbm>> -> memref<16384x32xf32, #tpu.memory_space<hbm>>
    tpu.enqueue_indirect_dma source(%dma_start3A_1319 : memref<16384x32xf32, #tpu.memory_space<hbm>>) target(%dma_start3A_1313 : memref<128x32xf32, #tpu.memory_space<vmem>>) offsets(%dma_start3A_1316 : memref<128xi32, #tpu.memory_space<vmem>>) semaphore(%arg9 : memref<!tpu.dma_semaphore, #tpu.memory_space<semaphore_mem>>)
    %dma_start3A_1320 = arith.constant 1 : i32
    %dma_start3A_1321 = arith.constant 1 : i32
    %dma_start3A_1322 = arith.constant 256 : i32
    %dma_start3A_1323 = arith.constant 0 : i32
    %dma_start3A_1324 = tpu.memref_slice %arg7[%dma_start3A_1321, %dma_start3A_1322, %dma_start3A_1323] : memref<2x512x32xf32, #tpu.memory_space<vmem>> -> memref<1x128x32xf32, #tpu.memory_space<vmem>>
    %dma_start3A_1325 = tpu.memref_squeeze %dma_start3A_1324 : memref<1x128x32xf32, #tpu.memory_space<vmem>> -> memref<128x32xf32, #tpu.memory_space<vmem>>
    %dma_start3A_1326 = arith.constant 256 : i32
    %dma_start3A_1327 = tpu.memref_slice %arg5[%dma_start3A_1320, %dma_start3A_1326] : memref<2x512xi32, #tpu.memory_space<vmem>> -> memref<1x128xi32, #tpu.memory_space<vmem>>
    %dma_start3A_1328 = tpu.memref_squeeze %dma_start3A_1327 : memref<1x128xi32, #tpu.memory_space<vmem>> -> memref<128xi32, #tpu.memory_space<vmem>>
    %dma_start3A_1329 = arith.constant 0 : i32
    %dma_start3A_1330 = arith.constant 0 : i32
    %dma_start3A_1331 = tpu.memref_slice %arg3[%dma_start3A_1329, %dma_start3A_1330] : memref<16384x32xf32, #tpu.memory_space<hbm>> -> memref<16384x32xf32, #tpu.memory_space<hbm>>
    tpu.enqueue_indirect_dma source(%dma_start3A_1331 : memref<16384x32xf32, #tpu.memory_space<hbm>>) target(%dma_start3A_1325 : memref<128x32xf32, #tpu.memory_space<vmem>>) offsets(%dma_start3A_1328 : memref<128xi32, #tpu.memory_space<vmem>>) semaphore(%arg9 : memref<!tpu.dma_semaphore, #tpu.memory_space<semaphore_mem>>)
    %dma_start3A_1332 = arith.constant 1 : i32
    %dma_start3A_1333 = arith.constant 1 : i32
    %dma_start3A_1334 = arith.constant 384 : i32
    %dma_start3A_1335 = arith.constant 0 : i32
    %dma_start3A_1336 = tpu.memref_slice %arg7[%dma_start3A_1333, %dma_start3A_1334, %dma_start3A_1335] : memref<2x512x32xf32, #tpu.memory_space<vmem>> -> memref<1x128x32xf32, #tpu.memory_space<vmem>>
    %dma_start3A_1337 = tpu.memref_squeeze %dma_start3A_1336 : memref<1x128x32xf32, #tpu.memory_space<vmem>> -> memref<128x32xf32, #tpu.memory_space<vmem>>
    %dma_start3A_1338 = arith.constant 384 : i32
    %dma_start3A_1339 = tpu.memref_slice %arg5[%dma_start3A_1332, %dma_start3A_1338] : memref<2x512xi32, #tpu.memory_space<vmem>> -> memref<1x128xi32, #tpu.memory_space<vmem>>
    %dma_start3A_1340 = tpu.memref_squeeze %dma_start3A_1339 : memref<1x128xi32, #tpu.memory_space<vmem>> -> memref<128xi32, #tpu.memory_space<vmem>>
    %dma_start3A_1341 = arith.constant 0 : i32
    %dma_start3A_1342 = arith.constant 0 : i32
    %dma_start3A_1343 = tpu.memref_slice %arg3[%dma_start3A_1341, %dma_start3A_1342] : memref<16384x32xf32, #tpu.memory_space<hbm>> -> memref<16384x32xf32, #tpu.memory_space<hbm>>
    tpu.enqueue_indirect_dma source(%dma_start3A_1343 : memref<16384x32xf32, #tpu.memory_space<hbm>>) target(%dma_start3A_1337 : memref<128x32xf32, #tpu.memory_space<vmem>>) offsets(%dma_start3A_1340 : memref<128xi32, #tpu.memory_space<vmem>>) semaphore(%arg9 : memref<!tpu.dma_semaphore, #tpu.memory_space<semaphore_mem>>)
    %scan3A = arith.constant 0 : i32
    %scan3A_1344 = arith.constant 0 : i32
    %scan3A_1345 = arith.constant 32 : i32
    %scan3A_1346 = arith.addi %scan3A_1344, %scan3A_1345 : i32
    %scan3A_1347 = arith.constant 1 : i32
    %scan3A_1348 = scf.for %scan3A_1369 = %scan3A_1344 to %scan3A_1346 step %scan3A_1347 iter_args(%scan3A_1370 = %scan3A) -> (i32)  : i32 {
      %mul3A_1371 = arith.constant 2 : i32
      %mul3A_1372 = arith.muli %scan3A_1369, %mul3A_1371 : i32
      %add3A_1373 = arith.constant 0 : i32
      %add3A_1374 = arith.addi %mul3A_1372, %add3A_1373 : i32
      %dma_wait3A_1375 = arith.constant 0 : i32
      %dma_wait3A_1376 = arith.constant 0 : i32
      %dma_wait3A_1377 = arith.constant 0 : i32
      %dma_wait3A_1378 = arith.constant 0 : i32
      %dma_wait3A_1379 = tpu.memref_slice %arg7[%dma_wait3A_1376, %dma_wait3A_1377, %dma_wait3A_1378] : memref<2x512x32xf32, #tpu.memory_space<vmem>> -> memref<1x128x32xf32, #tpu.memory_space<vmem>>
      %dma_wait3A_1380 = tpu.memref_squeeze %dma_wait3A_1379 : memref<1x128x32xf32, #tpu.memory_space<vmem>> -> memref<128x32xf32, #tpu.memory_space<vmem>>
      %dma_wait3A_1381 = arith.constant 0 : i32
      %dma_wait3A_1382 = tpu.memref_slice %arg5[%dma_wait3A_1375, %dma_wait3A_1381] : memref<2x512xi32, #tpu.memory_space<vmem>> -> memref<1x128xi32, #tpu.memory_space<vmem>>
      %dma_wait3A_1383 = tpu.memref_squeeze %dma_wait3A_1382 : memref<1x128xi32, #tpu.memory_space<vmem>> -> memref<128xi32, #tpu.memory_space<vmem>>
      %dma_wait3A_1384 = arith.constant 0 : i32
      %dma_wait3A_1385 = arith.constant 0 : i32
      %dma_wait3A_1386 = tpu.memref_slice %arg3[%dma_wait3A_1384, %dma_wait3A_1385] : memref<16384x32xf32, #tpu.memory_space<hbm>> -> memref<16384x32xf32, #tpu.memory_space<hbm>>
      tpu.wait_indirect_dma semaphore(%arg9 : memref<!tpu.dma_semaphore, #tpu.memory_space<semaphore_mem>>) src(%dma_wait3A_1386 : memref<16384x32xf32, #tpu.memory_space<hbm>>) dst(%dma_wait3A_1380 : memref<128x32xf32, #tpu.memory_space<vmem>>)
      %dma_wait3A_1387 = arith.constant 0 : i32
      %dma_wait3A_1388 = arith.constant 0 : i32
      %dma_wait3A_1389 = arith.constant 128 : i32
      %dma_wait3A_1390 = arith.constant 0 : i32
      %dma_wait3A_1391 = tpu.memref_slice %arg7[%dma_wait3A_1388, %dma_wait3A_1389, %dma_wait3A_1390] : memref<2x512x32xf32, #tpu.memory_space<vmem>> -> memref<1x128x32xf32, #tpu.memory_space<vmem>>
      %dma_wait3A_1392 = tpu.memref_squeeze %dma_wait3A_1391 : memref<1x128x32xf32, #tpu.memory_space<vmem>> -> memref<128x32xf32, #tpu.memory_space<vmem>>
      %dma_wait3A_1393 = arith.constant 128 : i32
      %dma_wait3A_1394 = tpu.memref_slice %arg5[%dma_wait3A_1387, %dma_wait3A_1393] : memref<2x512xi32, #tpu.memory_space<vmem>> -> memref<1x128xi32, #tpu.memory_space<vmem>>
      %dma_wait3A_1395 = tpu.memref_squeeze %dma_wait3A_1394 : memref<1x128xi32, #tpu.memory_space<vmem>> -> memref<128xi32, #tpu.memory_space<vmem>>
      %dma_wait3A_1396 = arith.constant 0 : i32
      %dma_wait3A_1397 = arith.constant 0 : i32
      %dma_wait3A_1398 = tpu.memref_slice %arg3[%dma_wait3A_1396, %dma_wait3A_1397] : memref<16384x32xf32, #tpu.memory_space<hbm>> -> memref<16384x32xf32, #tpu.memory_space<hbm>>
      tpu.wait_indirect_dma semaphore(%arg9 : memref<!tpu.dma_semaphore, #tpu.memory_space<semaphore_mem>>) src(%dma_wait3A_1398 : memref<16384x32xf32, #tpu.memory_space<hbm>>) dst(%dma_wait3A_1392 : memref<128x32xf32, #tpu.memory_space<vmem>>)
      %dma_wait3A_1399 = arith.constant 0 : i32
      %dma_wait3A_1400 = arith.constant 0 : i32
      %dma_wait3A_1401 = arith.constant 256 : i32
      %dma_wait3A_1402 = arith.constant 0 : i32
      %dma_wait3A_1403 = tpu.memref_slice %arg7[%dma_wait3A_1400, %dma_wait3A_1401, %dma_wait3A_1402] : memref<2x512x32xf32, #tpu.memory_space<vmem>> -> memref<1x128x32xf32, #tpu.memory_space<vmem>>
      %dma_wait3A_1404 = tpu.memref_squeeze %dma_wait3A_1403 : memref<1x128x32xf32, #tpu.memory_space<vmem>> -> memref<128x32xf32, #tpu.memory_space<vmem>>
      %dma_wait3A_1405 = arith.constant 256 : i32
      %dma_wait3A_1406 = tpu.memref_slice %arg5[%dma_wait3A_1399, %dma_wait3A_1405] : memref<2x512xi32, #tpu.memory_space<vmem>> -> memref<1x128xi32, #tpu.memory_space<vmem>>
      %dma_wait3A_1407 = tpu.memref_squeeze %dma_wait3A_1406 : memref<1x128xi32, #tpu.memory_space<vmem>> -> memref<128xi32, #tpu.memory_space<vmem>>
      %dma_wait3A_1408 = arith.constant 0 : i32
      %dma_wait3A_1409 = arith.constant 0 : i32
      %dma_wait3A_1410 = tpu.memref_slice %arg3[%dma_wait3A_1408, %dma_wait3A_1409] : memref<16384x32xf32, #tpu.memory_space<hbm>> -> memref<16384x32xf32, #tpu.memory_space<hbm>>
      tpu.wait_indirect_dma semaphore(%arg9 : memref<!tpu.dma_semaphore, #tpu.memory_space<semaphore_mem>>) src(%dma_wait3A_1410 : memref<16384x32xf32, #tpu.memory_space<hbm>>) dst(%dma_wait3A_1404 : memref<128x32xf32, #tpu.memory_space<vmem>>)
      %dma_wait3A_1411 = arith.constant 0 : i32
      %dma_wait3A_1412 = arith.constant 0 : i32
      %dma_wait3A_1413 = arith.constant 384 : i32
      %dma_wait3A_1414 = arith.constant 0 : i32
      %dma_wait3A_1415 = tpu.memref_slice %arg7[%dma_wait3A_1412, %dma_wait3A_1413, %dma_wait3A_1414] : memref<2x512x32xf32, #tpu.memory_space<vmem>> -> memref<1x128x32xf32, #tpu.memory_space<vmem>>
      %dma_wait3A_1416 = tpu.memref_squeeze %dma_wait3A_1415 : memref<1x128x32xf32, #tpu.memory_space<vmem>> -> memref<128x32xf32, #tpu.memory_space<vmem>>
      %dma_wait3A_1417 = arith.constant 384 : i32
      %dma_wait3A_1418 = tpu.memref_slice %arg5[%dma_wait3A_1411, %dma_wait3A_1417] : memref<2x512xi32, #tpu.memory_space<vmem>> -> memref<1x128xi32, #tpu.memory_space<vmem>>
      %dma_wait3A_1419 = tpu.memref_squeeze %dma_wait3A_1418 : memref<1x128xi32, #tpu.memory_space<vmem>> -> memref<128xi32, #tpu.memory_space<vmem>>
      %dma_wait3A_1420 = arith.constant 0 : i32
      %dma_wait3A_1421 = arith.constant 0 : i32
      %dma_wait3A_1422 = tpu.memref_slice %arg3[%dma_wait3A_1420, %dma_wait3A_1421] : memref<16384x32xf32, #tpu.memory_space<hbm>> -> memref<16384x32xf32, #tpu.memory_space<hbm>>
      tpu.wait_indirect_dma semaphore(%arg9 : memref<!tpu.dma_semaphore, #tpu.memory_space<semaphore_mem>>) src(%dma_wait3A_1422 : memref<16384x32xf32, #tpu.memory_space<hbm>>) dst(%dma_wait3A_1416 : memref<128x32xf32, #tpu.memory_space<vmem>>)
      %dma_wait3A_1423 = arith.constant 1 : i32
      %dma_wait3A_1424 = arith.constant 1 : i32
      %dma_wait3A_1425 = arith.constant 0 : i32
      %dma_wait3A_1426 = arith.constant 0 : i32
      %dma_wait3A_1427 = tpu.memref_slice %arg7[%dma_wait3A_1424, %dma_wait3A_1425, %dma_wait3A_1426] : memref<2x512x32xf32, #tpu.memory_space<vmem>> -> memref<1x128x32xf32, #tpu.memory_space<vmem>>
      %dma_wait3A_1428 = tpu.memref_squeeze %dma_wait3A_1427 : memref<1x128x32xf32, #tpu.memory_space<vmem>> -> memref<128x32xf32, #tpu.memory_space<vmem>>
      %dma_wait3A_1429 = arith.constant 0 : i32
      %dma_wait3A_1430 = tpu.memref_slice %arg5[%dma_wait3A_1423, %dma_wait3A_1429] : memref<2x512xi32, #tpu.memory_space<vmem>> -> memref<1x128xi32, #tpu.memory_space<vmem>>
      %dma_wait3A_1431 = tpu.memref_squeeze %dma_wait3A_1430 : memref<1x128xi32, #tpu.memory_space<vmem>> -> memref<128xi32, #tpu.memory_space<vmem>>
      %dma_wait3A_1432 = arith.constant 0 : i32
      %dma_wait3A_1433 = arith.constant 0 : i32
      %dma_wait3A_1434 = tpu.memref_slice %arg3[%dma_wait3A_1432, %dma_wait3A_1433] : memref<16384x32xf32, #tpu.memory_space<hbm>> -> memref<16384x32xf32, #tpu.memory_space<hbm>>
      tpu.wait_indirect_dma semaphore(%arg9 : memref<!tpu.dma_semaphore, #tpu.memory_space<semaphore_mem>>) src(%dma_wait3A_1434 : memref<16384x32xf32, #tpu.memory_space<hbm>>) dst(%dma_wait3A_1428 : memref<128x32xf32, #tpu.memory_space<vmem>>)
      %dma_wait3A_1435 = arith.constant 1 : i32
      %dma_wait3A_1436 = arith.constant 1 : i32
      %dma_wait3A_1437 = arith.constant 128 : i32
      %dma_wait3A_1438 = arith.constant 0 : i32
      %dma_wait3A_1439 = tpu.memref_slice %arg7[%dma_wait3A_1436, %dma_wait3A_1437, %dma_wait3A_1438] : memref<2x512x32xf32, #tpu.memory_space<vmem>> -> memref<1x128x32xf32, #tpu.memory_space<vmem>>
      %dma_wait3A_1440 = tpu.memref_squeeze %dma_wait3A_1439 : memref<1x128x32xf32, #tpu.memory_space<vmem>> -> memref<128x32xf32, #tpu.memory_space<vmem>>
      %dma_wait3A_1441 = arith.constant 128 : i32
      %dma_wait3A_1442 = tpu.memref_slice %arg5[%dma_wait3A_1435, %dma_wait3A_1441] : memref<2x512xi32, #tpu.memory_space<vmem>> -> memref<1x128xi32, #tpu.memory_space<vmem>>
      %dma_wait3A_1443 = tpu.memref_squeeze %dma_wait3A_1442 : memref<1x128xi32, #tpu.memory_space<vmem>> -> memref<128xi32, #tpu.memory_space<vmem>>
      %dma_wait3A_1444 = arith.constant 0 : i32
      %dma_wait3A_1445 = arith.constant 0 : i32
      %dma_wait3A_1446 = tpu.memref_slice %arg3[%dma_wait3A_1444, %dma_wait3A_1445] : memref<16384x32xf32, #tpu.memory_space<hbm>> -> memref<16384x32xf32, #tpu.memory_space<hbm>>
      tpu.wait_indirect_dma semaphore(%arg9 : memref<!tpu.dma_semaphore, #tpu.memory_space<semaphore_mem>>) src(%dma_wait3A_1446 : memref<16384x32xf32, #tpu.memory_space<hbm>>) dst(%dma_wait3A_1440 : memref<128x32xf32, #tpu.memory_space<vmem>>)
      %dma_wait3A_1447 = arith.constant 1 : i32
      %dma_wait3A_1448 = arith.constant 1 : i32
      %dma_wait3A_1449 = arith.constant 256 : i32
      %dma_wait3A_1450 = arith.constant 0 : i32
      %dma_wait3A_1451 = tpu.memref_slice %arg7[%dma_wait3A_1448, %dma_wait3A_1449, %dma_wait3A_1450] : memref<2x512x32xf32, #tpu.memory_space<vmem>> -> memref<1x128x32xf32, #tpu.memory_space<vmem>>
      %dma_wait3A_1452 = tpu.memref_squeeze %dma_wait3A_1451 : memref<1x128x32xf32, #tpu.memory_space<vmem>> -> memref<128x32xf32, #tpu.memory_space<vmem>>
      %dma_wait3A_1453 = arith.constant 256 : i32
      %dma_wait3A_1454 = tpu.memref_slice %arg5[%dma_wait3A_1447, %dma_wait3A_1453] : memref<2x512xi32, #tpu.memory_space<vmem>> -> memref<1x128xi32, #tpu.memory_space<vmem>>
      %dma_wait3A_1455 = tpu.memref_squeeze %dma_wait3A_1454 : memref<1x128xi32, #tpu.memory_space<vmem>> -> memref<128xi32, #tpu.memory_space<vmem>>
      %dma_wait3A_1456 = arith.constant 0 : i32
      %dma_wait3A_1457 = arith.constant 0 : i32
      %dma_wait3A_1458 = tpu.memref_slice %arg3[%dma_wait3A_1456, %dma_wait3A_1457] : memref<16384x32xf32, #tpu.memory_space<hbm>> -> memref<16384x32xf32, #tpu.memory_space<hbm>>
      tpu.wait_indirect_dma semaphore(%arg9 : memref<!tpu.dma_semaphore, #tpu.memory_space<semaphore_mem>>) src(%dma_wait3A_1458 : memref<16384x32xf32, #tpu.memory_space<hbm>>) dst(%dma_wait3A_1452 : memref<128x32xf32, #tpu.memory_space<vmem>>)
      %dma_wait3A_1459 = arith.constant 1 : i32
      %dma_wait3A_1460 = arith.constant 1 : i32
      %dma_wait3A_1461 = arith.constant 384 : i32
      %dma_wait3A_1462 = arith.constant 0 : i32
      %dma_wait3A_1463 = tpu.memref_slice %arg7[%dma_wait3A_1460, %dma_wait3A_1461, %dma_wait3A_1462] : memref<2x512x32xf32, #tpu.memory_space<vmem>> -> memref<1x128x32xf32, #tpu.memory_space<vmem>>
      %dma_wait3A_1464 = tpu.memref_squeeze %dma_wait3A_1463 : memref<1x128x32xf32, #tpu.memory_space<vmem>> -> memref<128x32xf32, #tpu.memory_space<vmem>>
      %dma_wait3A_1465 = arith.constant 384 : i32
      %dma_wait3A_1466 = tpu.memref_slice %arg5[%dma_wait3A_1459, %dma_wait3A_1465] : memref<2x512xi32, #tpu.memory_space<vmem>> -> memref<1x128xi32, #tpu.memory_space<vmem>>
      %dma_wait3A_1467 = tpu.memref_squeeze %dma_wait3A_1466 : memref<1x128xi32, #tpu.memory_space<vmem>> -> memref<128xi32, #tpu.memory_space<vmem>>
      %dma_wait3A_1468 = arith.constant 0 : i32
      %dma_wait3A_1469 = arith.constant 0 : i32
      %dma_wait3A_1470 = tpu.memref_slice %arg3[%dma_wait3A_1468, %dma_wait3A_1469] : memref<16384x32xf32, #tpu.memory_space<hbm>> -> memref<16384x32xf32, #tpu.memory_space<hbm>>
      tpu.wait_indirect_dma semaphore(%arg9 : memref<!tpu.dma_semaphore, #tpu.memory_space<semaphore_mem>>) src(%dma_wait3A_1470 : memref<16384x32xf32, #tpu.memory_space<hbm>>) dst(%dma_wait3A_1464 : memref<128x32xf32, #tpu.memory_space<vmem>>)
      %mul3A_1471 = arith.constant 2 : i32
      %mul3A_1472 = arith.muli %add3A_1374, %mul3A_1471 : i32
      %add3A_1473 = arith.addi %mul3A_32, %mul3A_1472 : i32
      %dma_start3A_1474 = arith.constant 0 : i32
      %dma_start3A_1475 = arith.constant 0 : i32
      %dma_start3A_1476 = tpu.memref_slice %arg4[%select_n3A, %add3A_1473, %dma_start3A_1474, %dma_start3A_1475] : memref<8x512x512x32xf32, #tpu.memory_space<hbm>> -> memref<1x2x512x32xf32, #tpu.memory_space<hbm>>
      %dma_start3A_1477 = tpu.memref_squeeze %dma_start3A_1476 : memref<1x2x512x32xf32, #tpu.memory_space<hbm>> -> memref<2x512x32xf32, #tpu.memory_space<hbm>>
      %dma_start3A_1478 = arith.constant 0 : i32
      %dma_start3A_1479 = arith.constant 0 : i32
      %dma_start3A_1480 = tpu.memref_slice %arg4[%select_n3A, %add3A_1473, %dma_start3A_1478, %dma_start3A_1479] : memref<8x512x512x32xf32, #tpu.memory_space<hbm>> -> memref<1x2x512x32xf32, #tpu.memory_space<hbm>>
      %dma_start3A_1481 = tpu.memref_squeeze %dma_start3A_1480 : memref<1x2x512x32xf32, #tpu.memory_space<hbm>> -> memref<2x512x32xf32, #tpu.memory_space<hbm>>
      tpu.enqueue_dma source(%arg7 : memref<2x512x32xf32, #tpu.memory_space<vmem>>) target(%dma_start3A_1481 : memref<2x512x32xf32, #tpu.memory_space<hbm>>) target_semaphore(%arg11 : memref<!tpu.dma_semaphore, #tpu.memory_space<semaphore_mem>>)
      %add3A_1482 = arith.constant 1 : i32
      %add3A_1483 = arith.addi %add3A_1374, %add3A_1482 : i32
      %lt3A_1484 = arith.constant 64 : i32
      %lt3A_1485 = arith.cmpi slt, %add3A_1483, %lt3A_1484 : i32
      %convert_element_type3A = arith.extui %lt3A_1485 : i1 to i32
      %cond3A = arith.constant 0 : i32
      %cond3A_1486 = arith.cmpi ne, %convert_element_type3A, %cond3A : i32
      scf.if %cond3A_1486 {
        %ge3A = arith.constant 1 : i32
        %ge3A_1604 = arith.cmpi sge, %add3A_1374, %ge3A : i32
        %convert_element_type3A_1605 = arith.extui %ge3A_1604 : i1 to i32
        %cond3A_1606 = arith.constant 0 : i32
        %cond3A_1607 = arith.cmpi ne, %convert_element_type3A_1605, %cond3A_1606 : i32
        scf.if %cond3A_1607 {
          %sub3A_2925 = arith.constant 1 : i32
          %sub3A_2926 = arith.subi %add3A_1374, %sub3A_2925 : i32
          %mul3A_2927 = arith.constant 2 : i32
          %mul3A_2928 = arith.muli %sub3A_2926, %mul3A_2927 : i32
          %add3A_2929 = arith.addi %mul3A_32, %mul3A_2928 : i32
          %dma_wait3A_2930 = arith.constant 0 : i32
          %dma_wait3A_2931 = arith.constant 0 : i32
          %dma_wait3A_2932 = tpu.memref_slice %arg4[%select_n3A, %add3A_2929, %dma_wait3A_2930, %dma_wait3A_2931] : memref<8x512x512x32xf32, #tpu.memory_space<hbm>> -> memref<1x2x512x32xf32, #tpu.memory_space<hbm>>
          %dma_wait3A_2933 = tpu.memref_squeeze %dma_wait3A_2932 : memref<1x2x512x32xf32, #tpu.memory_space<hbm>> -> memref<2x512x32xf32, #tpu.memory_space<hbm>>
          %dma_wait3A_2934 = arith.constant 0 : i32
          %dma_wait3A_2935 = arith.constant 0 : i32
          %dma_wait3A_2936 = tpu.memref_slice %arg4[%select_n3A, %add3A_2929, %dma_wait3A_2934, %dma_wait3A_2935] : memref<8x512x512x32xf32, #tpu.memory_space<hbm>> -> memref<1x2x512x32xf32, #tpu.memory_space<hbm>>
          %dma_wait3A_2937 = tpu.memref_squeeze %dma_wait3A_2936 : memref<1x2x512x32xf32, #tpu.memory_space<hbm>> -> memref<2x512x32xf32, #tpu.memory_space<hbm>>
          tpu.wait_dma2 semaphore(%arg12 : memref<!tpu.dma_semaphore, #tpu.memory_space<semaphore_mem>>) src(%arg8 : memref<2x512x32xf32, #tpu.memory_space<vmem>>) dst(%dma_wait3A_2937 : memref<2x512x32xf32, #tpu.memory_space<hbm>>)
        } else {
        }
        %add3A_1608 = arith.constant 1 : i32
        %add3A_1609 = arith.addi %add3A_1374, %add3A_1608 : i32
        %mul3A_1610 = arith.constant 2 : i32
        %mul3A_1611 = arith.muli %add3A_1609, %mul3A_1610 : i32
        %add3A_1612 = arith.addi %mul3A_32, %mul3A_1611 : i32
        "tpu.region"() ({
          %run_scoped3A = tpu.sem_alloc : memref<!tpu.dma_semaphore, #tpu.memory_space<semaphore_mem>>
          %dma_start3A_2925 = arith.constant 0 : i32
          %dma_start3A_2926 = tpu.memref_slice %arg2[%select_n3A, %add3A_1612, %dma_start3A_2925] : memref<8x512x512xi32, #tpu.memory_space<hbm>> -> memref<1x2x512xi32, #tpu.memory_space<hbm>>
          %dma_start3A_2927 = tpu.memref_squeeze %dma_start3A_2926 : memref<1x2x512xi32, #tpu.memory_space<hbm>> -> memref<2x512xi32, #tpu.memory_space<hbm>>
          %dma_start3A_2928 = arith.constant 0 : i32
          %dma_start3A_2929 = tpu.memref_slice %arg2[%select_n3A, %add3A_1612, %dma_start3A_2928] : memref<8x512x512xi32, #tpu.memory_space<hbm>> -> memref<1x2x512xi32, #tpu.memory_space<hbm>>
          %dma_start3A_2930 = tpu.memref_squeeze %dma_start3A_2929 : memref<1x2x512xi32, #tpu.memory_space<hbm>> -> memref<2x512xi32, #tpu.memory_space<hbm>>
          tpu.enqueue_dma source(%dma_start3A_2930 : memref<2x512xi32, #tpu.memory_space<hbm>>) target(%arg6 : memref<2x512xi32, #tpu.memory_space<vmem>>) target_semaphore(%run_scoped3A : memref<!tpu.dma_semaphore, #tpu.memory_space<semaphore_mem>>)
          %dma_wait3A_2931 = arith.constant 0 : i32
          %dma_wait3A_2932 = tpu.memref_slice %arg2[%select_n3A, %add3A_1612, %dma_wait3A_2931] : memref<8x512x512xi32, #tpu.memory_space<hbm>> -> memref<1x2x512xi32, #tpu.memory_space<hbm>>
          %dma_wait3A_2933 = tpu.memref_squeeze %dma_wait3A_2932 : memref<1x2x512xi32, #tpu.memory_space<hbm>> -> memref<2x512xi32, #tpu.memory_space<hbm>>
          %dma_wait3A_2934 = arith.constant 0 : i32
          %dma_wait3A_2935 = tpu.memref_slice %arg2[%select_n3A, %add3A_1612, %dma_wait3A_2934] : memref<8x512x512xi32, #tpu.memory_space<hbm>> -> memref<1x2x512xi32, #tpu.memory_space<hbm>>
          %dma_wait3A_2936 = tpu.memref_squeeze %dma_wait3A_2935 : memref<1x2x512xi32, #tpu.memory_space<hbm>> -> memref<2x512xi32, #tpu.memory_space<hbm>>
          tpu.wait_dma2 semaphore(%run_scoped3A : memref<!tpu.dma_semaphore, #tpu.memory_space<semaphore_mem>>) src(%dma_wait3A_2936 : memref<2x512xi32, #tpu.memory_space<hbm>>) dst(%arg6 : memref<2x512xi32, #tpu.memory_space<vmem>>)
          tpu.yield
        }) : () -> ()
        %get3A_1613 = arith.constant 0 : i32
        %get3A_1614 = arith.index_cast %get3A_1613 : i32 to index
        %get3A_1615 = arith.constant 0 : index
        %get3A_1616 = tpu.vector_load %arg6[%get3A_1614, %get3A_1615] {strides = array<i32>} : memref<2x512xi32, #tpu.memory_space<vmem>>, vector<1x16xi32>,
        %get3A_1617 = vector.shape_cast %get3A_1616 : vector<1x16xi32> to vector<16xi32>
        %max3A_1618 = arith.constant 0 : i32
        %max3A_1619 = vector.broadcast %max3A_1618 : i32 to vector<16xi32>
        %max3A_1620 = arith.maxsi %get3A_1617, %max3A_1619 : vector<16xi32>
        %min3A_1621 = arith.constant 511 : i32
        %min3A_1622 = vector.broadcast %min3A_1621 : i32 to vector<16xi32>
        %min3A_1623 = arith.minsi %max3A_1620, %min3A_1622 : vector<16xi32>
        %add3A_1624 = vector.broadcast %mul3A_34 : i32 to vector<16xi32>
        %add3A_1625 = arith.addi %min3A_1623, %add3A_1624 : vector<16xi32>
        %swap3A_1626 = arith.constant 0 : i32
        %swap3A_1627 = arith.index_cast %swap3A_1626 : i32 to index
        %swap3A_1628 = arith.constant 0 : index
        %swap3A_1629 = tpu.vector_load %arg6[%swap3A_1627, %swap3A_1628] {strides = array<i32>} : memref<2x512xi32, #tpu.memory_space<vmem>>, vector<1x16xi32>,
        %swap3A_1630 = vector.shape_cast %swap3A_1629 : vector<1x16xi32> to vector<16xi32>
        %swap3A_1631 = vector.shape_cast %add3A_1625 : vector<16xi32> to vector<1x16xi32>
        tpu.vector_store %arg6[%swap3A_1627, %swap3A_1628], %swap3A_1631 {strides = array<i32>} : memref<2x512xi32, #tpu.memory_space<vmem>>, vector<1x16xi32>,
        %get3A_1632 = arith.constant 0 : i32
        %get3A_1633 = arith.index_cast %get3A_1632 : i32 to index
        %get3A_1634 = arith.constant 16 : index
        %get3A_1635 = tpu.vector_load %arg6[%get3A_1633, %get3A_1634] {strides = array<i32>} : memref<2x512xi32, #tpu.memory_space<vmem>>, vector<1x16xi32>,
        %get3A_1636 = vector.shape_cast %get3A_1635 : vector<1x16xi32> to vector<16xi32>
        %max3A_1637 = arith.constant 0 : i32
        %max3A_1638 = vector.broadcast %max3A_1637 : i32 to vector<16xi32>
        %max3A_1639 = arith.maxsi %get3A_1636, %max3A_1638 : vector<16xi32>
        %min3A_1640 = arith.constant 511 : i32
        %min3A_1641 = vector.broadcast %min3A_1640 : i32 to vector<16xi32>
        %min3A_1642 = arith.minsi %max3A_1639, %min3A_1641 : vector<16xi32>
        %add3A_1643 = vector.broadcast %mul3A_34 : i32 to vector<16xi32>
        %add3A_1644 = arith.addi %min3A_1642, %add3A_1643 : vector<16xi32>
        %swap3A_1645 = arith.constant 0 : i32
        %swap3A_1646 = arith.index_cast %swap3A_1645 : i32 to index
        %swap3A_1647 = arith.constant 16 : index
        %swap3A_1648 = tpu.vector_load %arg6[%swap3A_1646, %swap3A_1647] {strides = array<i32>} : memref<2x512xi32, #tpu.memory_space<vmem>>, vector<1x16xi32>,
        %swap3A_1649 = vector.shape_cast %swap3A_1648 : vector<1x16xi32> to vector<16xi32>
        %swap3A_1650 = vector.shape_cast %add3A_1644 : vector<16xi32> to vector<1x16xi32>
        tpu.vector_store %arg6[%swap3A_1646, %swap3A_1647], %swap3A_1650 {strides = array<i32>} : memref<2x512xi32, #tpu.memory_space<vmem>>, vector<1x16xi32>,
        %get3A_1651 = arith.constant 0 : i32
        %get3A_1652 = arith.index_cast %get3A_1651 : i32 to index
        %get3A_1653 = arith.constant 32 : index
        %get3A_1654 = tpu.vector_load %arg6[%get3A_1652, %get3A_1653] {strides = array<i32>} : memref<2x512xi32, #tpu.memory_space<vmem>>, vector<1x16xi32>,
        %get3A_1655 = vector.shape_cast %get3A_1654 : vector<1x16xi32> to vector<16xi32>
        %max3A_1656 = arith.constant 0 : i32
        %max3A_1657 = vector.broadcast %max3A_1656 : i32 to vector<16xi32>
        %max3A_1658 = arith.maxsi %get3A_1655, %max3A_1657 : vector<16xi32>
        %min3A_1659 = arith.constant 511 : i32
        %min3A_1660 = vector.broadcast %min3A_1659 : i32 to vector<16xi32>
        %min3A_1661 = arith.minsi %max3A_1658, %min3A_1660 : vector<16xi32>
        %add3A_1662 = vector.broadcast %mul3A_34 : i32 to vector<16xi32>
        %add3A_1663 = arith.addi %min3A_1661, %add3A_1662 : vector<16xi32>
        %swap3A_1664 = arith.constant 0 : i32
        %swap3A_1665 = arith.index_cast %swap3A_1664 : i32 to index
        %swap3A_1666 = arith.constant 32 : index
        %swap3A_1667 = tpu.vector_load %arg6[%swap3A_1665, %swap3A_1666] {strides = array<i32>} : memref<2x512xi32, #tpu.memory_space<vmem>>, vector<1x16xi32>,
        %swap3A_1668 = vector.shape_cast %swap3A_1667 : vector<1x16xi32> to vector<16xi32>
        %swap3A_1669 = vector.shape_cast %add3A_1663 : vector<16xi32> to vector<1x16xi32>
        tpu.vector_store %arg6[%swap3A_1665, %swap3A_1666], %swap3A_1669 {strides = array<i32>} : memref<2x512xi32, #tpu.memory_space<vmem>>, vector<1x16xi32>,
        %get3A_1670 = arith.constant 0 : i32
        %get3A_1671 = arith.index_cast %get3A_1670 : i32 to index
        %get3A_1672 = arith.constant 48 : index
        %get3A_1673 = tpu.vector_load %arg6[%get3A_1671, %get3A_1672] {strides = array<i32>} : memref<2x512xi32, #tpu.memory_space<vmem>>, vector<1x16xi32>,
        %get3A_1674 = vector.shape_cast %get3A_1673 : vector<1x16xi32> to vector<16xi32>
        %max3A_1675 = arith.constant 0 : i32
        %max3A_1676 = vector.broadcast %max3A_1675 : i32 to vector<16xi32>
        %max3A_1677 = arith.maxsi %get3A_1674, %max3A_1676 : vector<16xi32>
        %min3A_1678 = arith.constant 511 : i32
        %min3A_1679 = vector.broadcast %min3A_1678 : i32 to vector<16xi32>
        %min3A_1680 = arith.minsi %max3A_1677, %min3A_1679 : vector<16xi32>
        %add3A_1681 = vector.broadcast %mul3A_34 : i32 to vector<16xi32>
        %add3A_1682 = arith.addi %min3A_1680, %add3A_1681 : vector<16xi32>
        %swap3A_1683 = arith.constant 0 : i32
        %swap3A_1684 = arith.index_cast %swap3A_1683 : i32 to index
        %swap3A_1685 = arith.constant 48 : index
        %swap3A_1686 = tpu.vector_load %arg6[%swap3A_1684, %swap3A_1685] {strides = array<i32>} : memref<2x512xi32, #tpu.memory_space<vmem>>, vector<1x16xi32>,
        %swap3A_1687 = vector.shape_cast %swap3A_1686 : vector<1x16xi32> to vector<16xi32>
        %swap3A_1688 = vector.shape_cast %add3A_1682 : vector<16xi32> to vector<1x16xi32>
        tpu.vector_store %arg6[%swap3A_1684, %swap3A_1685], %swap3A_1688 {strides = array<i32>} : memref<2x512xi32, #tpu.memory_space<vmem>>, vector<1x16xi32>,
        %get3A_1689 = arith.constant 0 : i32
        %get3A_1690 = arith.index_cast %get3A_1689 : i32 to index
        %get3A_1691 = arith.constant 64 : index
        %get3A_1692 = tpu.vector_load %arg6[%get3A_1690, %get3A_1691] {strides = array<i32>} : memref<2x512xi32, #tpu.memory_space<vmem>>, vector<1x16xi32>,
        %get3A_1693 = vector.shape_cast %get3A_1692 : vector<1x16xi32> to vector<16xi32>
        %max3A_1694 = arith.constant 0 : i32
        %max3A_1695 = vector.broadcast %max3A_1694 : i32 to vector<16xi32>
        %max3A_1696 = arith.maxsi %get3A_1693, %max3A_1695 : vector<16xi32>
        %min3A_1697 = arith.constant 511 : i32
        %min3A_1698 = vector.broadcast %min3A_1697 : i32 to vector<16xi32>
        %min3A_1699 = arith.minsi %max3A_1696, %min3A_1698 : vector<16xi32>
        %add3A_1700 = vector.broadcast %mul3A_34 : i32 to vector<16xi32>
        %add3A_1701 = arith.addi %min3A_1699, %add3A_1700 : vector<16xi32>
        %swap3A_1702 = arith.constant 0 : i32
        %swap3A_1703 = arith.index_cast %swap3A_1702 : i32 to index
        %swap3A_1704 = arith.constant 64 : index
        %swap3A_1705 = tpu.vector_load %arg6[%swap3A_1703, %swap3A_1704] {strides = array<i32>} : memref<2x512xi32, #tpu.memory_space<vmem>>, vector<1x16xi32>,
        %swap3A_1706 = vector.shape_cast %swap3A_1705 : vector<1x16xi32> to vector<16xi32>
        %swap3A_1707 = vector.shape_cast %add3A_1701 : vector<16xi32> to vector<1x16xi32>
        tpu.vector_store %arg6[%swap3A_1703, %swap3A_1704], %swap3A_1707 {strides = array<i32>} : memref<2x512xi32, #tpu.memory_space<vmem>>, vector<1x16xi32>,
        %get3A_1708 = arith.constant 0 : i32
        %get3A_1709 = arith.index_cast %get3A_1708 : i32 to index
        %get3A_1710 = arith.constant 80 : index
        %get3A_1711 = tpu.vector_load %arg6[%get3A_1709, %get3A_1710] {strides = array<i32>} : memref<2x512xi32, #tpu.memory_space<vmem>>, vector<1x16xi32>,
        %get3A_1712 = vector.shape_cast %get3A_1711 : vector<1x16xi32> to vector<16xi32>
        %max3A_1713 = arith.constant 0 : i32
        %max3A_1714 = vector.broadcast %max3A_1713 : i32 to vector<16xi32>
        %max3A_1715 = arith.maxsi %get3A_1712, %max3A_1714 : vector<16xi32>
        %min3A_1716 = arith.constant 511 : i32
        %min3A_1717 = vector.broadcast %min3A_1716 : i32 to vector<16xi32>
        %min3A_1718 = arith.minsi %max3A_1715, %min3A_1717 : vector<16xi32>
        %add3A_1719 = vector.broadcast %mul3A_34 : i32 to vector<16xi32>
        %add3A_1720 = arith.addi %min3A_1718, %add3A_1719 : vector<16xi32>
        %swap3A_1721 = arith.constant 0 : i32
        %swap3A_1722 = arith.index_cast %swap3A_1721 : i32 to index
        %swap3A_1723 = arith.constant 80 : index
        %swap3A_1724 = tpu.vector_load %arg6[%swap3A_1722, %swap3A_1723] {strides = array<i32>} : memref<2x512xi32, #tpu.memory_space<vmem>>, vector<1x16xi32>,
        %swap3A_1725 = vector.shape_cast %swap3A_1724 : vector<1x16xi32> to vector<16xi32>
        %swap3A_1726 = vector.shape_cast %add3A_1720 : vector<16xi32> to vector<1x16xi32>
        tpu.vector_store %arg6[%swap3A_1722, %swap3A_1723], %swap3A_1726 {strides = array<i32>} : memref<2x512xi32, #tpu.memory_space<vmem>>, vector<1x16xi32>,
        %get3A_1727 = arith.constant 0 : i32
        %get3A_1728 = arith.index_cast %get3A_1727 : i32 to index
        %get3A_1729 = arith.constant 96 : index
        %get3A_1730 = tpu.vector_load %arg6[%get3A_1728, %get3A_1729] {strides = array<i32>} : memref<2x512xi32, #tpu.memory_space<vmem>>, vector<1x16xi32>,
        %get3A_1731 = vector.shape_cast %get3A_1730 : vector<1x16xi32> to vector<16xi32>
        %max3A_1732 = arith.constant 0 : i32
        %max3A_1733 = vector.broadcast %max3A_1732 : i32 to vector<16xi32>
        %max3A_1734 = arith.maxsi %get3A_1731, %max3A_1733 : vector<16xi32>
        %min3A_1735 = arith.constant 511 : i32
        %min3A_1736 = vector.broadcast %min3A_1735 : i32 to vector<16xi32>
        %min3A_1737 = arith.minsi %max3A_1734, %min3A_1736 : vector<16xi32>
        %add3A_1738 = vector.broadcast %mul3A_34 : i32 to vector<16xi32>
        %add3A_1739 = arith.addi %min3A_1737, %add3A_1738 : vector<16xi32>
        %swap3A_1740 = arith.constant 0 : i32
        %swap3A_1741 = arith.index_cast %swap3A_1740 : i32 to index
        %swap3A_1742 = arith.constant 96 : index
        %swap3A_1743 = tpu.vector_load %arg6[%swap3A_1741, %swap3A_1742] {strides = array<i32>} : memref<2x512xi32, #tpu.memory_space<vmem>>, vector<1x16xi32>,
        %swap3A_1744 = vector.shape_cast %swap3A_1743 : vector<1x16xi32> to vector<16xi32>
        %swap3A_1745 = vector.shape_cast %add3A_1739 : vector<16xi32> to vector<1x16xi32>
        tpu.vector_store %arg6[%swap3A_1741, %swap3A_1742], %swap3A_1745 {strides = array<i32>} : memref<2x512xi32, #tpu.memory_space<vmem>>, vector<1x16xi32>,
        %get3A_1746 = arith.constant 0 : i32
        %get3A_1747 = arith.index_cast %get3A_1746 : i32 to index
        %get3A_1748 = arith.constant 112 : index
        %get3A_1749 = tpu.vector_load %arg6[%get3A_1747, %get3A_1748] {strides = array<i32>} : memref<2x512xi32, #tpu.memory_space<vmem>>, vector<1x16xi32>,
        %get3A_1750 = vector.shape_cast %get3A_1749 : vector<1x16xi32> to vector<16xi32>
        %max3A_1751 = arith.constant 0 : i32
        %max3A_1752 = vector.broadcast %max3A_1751 : i32 to vector<16xi32>
        %max3A_1753 = arith.maxsi %get3A_1750, %max3A_1752 : vector<16xi32>
        %min3A_1754 = arith.constant 511 : i32
        %min3A_1755 = vector.broadcast %min3A_1754 : i32 to vector<16xi32>
        %min3A_1756 = arith.minsi %max3A_1753, %min3A_1755 : vector<16xi32>
        %add3A_1757 = vector.broadcast %mul3A_34 : i32 to vector<16xi32>
        %add3A_1758 = arith.addi %min3A_1756, %add3A_1757 : vector<16xi32>
        %swap3A_1759 = arith.constant 0 : i32
        %swap3A_1760 = arith.index_cast %swap3A_1759 : i32 to index
        %swap3A_1761 = arith.constant 112 : index
        %swap3A_1762 = tpu.vector_load %arg6[%swap3A_1760, %swap3A_1761] {strides = array<i32>} : memref<2x512xi32, #tpu.memory_space<vmem>>, vector<1x16xi32>,
        %swap3A_1763 = vector.shape_cast %swap3A_1762 : vector<1x16xi32> to vector<16xi32>
        %swap3A_1764 = vector.shape_cast %add3A_1758 : vector<16xi32> to vector<1x16xi32>
        tpu.vector_store %arg6[%swap3A_1760, %swap3A_1761], %swap3A_1764 {strides = array<i32>} : memref<2x512xi32, #tpu.memory_space<vmem>>, vector<1x16xi32>,
        %get3A_1765 = arith.constant 0 : i32
        %get3A_1766 = arith.index_cast %get3A_1765 : i32 to index
        %get3A_1767 = arith.constant 128 : index
        %get3A_1768 = tpu.vector_load %arg6[%get3A_1766, %get3A_1767] {strides = array<i32>} : memref<2x512xi32, #tpu.memory_space<vmem>>, vector<1x16xi32>,
        %get3A_1769 = vector.shape_cast %get3A_1768 : vector<1x16xi32> to vector<16xi32>
        %max3A_1770 = arith.constant 0 : i32
        %max3A_1771 = vector.broadcast %max3A_1770 : i32 to vector<16xi32>
        %max3A_1772 = arith.maxsi %get3A_1769, %max3A_1771 : vector<16xi32>
        %min3A_1773 = arith.constant 511 : i32
        %min3A_1774 = vector.broadcast %min3A_1773 : i32 to vector<16xi32>
        %min3A_1775 = arith.minsi %max3A_1772, %min3A_1774 : vector<16xi32>
        %add3A_1776 = vector.broadcast %mul3A_34 : i32 to vector<16xi32>
        %add3A_1777 = arith.addi %min3A_1775, %add3A_1776 : vector<16xi32>
        %swap3A_1778 = arith.constant 0 : i32
        %swap3A_1779 = arith.index_cast %swap3A_1778 : i32 to index
        %swap3A_1780 = arith.constant 128 : index
        %swap3A_1781 = tpu.vector_load %arg6[%swap3A_1779, %swap3A_1780] {strides = array<i32>} : memref<2x512xi32, #tpu.memory_space<vmem>>, vector<1x16xi32>,
        %swap3A_1782 = vector.shape_cast %swap3A_1781 : vector<1x16xi32> to vector<16xi32>
        %swap3A_1783 = vector.shape_cast %add3A_1777 : vector<16xi32> to vector<1x16xi32>
        tpu.vector_store %arg6[%swap3A_1779, %swap3A_1780], %swap3A_1783 {strides = array<i32>} : memref<2x512xi32, #tpu.memory_space<vmem>>, vector<1x16xi32>,
        %get3A_1784 = arith.constant 0 : i32
        %get3A_1785 = arith.index_cast %get3A_1784 : i32 to index
        %get3A_1786 = arith.constant 144 : index
        %get3A_1787 = tpu.vector_load %arg6[%get3A_1785, %get3A_1786] {strides = array<i32>} : memref<2x512xi32, #tpu.memory_space<vmem>>, vector<1x16xi32>,
        %get3A_1788 = vector.shape_cast %get3A_1787 : vector<1x16xi32> to vector<16xi32>
        %max3A_1789 = arith.constant 0 : i32
        %max3A_1790 = vector.broadcast %max3A_1789 : i32 to vector<16xi32>
        %max3A_1791 = arith.maxsi %get3A_1788, %max3A_1790 : vector<16xi32>
        %min3A_1792 = arith.constant 511 : i32
        %min3A_1793 = vector.broadcast %min3A_1792 : i32 to vector<16xi32>
        %min3A_1794 = arith.minsi %max3A_1791, %min3A_1793 : vector<16xi32>
        %add3A_1795 = vector.broadcast %mul3A_34 : i32 to vector<16xi32>
        %add3A_1796 = arith.addi %min3A_1794, %add3A_1795 : vector<16xi32>
        %swap3A_1797 = arith.constant 0 : i32
        %swap3A_1798 = arith.index_cast %swap3A_1797 : i32 to index
        %swap3A_1799 = arith.constant 144 : index
        %swap3A_1800 = tpu.vector_load %arg6[%swap3A_1798, %swap3A_1799] {strides = array<i32>} : memref<2x512xi32, #tpu.memory_space<vmem>>, vector<1x16xi32>,
        %swap3A_1801 = vector.shape_cast %swap3A_1800 : vector<1x16xi32> to vector<16xi32>
        %swap3A_1802 = vector.shape_cast %add3A_1796 : vector<16xi32> to vector<1x16xi32>
        tpu.vector_store %arg6[%swap3A_1798, %swap3A_1799], %swap3A_1802 {strides = array<i32>} : memref<2x512xi32, #tpu.memory_space<vmem>>, vector<1x16xi32>,
        %get3A_1803 = arith.constant 0 : i32
        %get3A_1804 = arith.index_cast %get3A_1803 : i32 to index
        %get3A_1805 = arith.constant 160 : index
        %get3A_1806 = tpu.vector_load %arg6[%get3A_1804, %get3A_1805] {strides = array<i32>} : memref<2x512xi32, #tpu.memory_space<vmem>>, vector<1x16xi32>,
        %get3A_1807 = vector.shape_cast %get3A_1806 : vector<1x16xi32> to vector<16xi32>
        %max3A_1808 = arith.constant 0 : i32
        %max3A_1809 = vector.broadcast %max3A_1808 : i32 to vector<16xi32>
        %max3A_1810 = arith.maxsi %get3A_1807, %max3A_1809 : vector<16xi32>
        %min3A_1811 = arith.constant 511 : i32
        %min3A_1812 = vector.broadcast %min3A_1811 : i32 to vector<16xi32>
        %min3A_1813 = arith.minsi %max3A_1810, %min3A_1812 : vector<16xi32>
        %add3A_1814 = vector.broadcast %mul3A_34 : i32 to vector<16xi32>
        %add3A_1815 = arith.addi %min3A_1813, %add3A_1814 : vector<16xi32>
        %swap3A_1816 = arith.constant 0 : i32
        %swap3A_1817 = arith.index_cast %swap3A_1816 : i32 to index
        %swap3A_1818 = arith.constant 160 : index
        %swap3A_1819 = tpu.vector_load %arg6[%swap3A_1817, %swap3A_1818] {strides = array<i32>} : memref<2x512xi32, #tpu.memory_space<vmem>>, vector<1x16xi32>,
        %swap3A_1820 = vector.shape_cast %swap3A_1819 : vector<1x16xi32> to vector<16xi32>
        %swap3A_1821 = vector.shape_cast %add3A_1815 : vector<16xi32> to vector<1x16xi32>
        tpu.vector_store %arg6[%swap3A_1817, %swap3A_1818], %swap3A_1821 {strides = array<i32>} : memref<2x512xi32, #tpu.memory_space<vmem>>, vector<1x16xi32>,
        %get3A_1822 = arith.constant 0 : i32
        %get3A_1823 = arith.index_cast %get3A_1822 : i32 to index
        %get3A_1824 = arith.constant 176 : index
        %get3A_1825 = tpu.vector_load %arg6[%get3A_1823, %get3A_1824] {strides = array<i32>} : memref<2x512xi32, #tpu.memory_space<vmem>>, vector<1x16xi32>,
        %get3A_1826 = vector.shape_cast %get3A_1825 : vector<1x16xi32> to vector<16xi32>
        %max3A_1827 = arith.constant 0 : i32
        %max3A_1828 = vector.broadcast %max3A_1827 : i32 to vector<16xi32>
        %max3A_1829 = arith.maxsi %get3A_1826, %max3A_1828 : vector<16xi32>
        %min3A_1830 = arith.constant 511 : i32
        %min3A_1831 = vector.broadcast %min3A_1830 : i32 to vector<16xi32>
        %min3A_1832 = arith.minsi %max3A_1829, %min3A_1831 : vector<16xi32>
        %add3A_1833 = vector.broadcast %mul3A_34 : i32 to vector<16xi32>
        %add3A_1834 = arith.addi %min3A_1832, %add3A_1833 : vector<16xi32>
        %swap3A_1835 = arith.constant 0 : i32
        %swap3A_1836 = arith.index_cast %swap3A_1835 : i32 to index
        %swap3A_1837 = arith.constant 176 : index
        %swap3A_1838 = tpu.vector_load %arg6[%swap3A_1836, %swap3A_1837] {strides = array<i32>} : memref<2x512xi32, #tpu.memory_space<vmem>>, vector<1x16xi32>,
        %swap3A_1839 = vector.shape_cast %swap3A_1838 : vector<1x16xi32> to vector<16xi32>
        %swap3A_1840 = vector.shape_cast %add3A_1834 : vector<16xi32> to vector<1x16xi32>
        tpu.vector_store %arg6[%swap3A_1836, %swap3A_1837], %swap3A_1840 {strides = array<i32>} : memref<2x512xi32, #tpu.memory_space<vmem>>, vector<1x16xi32>,
        %get3A_1841 = arith.constant 0 : i32
        %get3A_1842 = arith.index_cast %get3A_1841 : i32 to index
        %get3A_1843 = arith.constant 192 : index
        %get3A_1844 = tpu.vector_load %arg6[%get3A_1842, %get3A_1843] {strides = array<i32>} : memref<2x512xi32, #tpu.memory_space<vmem>>, vector<1x16xi32>,
        %get3A_1845 = vector.shape_cast %get3A_1844 : vector<1x16xi32> to vector<16xi32>
        %max3A_1846 = arith.constant 0 : i32
        %max3A_1847 = vector.broadcast %max3A_1846 : i32 to vector<16xi32>
        %max3A_1848 = arith.maxsi %get3A_1845, %max3A_1847 : vector<16xi32>
        %min3A_1849 = arith.constant 511 : i32
        %min3A_1850 = vector.broadcast %min3A_1849 : i32 to vector<16xi32>
        %min3A_1851 = arith.minsi %max3A_1848, %min3A_1850 : vector<16xi32>
        %add3A_1852 = vector.broadcast %mul3A_34 : i32 to vector<16xi32>
        %add3A_1853 = arith.addi %min3A_1851, %add3A_1852 : vector<16xi32>
        %swap3A_1854 = arith.constant 0 : i32
        %swap3A_1855 = arith.index_cast %swap3A_1854 : i32 to index
        %swap3A_1856 = arith.constant 192 : index
        %swap3A_1857 = tpu.vector_load %arg6[%swap3A_1855, %swap3A_1856] {strides = array<i32>} : memref<2x512xi32, #tpu.memory_space<vmem>>, vector<1x16xi32>,
        %swap3A_1858 = vector.shape_cast %swap3A_1857 : vector<1x16xi32> to vector<16xi32>
        %swap3A_1859 = vector.shape_cast %add3A_1853 : vector<16xi32> to vector<1x16xi32>
        tpu.vector_store %arg6[%swap3A_1855, %swap3A_1856], %swap3A_1859 {strides = array<i32>} : memref<2x512xi32, #tpu.memory_space<vmem>>, vector<1x16xi32>,
        %get3A_1860 = arith.constant 0 : i32
        %get3A_1861 = arith.index_cast %get3A_1860 : i32 to index
        %get3A_1862 = arith.constant 208 : index
        %get3A_1863 = tpu.vector_load %arg6[%get3A_1861, %get3A_1862] {strides = array<i32>} : memref<2x512xi32, #tpu.memory_space<vmem>>, vector<1x16xi32>,
        %get3A_1864 = vector.shape_cast %get3A_1863 : vector<1x16xi32> to vector<16xi32>
        %max3A_1865 = arith.constant 0 : i32
        %max3A_1866 = vector.broadcast %max3A_1865 : i32 to vector<16xi32>
        %max3A_1867 = arith.maxsi %get3A_1864, %max3A_1866 : vector<16xi32>
        %min3A_1868 = arith.constant 511 : i32
        %min3A_1869 = vector.broadcast %min3A_1868 : i32 to vector<16xi32>
        %min3A_1870 = arith.minsi %max3A_1867, %min3A_1869 : vector<16xi32>
        %add3A_1871 = vector.broadcast %mul3A_34 : i32 to vector<16xi32>
        %add3A_1872 = arith.addi %min3A_1870, %add3A_1871 : vector<16xi32>
        %swap3A_1873 = arith.constant 0 : i32
        %swap3A_1874 = arith.index_cast %swap3A_1873 : i32 to index
        %swap3A_1875 = arith.constant 208 : index
        %swap3A_1876 = tpu.vector_load %arg6[%swap3A_1874, %swap3A_1875] {strides = array<i32>} : memref<2x512xi32, #tpu.memory_space<vmem>>, vector<1x16xi32>,
        %swap3A_1877 = vector.shape_cast %swap3A_1876 : vector<1x16xi32> to vector<16xi32>
        %swap3A_1878 = vector.shape_cast %add3A_1872 : vector<16xi32> to vector<1x16xi32>
        tpu.vector_store %arg6[%swap3A_1874, %swap3A_1875], %swap3A_1878 {strides = array<i32>} : memref<2x512xi32, #tpu.memory_space<vmem>>, vector<1x16xi32>,
        %get3A_1879 = arith.constant 0 : i32
        %get3A_1880 = arith.index_cast %get3A_1879 : i32 to index
        %get3A_1881 = arith.constant 224 : index
        %get3A_1882 = tpu.vector_load %arg6[%get3A_1880, %get3A_1881] {strides = array<i32>} : memref<2x512xi32, #tpu.memory_space<vmem>>, vector<1x16xi32>,
        %get3A_1883 = vector.shape_cast %get3A_1882 : vector<1x16xi32> to vector<16xi32>
        %max3A_1884 = arith.constant 0 : i32
        %max3A_1885 = vector.broadcast %max3A_1884 : i32 to vector<16xi32>
        %max3A_1886 = arith.maxsi %get3A_1883, %max3A_1885 : vector<16xi32>
        %min3A_1887 = arith.constant 511 : i32
        %min3A_1888 = vector.broadcast %min3A_1887 : i32 to vector<16xi32>
        %min3A_1889 = arith.minsi %max3A_1886, %min3A_1888 : vector<16xi32>
        %add3A_1890 = vector.broadcast %mul3A_34 : i32 to vector<16xi32>
        %add3A_1891 = arith.addi %min3A_1889, %add3A_1890 : vector<16xi32>
        %swap3A_1892 = arith.constant 0 : i32
        %swap3A_1893 = arith.index_cast %swap3A_1892 : i32 to index
        %swap3A_1894 = arith.constant 224 : index
        %swap3A_1895 = tpu.vector_load %arg6[%swap3A_1893, %swap3A_1894] {strides = array<i32>} : memref<2x512xi32, #tpu.memory_space<vmem>>, vector<1x16xi32>,
        %swap3A_1896 = vector.shape_cast %swap3A_1895 : vector<1x16xi32> to vector<16xi32>
        %swap3A_1897 = vector.shape_cast %add3A_1891 : vector<16xi32> to vector<1x16xi32>
        tpu.vector_store %arg6[%swap3A_1893, %swap3A_1894], %swap3A_1897 {strides = array<i32>} : memref<2x512xi32, #tpu.memory_space<vmem>>, vector<1x16xi32>,
        %get3A_1898 = arith.constant 0 : i32
        %get3A_1899 = arith.index_cast %get3A_1898 : i32 to index
        %get3A_1900 = arith.constant 240 : index
        %get3A_1901 = tpu.vector_load %arg6[%get3A_1899, %get3A_1900] {strides = array<i32>} : memref<2x512xi32, #tpu.memory_space<vmem>>, vector<1x16xi32>,
        %get3A_1902 = vector.shape_cast %get3A_1901 : vector<1x16xi32> to vector<16xi32>
        %max3A_1903 = arith.constant 0 : i32
        %max3A_1904 = vector.broadcast %max3A_1903 : i32 to vector<16xi32>
        %max3A_1905 = arith.maxsi %get3A_1902, %max3A_1904 : vector<16xi32>
        %min3A_1906 = arith.constant 511 : i32
        %min3A_1907 = vector.broadcast %min3A_1906 : i32 to vector<16xi32>
        %min3A_1908 = arith.minsi %max3A_1905, %min3A_1907 : vector<16xi32>
        %add3A_1909 = vector.broadcast %mul3A_34 : i32 to vector<16xi32>
        %add3A_1910 = arith.addi %min3A_1908, %add3A_1909 : vector<16xi32>
        %swap3A_1911 = arith.constant 0 : i32
        %swap3A_1912 = arith.index_cast %swap3A_1911 : i32 to index
        %swap3A_1913 = arith.constant 240 : index
        %swap3A_1914 = tpu.vector_load %arg6[%swap3A_1912, %swap3A_1913] {strides = array<i32>} : memref<2x512xi32, #tpu.memory_space<vmem>>, vector<1x16xi32>,
        %swap3A_1915 = vector.shape_cast %swap3A_1914 : vector<1x16xi32> to vector<16xi32>
        %swap3A_1916 = vector.shape_cast %add3A_1910 : vector<16xi32> to vector<1x16xi32>
        tpu.vector_store %arg6[%swap3A_1912, %swap3A_1913], %swap3A_1916 {strides = array<i32>} : memref<2x512xi32, #tpu.memory_space<vmem>>, vector<1x16xi32>,
        %get3A_1917 = arith.constant 0 : i32
        %get3A_1918 = arith.index_cast %get3A_1917 : i32 to index
        %get3A_1919 = arith.constant 256 : index
        %get3A_1920 = tpu.vector_load %arg6[%get3A_1918, %get3A_1919] {strides = array<i32>} : memref<2x512xi32, #tpu.memory_space<vmem>>, vector<1x16xi32>,
        %get3A_1921 = vector.shape_cast %get3A_1920 : vector<1x16xi32> to vector<16xi32>
        %max3A_1922 = arith.constant 0 : i32
        %max3A_1923 = vector.broadcast %max3A_1922 : i32 to vector<16xi32>
        %max3A_1924 = arith.maxsi %get3A_1921, %max3A_1923 : vector<16xi32>
        %min3A_1925 = arith.constant 511 : i32
        %min3A_1926 = vector.broadcast %min3A_1925 : i32 to vector<16xi32>
        %min3A_1927 = arith.minsi %max3A_1924, %min3A_1926 : vector<16xi32>
        %add3A_1928 = vector.broadcast %mul3A_34 : i32 to vector<16xi32>
        %add3A_1929 = arith.addi %min3A_1927, %add3A_1928 : vector<16xi32>
        %swap3A_1930 = arith.constant 0 : i32
        %swap3A_1931 = arith.index_cast %swap3A_1930 : i32 to index
        %swap3A_1932 = arith.constant 256 : index
        %swap3A_1933 = tpu.vector_load %arg6[%swap3A_1931, %swap3A_1932] {strides = array<i32>} : memref<2x512xi32, #tpu.memory_space<vmem>>, vector<1x16xi32>,
        %swap3A_1934 = vector.shape_cast %swap3A_1933 : vector<1x16xi32> to vector<16xi32>
        %swap3A_1935 = vector.shape_cast %add3A_1929 : vector<16xi32> to vector<1x16xi32>
        tpu.vector_store %arg6[%swap3A_1931, %swap3A_1932], %swap3A_1935 {strides = array<i32>} : memref<2x512xi32, #tpu.memory_space<vmem>>, vector<1x16xi32>,
        %get3A_1936 = arith.constant 0 : i32
        %get3A_1937 = arith.index_cast %get3A_1936 : i32 to index
        %get3A_1938 = arith.constant 272 : index
        %get3A_1939 = tpu.vector_load %arg6[%get3A_1937, %get3A_1938] {strides = array<i32>} : memref<2x512xi32, #tpu.memory_space<vmem>>, vector<1x16xi32>,
        %get3A_1940 = vector.shape_cast %get3A_1939 : vector<1x16xi32> to vector<16xi32>
        %max3A_1941 = arith.constant 0 : i32
        %max3A_1942 = vector.broadcast %max3A_1941 : i32 to vector<16xi32>
        %max3A_1943 = arith.maxsi %get3A_1940, %max3A_1942 : vector<16xi32>
        %min3A_1944 = arith.constant 511 : i32
        %min3A_1945 = vector.broadcast %min3A_1944 : i32 to vector<16xi32>
        %min3A_1946 = arith.minsi %max3A_1943, %min3A_1945 : vector<16xi32>
        %add3A_1947 = vector.broadcast %mul3A_34 : i32 to vector<16xi32>
        %add3A_1948 = arith.addi %min3A_1946, %add3A_1947 : vector<16xi32>
        %swap3A_1949 = arith.constant 0 : i32
        %swap3A_1950 = arith.index_cast %swap3A_1949 : i32 to index
        %swap3A_1951 = arith.constant 272 : index
        %swap3A_1952 = tpu.vector_load %arg6[%swap3A_1950, %swap3A_1951] {strides = array<i32>} : memref<2x512xi32, #tpu.memory_space<vmem>>, vector<1x16xi32>,
        %swap3A_1953 = vector.shape_cast %swap3A_1952 : vector<1x16xi32> to vector<16xi32>
        %swap3A_1954 = vector.shape_cast %add3A_1948 : vector<16xi32> to vector<1x16xi32>
        tpu.vector_store %arg6[%swap3A_1950, %swap3A_1951], %swap3A_1954 {strides = array<i32>} : memref<2x512xi32, #tpu.memory_space<vmem>>, vector<1x16xi32>,
        %get3A_1955 = arith.constant 0 : i32
        %get3A_1956 = arith.index_cast %get3A_1955 : i32 to index
        %get3A_1957 = arith.constant 288 : index
        %get3A_1958 = tpu.vector_load %arg6[%get3A_1956, %get3A_1957] {strides = array<i32>} : memref<2x512xi32, #tpu.memory_space<vmem>>, vector<1x16xi32>,
        %get3A_1959 = vector.shape_cast %get3A_1958 : vector<1x16xi32> to vector<16xi32>
        %max3A_1960 = arith.constant 0 : i32
        %max3A_1961 = vector.broadcast %max3A_1960 : i32 to vector<16xi32>
        %max3A_1962 = arith.maxsi %get3A_1959, %max3A_1961 : vector<16xi32>
        %min3A_1963 = arith.constant 511 : i32
        %min3A_1964 = vector.broadcast %min3A_1963 : i32 to vector<16xi32>
        %min3A_1965 = arith.minsi %max3A_1962, %min3A_1964 : vector<16xi32>
        %add3A_1966 = vector.broadcast %mul3A_34 : i32 to vector<16xi32>
        %add3A_1967 = arith.addi %min3A_1965, %add3A_1966 : vector<16xi32>
        %swap3A_1968 = arith.constant 0 : i32
        %swap3A_1969 = arith.index_cast %swap3A_1968 : i32 to index
        %swap3A_1970 = arith.constant 288 : index
        %swap3A_1971 = tpu.vector_load %arg6[%swap3A_1969, %swap3A_1970] {strides = array<i32>} : memref<2x512xi32, #tpu.memory_space<vmem>>, vector<1x16xi32>,
        %swap3A_1972 = vector.shape_cast %swap3A_1971 : vector<1x16xi32> to vector<16xi32>
        %swap3A_1973 = vector.shape_cast %add3A_1967 : vector<16xi32> to vector<1x16xi32>
        tpu.vector_store %arg6[%swap3A_1969, %swap3A_1970], %swap3A_1973 {strides = array<i32>} : memref<2x512xi32, #tpu.memory_space<vmem>>, vector<1x16xi32>,
        %get3A_1974 = arith.constant 0 : i32
        %get3A_1975 = arith.index_cast %get3A_1974 : i32 to index
        %get3A_1976 = arith.constant 304 : index
        %get3A_1977 = tpu.vector_load %arg6[%get3A_1975, %get3A_1976] {strides = array<i32>} : memref<2x512xi32, #tpu.memory_space<vmem>>, vector<1x16xi32>,
        %get3A_1978 = vector.shape_cast %get3A_1977 : vector<1x16xi32> to vector<16xi32>
        %max3A_1979 = arith.constant 0 : i32
        %max3A_1980 = vector.broadcast %max3A_1979 : i32 to vector<16xi32>
        %max3A_1981 = arith.maxsi %get3A_1978, %max3A_1980 : vector<16xi32>
        %min3A_1982 = arith.constant 511 : i32
        %min3A_1983 = vector.broadcast %min3A_1982 : i32 to vector<16xi32>
        %min3A_1984 = arith.minsi %max3A_1981, %min3A_1983 : vector<16xi32>
        %add3A_1985 = vector.broadcast %mul3A_34 : i32 to vector<16xi32>
        %add3A_1986 = arith.addi %min3A_1984, %add3A_1985 : vector<16xi32>
        %swap3A_1987 = arith.constant 0 : i32
        %swap3A_1988 = arith.index_cast %swap3A_1987 : i32 to index
        %swap3A_1989 = arith.constant 304 : index
        %swap3A_1990 = tpu.vector_load %arg6[%swap3A_1988, %swap3A_1989] {strides = array<i32>} : memref<2x512xi32, #tpu.memory_space<vmem>>, vector<1x16xi32>,
        %swap3A_1991 = vector.shape_cast %swap3A_1990 : vector<1x16xi32> to vector<16xi32>
        %swap3A_1992 = vector.shape_cast %add3A_1986 : vector<16xi32> to vector<1x16xi32>
        tpu.vector_store %arg6[%swap3A_1988, %swap3A_1989], %swap3A_1992 {strides = array<i32>} : memref<2x512xi32, #tpu.memory_space<vmem>>, vector<1x16xi32>,
        %get3A_1993 = arith.constant 0 : i32
        %get3A_1994 = arith.index_cast %get3A_1993 : i32 to index
        %get3A_1995 = arith.constant 320 : index
        %get3A_1996 = tpu.vector_load %arg6[%get3A_1994, %get3A_1995] {strides = array<i32>} : memref<2x512xi32, #tpu.memory_space<vmem>>, vector<1x16xi32>,
        %get3A_1997 = vector.shape_cast %get3A_1996 : vector<1x16xi32> to vector<16xi32>
        %max3A_1998 = arith.constant 0 : i32
        %max3A_1999 = vector.broadcast %max3A_1998 : i32 to vector<16xi32>
        %max3A_2000 = arith.maxsi %get3A_1997, %max3A_1999 : vector<16xi32>
        %min3A_2001 = arith.constant 511 : i32
        %min3A_2002 = vector.broadcast %min3A_2001 : i32 to vector<16xi32>
        %min3A_2003 = arith.minsi %max3A_2000, %min3A_2002 : vector<16xi32>
        %add3A_2004 = vector.broadcast %mul3A_34 : i32 to vector<16xi32>
        %add3A_2005 = arith.addi %min3A_2003, %add3A_2004 : vector<16xi32>
        %swap3A_2006 = arith.constant 0 : i32
        %swap3A_2007 = arith.index_cast %swap3A_2006 : i32 to index
        %swap3A_2008 = arith.constant 320 : index
        %swap3A_2009 = tpu.vector_load %arg6[%swap3A_2007, %swap3A_2008] {strides = array<i32>} : memref<2x512xi32, #tpu.memory_space<vmem>>, vector<1x16xi32>,
        %swap3A_2010 = vector.shape_cast %swap3A_2009 : vector<1x16xi32> to vector<16xi32>
        %swap3A_2011 = vector.shape_cast %add3A_2005 : vector<16xi32> to vector<1x16xi32>
        tpu.vector_store %arg6[%swap3A_2007, %swap3A_2008], %swap3A_2011 {strides = array<i32>} : memref<2x512xi32, #tpu.memory_space<vmem>>, vector<1x16xi32>,
        %get3A_2012 = arith.constant 0 : i32
        %get3A_2013 = arith.index_cast %get3A_2012 : i32 to index
        %get3A_2014 = arith.constant 336 : index
        %get3A_2015 = tpu.vector_load %arg6[%get3A_2013, %get3A_2014] {strides = array<i32>} : memref<2x512xi32, #tpu.memory_space<vmem>>, vector<1x16xi32>,
        %get3A_2016 = vector.shape_cast %get3A_2015 : vector<1x16xi32> to vector<16xi32>
        %max3A_2017 = arith.constant 0 : i32
        %max3A_2018 = vector.broadcast %max3A_2017 : i32 to vector<16xi32>
        %max3A_2019 = arith.maxsi %get3A_2016, %max3A_2018 : vector<16xi32>
        %min3A_2020 = arith.constant 511 : i32
        %min3A_2021 = vector.broadcast %min3A_2020 : i32 to vector<16xi32>
        %min3A_2022 = arith.minsi %max3A_2019, %min3A_2021 : vector<16xi32>
        %add3A_2023 = vector.broadcast %mul3A_34 : i32 to vector<16xi32>
        %add3A_2024 = arith.addi %min3A_2022, %add3A_2023 : vector<16xi32>
        %swap3A_2025 = arith.constant 0 : i32
        %swap3A_2026 = arith.index_cast %swap3A_2025 : i32 to index
        %swap3A_2027 = arith.constant 336 : index
        %swap3A_2028 = tpu.vector_load %arg6[%swap3A_2026, %swap3A_2027] {strides = array<i32>} : memref<2x512xi32, #tpu.memory_space<vmem>>, vector<1x16xi32>,
        %swap3A_2029 = vector.shape_cast %swap3A_2028 : vector<1x16xi32> to vector<16xi32>
        %swap3A_2030 = vector.shape_cast %add3A_2024 : vector<16xi32> to vector<1x16xi32>
        tpu.vector_store %arg6[%swap3A_2026, %swap3A_2027], %swap3A_2030 {strides = array<i32>} : memref<2x512xi32, #tpu.memory_space<vmem>>, vector<1x16xi32>,
        %get3A_2031 = arith.constant 0 : i32
        %get3A_2032 = arith.index_cast %get3A_2031 : i32 to index
        %get3A_2033 = arith.constant 352 : index
        %get3A_2034 = tpu.vector_load %arg6[%get3A_2032, %get3A_2033] {strides = array<i32>} : memref<2x512xi32, #tpu.memory_space<vmem>>, vector<1x16xi32>,
        %get3A_2035 = vector.shape_cast %get3A_2034 : vector<1x16xi32> to vector<16xi32>
        %max3A_2036 = arith.constant 0 : i32
        %max3A_2037 = vector.broadcast %max3A_2036 : i32 to vector<16xi32>
        %max3A_2038 = arith.maxsi %get3A_2035, %max3A_2037 : vector<16xi32>
        %min3A_2039 = arith.constant 511 : i32
        %min3A_2040 = vector.broadcast %min3A_2039 : i32 to vector<16xi32>
        %min3A_2041 = arith.minsi %max3A_2038, %min3A_2040 : vector<16xi32>
        %add3A_2042 = vector.broadcast %mul3A_34 : i32 to vector<16xi32>
        %add3A_2043 = arith.addi %min3A_2041, %add3A_2042 : vector<16xi32>
        %swap3A_2044 = arith.constant 0 : i32
        %swap3A_2045 = arith.index_cast %swap3A_2044 : i32 to index
        %swap3A_2046 = arith.constant 352 : index
        %swap3A_2047 = tpu.vector_load %arg6[%swap3A_2045, %swap3A_2046] {strides = array<i32>} : memref<2x512xi32, #tpu.memory_space<vmem>>, vector<1x16xi32>,
        %swap3A_2048 = vector.shape_cast %swap3A_2047 : vector<1x16xi32> to vector<16xi32>
        %swap3A_2049 = vector.shape_cast %add3A_2043 : vector<16xi32> to vector<1x16xi32>
        tpu.vector_store %arg6[%swap3A_2045, %swap3A_2046], %swap3A_2049 {strides = array<i32>} : memref<2x512xi32, #tpu.memory_space<vmem>>, vector<1x16xi32>,
        %get3A_2050 = arith.constant 0 : i32
        %get3A_2051 = arith.index_cast %get3A_2050 : i32 to index
        %get3A_2052 = arith.constant 368 : index
        %get3A_2053 = tpu.vector_load %arg6[%get3A_2051, %get3A_2052] {strides = array<i32>} : memref<2x512xi32, #tpu.memory_space<vmem>>, vector<1x16xi32>,
        %get3A_2054 = vector.shape_cast %get3A_2053 : vector<1x16xi32> to vector<16xi32>
        %max3A_2055 = arith.constant 0 : i32
        %max3A_2056 = vector.broadcast %max3A_2055 : i32 to vector<16xi32>
        %max3A_2057 = arith.maxsi %get3A_2054, %max3A_2056 : vector<16xi32>
        %min3A_2058 = arith.constant 511 : i32
        %min3A_2059 = vector.broadcast %min3A_2058 : i32 to vector<16xi32>
        %min3A_2060 = arith.minsi %max3A_2057, %min3A_2059 : vector<16xi32>
        %add3A_2061 = vector.broadcast %mul3A_34 : i32 to vector<16xi32>
        %add3A_2062 = arith.addi %min3A_2060, %add3A_2061 : vector<16xi32>
        %swap3A_2063 = arith.constant 0 : i32
        %swap3A_2064 = arith.index_cast %swap3A_2063 : i32 to index
        %swap3A_2065 = arith.constant 368 : index
        %swap3A_2066 = tpu.vector_load %arg6[%swap3A_2064, %swap3A_2065] {strides = array<i32>} : memref<2x512xi32, #tpu.memory_space<vmem>>, vector<1x16xi32>,
        %swap3A_2067 = vector.shape_cast %swap3A_2066 : vector<1x16xi32> to vector<16xi32>
        %swap3A_2068 = vector.shape_cast %add3A_2062 : vector<16xi32> to vector<1x16xi32>
        tpu.vector_store %arg6[%swap3A_2064, %swap3A_2065], %swap3A_2068 {strides = array<i32>} : memref<2x512xi32, #tpu.memory_space<vmem>>, vector<1x16xi32>,
        %get3A_2069 = arith.constant 0 : i32
        %get3A_2070 = arith.index_cast %get3A_2069 : i32 to index
        %get3A_2071 = arith.constant 384 : index
        %get3A_2072 = tpu.vector_load %arg6[%get3A_2070, %get3A_2071] {strides = array<i32>} : memref<2x512xi32, #tpu.memory_space<vmem>>, vector<1x16xi32>,
        %get3A_2073 = vector.shape_cast %get3A_2072 : vector<1x16xi32> to vector<16xi32>
        %max3A_2074 = arith.constant 0 : i32
        %max3A_2075 = vector.broadcast %max3A_2074 : i32 to vector<16xi32>
        %max3A_2076 = arith.maxsi %get3A_2073, %max3A_2075 : vector<16xi32>
        %min3A_2077 = arith.constant 511 : i32
        %min3A_2078 = vector.broadcast %min3A_2077 : i32 to vector<16xi32>
        %min3A_2079 = arith.minsi %max3A_2076, %min3A_2078 : vector<16xi32>
        %add3A_2080 = vector.broadcast %mul3A_34 : i32 to vector<16xi32>
        %add3A_2081 = arith.addi %min3A_2079, %add3A_2080 : vector<16xi32>
        %swap3A_2082 = arith.constant 0 : i32
        %swap3A_2083 = arith.index_cast %swap3A_2082 : i32 to index
        %swap3A_2084 = arith.constant 384 : index
        %swap3A_2085 = tpu.vector_load %arg6[%swap3A_2083, %swap3A_2084] {strides = array<i32>} : memref<2x512xi32, #tpu.memory_space<vmem>>, vector<1x16xi32>,
        %swap3A_2086 = vector.shape_cast %swap3A_2085 : vector<1x16xi32> to vector<16xi32>
        %swap3A_2087 = vector.shape_cast %add3A_2081 : vector<16xi32> to vector<1x16xi32>
        tpu.vector_store %arg6[%swap3A_2083, %swap3A_2084], %swap3A_2087 {strides = array<i32>} : memref<2x512xi32, #tpu.memory_space<vmem>>, vector<1x16xi32>,
        %get3A_2088 = arith.constant 0 : i32
        %get3A_2089 = arith.index_cast %get3A_2088 : i32 to index
        %get3A_2090 = arith.constant 400 : index
        %get3A_2091 = tpu.vector_load %arg6[%get3A_2089, %get3A_2090] {strides = array<i32>} : memref<2x512xi32, #tpu.memory_space<vmem>>, vector<1x16xi32>,
        %get3A_2092 = vector.shape_cast %get3A_2091 : vector<1x16xi32> to vector<16xi32>
        %max3A_2093 = arith.constant 0 : i32
        %max3A_2094 = vector.broadcast %max3A_2093 : i32 to vector<16xi32>
        %max3A_2095 = arith.maxsi %get3A_2092, %max3A_2094 : vector<16xi32>
        %min3A_2096 = arith.constant 511 : i32
        %min3A_2097 = vector.broadcast %min3A_2096 : i32 to vector<16xi32>
        %min3A_2098 = arith.minsi %max3A_2095, %min3A_2097 : vector<16xi32>
        %add3A_2099 = vector.broadcast %mul3A_34 : i32 to vector<16xi32>
        %add3A_2100 = arith.addi %min3A_2098, %add3A_2099 : vector<16xi32>
        %swap3A_2101 = arith.constant 0 : i32
        %swap3A_2102 = arith.index_cast %swap3A_2101 : i32 to index
        %swap3A_2103 = arith.constant 400 : index
        %swap3A_2104 = tpu.vector_load %arg6[%swap3A_2102, %swap3A_2103] {strides = array<i32>} : memref<2x512xi32, #tpu.memory_space<vmem>>, vector<1x16xi32>,
        %swap3A_2105 = vector.shape_cast %swap3A_2104 : vector<1x16xi32> to vector<16xi32>
        %swap3A_2106 = vector.shape_cast %add3A_2100 : vector<16xi32> to vector<1x16xi32>
        tpu.vector_store %arg6[%swap3A_2102, %swap3A_2103], %swap3A_2106 {strides = array<i32>} : memref<2x512xi32, #tpu.memory_space<vmem>>, vector<1x16xi32>,
        %get3A_2107 = arith.constant 0 : i32
        %get3A_2108 = arith.index_cast %get3A_2107 : i32 to index
        %get3A_2109 = arith.constant 416 : index
        %get3A_2110 = tpu.vector_load %arg6[%get3A_2108, %get3A_2109] {strides = array<i32>} : memref<2x512xi32, #tpu.memory_space<vmem>>, vector<1x16xi32>,
        %get3A_2111 = vector.shape_cast %get3A_2110 : vector<1x16xi32> to vector<16xi32>
        %max3A_2112 = arith.constant 0 : i32
        %max3A_2113 = vector.broadcast %max3A_2112 : i32 to vector<16xi32>
        %max3A_2114 = arith.maxsi %get3A_2111, %max3A_2113 : vector<16xi32>
        %min3A_2115 = arith.constant 511 : i32
        %min3A_2116 = vector.broadcast %min3A_2115 : i32 to vector<16xi32>
        %min3A_2117 = arith.minsi %max3A_2114, %min3A_2116 : vector<16xi32>
        %add3A_2118 = vector.broadcast %mul3A_34 : i32 to vector<16xi32>
        %add3A_2119 = arith.addi %min3A_2117, %add3A_2118 : vector<16xi32>
        %swap3A_2120 = arith.constant 0 : i32
        %swap3A_2121 = arith.index_cast %swap3A_2120 : i32 to index
        %swap3A_2122 = arith.constant 416 : index
        %swap3A_2123 = tpu.vector_load %arg6[%swap3A_2121, %swap3A_2122] {strides = array<i32>} : memref<2x512xi32, #tpu.memory_space<vmem>>, vector<1x16xi32>,
        %swap3A_2124 = vector.shape_cast %swap3A_2123 : vector<1x16xi32> to vector<16xi32>
        %swap3A_2125 = vector.shape_cast %add3A_2119 : vector<16xi32> to vector<1x16xi32>
        tpu.vector_store %arg6[%swap3A_2121, %swap3A_2122], %swap3A_2125 {strides = array<i32>} : memref<2x512xi32, #tpu.memory_space<vmem>>, vector<1x16xi32>,
        %get3A_2126 = arith.constant 0 : i32
        %get3A_2127 = arith.index_cast %get3A_2126 : i32 to index
        %get3A_2128 = arith.constant 432 : index
        %get3A_2129 = tpu.vector_load %arg6[%get3A_2127, %get3A_2128] {strides = array<i32>} : memref<2x512xi32, #tpu.memory_space<vmem>>, vector<1x16xi32>,
        %get3A_2130 = vector.shape_cast %get3A_2129 : vector<1x16xi32> to vector<16xi32>
        %max3A_2131 = arith.constant 0 : i32
        %max3A_2132 = vector.broadcast %max3A_2131 : i32 to vector<16xi32>
        %max3A_2133 = arith.maxsi %get3A_2130, %max3A_2132 : vector<16xi32>
        %min3A_2134 = arith.constant 511 : i32
        %min3A_2135 = vector.broadcast %min3A_2134 : i32 to vector<16xi32>
        %min3A_2136 = arith.minsi %max3A_2133, %min3A_2135 : vector<16xi32>
        %add3A_2137 = vector.broadcast %mul3A_34 : i32 to vector<16xi32>
        %add3A_2138 = arith.addi %min3A_2136, %add3A_2137 : vector<16xi32>
        %swap3A_2139 = arith.constant 0 : i32
        %swap3A_2140 = arith.index_cast %swap3A_2139 : i32 to index
        %swap3A_2141 = arith.constant 432 : index
        %swap3A_2142 = tpu.vector_load %arg6[%swap3A_2140, %swap3A_2141] {strides = array<i32>} : memref<2x512xi32, #tpu.memory_space<vmem>>, vector<1x16xi32>,
        %swap3A_2143 = vector.shape_cast %swap3A_2142 : vector<1x16xi32> to vector<16xi32>
        %swap3A_2144 = vector.shape_cast %add3A_2138 : vector<16xi32> to vector<1x16xi32>
        tpu.vector_store %arg6[%swap3A_2140, %swap3A_2141], %swap3A_2144 {strides = array<i32>} : memref<2x512xi32, #tpu.memory_space<vmem>>, vector<1x16xi32>,
        %get3A_2145 = arith.constant 0 : i32
        %get3A_2146 = arith.index_cast %get3A_2145 : i32 to index
        %get3A_2147 = arith.constant 448 : index
        %get3A_2148 = tpu.vector_load %arg6[%get3A_2146, %get3A_2147] {strides = array<i32>} : memref<2x512xi32, #tpu.memory_space<vmem>>, vector<1x16xi32>,
        %get3A_2149 = vector.shape_cast %get3A_2148 : vector<1x16xi32> to vector<16xi32>
        %max3A_2150 = arith.constant 0 : i32
        %max3A_2151 = vector.broadcast %max3A_2150 : i32 to vector<16xi32>
        %max3A_2152 = arith.maxsi %get3A_2149, %max3A_2151 : vector<16xi32>
        %min3A_2153 = arith.constant 511 : i32
        %min3A_2154 = vector.broadcast %min3A_2153 : i32 to vector<16xi32>
        %min3A_2155 = arith.minsi %max3A_2152, %min3A_2154 : vector<16xi32>
        %add3A_2156 = vector.broadcast %mul3A_34 : i32 to vector<16xi32>
        %add3A_2157 = arith.addi %min3A_2155, %add3A_2156 : vector<16xi32>
        %swap3A_2158 = arith.constant 0 : i32
        %swap3A_2159 = arith.index_cast %swap3A_2158 : i32 to index
        %swap3A_2160 = arith.constant 448 : index
        %swap3A_2161 = tpu.vector_load %arg6[%swap3A_2159, %swap3A_2160] {strides = array<i32>} : memref<2x512xi32, #tpu.memory_space<vmem>>, vector<1x16xi32>,
        %swap3A_2162 = vector.shape_cast %swap3A_2161 : vector<1x16xi32> to vector<16xi32>
        %swap3A_2163 = vector.shape_cast %add3A_2157 : vector<16xi32> to vector<1x16xi32>
        tpu.vector_store %arg6[%swap3A_2159, %swap3A_2160], %swap3A_2163 {strides = array<i32>} : memref<2x512xi32, #tpu.memory_space<vmem>>, vector<1x16xi32>,
        %get3A_2164 = arith.constant 0 : i32
        %get3A_2165 = arith.index_cast %get3A_2164 : i32 to index
        %get3A_2166 = arith.constant 464 : index
        %get3A_2167 = tpu.vector_load %arg6[%get3A_2165, %get3A_2166] {strides = array<i32>} : memref<2x512xi32, #tpu.memory_space<vmem>>, vector<1x16xi32>,
        %get3A_2168 = vector.shape_cast %get3A_2167 : vector<1x16xi32> to vector<16xi32>
        %max3A_2169 = arith.constant 0 : i32
        %max3A_2170 = vector.broadcast %max3A_2169 : i32 to vector<16xi32>
        %max3A_2171 = arith.maxsi %get3A_2168, %max3A_2170 : vector<16xi32>
        %min3A_2172 = arith.constant 511 : i32
        %min3A_2173 = vector.broadcast %min3A_2172 : i32 to vector<16xi32>
        %min3A_2174 = arith.minsi %max3A_2171, %min3A_2173 : vector<16xi32>
        %add3A_2175 = vector.broadcast %mul3A_34 : i32 to vector<16xi32>
        %add3A_2176 = arith.addi %min3A_2174, %add3A_2175 : vector<16xi32>
        %swap3A_2177 = arith.constant 0 : i32
        %swap3A_2178 = arith.index_cast %swap3A_2177 : i32 to index
        %swap3A_2179 = arith.constant 464 : index
        %swap3A_2180 = tpu.vector_load %arg6[%swap3A_2178, %swap3A_2179] {strides = array<i32>} : memref<2x512xi32, #tpu.memory_space<vmem>>, vector<1x16xi32>,
        %swap3A_2181 = vector.shape_cast %swap3A_2180 : vector<1x16xi32> to vector<16xi32>
        %swap3A_2182 = vector.shape_cast %add3A_2176 : vector<16xi32> to vector<1x16xi32>
        tpu.vector_store %arg6[%swap3A_2178, %swap3A_2179], %swap3A_2182 {strides = array<i32>} : memref<2x512xi32, #tpu.memory_space<vmem>>, vector<1x16xi32>,
        %get3A_2183 = arith.constant 0 : i32
        %get3A_2184 = arith.index_cast %get3A_2183 : i32 to index
        %get3A_2185 = arith.constant 480 : index
        %get3A_2186 = tpu.vector_load %arg6[%get3A_2184, %get3A_2185] {strides = array<i32>} : memref<2x512xi32, #tpu.memory_space<vmem>>, vector<1x16xi32>,
        %get3A_2187 = vector.shape_cast %get3A_2186 : vector<1x16xi32> to vector<16xi32>
        %max3A_2188 = arith.constant 0 : i32
        %max3A_2189 = vector.broadcast %max3A_2188 : i32 to vector<16xi32>
        %max3A_2190 = arith.maxsi %get3A_2187, %max3A_2189 : vector<16xi32>
        %min3A_2191 = arith.constant 511 : i32
        %min3A_2192 = vector.broadcast %min3A_2191 : i32 to vector<16xi32>
        %min3A_2193 = arith.minsi %max3A_2190, %min3A_2192 : vector<16xi32>
        %add3A_2194 = vector.broadcast %mul3A_34 : i32 to vector<16xi32>
        %add3A_2195 = arith.addi %min3A_2193, %add3A_2194 : vector<16xi32>
        %swap3A_2196 = arith.constant 0 : i32
        %swap3A_2197 = arith.index_cast %swap3A_2196 : i32 to index
        %swap3A_2198 = arith.constant 480 : index
        %swap3A_2199 = tpu.vector_load %arg6[%swap3A_2197, %swap3A_2198] {strides = array<i32>} : memref<2x512xi32, #tpu.memory_space<vmem>>, vector<1x16xi32>,
        %swap3A_2200 = vector.shape_cast %swap3A_2199 : vector<1x16xi32> to vector<16xi32>
        %swap3A_2201 = vector.shape_cast %add3A_2195 : vector<16xi32> to vector<1x16xi32>
        tpu.vector_store %arg6[%swap3A_2197, %swap3A_2198], %swap3A_2201 {strides = array<i32>} : memref<2x512xi32, #tpu.memory_space<vmem>>, vector<1x16xi32>,
        %get3A_2202 = arith.constant 0 : i32
        %get3A_2203 = arith.index_cast %get3A_2202 : i32 to index
        %get3A_2204 = arith.constant 496 : index
        %get3A_2205 = tpu.vector_load %arg6[%get3A_2203, %get3A_2204] {strides = array<i32>} : memref<2x512xi32, #tpu.memory_space<vmem>>, vector<1x16xi32>,
        %get3A_2206 = vector.shape_cast %get3A_2205 : vector<1x16xi32> to vector<16xi32>
        %max3A_2207 = arith.constant 0 : i32
        %max3A_2208 = vector.broadcast %max3A_2207 : i32 to vector<16xi32>
        %max3A_2209 = arith.maxsi %get3A_2206, %max3A_2208 : vector<16xi32>
        %min3A_2210 = arith.constant 511 : i32
        %min3A_2211 = vector.broadcast %min3A_2210 : i32 to vector<16xi32>
        %min3A_2212 = arith.minsi %max3A_2209, %min3A_2211 : vector<16xi32>
        %add3A_2213 = vector.broadcast %mul3A_34 : i32 to vector<16xi32>
        %add3A_2214 = arith.addi %min3A_2212, %add3A_2213 : vector<16xi32>
        %swap3A_2215 = arith.constant 0 : i32
        %swap3A_2216 = arith.index_cast %swap3A_2215 : i32 to index
        %swap3A_2217 = arith.constant 496 : index
        %swap3A_2218 = tpu.vector_load %arg6[%swap3A_2216, %swap3A_2217] {strides = array<i32>} : memref<2x512xi32, #tpu.memory_space<vmem>>, vector<1x16xi32>,
        %swap3A_2219 = vector.shape_cast %swap3A_2218 : vector<1x16xi32> to vector<16xi32>
        %swap3A_2220 = vector.shape_cast %add3A_2214 : vector<16xi32> to vector<1x16xi32>
        tpu.vector_store %arg6[%swap3A_2216, %swap3A_2217], %swap3A_2220 {strides = array<i32>} : memref<2x512xi32, #tpu.memory_space<vmem>>, vector<1x16xi32>,
        %get3A_2221 = arith.constant 1 : i32
        %get3A_2222 = arith.index_cast %get3A_2221 : i32 to index
        %get3A_2223 = arith.constant 0 : index
        %get3A_2224 = tpu.vector_load %arg6[%get3A_2222, %get3A_2223] {strides = array<i32>} : memref<2x512xi32, #tpu.memory_space<vmem>>, vector<1x16xi32>,
        %get3A_2225 = vector.shape_cast %get3A_2224 : vector<1x16xi32> to vector<16xi32>
        %max3A_2226 = arith.constant 0 : i32
        %max3A_2227 = vector.broadcast %max3A_2226 : i32 to vector<16xi32>
        %max3A_2228 = arith.maxsi %get3A_2225, %max3A_2227 : vector<16xi32>
        %min3A_2229 = arith.constant 511 : i32
        %min3A_2230 = vector.broadcast %min3A_2229 : i32 to vector<16xi32>
        %min3A_2231 = arith.minsi %max3A_2228, %min3A_2230 : vector<16xi32>
        %add3A_2232 = vector.broadcast %mul3A_34 : i32 to vector<16xi32>
        %add3A_2233 = arith.addi %min3A_2231, %add3A_2232 : vector<16xi32>
        %swap3A_2234 = arith.constant 1 : i32
        %swap3A_2235 = arith.index_cast %swap3A_2234 : i32 to index
        %swap3A_2236 = arith.constant 0 : index
        %swap3A_2237 = tpu.vector_load %arg6[%swap3A_2235, %swap3A_2236] {strides = array<i32>} : memref<2x512xi32, #tpu.memory_space<vmem>>, vector<1x16xi32>,
        %swap3A_2238 = vector.shape_cast %swap3A_2237 : vector<1x16xi32> to vector<16xi32>
        %swap3A_2239 = vector.shape_cast %add3A_2233 : vector<16xi32> to vector<1x16xi32>
        tpu.vector_store %arg6[%swap3A_2235, %swap3A_2236], %swap3A_2239 {strides = array<i32>} : memref<2x512xi32, #tpu.memory_space<vmem>>, vector<1x16xi32>,
        %get3A_2240 = arith.constant 1 : i32
        %get3A_2241 = arith.index_cast %get3A_2240 : i32 to index
        %get3A_2242 = arith.constant 16 : index
        %get3A_2243 = tpu.vector_load %arg6[%get3A_2241, %get3A_2242] {strides = array<i32>} : memref<2x512xi32, #tpu.memory_space<vmem>>, vector<1x16xi32>,
        %get3A_2244 = vector.shape_cast %get3A_2243 : vector<1x16xi32> to vector<16xi32>
        %max3A_2245 = arith.constant 0 : i32
        %max3A_2246 = vector.broadcast %max3A_2245 : i32 to vector<16xi32>
        %max3A_2247 = arith.maxsi %get3A_2244, %max3A_2246 : vector<16xi32>
        %min3A_2248 = arith.constant 511 : i32
        %min3A_2249 = vector.broadcast %min3A_2248 : i32 to vector<16xi32>
        %min3A_2250 = arith.minsi %max3A_2247, %min3A_2249 : vector<16xi32>
        %add3A_2251 = vector.broadcast %mul3A_34 : i32 to vector<16xi32>
        %add3A_2252 = arith.addi %min3A_2250, %add3A_2251 : vector<16xi32>
        %swap3A_2253 = arith.constant 1 : i32
        %swap3A_2254 = arith.index_cast %swap3A_2253 : i32 to index
        %swap3A_2255 = arith.constant 16 : index
        %swap3A_2256 = tpu.vector_load %arg6[%swap3A_2254, %swap3A_2255] {strides = array<i32>} : memref<2x512xi32, #tpu.memory_space<vmem>>, vector<1x16xi32>,
        %swap3A_2257 = vector.shape_cast %swap3A_2256 : vector<1x16xi32> to vector<16xi32>
        %swap3A_2258 = vector.shape_cast %add3A_2252 : vector<16xi32> to vector<1x16xi32>
        tpu.vector_store %arg6[%swap3A_2254, %swap3A_2255], %swap3A_2258 {strides = array<i32>} : memref<2x512xi32, #tpu.memory_space<vmem>>, vector<1x16xi32>,
        %get3A_2259 = arith.constant 1 : i32
        %get3A_2260 = arith.index_cast %get3A_2259 : i32 to index
        %get3A_2261 = arith.constant 32 : index
        %get3A_2262 = tpu.vector_load %arg6[%get3A_2260, %get3A_2261] {strides = array<i32>} : memref<2x512xi32, #tpu.memory_space<vmem>>, vector<1x16xi32>,
        %get3A_2263 = vector.shape_cast %get3A_2262 : vector<1x16xi32> to vector<16xi32>
        %max3A_2264 = arith.constant 0 : i32
        %max3A_2265 = vector.broadcast %max3A_2264 : i32 to vector<16xi32>
        %max3A_2266 = arith.maxsi %get3A_2263, %max3A_2265 : vector<16xi32>
        %min3A_2267 = arith.constant 511 : i32
        %min3A_2268 = vector.broadcast %min3A_2267 : i32 to vector<16xi32>
        %min3A_2269 = arith.minsi %max3A_2266, %min3A_2268 : vector<16xi32>
        %add3A_2270 = vector.broadcast %mul3A_34 : i32 to vector<16xi32>
        %add3A_2271 = arith.addi %min3A_2269, %add3A_2270 : vector<16xi32>
        %swap3A_2272 = arith.constant 1 : i32
        %swap3A_2273 = arith.index_cast %swap3A_2272 : i32 to index
        %swap3A_2274 = arith.constant 32 : index
        %swap3A_2275 = tpu.vector_load %arg6[%swap3A_2273, %swap3A_2274] {strides = array<i32>} : memref<2x512xi32, #tpu.memory_space<vmem>>, vector<1x16xi32>,
        %swap3A_2276 = vector.shape_cast %swap3A_2275 : vector<1x16xi32> to vector<16xi32>
        %swap3A_2277 = vector.shape_cast %add3A_2271 : vector<16xi32> to vector<1x16xi32>
        tpu.vector_store %arg6[%swap3A_2273, %swap3A_2274], %swap3A_2277 {strides = array<i32>} : memref<2x512xi32, #tpu.memory_space<vmem>>, vector<1x16xi32>,
        %get3A_2278 = arith.constant 1 : i32
        %get3A_2279 = arith.index_cast %get3A_2278 : i32 to index
        %get3A_2280 = arith.constant 48 : index
        %get3A_2281 = tpu.vector_load %arg6[%get3A_2279, %get3A_2280] {strides = array<i32>} : memref<2x512xi32, #tpu.memory_space<vmem>>, vector<1x16xi32>,
        %get3A_2282 = vector.shape_cast %get3A_2281 : vector<1x16xi32> to vector<16xi32>
        %max3A_2283 = arith.constant 0 : i32
        %max3A_2284 = vector.broadcast %max3A_2283 : i32 to vector<16xi32>
        %max3A_2285 = arith.maxsi %get3A_2282, %max3A_2284 : vector<16xi32>
        %min3A_2286 = arith.constant 511 : i32
        %min3A_2287 = vector.broadcast %min3A_2286 : i32 to vector<16xi32>
        %min3A_2288 = arith.minsi %max3A_2285, %min3A_2287 : vector<16xi32>
        %add3A_2289 = vector.broadcast %mul3A_34 : i32 to vector<16xi32>
        %add3A_2290 = arith.addi %min3A_2288, %add3A_2289 : vector<16xi32>
        %swap3A_2291 = arith.constant 1 : i32
        %swap3A_2292 = arith.index_cast %swap3A_2291 : i32 to index
        %swap3A_2293 = arith.constant 48 : index
        %swap3A_2294 = tpu.vector_load %arg6[%swap3A_2292, %swap3A_2293] {strides = array<i32>} : memref<2x512xi32, #tpu.memory_space<vmem>>, vector<1x16xi32>,
        %swap3A_2295 = vector.shape_cast %swap3A_2294 : vector<1x16xi32> to vector<16xi32>
        %swap3A_2296 = vector.shape_cast %add3A_2290 : vector<16xi32> to vector<1x16xi32>
        tpu.vector_store %arg6[%swap3A_2292, %swap3A_2293], %swap3A_2296 {strides = array<i32>} : memref<2x512xi32, #tpu.memory_space<vmem>>, vector<1x16xi32>,
        %get3A_2297 = arith.constant 1 : i32
        %get3A_2298 = arith.index_cast %get3A_2297 : i32 to index
        %get3A_2299 = arith.constant 64 : index
        %get3A_2300 = tpu.vector_load %arg6[%get3A_2298, %get3A_2299] {strides = array<i32>} : memref<2x512xi32, #tpu.memory_space<vmem>>, vector<1x16xi32>,
        %get3A_2301 = vector.shape_cast %get3A_2300 : vector<1x16xi32> to vector<16xi32>
        %max3A_2302 = arith.constant 0 : i32
        %max3A_2303 = vector.broadcast %max3A_2302 : i32 to vector<16xi32>
        %max3A_2304 = arith.maxsi %get3A_2301, %max3A_2303 : vector<16xi32>
        %min3A_2305 = arith.constant 511 : i32
        %min3A_2306 = vector.broadcast %min3A_2305 : i32 to vector<16xi32>
        %min3A_2307 = arith.minsi %max3A_2304, %min3A_2306 : vector<16xi32>
        %add3A_2308 = vector.broadcast %mul3A_34 : i32 to vector<16xi32>
        %add3A_2309 = arith.addi %min3A_2307, %add3A_2308 : vector<16xi32>
        %swap3A_2310 = arith.constant 1 : i32
        %swap3A_2311 = arith.index_cast %swap3A_2310 : i32 to index
        %swap3A_2312 = arith.constant 64 : index
        %swap3A_2313 = tpu.vector_load %arg6[%swap3A_2311, %swap3A_2312] {strides = array<i32>} : memref<2x512xi32, #tpu.memory_space<vmem>>, vector<1x16xi32>,
        %swap3A_2314 = vector.shape_cast %swap3A_2313 : vector<1x16xi32> to vector<16xi32>
        %swap3A_2315 = vector.shape_cast %add3A_2309 : vector<16xi32> to vector<1x16xi32>
        tpu.vector_store %arg6[%swap3A_2311, %swap3A_2312], %swap3A_2315 {strides = array<i32>} : memref<2x512xi32, #tpu.memory_space<vmem>>, vector<1x16xi32>,
        %get3A_2316 = arith.constant 1 : i32
        %get3A_2317 = arith.index_cast %get3A_2316 : i32 to index
        %get3A_2318 = arith.constant 80 : index
        %get3A_2319 = tpu.vector_load %arg6[%get3A_2317, %get3A_2318] {strides = array<i32>} : memref<2x512xi32, #tpu.memory_space<vmem>>, vector<1x16xi32>,
        %get3A_2320 = vector.shape_cast %get3A_2319 : vector<1x16xi32> to vector<16xi32>
        %max3A_2321 = arith.constant 0 : i32
        %max3A_2322 = vector.broadcast %max3A_2321 : i32 to vector<16xi32>
        %max3A_2323 = arith.maxsi %get3A_2320, %max3A_2322 : vector<16xi32>
        %min3A_2324 = arith.constant 511 : i32
        %min3A_2325 = vector.broadcast %min3A_2324 : i32 to vector<16xi32>
        %min3A_2326 = arith.minsi %max3A_2323, %min3A_2325 : vector<16xi32>
        %add3A_2327 = vector.broadcast %mul3A_34 : i32 to vector<16xi32>
        %add3A_2328 = arith.addi %min3A_2326, %add3A_2327 : vector<16xi32>
        %swap3A_2329 = arith.constant 1 : i32
        %swap3A_2330 = arith.index_cast %swap3A_2329 : i32 to index
        %swap3A_2331 = arith.constant 80 : index
        %swap3A_2332 = tpu.vector_load %arg6[%swap3A_2330, %swap3A_2331] {strides = array<i32>} : memref<2x512xi32, #tpu.memory_space<vmem>>, vector<1x16xi32>,
        %swap3A_2333 = vector.shape_cast %swap3A_2332 : vector<1x16xi32> to vector<16xi32>
        %swap3A_2334 = vector.shape_cast %add3A_2328 : vector<16xi32> to vector<1x16xi32>
        tpu.vector_store %arg6[%swap3A_2330, %swap3A_2331], %swap3A_2334 {strides = array<i32>} : memref<2x512xi32, #tpu.memory_space<vmem>>, vector<1x16xi32>,
        %get3A_2335 = arith.constant 1 : i32
        %get3A_2336 = arith.index_cast %get3A_2335 : i32 to index
        %get3A_2337 = arith.constant 96 : index
        %get3A_2338 = tpu.vector_load %arg6[%get3A_2336, %get3A_2337] {strides = array<i32>} : memref<2x512xi32, #tpu.memory_space<vmem>>, vector<1x16xi32>,
        %get3A_2339 = vector.shape_cast %get3A_2338 : vector<1x16xi32> to vector<16xi32>
        %max3A_2340 = arith.constant 0 : i32
        %max3A_2341 = vector.broadcast %max3A_2340 : i32 to vector<16xi32>
        %max3A_2342 = arith.maxsi %get3A_2339, %max3A_2341 : vector<16xi32>
        %min3A_2343 = arith.constant 511 : i32
        %min3A_2344 = vector.broadcast %min3A_2343 : i32 to vector<16xi32>
        %min3A_2345 = arith.minsi %max3A_2342, %min3A_2344 : vector<16xi32>
        %add3A_2346 = vector.broadcast %mul3A_34 : i32 to vector<16xi32>
        %add3A_2347 = arith.addi %min3A_2345, %add3A_2346 : vector<16xi32>
        %swap3A_2348 = arith.constant 1 : i32
        %swap3A_2349 = arith.index_cast %swap3A_2348 : i32 to index
        %swap3A_2350 = arith.constant 96 : index
        %swap3A_2351 = tpu.vector_load %arg6[%swap3A_2349, %swap3A_2350] {strides = array<i32>} : memref<2x512xi32, #tpu.memory_space<vmem>>, vector<1x16xi32>,
        %swap3A_2352 = vector.shape_cast %swap3A_2351 : vector<1x16xi32> to vector<16xi32>
        %swap3A_2353 = vector.shape_cast %add3A_2347 : vector<16xi32> to vector<1x16xi32>
        tpu.vector_store %arg6[%swap3A_2349, %swap3A_2350], %swap3A_2353 {strides = array<i32>} : memref<2x512xi32, #tpu.memory_space<vmem>>, vector<1x16xi32>,
        %get3A_2354 = arith.constant 1 : i32
        %get3A_2355 = arith.index_cast %get3A_2354 : i32 to index
        %get3A_2356 = arith.constant 112 : index
        %get3A_2357 = tpu.vector_load %arg6[%get3A_2355, %get3A_2356] {strides = array<i32>} : memref<2x512xi32, #tpu.memory_space<vmem>>, vector<1x16xi32>,
        %get3A_2358 = vector.shape_cast %get3A_2357 : vector<1x16xi32> to vector<16xi32>
        %max3A_2359 = arith.constant 0 : i32
        %max3A_2360 = vector.broadcast %max3A_2359 : i32 to vector<16xi32>
        %max3A_2361 = arith.maxsi %get3A_2358, %max3A_2360 : vector<16xi32>
        %min3A_2362 = arith.constant 511 : i32
        %min3A_2363 = vector.broadcast %min3A_2362 : i32 to vector<16xi32>
        %min3A_2364 = arith.minsi %max3A_2361, %min3A_2363 : vector<16xi32>
        %add3A_2365 = vector.broadcast %mul3A_34 : i32 to vector<16xi32>
        %add3A_2366 = arith.addi %min3A_2364, %add3A_2365 : vector<16xi32>
        %swap3A_2367 = arith.constant 1 : i32
        %swap3A_2368 = arith.index_cast %swap3A_2367 : i32 to index
        %swap3A_2369 = arith.constant 112 : index
        %swap3A_2370 = tpu.vector_load %arg6[%swap3A_2368, %swap3A_2369] {strides = array<i32>} : memref<2x512xi32, #tpu.memory_space<vmem>>, vector<1x16xi32>,
        %swap3A_2371 = vector.shape_cast %swap3A_2370 : vector<1x16xi32> to vector<16xi32>
        %swap3A_2372 = vector.shape_cast %add3A_2366 : vector<16xi32> to vector<1x16xi32>
        tpu.vector_store %arg6[%swap3A_2368, %swap3A_2369], %swap3A_2372 {strides = array<i32>} : memref<2x512xi32, #tpu.memory_space<vmem>>, vector<1x16xi32>,
        %get3A_2373 = arith.constant 1 : i32
        %get3A_2374 = arith.index_cast %get3A_2373 : i32 to index
        %get3A_2375 = arith.constant 128 : index
        %get3A_2376 = tpu.vector_load %arg6[%get3A_2374, %get3A_2375] {strides = array<i32>} : memref<2x512xi32, #tpu.memory_space<vmem>>, vector<1x16xi32>,
        %get3A_2377 = vector.shape_cast %get3A_2376 : vector<1x16xi32> to vector<16xi32>
        %max3A_2378 = arith.constant 0 : i32
        %max3A_2379 = vector.broadcast %max3A_2378 : i32 to vector<16xi32>
        %max3A_2380 = arith.maxsi %get3A_2377, %max3A_2379 : vector<16xi32>
        %min3A_2381 = arith.constant 511 : i32
        %min3A_2382 = vector.broadcast %min3A_2381 : i32 to vector<16xi32>
        %min3A_2383 = arith.minsi %max3A_2380, %min3A_2382 : vector<16xi32>
        %add3A_2384 = vector.broadcast %mul3A_34 : i32 to vector<16xi32>
        %add3A_2385 = arith.addi %min3A_2383, %add3A_2384 : vector<16xi32>
        %swap3A_2386 = arith.constant 1 : i32
        %swap3A_2387 = arith.index_cast %swap3A_2386 : i32 to index
        %swap3A_2388 = arith.constant 128 : index
        %swap3A_2389 = tpu.vector_load %arg6[%swap3A_2387, %swap3A_2388] {strides = array<i32>} : memref<2x512xi32, #tpu.memory_space<vmem>>, vector<1x16xi32>,
        %swap3A_2390 = vector.shape_cast %swap3A_2389 : vector<1x16xi32> to vector<16xi32>
        %swap3A_2391 = vector.shape_cast %add3A_2385 : vector<16xi32> to vector<1x16xi32>
        tpu.vector_store %arg6[%swap3A_2387, %swap3A_2388], %swap3A_2391 {strides = array<i32>} : memref<2x512xi32, #tpu.memory_space<vmem>>, vector<1x16xi32>,
        %get3A_2392 = arith.constant 1 : i32
        %get3A_2393 = arith.index_cast %get3A_2392 : i32 to index
        %get3A_2394 = arith.constant 144 : index
        %get3A_2395 = tpu.vector_load %arg6[%get3A_2393, %get3A_2394] {strides = array<i32>} : memref<2x512xi32, #tpu.memory_space<vmem>>, vector<1x16xi32>,
        %get3A_2396 = vector.shape_cast %get3A_2395 : vector<1x16xi32> to vector<16xi32>
        %max3A_2397 = arith.constant 0 : i32
        %max3A_2398 = vector.broadcast %max3A_2397 : i32 to vector<16xi32>
        %max3A_2399 = arith.maxsi %get3A_2396, %max3A_2398 : vector<16xi32>
        %min3A_2400 = arith.constant 511 : i32
        %min3A_2401 = vector.broadcast %min3A_2400 : i32 to vector<16xi32>
        %min3A_2402 = arith.minsi %max3A_2399, %min3A_2401 : vector<16xi32>
        %add3A_2403 = vector.broadcast %mul3A_34 : i32 to vector<16xi32>
        %add3A_2404 = arith.addi %min3A_2402, %add3A_2403 : vector<16xi32>
        %swap3A_2405 = arith.constant 1 : i32
        %swap3A_2406 = arith.index_cast %swap3A_2405 : i32 to index
        %swap3A_2407 = arith.constant 144 : index
        %swap3A_2408 = tpu.vector_load %arg6[%swap3A_2406, %swap3A_2407] {strides = array<i32>} : memref<2x512xi32, #tpu.memory_space<vmem>>, vector<1x16xi32>,
        %swap3A_2409 = vector.shape_cast %swap3A_2408 : vector<1x16xi32> to vector<16xi32>
        %swap3A_2410 = vector.shape_cast %add3A_2404 : vector<16xi32> to vector<1x16xi32>
        tpu.vector_store %arg6[%swap3A_2406, %swap3A_2407], %swap3A_2410 {strides = array<i32>} : memref<2x512xi32, #tpu.memory_space<vmem>>, vector<1x16xi32>,
        %get3A_2411 = arith.constant 1 : i32
        %get3A_2412 = arith.index_cast %get3A_2411 : i32 to index
        %get3A_2413 = arith.constant 160 : index
        %get3A_2414 = tpu.vector_load %arg6[%get3A_2412, %get3A_2413] {strides = array<i32>} : memref<2x512xi32, #tpu.memory_space<vmem>>, vector<1x16xi32>,
        %get3A_2415 = vector.shape_cast %get3A_2414 : vector<1x16xi32> to vector<16xi32>
        %max3A_2416 = arith.constant 0 : i32
        %max3A_2417 = vector.broadcast %max3A_2416 : i32 to vector<16xi32>
        %max3A_2418 = arith.maxsi %get3A_2415, %max3A_2417 : vector<16xi32>
        %min3A_2419 = arith.constant 511 : i32
        %min3A_2420 = vector.broadcast %min3A_2419 : i32 to vector<16xi32>
        %min3A_2421 = arith.minsi %max3A_2418, %min3A_2420 : vector<16xi32>
        %add3A_2422 = vector.broadcast %mul3A_34 : i32 to vector<16xi32>
        %add3A_2423 = arith.addi %min3A_2421, %add3A_2422 : vector<16xi32>
        %swap3A_2424 = arith.constant 1 : i32
        %swap3A_2425 = arith.index_cast %swap3A_2424 : i32 to index
        %swap3A_2426 = arith.constant 160 : index
        %swap3A_2427 = tpu.vector_load %arg6[%swap3A_2425, %swap3A_2426] {strides = array<i32>} : memref<2x512xi32, #tpu.memory_space<vmem>>, vector<1x16xi32>,
        %swap3A_2428 = vector.shape_cast %swap3A_2427 : vector<1x16xi32> to vector<16xi32>
        %swap3A_2429 = vector.shape_cast %add3A_2423 : vector<16xi32> to vector<1x16xi32>
        tpu.vector_store %arg6[%swap3A_2425, %swap3A_2426], %swap3A_2429 {strides = array<i32>} : memref<2x512xi32, #tpu.memory_space<vmem>>, vector<1x16xi32>,
        %get3A_2430 = arith.constant 1 : i32
        %get3A_2431 = arith.index_cast %get3A_2430 : i32 to index
        %get3A_2432 = arith.constant 176 : index
        %get3A_2433 = tpu.vector_load %arg6[%get3A_2431, %get3A_2432] {strides = array<i32>} : memref<2x512xi32, #tpu.memory_space<vmem>>, vector<1x16xi32>,
        %get3A_2434 = vector.shape_cast %get3A_2433 : vector<1x16xi32> to vector<16xi32>
        %max3A_2435 = arith.constant 0 : i32
        %max3A_2436 = vector.broadcast %max3A_2435 : i32 to vector<16xi32>
        %max3A_2437 = arith.maxsi %get3A_2434, %max3A_2436 : vector<16xi32>
        %min3A_2438 = arith.constant 511 : i32
        %min3A_2439 = vector.broadcast %min3A_2438 : i32 to vector<16xi32>
        %min3A_2440 = arith.minsi %max3A_2437, %min3A_2439 : vector<16xi32>
        %add3A_2441 = vector.broadcast %mul3A_34 : i32 to vector<16xi32>
        %add3A_2442 = arith.addi %min3A_2440, %add3A_2441 : vector<16xi32>
        %swap3A_2443 = arith.constant 1 : i32
        %swap3A_2444 = arith.index_cast %swap3A_2443 : i32 to index
        %swap3A_2445 = arith.constant 176 : index
        %swap3A_2446 = tpu.vector_load %arg6[%swap3A_2444, %swap3A_2445] {strides = array<i32>} : memref<2x512xi32, #tpu.memory_space<vmem>>, vector<1x16xi32>,
        %swap3A_2447 = vector.shape_cast %swap3A_2446 : vector<1x16xi32> to vector<16xi32>
        %swap3A_2448 = vector.shape_cast %add3A_2442 : vector<16xi32> to vector<1x16xi32>
        tpu.vector_store %arg6[%swap3A_2444, %swap3A_2445], %swap3A_2448 {strides = array<i32>} : memref<2x512xi32, #tpu.memory_space<vmem>>, vector<1x16xi32>,
        %get3A_2449 = arith.constant 1 : i32
        %get3A_2450 = arith.index_cast %get3A_2449 : i32 to index
        %get3A_2451 = arith.constant 192 : index
        %get3A_2452 = tpu.vector_load %arg6[%get3A_2450, %get3A_2451] {strides = array<i32>} : memref<2x512xi32, #tpu.memory_space<vmem>>, vector<1x16xi32>,
        %get3A_2453 = vector.shape_cast %get3A_2452 : vector<1x16xi32> to vector<16xi32>
        %max3A_2454 = arith.constant 0 : i32
        %max3A_2455 = vector.broadcast %max3A_2454 : i32 to vector<16xi32>
        %max3A_2456 = arith.maxsi %get3A_2453, %max3A_2455 : vector<16xi32>
        %min3A_2457 = arith.constant 511 : i32
        %min3A_2458 = vector.broadcast %min3A_2457 : i32 to vector<16xi32>
        %min3A_2459 = arith.minsi %max3A_2456, %min3A_2458 : vector<16xi32>
        %add3A_2460 = vector.broadcast %mul3A_34 : i32 to vector<16xi32>
        %add3A_2461 = arith.addi %min3A_2459, %add3A_2460 : vector<16xi32>
        %swap3A_2462 = arith.constant 1 : i32
        %swap3A_2463 = arith.index_cast %swap3A_2462 : i32 to index
        %swap3A_2464 = arith.constant 192 : index
        %swap3A_2465 = tpu.vector_load %arg6[%swap3A_2463, %swap3A_2464] {strides = array<i32>} : memref<2x512xi32, #tpu.memory_space<vmem>>, vector<1x16xi32>,
        %swap3A_2466 = vector.shape_cast %swap3A_2465 : vector<1x16xi32> to vector<16xi32>
        %swap3A_2467 = vector.shape_cast %add3A_2461 : vector<16xi32> to vector<1x16xi32>
        tpu.vector_store %arg6[%swap3A_2463, %swap3A_2464], %swap3A_2467 {strides = array<i32>} : memref<2x512xi32, #tpu.memory_space<vmem>>, vector<1x16xi32>,
        %get3A_2468 = arith.constant 1 : i32
        %get3A_2469 = arith.index_cast %get3A_2468 : i32 to index
        %get3A_2470 = arith.constant 208 : index
        %get3A_2471 = tpu.vector_load %arg6[%get3A_2469, %get3A_2470] {strides = array<i32>} : memref<2x512xi32, #tpu.memory_space<vmem>>, vector<1x16xi32>,
        %get3A_2472 = vector.shape_cast %get3A_2471 : vector<1x16xi32> to vector<16xi32>
        %max3A_2473 = arith.constant 0 : i32
        %max3A_2474 = vector.broadcast %max3A_2473 : i32 to vector<16xi32>
        %max3A_2475 = arith.maxsi %get3A_2472, %max3A_2474 : vector<16xi32>
        %min3A_2476 = arith.constant 511 : i32
        %min3A_2477 = vector.broadcast %min3A_2476 : i32 to vector<16xi32>
        %min3A_2478 = arith.minsi %max3A_2475, %min3A_2477 : vector<16xi32>
        %add3A_2479 = vector.broadcast %mul3A_34 : i32 to vector<16xi32>
        %add3A_2480 = arith.addi %min3A_2478, %add3A_2479 : vector<16xi32>
        %swap3A_2481 = arith.constant 1 : i32
        %swap3A_2482 = arith.index_cast %swap3A_2481 : i32 to index
        %swap3A_2483 = arith.constant 208 : index
        %swap3A_2484 = tpu.vector_load %arg6[%swap3A_2482, %swap3A_2483] {strides = array<i32>} : memref<2x512xi32, #tpu.memory_space<vmem>>, vector<1x16xi32>,
        %swap3A_2485 = vector.shape_cast %swap3A_2484 : vector<1x16xi32> to vector<16xi32>
        %swap3A_2486 = vector.shape_cast %add3A_2480 : vector<16xi32> to vector<1x16xi32>
        tpu.vector_store %arg6[%swap3A_2482, %swap3A_2483], %swap3A_2486 {strides = array<i32>} : memref<2x512xi32, #tpu.memory_space<vmem>>, vector<1x16xi32>,
        %get3A_2487 = arith.constant 1 : i32
        %get3A_2488 = arith.index_cast %get3A_2487 : i32 to index
        %get3A_2489 = arith.constant 224 : index
        %get3A_2490 = tpu.vector_load %arg6[%get3A_2488, %get3A_2489] {strides = array<i32>} : memref<2x512xi32, #tpu.memory_space<vmem>>, vector<1x16xi32>,
        %get3A_2491 = vector.shape_cast %get3A_2490 : vector<1x16xi32> to vector<16xi32>
        %max3A_2492 = arith.constant 0 : i32
        %max3A_2493 = vector.broadcast %max3A_2492 : i32 to vector<16xi32>
        %max3A_2494 = arith.maxsi %get3A_2491, %max3A_2493 : vector<16xi32>
        %min3A_2495 = arith.constant 511 : i32
        %min3A_2496 = vector.broadcast %min3A_2495 : i32 to vector<16xi32>
        %min3A_2497 = arith.minsi %max3A_2494, %min3A_2496 : vector<16xi32>
        %add3A_2498 = vector.broadcast %mul3A_34 : i32 to vector<16xi32>
        %add3A_2499 = arith.addi %min3A_2497, %add3A_2498 : vector<16xi32>
        %swap3A_2500 = arith.constant 1 : i32
        %swap3A_2501 = arith.index_cast %swap3A_2500 : i32 to index
        %swap3A_2502 = arith.constant 224 : index
        %swap3A_2503 = tpu.vector_load %arg6[%swap3A_2501, %swap3A_2502] {strides = array<i32>} : memref<2x512xi32, #tpu.memory_space<vmem>>, vector<1x16xi32>,
        %swap3A_2504 = vector.shape_cast %swap3A_2503 : vector<1x16xi32> to vector<16xi32>
        %swap3A_2505 = vector.shape_cast %add3A_2499 : vector<16xi32> to vector<1x16xi32>
        tpu.vector_store %arg6[%swap3A_2501, %swap3A_2502], %swap3A_2505 {strides = array<i32>} : memref<2x512xi32, #tpu.memory_space<vmem>>, vector<1x16xi32>,
        %get3A_2506 = arith.constant 1 : i32
        %get3A_2507 = arith.index_cast %get3A_2506 : i32 to index
        %get3A_2508 = arith.constant 240 : index
        %get3A_2509 = tpu.vector_load %arg6[%get3A_2507, %get3A_2508] {strides = array<i32>} : memref<2x512xi32, #tpu.memory_space<vmem>>, vector<1x16xi32>,
        %get3A_2510 = vector.shape_cast %get3A_2509 : vector<1x16xi32> to vector<16xi32>
        %max3A_2511 = arith.constant 0 : i32
        %max3A_2512 = vector.broadcast %max3A_2511 : i32 to vector<16xi32>
        %max3A_2513 = arith.maxsi %get3A_2510, %max3A_2512 : vector<16xi32>
        %min3A_2514 = arith.constant 511 : i32
        %min3A_2515 = vector.broadcast %min3A_2514 : i32 to vector<16xi32>
        %min3A_2516 = arith.minsi %max3A_2513, %min3A_2515 : vector<16xi32>
        %add3A_2517 = vector.broadcast %mul3A_34 : i32 to vector<16xi32>
        %add3A_2518 = arith.addi %min3A_2516, %add3A_2517 : vector<16xi32>
        %swap3A_2519 = arith.constant 1 : i32
        %swap3A_2520 = arith.index_cast %swap3A_2519 : i32 to index
        %swap3A_2521 = arith.constant 240 : index
        %swap3A_2522 = tpu.vector_load %arg6[%swap3A_2520, %swap3A_2521] {strides = array<i32>} : memref<2x512xi32, #tpu.memory_space<vmem>>, vector<1x16xi32>,
        %swap3A_2523 = vector.shape_cast %swap3A_2522 : vector<1x16xi32> to vector<16xi32>
        %swap3A_2524 = vector.shape_cast %add3A_2518 : vector<16xi32> to vector<1x16xi32>
        tpu.vector_store %arg6[%swap3A_2520, %swap3A_2521], %swap3A_2524 {strides = array<i32>} : memref<2x512xi32, #tpu.memory_space<vmem>>, vector<1x16xi32>,
        %get3A_2525 = arith.constant 1 : i32
        %get3A_2526 = arith.index_cast %get3A_2525 : i32 to index
        %get3A_2527 = arith.constant 256 : index
        %get3A_2528 = tpu.vector_load %arg6[%get3A_2526, %get3A_2527] {strides = array<i32>} : memref<2x512xi32, #tpu.memory_space<vmem>>, vector<1x16xi32>,
        %get3A_2529 = vector.shape_cast %get3A_2528 : vector<1x16xi32> to vector<16xi32>
        %max3A_2530 = arith.constant 0 : i32
        %max3A_2531 = vector.broadcast %max3A_2530 : i32 to vector<16xi32>
        %max3A_2532 = arith.maxsi %get3A_2529, %max3A_2531 : vector<16xi32>
        %min3A_2533 = arith.constant 511 : i32
        %min3A_2534 = vector.broadcast %min3A_2533 : i32 to vector<16xi32>
        %min3A_2535 = arith.minsi %max3A_2532, %min3A_2534 : vector<16xi32>
        %add3A_2536 = vector.broadcast %mul3A_34 : i32 to vector<16xi32>
        %add3A_2537 = arith.addi %min3A_2535, %add3A_2536 : vector<16xi32>
        %swap3A_2538 = arith.constant 1 : i32
        %swap3A_2539 = arith.index_cast %swap3A_2538 : i32 to index
        %swap3A_2540 = arith.constant 256 : index
        %swap3A_2541 = tpu.vector_load %arg6[%swap3A_2539, %swap3A_2540] {strides = array<i32>} : memref<2x512xi32, #tpu.memory_space<vmem>>, vector<1x16xi32>,
        %swap3A_2542 = vector.shape_cast %swap3A_2541 : vector<1x16xi32> to vector<16xi32>
        %swap3A_2543 = vector.shape_cast %add3A_2537 : vector<16xi32> to vector<1x16xi32>
        tpu.vector_store %arg6[%swap3A_2539, %swap3A_2540], %swap3A_2543 {strides = array<i32>} : memref<2x512xi32, #tpu.memory_space<vmem>>, vector<1x16xi32>,
        %get3A_2544 = arith.constant 1 : i32
        %get3A_2545 = arith.index_cast %get3A_2544 : i32 to index
        %get3A_2546 = arith.constant 272 : index
        %get3A_2547 = tpu.vector_load %arg6[%get3A_2545, %get3A_2546] {strides = array<i32>} : memref<2x512xi32, #tpu.memory_space<vmem>>, vector<1x16xi32>,
        %get3A_2548 = vector.shape_cast %get3A_2547 : vector<1x16xi32> to vector<16xi32>
        %max3A_2549 = arith.constant 0 : i32
        %max3A_2550 = vector.broadcast %max3A_2549 : i32 to vector<16xi32>
        %max3A_2551 = arith.maxsi %get3A_2548, %max3A_2550 : vector<16xi32>
        %min3A_2552 = arith.constant 511 : i32
        %min3A_2553 = vector.broadcast %min3A_2552 : i32 to vector<16xi32>
        %min3A_2554 = arith.minsi %max3A_2551, %min3A_2553 : vector<16xi32>
        %add3A_2555 = vector.broadcast %mul3A_34 : i32 to vector<16xi32>
        %add3A_2556 = arith.addi %min3A_2554, %add3A_2555 : vector<16xi32>
        %swap3A_2557 = arith.constant 1 : i32
        %swap3A_2558 = arith.index_cast %swap3A_2557 : i32 to index
        %swap3A_2559 = arith.constant 272 : index
        %swap3A_2560 = tpu.vector_load %arg6[%swap3A_2558, %swap3A_2559] {strides = array<i32>} : memref<2x512xi32, #tpu.memory_space<vmem>>, vector<1x16xi32>,
        %swap3A_2561 = vector.shape_cast %swap3A_2560 : vector<1x16xi32> to vector<16xi32>
        %swap3A_2562 = vector.shape_cast %add3A_2556 : vector<16xi32> to vector<1x16xi32>
        tpu.vector_store %arg6[%swap3A_2558, %swap3A_2559], %swap3A_2562 {strides = array<i32>} : memref<2x512xi32, #tpu.memory_space<vmem>>, vector<1x16xi32>,
        %get3A_2563 = arith.constant 1 : i32
        %get3A_2564 = arith.index_cast %get3A_2563 : i32 to index
        %get3A_2565 = arith.constant 288 : index
        %get3A_2566 = tpu.vector_load %arg6[%get3A_2564, %get3A_2565] {strides = array<i32>} : memref<2x512xi32, #tpu.memory_space<vmem>>, vector<1x16xi32>,
        %get3A_2567 = vector.shape_cast %get3A_2566 : vector<1x16xi32> to vector<16xi32>
        %max3A_2568 = arith.constant 0 : i32
        %max3A_2569 = vector.broadcast %max3A_2568 : i32 to vector<16xi32>
        %max3A_2570 = arith.maxsi %get3A_2567, %max3A_2569 : vector<16xi32>
        %min3A_2571 = arith.constant 511 : i32
        %min3A_2572 = vector.broadcast %min3A_2571 : i32 to vector<16xi32>
        %min3A_2573 = arith.minsi %max3A_2570, %min3A_2572 : vector<16xi32>
        %add3A_2574 = vector.broadcast %mul3A_34 : i32 to vector<16xi32>
        %add3A_2575 = arith.addi %min3A_2573, %add3A_2574 : vector<16xi32>
        %swap3A_2576 = arith.constant 1 : i32
        %swap3A_2577 = arith.index_cast %swap3A_2576 : i32 to index
        %swap3A_2578 = arith.constant 288 : index
        %swap3A_2579 = tpu.vector_load %arg6[%swap3A_2577, %swap3A_2578] {strides = array<i32>} : memref<2x512xi32, #tpu.memory_space<vmem>>, vector<1x16xi32>,
        %swap3A_2580 = vector.shape_cast %swap3A_2579 : vector<1x16xi32> to vector<16xi32>
        %swap3A_2581 = vector.shape_cast %add3A_2575 : vector<16xi32> to vector<1x16xi32>
        tpu.vector_store %arg6[%swap3A_2577, %swap3A_2578], %swap3A_2581 {strides = array<i32>} : memref<2x512xi32, #tpu.memory_space<vmem>>, vector<1x16xi32>,
        %get3A_2582 = arith.constant 1 : i32
        %get3A_2583 = arith.index_cast %get3A_2582 : i32 to index
        %get3A_2584 = arith.constant 304 : index
        %get3A_2585 = tpu.vector_load %arg6[%get3A_2583, %get3A_2584] {strides = array<i32>} : memref<2x512xi32, #tpu.memory_space<vmem>>, vector<1x16xi32>,
        %get3A_2586 = vector.shape_cast %get3A_2585 : vector<1x16xi32> to vector<16xi32>
        %max3A_2587 = arith.constant 0 : i32
        %max3A_2588 = vector.broadcast %max3A_2587 : i32 to vector<16xi32>
        %max3A_2589 = arith.maxsi %get3A_2586, %max3A_2588 : vector<16xi32>
        %min3A_2590 = arith.constant 511 : i32
        %min3A_2591 = vector.broadcast %min3A_2590 : i32 to vector<16xi32>
        %min3A_2592 = arith.minsi %max3A_2589, %min3A_2591 : vector<16xi32>
        %add3A_2593 = vector.broadcast %mul3A_34 : i32 to vector<16xi32>
        %add3A_2594 = arith.addi %min3A_2592, %add3A_2593 : vector<16xi32>
        %swap3A_2595 = arith.constant 1 : i32
        %swap3A_2596 = arith.index_cast %swap3A_2595 : i32 to index
        %swap3A_2597 = arith.constant 304 : index
        %swap3A_2598 = tpu.vector_load %arg6[%swap3A_2596, %swap3A_2597] {strides = array<i32>} : memref<2x512xi32, #tpu.memory_space<vmem>>, vector<1x16xi32>,
        %swap3A_2599 = vector.shape_cast %swap3A_2598 : vector<1x16xi32> to vector<16xi32>
        %swap3A_2600 = vector.shape_cast %add3A_2594 : vector<16xi32> to vector<1x16xi32>
        tpu.vector_store %arg6[%swap3A_2596, %swap3A_2597], %swap3A_2600 {strides = array<i32>} : memref<2x512xi32, #tpu.memory_space<vmem>>, vector<1x16xi32>,
        %get3A_2601 = arith.constant 1 : i32
        %get3A_2602 = arith.index_cast %get3A_2601 : i32 to index
        %get3A_2603 = arith.constant 320 : index
        %get3A_2604 = tpu.vector_load %arg6[%get3A_2602, %get3A_2603] {strides = array<i32>} : memref<2x512xi32, #tpu.memory_space<vmem>>, vector<1x16xi32>,
        %get3A_2605 = vector.shape_cast %get3A_2604 : vector<1x16xi32> to vector<16xi32>
        %max3A_2606 = arith.constant 0 : i32
        %max3A_2607 = vector.broadcast %max3A_2606 : i32 to vector<16xi32>
        %max3A_2608 = arith.maxsi %get3A_2605, %max3A_2607 : vector<16xi32>
        %min3A_2609 = arith.constant 511 : i32
        %min3A_2610 = vector.broadcast %min3A_2609 : i32 to vector<16xi32>
        %min3A_2611 = arith.minsi %max3A_2608, %min3A_2610 : vector<16xi32>
        %add3A_2612 = vector.broadcast %mul3A_34 : i32 to vector<16xi32>
        %add3A_2613 = arith.addi %min3A_2611, %add3A_2612 : vector<16xi32>
        %swap3A_2614 = arith.constant 1 : i32
        %swap3A_2615 = arith.index_cast %swap3A_2614 : i32 to index
        %swap3A_2616 = arith.constant 320 : index
        %swap3A_2617 = tpu.vector_load %arg6[%swap3A_2615, %swap3A_2616] {strides = array<i32>} : memref<2x512xi32, #tpu.memory_space<vmem>>, vector<1x16xi32>,
        %swap3A_2618 = vector.shape_cast %swap3A_2617 : vector<1x16xi32> to vector<16xi32>
        %swap3A_2619 = vector.shape_cast %add3A_2613 : vector<16xi32> to vector<1x16xi32>
        tpu.vector_store %arg6[%swap3A_2615, %swap3A_2616], %swap3A_2619 {strides = array<i32>} : memref<2x512xi32, #tpu.memory_space<vmem>>, vector<1x16xi32>,
        %get3A_2620 = arith.constant 1 : i32
        %get3A_2621 = arith.index_cast %get3A_2620 : i32 to index
        %get3A_2622 = arith.constant 336 : index
        %get3A_2623 = tpu.vector_load %arg6[%get3A_2621, %get3A_2622] {strides = array<i32>} : memref<2x512xi32, #tpu.memory_space<vmem>>, vector<1x16xi32>,
        %get3A_2624 = vector.shape_cast %get3A_2623 : vector<1x16xi32> to vector<16xi32>
        %max3A_2625 = arith.constant 0 : i32
        %max3A_2626 = vector.broadcast %max3A_2625 : i32 to vector<16xi32>
        %max3A_2627 = arith.maxsi %get3A_2624, %max3A_2626 : vector<16xi32>
        %min3A_2628 = arith.constant 511 : i32
        %min3A_2629 = vector.broadcast %min3A_2628 : i32 to vector<16xi32>
        %min3A_2630 = arith.minsi %max3A_2627, %min3A_2629 : vector<16xi32>
        %add3A_2631 = vector.broadcast %mul3A_34 : i32 to vector<16xi32>
        %add3A_2632 = arith.addi %min3A_2630, %add3A_2631 : vector<16xi32>
        %swap3A_2633 = arith.constant 1 : i32
        %swap3A_2634 = arith.index_cast %swap3A_2633 : i32 to index
        %swap3A_2635 = arith.constant 336 : index
        %swap3A_2636 = tpu.vector_load %arg6[%swap3A_2634, %swap3A_2635] {strides = array<i32>} : memref<2x512xi32, #tpu.memory_space<vmem>>, vector<1x16xi32>,
        %swap3A_2637 = vector.shape_cast %swap3A_2636 : vector<1x16xi32> to vector<16xi32>
        %swap3A_2638 = vector.shape_cast %add3A_2632 : vector<16xi32> to vector<1x16xi32>
        tpu.vector_store %arg6[%swap3A_2634, %swap3A_2635], %swap3A_2638 {strides = array<i32>} : memref<2x512xi32, #tpu.memory_space<vmem>>, vector<1x16xi32>,
        %get3A_2639 = arith.constant 1 : i32
        %get3A_2640 = arith.index_cast %get3A_2639 : i32 to index
        %get3A_2641 = arith.constant 352 : index
        %get3A_2642 = tpu.vector_load %arg6[%get3A_2640, %get3A_2641] {strides = array<i32>} : memref<2x512xi32, #tpu.memory_space<vmem>>, vector<1x16xi32>,
        %get3A_2643 = vector.shape_cast %get3A_2642 : vector<1x16xi32> to vector<16xi32>
        %max3A_2644 = arith.constant 0 : i32
        %max3A_2645 = vector.broadcast %max3A_2644 : i32 to vector<16xi32>
        %max3A_2646 = arith.maxsi %get3A_2643, %max3A_2645 : vector<16xi32>
        %min3A_2647 = arith.constant 511 : i32
        %min3A_2648 = vector.broadcast %min3A_2647 : i32 to vector<16xi32>
        %min3A_2649 = arith.minsi %max3A_2646, %min3A_2648 : vector<16xi32>
        %add3A_2650 = vector.broadcast %mul3A_34 : i32 to vector<16xi32>
        %add3A_2651 = arith.addi %min3A_2649, %add3A_2650 : vector<16xi32>
        %swap3A_2652 = arith.constant 1 : i32
        %swap3A_2653 = arith.index_cast %swap3A_2652 : i32 to index
        %swap3A_2654 = arith.constant 352 : index
        %swap3A_2655 = tpu.vector_load %arg6[%swap3A_2653, %swap3A_2654] {strides = array<i32>} : memref<2x512xi32, #tpu.memory_space<vmem>>, vector<1x16xi32>,
        %swap3A_2656 = vector.shape_cast %swap3A_2655 : vector<1x16xi32> to vector<16xi32>
        %swap3A_2657 = vector.shape_cast %add3A_2651 : vector<16xi32> to vector<1x16xi32>
        tpu.vector_store %arg6[%swap3A_2653, %swap3A_2654], %swap3A_2657 {strides = array<i32>} : memref<2x512xi32, #tpu.memory_space<vmem>>, vector<1x16xi32>,
        %get3A_2658 = arith.constant 1 : i32
        %get3A_2659 = arith.index_cast %get3A_2658 : i32 to index
        %get3A_2660 = arith.constant 368 : index
        %get3A_2661 = tpu.vector_load %arg6[%get3A_2659, %get3A_2660] {strides = array<i32>} : memref<2x512xi32, #tpu.memory_space<vmem>>, vector<1x16xi32>,
        %get3A_2662 = vector.shape_cast %get3A_2661 : vector<1x16xi32> to vector<16xi32>
        %max3A_2663 = arith.constant 0 : i32
        %max3A_2664 = vector.broadcast %max3A_2663 : i32 to vector<16xi32>
        %max3A_2665 = arith.maxsi %get3A_2662, %max3A_2664 : vector<16xi32>
        %min3A_2666 = arith.constant 511 : i32
        %min3A_2667 = vector.broadcast %min3A_2666 : i32 to vector<16xi32>
        %min3A_2668 = arith.minsi %max3A_2665, %min3A_2667 : vector<16xi32>
        %add3A_2669 = vector.broadcast %mul3A_34 : i32 to vector<16xi32>
        %add3A_2670 = arith.addi %min3A_2668, %add3A_2669 : vector<16xi32>
        %swap3A_2671 = arith.constant 1 : i32
        %swap3A_2672 = arith.index_cast %swap3A_2671 : i32 to index
        %swap3A_2673 = arith.constant 368 : index
        %swap3A_2674 = tpu.vector_load %arg6[%swap3A_2672, %swap3A_2673] {strides = array<i32>} : memref<2x512xi32, #tpu.memory_space<vmem>>, vector<1x16xi32>,
        %swap3A_2675 = vector.shape_cast %swap3A_2674 : vector<1x16xi32> to vector<16xi32>
        %swap3A_2676 = vector.shape_cast %add3A_2670 : vector<16xi32> to vector<1x16xi32>
        tpu.vector_store %arg6[%swap3A_2672, %swap3A_2673], %swap3A_2676 {strides = array<i32>} : memref<2x512xi32, #tpu.memory_space<vmem>>, vector<1x16xi32>,
        %get3A_2677 = arith.constant 1 : i32
        %get3A_2678 = arith.index_cast %get3A_2677 : i32 to index
        %get3A_2679 = arith.constant 384 : index
        %get3A_2680 = tpu.vector_load %arg6[%get3A_2678, %get3A_2679] {strides = array<i32>} : memref<2x512xi32, #tpu.memory_space<vmem>>, vector<1x16xi32>,
        %get3A_2681 = vector.shape_cast %get3A_2680 : vector<1x16xi32> to vector<16xi32>
        %max3A_2682 = arith.constant 0 : i32
        %max3A_2683 = vector.broadcast %max3A_2682 : i32 to vector<16xi32>
        %max3A_2684 = arith.maxsi %get3A_2681, %max3A_2683 : vector<16xi32>
        %min3A_2685 = arith.constant 511 : i32
        %min3A_2686 = vector.broadcast %min3A_2685 : i32 to vector<16xi32>
        %min3A_2687 = arith.minsi %max3A_2684, %min3A_2686 : vector<16xi32>
        %add3A_2688 = vector.broadcast %mul3A_34 : i32 to vector<16xi32>
        %add3A_2689 = arith.addi %min3A_2687, %add3A_2688 : vector<16xi32>
        %swap3A_2690 = arith.constant 1 : i32
        %swap3A_2691 = arith.index_cast %swap3A_2690 : i32 to index
        %swap3A_2692 = arith.constant 384 : index
        %swap3A_2693 = tpu.vector_load %arg6[%swap3A_2691, %swap3A_2692] {strides = array<i32>} : memref<2x512xi32, #tpu.memory_space<vmem>>, vector<1x16xi32>,
        %swap3A_2694 = vector.shape_cast %swap3A_2693 : vector<1x16xi32> to vector<16xi32>
        %swap3A_2695 = vector.shape_cast %add3A_2689 : vector<16xi32> to vector<1x16xi32>
        tpu.vector_store %arg6[%swap3A_2691, %swap3A_2692], %swap3A_2695 {strides = array<i32>} : memref<2x512xi32, #tpu.memory_space<vmem>>, vector<1x16xi32>,
        %get3A_2696 = arith.constant 1 : i32
        %get3A_2697 = arith.index_cast %get3A_2696 : i32 to index
        %get3A_2698 = arith.constant 400 : index
        %get3A_2699 = tpu.vector_load %arg6[%get3A_2697, %get3A_2698] {strides = array<i32>} : memref<2x512xi32, #tpu.memory_space<vmem>>, vector<1x16xi32>,
        %get3A_2700 = vector.shape_cast %get3A_2699 : vector<1x16xi32> to vector<16xi32>
        %max3A_2701 = arith.constant 0 : i32
        %max3A_2702 = vector.broadcast %max3A_2701 : i32 to vector<16xi32>
        %max3A_2703 = arith.maxsi %get3A_2700, %max3A_2702 : vector<16xi32>
        %min3A_2704 = arith.constant 511 : i32
        %min3A_2705 = vector.broadcast %min3A_2704 : i32 to vector<16xi32>
        %min3A_2706 = arith.minsi %max3A_2703, %min3A_2705 : vector<16xi32>
        %add3A_2707 = vector.broadcast %mul3A_34 : i32 to vector<16xi32>
        %add3A_2708 = arith.addi %min3A_2706, %add3A_2707 : vector<16xi32>
        %swap3A_2709 = arith.constant 1 : i32
        %swap3A_2710 = arith.index_cast %swap3A_2709 : i32 to index
        %swap3A_2711 = arith.constant 400 : index
        %swap3A_2712 = tpu.vector_load %arg6[%swap3A_2710, %swap3A_2711] {strides = array<i32>} : memref<2x512xi32, #tpu.memory_space<vmem>>, vector<1x16xi32>,
        %swap3A_2713 = vector.shape_cast %swap3A_2712 : vector<1x16xi32> to vector<16xi32>
        %swap3A_2714 = vector.shape_cast %add3A_2708 : vector<16xi32> to vector<1x16xi32>
        tpu.vector_store %arg6[%swap3A_2710, %swap3A_2711], %swap3A_2714 {strides = array<i32>} : memref<2x512xi32, #tpu.memory_space<vmem>>, vector<1x16xi32>,
        %get3A_2715 = arith.constant 1 : i32
        %get3A_2716 = arith.index_cast %get3A_2715 : i32 to index
        %get3A_2717 = arith.constant 416 : index
        %get3A_2718 = tpu.vector_load %arg6[%get3A_2716, %get3A_2717] {strides = array<i32>} : memref<2x512xi32, #tpu.memory_space<vmem>>, vector<1x16xi32>,
        %get3A_2719 = vector.shape_cast %get3A_2718 : vector<1x16xi32> to vector<16xi32>
        %max3A_2720 = arith.constant 0 : i32
        %max3A_2721 = vector.broadcast %max3A_2720 : i32 to vector<16xi32>
        %max3A_2722 = arith.maxsi %get3A_2719, %max3A_2721 : vector<16xi32>
        %min3A_2723 = arith.constant 511 : i32
        %min3A_2724 = vector.broadcast %min3A_2723 : i32 to vector<16xi32>
        %min3A_2725 = arith.minsi %max3A_2722, %min3A_2724 : vector<16xi32>
        %add3A_2726 = vector.broadcast %mul3A_34 : i32 to vector<16xi32>
        %add3A_2727 = arith.addi %min3A_2725, %add3A_2726 : vector<16xi32>
        %swap3A_2728 = arith.constant 1 : i32
        %swap3A_2729 = arith.index_cast %swap3A_2728 : i32 to index
        %swap3A_2730 = arith.constant 416 : index
        %swap3A_2731 = tpu.vector_load %arg6[%swap3A_2729, %swap3A_2730] {strides = array<i32>} : memref<2x512xi32, #tpu.memory_space<vmem>>, vector<1x16xi32>,
        %swap3A_2732 = vector.shape_cast %swap3A_2731 : vector<1x16xi32> to vector<16xi32>
        %swap3A_2733 = vector.shape_cast %add3A_2727 : vector<16xi32> to vector<1x16xi32>
        tpu.vector_store %arg6[%swap3A_2729, %swap3A_2730], %swap3A_2733 {strides = array<i32>} : memref<2x512xi32, #tpu.memory_space<vmem>>, vector<1x16xi32>,
        %get3A_2734 = arith.constant 1 : i32
        %get3A_2735 = arith.index_cast %get3A_2734 : i32 to index
        %get3A_2736 = arith.constant 432 : index
        %get3A_2737 = tpu.vector_load %arg6[%get3A_2735, %get3A_2736] {strides = array<i32>} : memref<2x512xi32, #tpu.memory_space<vmem>>, vector<1x16xi32>,
        %get3A_2738 = vector.shape_cast %get3A_2737 : vector<1x16xi32> to vector<16xi32>
        %max3A_2739 = arith.constant 0 : i32
        %max3A_2740 = vector.broadcast %max3A_2739 : i32 to vector<16xi32>
        %max3A_2741 = arith.maxsi %get3A_2738, %max3A_2740 : vector<16xi32>
        %min3A_2742 = arith.constant 511 : i32
        %min3A_2743 = vector.broadcast %min3A_2742 : i32 to vector<16xi32>
        %min3A_2744 = arith.minsi %max3A_2741, %min3A_2743 : vector<16xi32>
        %add3A_2745 = vector.broadcast %mul3A_34 : i32 to vector<16xi32>
        %add3A_2746 = arith.addi %min3A_2744, %add3A_2745 : vector<16xi32>
        %swap3A_2747 = arith.constant 1 : i32
        %swap3A_2748 = arith.index_cast %swap3A_2747 : i32 to index
        %swap3A_2749 = arith.constant 432 : index
        %swap3A_2750 = tpu.vector_load %arg6[%swap3A_2748, %swap3A_2749] {strides = array<i32>} : memref<2x512xi32, #tpu.memory_space<vmem>>, vector<1x16xi32>,
        %swap3A_2751 = vector.shape_cast %swap3A_2750 : vector<1x16xi32> to vector<16xi32>
        %swap3A_2752 = vector.shape_cast %add3A_2746 : vector<16xi32> to vector<1x16xi32>
        tpu.vector_store %arg6[%swap3A_2748, %swap3A_2749], %swap3A_2752 {strides = array<i32>} : memref<2x512xi32, #tpu.memory_space<vmem>>, vector<1x16xi32>,
        %get3A_2753 = arith.constant 1 : i32
        %get3A_2754 = arith.index_cast %get3A_2753 : i32 to index
        %get3A_2755 = arith.constant 448 : index
        %get3A_2756 = tpu.vector_load %arg6[%get3A_2754, %get3A_2755] {strides = array<i32>} : memref<2x512xi32, #tpu.memory_space<vmem>>, vector<1x16xi32>,
        %get3A_2757 = vector.shape_cast %get3A_2756 : vector<1x16xi32> to vector<16xi32>
        %max3A_2758 = arith.constant 0 : i32
        %max3A_2759 = vector.broadcast %max3A_2758 : i32 to vector<16xi32>
        %max3A_2760 = arith.maxsi %get3A_2757, %max3A_2759 : vector<16xi32>
        %min3A_2761 = arith.constant 511 : i32
        %min3A_2762 = vector.broadcast %min3A_2761 : i32 to vector<16xi32>
        %min3A_2763 = arith.minsi %max3A_2760, %min3A_2762 : vector<16xi32>
        %add3A_2764 = vector.broadcast %mul3A_34 : i32 to vector<16xi32>
        %add3A_2765 = arith.addi %min3A_2763, %add3A_2764 : vector<16xi32>
        %swap3A_2766 = arith.constant 1 : i32
        %swap3A_2767 = arith.index_cast %swap3A_2766 : i32 to index
        %swap3A_2768 = arith.constant 448 : index
        %swap3A_2769 = tpu.vector_load %arg6[%swap3A_2767, %swap3A_2768] {strides = array<i32>} : memref<2x512xi32, #tpu.memory_space<vmem>>, vector<1x16xi32>,
        %swap3A_2770 = vector.shape_cast %swap3A_2769 : vector<1x16xi32> to vector<16xi32>
        %swap3A_2771 = vector.shape_cast %add3A_2765 : vector<16xi32> to vector<1x16xi32>
        tpu.vector_store %arg6[%swap3A_2767, %swap3A_2768], %swap3A_2771 {strides = array<i32>} : memref<2x512xi32, #tpu.memory_space<vmem>>, vector<1x16xi32>,
        %get3A_2772 = arith.constant 1 : i32
        %get3A_2773 = arith.index_cast %get3A_2772 : i32 to index
        %get3A_2774 = arith.constant 464 : index
        %get3A_2775 = tpu.vector_load %arg6[%get3A_2773, %get3A_2774] {strides = array<i32>} : memref<2x512xi32, #tpu.memory_space<vmem>>, vector<1x16xi32>,
        %get3A_2776 = vector.shape_cast %get3A_2775 : vector<1x16xi32> to vector<16xi32>
        %max3A_2777 = arith.constant 0 : i32
        %max3A_2778 = vector.broadcast %max3A_2777 : i32 to vector<16xi32>
        %max3A_2779 = arith.maxsi %get3A_2776, %max3A_2778 : vector<16xi32>
        %min3A_2780 = arith.constant 511 : i32
        %min3A_2781 = vector.broadcast %min3A_2780 : i32 to vector<16xi32>
        %min3A_2782 = arith.minsi %max3A_2779, %min3A_2781 : vector<16xi32>
        %add3A_2783 = vector.broadcast %mul3A_34 : i32 to vector<16xi32>
        %add3A_2784 = arith.addi %min3A_2782, %add3A_2783 : vector<16xi32>
        %swap3A_2785 = arith.constant 1 : i32
        %swap3A_2786 = arith.index_cast %swap3A_2785 : i32 to index
        %swap3A_2787 = arith.constant 464 : index
        %swap3A_2788 = tpu.vector_load %arg6[%swap3A_2786, %swap3A_2787] {strides = array<i32>} : memref<2x512xi32, #tpu.memory_space<vmem>>, vector<1x16xi32>,
        %swap3A_2789 = vector.shape_cast %swap3A_2788 : vector<1x16xi32> to vector<16xi32>
        %swap3A_2790 = vector.shape_cast %add3A_2784 : vector<16xi32> to vector<1x16xi32>
        tpu.vector_store %arg6[%swap3A_2786, %swap3A_2787], %swap3A_2790 {strides = array<i32>} : memref<2x512xi32, #tpu.memory_space<vmem>>, vector<1x16xi32>,
        %get3A_2791 = arith.constant 1 : i32
        %get3A_2792 = arith.index_cast %get3A_2791 : i32 to index
        %get3A_2793 = arith.constant 480 : index
        %get3A_2794 = tpu.vector_load %arg6[%get3A_2792, %get3A_2793] {strides = array<i32>} : memref<2x512xi32, #tpu.memory_space<vmem>>, vector<1x16xi32>,
        %get3A_2795 = vector.shape_cast %get3A_2794 : vector<1x16xi32> to vector<16xi32>
        %max3A_2796 = arith.constant 0 : i32
        %max3A_2797 = vector.broadcast %max3A_2796 : i32 to vector<16xi32>
        %max3A_2798 = arith.maxsi %get3A_2795, %max3A_2797 : vector<16xi32>
        %min3A_2799 = arith.constant 511 : i32
        %min3A_2800 = vector.broadcast %min3A_2799 : i32 to vector<16xi32>
        %min3A_2801 = arith.minsi %max3A_2798, %min3A_2800 : vector<16xi32>
        %add3A_2802 = vector.broadcast %mul3A_34 : i32 to vector<16xi32>
        %add3A_2803 = arith.addi %min3A_2801, %add3A_2802 : vector<16xi32>
        %swap3A_2804 = arith.constant 1 : i32
        %swap3A_2805 = arith.index_cast %swap3A_2804 : i32 to index
        %swap3A_2806 = arith.constant 480 : index
        %swap3A_2807 = tpu.vector_load %arg6[%swap3A_2805, %swap3A_2806] {strides = array<i32>} : memref<2x512xi32, #tpu.memory_space<vmem>>, vector<1x16xi32>,
        %swap3A_2808 = vector.shape_cast %swap3A_2807 : vector<1x16xi32> to vector<16xi32>
        %swap3A_2809 = vector.shape_cast %add3A_2803 : vector<16xi32> to vector<1x16xi32>
        tpu.vector_store %arg6[%swap3A_2805, %swap3A_2806], %swap3A_2809 {strides = array<i32>} : memref<2x512xi32, #tpu.memory_space<vmem>>, vector<1x16xi32>,
        %get3A_2810 = arith.constant 1 : i32
        %get3A_2811 = arith.index_cast %get3A_2810 : i32 to index
        %get3A_2812 = arith.constant 496 : index
        %get3A_2813 = tpu.vector_load %arg6[%get3A_2811, %get3A_2812] {strides = array<i32>} : memref<2x512xi32, #tpu.memory_space<vmem>>, vector<1x16xi32>,
        %get3A_2814 = vector.shape_cast %get3A_2813 : vector<1x16xi32> to vector<16xi32>
        %max3A_2815 = arith.constant 0 : i32
        %max3A_2816 = vector.broadcast %max3A_2815 : i32 to vector<16xi32>
        %max3A_2817 = arith.maxsi %get3A_2814, %max3A_2816 : vector<16xi32>
        %min3A_2818 = arith.constant 511 : i32
        %min3A_2819 = vector.broadcast %min3A_2818 : i32 to vector<16xi32>
        %min3A_2820 = arith.minsi %max3A_2817, %min3A_2819 : vector<16xi32>
        %add3A_2821 = vector.broadcast %mul3A_34 : i32 to vector<16xi32>
        %add3A_2822 = arith.addi %min3A_2820, %add3A_2821 : vector<16xi32>
        %swap3A_2823 = arith.constant 1 : i32
        %swap3A_2824 = arith.index_cast %swap3A_2823 : i32 to index
        %swap3A_2825 = arith.constant 496 : index
        %swap3A_2826 = tpu.vector_load %arg6[%swap3A_2824, %swap3A_2825] {strides = array<i32>} : memref<2x512xi32, #tpu.memory_space<vmem>>, vector<1x16xi32>,
        %swap3A_2827 = vector.shape_cast %swap3A_2826 : vector<1x16xi32> to vector<16xi32>
        %swap3A_2828 = vector.shape_cast %add3A_2822 : vector<16xi32> to vector<1x16xi32>
        tpu.vector_store %arg6[%swap3A_2824, %swap3A_2825], %swap3A_2828 {strides = array<i32>} : memref<2x512xi32, #tpu.memory_space<vmem>>, vector<1x16xi32>,
        %dma_start3A_2829 = arith.constant 0 : i32
        %dma_start3A_2830 = arith.constant 0 : i32
        %dma_start3A_2831 = arith.constant 0 : i32
        %dma_start3A_2832 = arith.constant 0 : i32
        %dma_start3A_2833 = tpu.memref_slice %arg8[%dma_start3A_2830, %dma_start3A_2831, %dma_start3A_2832] : memref<2x512x32xf32, #tpu.memory_space<vmem>> -> memref<1x128x32xf32, #tpu.memory_space<vmem>>
        %dma_start3A_2834 = tpu.memref_squeeze %dma_start3A_2833 : memref<1x128x32xf32, #tpu.memory_space<vmem>> -> memref<128x32xf32, #tpu.memory_space<vmem>>
        %dma_start3A_2835 = arith.constant 0 : i32
        %dma_start3A_2836 = tpu.memref_slice %arg6[%dma_start3A_2829, %dma_start3A_2835] : memref<2x512xi32, #tpu.memory_space<vmem>> -> memref<1x128xi32, #tpu.memory_space<vmem>>
        %dma_start3A_2837 = tpu.memref_squeeze %dma_start3A_2836 : memref<1x128xi32, #tpu.memory_space<vmem>> -> memref<128xi32, #tpu.memory_space<vmem>>
        %dma_start3A_2838 = arith.constant 0 : i32
        %dma_start3A_2839 = arith.constant 0 : i32
        %dma_start3A_2840 = tpu.memref_slice %arg3[%dma_start3A_2838, %dma_start3A_2839] : memref<16384x32xf32, #tpu.memory_space<hbm>> -> memref<16384x32xf32, #tpu.memory_space<hbm>>
        tpu.enqueue_indirect_dma source(%dma_start3A_2840 : memref<16384x32xf32, #tpu.memory_space<hbm>>) target(%dma_start3A_2834 : memref<128x32xf32, #tpu.memory_space<vmem>>) offsets(%dma_start3A_2837 : memref<128xi32, #tpu.memory_space<vmem>>) semaphore(%arg10 : memref<!tpu.dma_semaphore, #tpu.memory_space<semaphore_mem>>)
        %dma_start3A_2841 = arith.constant 0 : i32
        %dma_start3A_2842 = arith.constant 0 : i32
        %dma_start3A_2843 = arith.constant 128 : i32
        %dma_start3A_2844 = arith.constant 0 : i32
        %dma_start3A_2845 = tpu.memref_slice %arg8[%dma_start3A_2842, %dma_start3A_2843, %dma_start3A_2844] : memref<2x512x32xf32, #tpu.memory_space<vmem>> -> memref<1x128x32xf32, #tpu.memory_space<vmem>>
        %dma_start3A_2846 = tpu.memref_squeeze %dma_start3A_2845 : memref<1x128x32xf32, #tpu.memory_space<vmem>> -> memref<128x32xf32, #tpu.memory_space<vmem>>
        %dma_start3A_2847 = arith.constant 128 : i32
        %dma_start3A_2848 = tpu.memref_slice %arg6[%dma_start3A_2841, %dma_start3A_2847] : memref<2x512xi32, #tpu.memory_space<vmem>> -> memref<1x128xi32, #tpu.memory_space<vmem>>
        %dma_start3A_2849 = tpu.memref_squeeze %dma_start3A_2848 : memref<1x128xi32, #tpu.memory_space<vmem>> -> memref<128xi32, #tpu.memory_space<vmem>>
        %dma_start3A_2850 = arith.constant 0 : i32
        %dma_start3A_2851 = arith.constant 0 : i32
        %dma_start3A_2852 = tpu.memref_slice %arg3[%dma_start3A_2850, %dma_start3A_2851] : memref<16384x32xf32, #tpu.memory_space<hbm>> -> memref<16384x32xf32, #tpu.memory_space<hbm>>
        tpu.enqueue_indirect_dma source(%dma_start3A_2852 : memref<16384x32xf32, #tpu.memory_space<hbm>>) target(%dma_start3A_2846 : memref<128x32xf32, #tpu.memory_space<vmem>>) offsets(%dma_start3A_2849 : memref<128xi32, #tpu.memory_space<vmem>>) semaphore(%arg10 : memref<!tpu.dma_semaphore, #tpu.memory_space<semaphore_mem>>)
        %dma_start3A_2853 = arith.constant 0 : i32
        %dma_start3A_2854 = arith.constant 0 : i32
        %dma_start3A_2855 = arith.constant 256 : i32
        %dma_start3A_2856 = arith.constant 0 : i32
        %dma_start3A_2857 = tpu.memref_slice %arg8[%dma_start3A_2854, %dma_start3A_2855, %dma_start3A_2856] : memref<2x512x32xf32, #tpu.memory_space<vmem>> -> memref<1x128x32xf32, #tpu.memory_space<vmem>>
        %dma_start3A_2858 = tpu.memref_squeeze %dma_start3A_2857 : memref<1x128x32xf32, #tpu.memory_space<vmem>> -> memref<128x32xf32, #tpu.memory_space<vmem>>
        %dma_start3A_2859 = arith.constant 256 : i32
        %dma_start3A_2860 = tpu.memref_slice %arg6[%dma_start3A_2853, %dma_start3A_2859] : memref<2x512xi32, #tpu.memory_space<vmem>> -> memref<1x128xi32, #tpu.memory_space<vmem>>
        %dma_start3A_2861 = tpu.memref_squeeze %dma_start3A_2860 : memref<1x128xi32, #tpu.memory_space<vmem>> -> memref<128xi32, #tpu.memory_space<vmem>>
        %dma_start3A_2862 = arith.constant 0 : i32
        %dma_start3A_2863 = arith.constant 0 : i32
        %dma_start3A_2864 = tpu.memref_slice %arg3[%dma_start3A_2862, %dma_start3A_2863] : memref<16384x32xf32, #tpu.memory_space<hbm>> -> memref<16384x32xf32, #tpu.memory_space<hbm>>
        tpu.enqueue_indirect_dma source(%dma_start3A_2864 : memref<16384x32xf32, #tpu.memory_space<hbm>>) target(%dma_start3A_2858 : memref<128x32xf32, #tpu.memory_space<vmem>>) offsets(%dma_start3A_2861 : memref<128xi32, #tpu.memory_space<vmem>>) semaphore(%arg10 : memref<!tpu.dma_semaphore, #tpu.memory_space<semaphore_mem>>)
        %dma_start3A_2865 = arith.constant 0 : i32
        %dma_start3A_2866 = arith.constant 0 : i32
        %dma_start3A_2867 = arith.constant 384 : i32
        %dma_start3A_2868 = arith.constant 0 : i32
        %dma_start3A_2869 = tpu.memref_slice %arg8[%dma_start3A_2866, %dma_start3A_2867, %dma_start3A_2868] : memref<2x512x32xf32, #tpu.memory_space<vmem>> -> memref<1x128x32xf32, #tpu.memory_space<vmem>>
        %dma_start3A_2870 = tpu.memref_squeeze %dma_start3A_2869 : memref<1x128x32xf32, #tpu.memory_space<vmem>> -> memref<128x32xf32, #tpu.memory_space<vmem>>
        %dma_start3A_2871 = arith.constant 384 : i32
        %dma_start3A_2872 = tpu.memref_slice %arg6[%dma_start3A_2865, %dma_start3A_2871] : memref<2x512xi32, #tpu.memory_space<vmem>> -> memref<1x128xi32, #tpu.memory_space<vmem>>
        %dma_start3A_2873 = tpu.memref_squeeze %dma_start3A_2872 : memref<1x128xi32, #tpu.memory_space<vmem>> -> memref<128xi32, #tpu.memory_space<vmem>>
        %dma_start3A_2874 = arith.constant 0 : i32
        %dma_start3A_2875 = arith.constant 0 : i32
        %dma_start3A_2876 = tpu.memref_slice %arg3[%dma_start3A_2874, %dma_start3A_2875] : memref<16384x32xf32, #tpu.memory_space<hbm>> -> memref<16384x32xf32, #tpu.memory_space<hbm>>
        tpu.enqueue_indirect_dma source(%dma_start3A_2876 : memref<16384x32xf32, #tpu.memory_space<hbm>>) target(%dma_start3A_2870 : memref<128x32xf32, #tpu.memory_space<vmem>>) offsets(%dma_start3A_2873 : memref<128xi32, #tpu.memory_space<vmem>>) semaphore(%arg10 : memref<!tpu.dma_semaphore, #tpu.memory_space<semaphore_mem>>)
        %dma_start3A_2877 = arith.constant 1 : i32
        %dma_start3A_2878 = arith.constant 1 : i32
        %dma_start3A_2879 = arith.constant 0 : i32
        %dma_start3A_2880 = arith.constant 0 : i32
        %dma_start3A_2881 = tpu.memref_slice %arg8[%dma_start3A_2878, %dma_start3A_2879, %dma_start3A_2880] : memref<2x512x32xf32, #tpu.memory_space<vmem>> -> memref<1x128x32xf32, #tpu.memory_space<vmem>>
        %dma_start3A_2882 = tpu.memref_squeeze %dma_start3A_2881 : memref<1x128x32xf32, #tpu.memory_space<vmem>> -> memref<128x32xf32, #tpu.memory_space<vmem>>
        %dma_start3A_2883 = arith.constant 0 : i32
        %dma_start3A_2884 = tpu.memref_slice %arg6[%dma_start3A_2877, %dma_start3A_2883] : memref<2x512xi32, #tpu.memory_space<vmem>> -> memref<1x128xi32, #tpu.memory_space<vmem>>
        %dma_start3A_2885 = tpu.memref_squeeze %dma_start3A_2884 : memref<1x128xi32, #tpu.memory_space<vmem>> -> memref<128xi32, #tpu.memory_space<vmem>>
        %dma_start3A_2886 = arith.constant 0 : i32
        %dma_start3A_2887 = arith.constant 0 : i32
        %dma_start3A_2888 = tpu.memref_slice %arg3[%dma_start3A_2886, %dma_start3A_2887] : memref<16384x32xf32, #tpu.memory_space<hbm>> -> memref<16384x32xf32, #tpu.memory_space<hbm>>
        tpu.enqueue_indirect_dma source(%dma_start3A_2888 : memref<16384x32xf32, #tpu.memory_space<hbm>>) target(%dma_start3A_2882 : memref<128x32xf32, #tpu.memory_space<vmem>>) offsets(%dma_start3A_2885 : memref<128xi32, #tpu.memory_space<vmem>>) semaphore(%arg10 : memref<!tpu.dma_semaphore, #tpu.memory_space<semaphore_mem>>)
        %dma_start3A_2889 = arith.constant 1 : i32
        %dma_start3A_2890 = arith.constant 1 : i32
        %dma_start3A_2891 = arith.constant 128 : i32
        %dma_start3A_2892 = arith.constant 0 : i32
        %dma_start3A_2893 = tpu.memref_slice %arg8[%dma_start3A_2890, %dma_start3A_2891, %dma_start3A_2892] : memref<2x512x32xf32, #tpu.memory_space<vmem>> -> memref<1x128x32xf32, #tpu.memory_space<vmem>>
        %dma_start3A_2894 = tpu.memref_squeeze %dma_start3A_2893 : memref<1x128x32xf32, #tpu.memory_space<vmem>> -> memref<128x32xf32, #tpu.memory_space<vmem>>
        %dma_start3A_2895 = arith.constant 128 : i32
        %dma_start3A_2896 = tpu.memref_slice %arg6[%dma_start3A_2889, %dma_start3A_2895] : memref<2x512xi32, #tpu.memory_space<vmem>> -> memref<1x128xi32, #tpu.memory_space<vmem>>
        %dma_start3A_2897 = tpu.memref_squeeze %dma_start3A_2896 : memref<1x128xi32, #tpu.memory_space<vmem>> -> memref<128xi32, #tpu.memory_space<vmem>>
        %dma_start3A_2898 = arith.constant 0 : i32
        %dma_start3A_2899 = arith.constant 0 : i32
        %dma_start3A_2900 = tpu.memref_slice %arg3[%dma_start3A_2898, %dma_start3A_2899] : memref<16384x32xf32, #tpu.memory_space<hbm>> -> memref<16384x32xf32, #tpu.memory_space<hbm>>
        tpu.enqueue_indirect_dma source(%dma_start3A_2900 : memref<16384x32xf32, #tpu.memory_space<hbm>>) target(%dma_start3A_2894 : memref<128x32xf32, #tpu.memory_space<vmem>>) offsets(%dma_start3A_2897 : memref<128xi32, #tpu.memory_space<vmem>>) semaphore(%arg10 : memref<!tpu.dma_semaphore, #tpu.memory_space<semaphore_mem>>)
        %dma_start3A_2901 = arith.constant 1 : i32
        %dma_start3A_2902 = arith.constant 1 : i32
        %dma_start3A_2903 = arith.constant 256 : i32
        %dma_start3A_2904 = arith.constant 0 : i32
        %dma_start3A_2905 = tpu.memref_slice %arg8[%dma_start3A_2902, %dma_start3A_2903, %dma_start3A_2904] : memref<2x512x32xf32, #tpu.memory_space<vmem>> -> memref<1x128x32xf32, #tpu.memory_space<vmem>>
        %dma_start3A_2906 = tpu.memref_squeeze %dma_start3A_2905 : memref<1x128x32xf32, #tpu.memory_space<vmem>> -> memref<128x32xf32, #tpu.memory_space<vmem>>
        %dma_start3A_2907 = arith.constant 256 : i32
        %dma_start3A_2908 = tpu.memref_slice %arg6[%dma_start3A_2901, %dma_start3A_2907] : memref<2x512xi32, #tpu.memory_space<vmem>> -> memref<1x128xi32, #tpu.memory_space<vmem>>
        %dma_start3A_2909 = tpu.memref_squeeze %dma_start3A_2908 : memref<1x128xi32, #tpu.memory_space<vmem>> -> memref<128xi32, #tpu.memory_space<vmem>>
        %dma_start3A_2910 = arith.constant 0 : i32
        %dma_start3A_2911 = arith.constant 0 : i32
        %dma_start3A_2912 = tpu.memref_slice %arg3[%dma_start3A_2910, %dma_start3A_2911] : memref<16384x32xf32, #tpu.memory_space<hbm>> -> memref<16384x32xf32, #tpu.memory_space<hbm>>
        tpu.enqueue_indirect_dma source(%dma_start3A_2912 : memref<16384x32xf32, #tpu.memory_space<hbm>>) target(%dma_start3A_2906 : memref<128x32xf32, #tpu.memory_space<vmem>>) offsets(%dma_start3A_2909 : memref<128xi32, #tpu.memory_space<vmem>>) semaphore(%arg10 : memref<!tpu.dma_semaphore, #tpu.memory_space<semaphore_mem>>)
        %dma_start3A_2913 = arith.constant 1 : i32
        %dma_start3A_2914 = arith.constant 1 : i32
        %dma_start3A_2915 = arith.constant 384 : i32
        %dma_start3A_2916 = arith.constant 0 : i32
        %dma_start3A_2917 = tpu.memref_slice %arg8[%dma_start3A_2914, %dma_start3A_2915, %dma_start3A_2916] : memref<2x512x32xf32, #tpu.memory_space<vmem>> -> memref<1x128x32xf32, #tpu.memory_space<vmem>>
        %dma_start3A_2918 = tpu.memref_squeeze %dma_start3A_2917 : memref<1x128x32xf32, #tpu.memory_space<vmem>> -> memref<128x32xf32, #tpu.memory_space<vmem>>
        %dma_start3A_2919 = arith.constant 384 : i32
        %dma_start3A_2920 = tpu.memref_slice %arg6[%dma_start3A_2913, %dma_start3A_2919] : memref<2x512xi32, #tpu.memory_space<vmem>> -> memref<1x128xi32, #tpu.memory_space<vmem>>
        %dma_start3A_2921 = tpu.memref_squeeze %dma_start3A_2920 : memref<1x128xi32, #tpu.memory_space<vmem>> -> memref<128xi32, #tpu.memory_space<vmem>>
        %dma_start3A_2922 = arith.constant 0 : i32
        %dma_start3A_2923 = arith.constant 0 : i32
        %dma_start3A_2924 = tpu.memref_slice %arg3[%dma_start3A_2922, %dma_start3A_2923] : memref<16384x32xf32, #tpu.memory_space<hbm>> -> memref<16384x32xf32, #tpu.memory_space<hbm>>
        tpu.enqueue_indirect_dma source(%dma_start3A_2924 : memref<16384x32xf32, #tpu.memory_space<hbm>>) target(%dma_start3A_2918 : memref<128x32xf32, #tpu.memory_space<vmem>>) offsets(%dma_start3A_2921 : memref<128xi32, #tpu.memory_space<vmem>>) semaphore(%arg10 : memref<!tpu.dma_semaphore, #tpu.memory_space<semaphore_mem>>)
      } else {
      }
      %add3A_1487 = arith.constant 1 : i32
      %add3A_1488 = arith.addi %mul3A_1372, %add3A_1487 : i32
      %dma_wait3A_1489 = arith.constant 0 : i32
      %dma_wait3A_1490 = arith.constant 0 : i32
      %dma_wait3A_1491 = arith.constant 0 : i32
      %dma_wait3A_1492 = arith.constant 0 : i32
      %dma_wait3A_1493 = tpu.memref_slice %arg8[%dma_wait3A_1490, %dma_wait3A_1491, %dma_wait3A_1492] : memref<2x512x32xf32, #tpu.memory_space<vmem>> -> memref<1x128x32xf32, #tpu.memory_space<vmem>>
      %dma_wait3A_1494 = tpu.memref_squeeze %dma_wait3A_1493 : memref<1x128x32xf32, #tpu.memory_space<vmem>> -> memref<128x32xf32, #tpu.memory_space<vmem>>
      %dma_wait3A_1495 = arith.constant 0 : i32
      %dma_wait3A_1496 = tpu.memref_slice %arg6[%dma_wait3A_1489, %dma_wait3A_1495] : memref<2x512xi32, #tpu.memory_space<vmem>> -> memref<1x128xi32, #tpu.memory_space<vmem>>
      %dma_wait3A_1497 = tpu.memref_squeeze %dma_wait3A_1496 : memref<1x128xi32, #tpu.memory_space<vmem>> -> memref<128xi32, #tpu.memory_space<vmem>>
      %dma_wait3A_1498 = arith.constant 0 : i32
      %dma_wait3A_1499 = arith.constant 0 : i32
      %dma_wait3A_1500 = tpu.memref_slice %arg3[%dma_wait3A_1498, %dma_wait3A_1499] : memref<16384x32xf32, #tpu.memory_space<hbm>> -> memref<16384x32xf32, #tpu.memory_space<hbm>>
      tpu.wait_indirect_dma semaphore(%arg10 : memref<!tpu.dma_semaphore, #tpu.memory_space<semaphore_mem>>) src(%dma_wait3A_1500 : memref<16384x32xf32, #tpu.memory_space<hbm>>) dst(%dma_wait3A_1494 : memref<128x32xf32, #tpu.memory_space<vmem>>)
      %dma_wait3A_1501 = arith.constant 0 : i32
      %dma_wait3A_1502 = arith.constant 0 : i32
      %dma_wait3A_1503 = arith.constant 128 : i32
      %dma_wait3A_1504 = arith.constant 0 : i32
      %dma_wait3A_1505 = tpu.memref_slice %arg8[%dma_wait3A_1502, %dma_wait3A_1503, %dma_wait3A_1504] : memref<2x512x32xf32, #tpu.memory_space<vmem>> -> memref<1x128x32xf32, #tpu.memory_space<vmem>>
      %dma_wait3A_1506 = tpu.memref_squeeze %dma_wait3A_1505 : memref<1x128x32xf32, #tpu.memory_space<vmem>> -> memref<128x32xf32, #tpu.memory_space<vmem>>
      %dma_wait3A_1507 = arith.constant 128 : i32
      %dma_wait3A_1508 = tpu.memref_slice %arg6[%dma_wait3A_1501, %dma_wait3A_1507] : memref<2x512xi32, #tpu.memory_space<vmem>> -> memref<1x128xi32, #tpu.memory_space<vmem>>
      %dma_wait3A_1509 = tpu.memref_squeeze %dma_wait3A_1508 : memref<1x128xi32, #tpu.memory_space<vmem>> -> memref<128xi32, #tpu.memory_space<vmem>>
      %dma_wait3A_1510 = arith.constant 0 : i32
      %dma_wait3A_1511 = arith.constant 0 : i32
      %dma_wait3A_1512 = tpu.memref_slice %arg3[%dma_wait3A_1510, %dma_wait3A_1511] : memref<16384x32xf32, #tpu.memory_space<hbm>> -> memref<16384x32xf32, #tpu.memory_space<hbm>>
      tpu.wait_indirect_dma semaphore(%arg10 : memref<!tpu.dma_semaphore, #tpu.memory_space<semaphore_mem>>) src(%dma_wait3A_1512 : memref<16384x32xf32, #tpu.memory_space<hbm>>) dst(%dma_wait3A_1506 : memref<128x32xf32, #tpu.memory_space<vmem>>)
      %dma_wait3A_1513 = arith.constant 0 : i32
      %dma_wait3A_1514 = arith.constant 0 : i32
      %dma_wait3A_1515 = arith.constant 256 : i32
      %dma_wait3A_1516 = arith.constant 0 : i32
      %dma_wait3A_1517 = tpu.memref_slice %arg8[%dma_wait3A_1514, %dma_wait3A_1515, %dma_wait3A_1516] : memref<2x512x32xf32, #tpu.memory_space<vmem>> -> memref<1x128x32xf32, #tpu.memory_space<vmem>>
      %dma_wait3A_1518 = tpu.memref_squeeze %dma_wait3A_1517 : memref<1x128x32xf32, #tpu.memory_space<vmem>> -> memref<128x32xf32, #tpu.memory_space<vmem>>
      %dma_wait3A_1519 = arith.constant 256 : i32
      %dma_wait3A_1520 = tpu.memref_slice %arg6[%dma_wait3A_1513, %dma_wait3A_1519] : memref<2x512xi32, #tpu.memory_space<vmem>> -> memref<1x128xi32, #tpu.memory_space<vmem>>
      %dma_wait3A_1521 = tpu.memref_squeeze %dma_wait3A_1520 : memref<1x128xi32, #tpu.memory_space<vmem>> -> memref<128xi32, #tpu.memory_space<vmem>>
      %dma_wait3A_1522 = arith.constant 0 : i32
      %dma_wait3A_1523 = arith.constant 0 : i32
      %dma_wait3A_1524 = tpu.memref_slice %arg3[%dma_wait3A_1522, %dma_wait3A_1523] : memref<16384x32xf32, #tpu.memory_space<hbm>> -> memref<16384x32xf32, #tpu.memory_space<hbm>>
      tpu.wait_indirect_dma semaphore(%arg10 : memref<!tpu.dma_semaphore, #tpu.memory_space<semaphore_mem>>) src(%dma_wait3A_1524 : memref<16384x32xf32, #tpu.memory_space<hbm>>) dst(%dma_wait3A_1518 : memref<128x32xf32, #tpu.memory_space<vmem>>)
      %dma_wait3A_1525 = arith.constant 0 : i32
      %dma_wait3A_1526 = arith.constant 0 : i32
      %dma_wait3A_1527 = arith.constant 384 : i32
      %dma_wait3A_1528 = arith.constant 0 : i32
      %dma_wait3A_1529 = tpu.memref_slice %arg8[%dma_wait3A_1526, %dma_wait3A_1527, %dma_wait3A_1528] : memref<2x512x32xf32, #tpu.memory_space<vmem>> -> memref<1x128x32xf32, #tpu.memory_space<vmem>>
      %dma_wait3A_1530 = tpu.memref_squeeze %dma_wait3A_1529 : memref<1x128x32xf32, #tpu.memory_space<vmem>> -> memref<128x32xf32, #tpu.memory_space<vmem>>
      %dma_wait3A_1531 = arith.constant 384 : i32
      %dma_wait3A_1532 = tpu.memref_slice %arg6[%dma_wait3A_1525, %dma_wait3A_1531] : memref<2x512xi32, #tpu.memory_space<vmem>> -> memref<1x128xi32, #tpu.memory_space<vmem>>
      %dma_wait3A_1533 = tpu.memref_squeeze %dma_wait3A_1532 : memref<1x128xi32, #tpu.memory_space<vmem>> -> memref<128xi32, #tpu.memory_space<vmem>>
      %dma_wait3A_1534 = arith.constant 0 : i32
      %dma_wait3A_1535 = arith.constant 0 : i32
      %dma_wait3A_1536 = tpu.memref_slice %arg3[%dma_wait3A_1534, %dma_wait3A_1535] : memref<16384x32xf32, #tpu.memory_space<hbm>> -> memref<16384x32xf32, #tpu.memory_space<hbm>>
      tpu.wait_indirect_dma semaphore(%arg10 : memref<!tpu.dma_semaphore, #tpu.memory_space<semaphore_mem>>) src(%dma_wait3A_1536 : memref<16384x32xf32, #tpu.memory_space<hbm>>) dst(%dma_wait3A_1530 : memref<128x32xf32, #tpu.memory_space<vmem>>)
      %dma_wait3A_1537 = arith.constant 1 : i32
      %dma_wait3A_1538 = arith.constant 1 : i32
      %dma_wait3A_1539 = arith.constant 0 : i32
      %dma_wait3A_1540 = arith.constant 0 : i32
      %dma_wait3A_1541 = tpu.memref_slice %arg8[%dma_wait3A_1538, %dma_wait3A_1539, %dma_wait3A_1540] : memref<2x512x32xf32, #tpu.memory_space<vmem>> -> memref<1x128x32xf32, #tpu.memory_space<vmem>>
      %dma_wait3A_1542 = tpu.memref_squeeze %dma_wait3A_1541 : memref<1x128x32xf32, #tpu.memory_space<vmem>> -> memref<128x32xf32, #tpu.memory_space<vmem>>
      %dma_wait3A_1543 = arith.constant 0 : i32
      %dma_wait3A_1544 = tpu.memref_slice %arg6[%dma_wait3A_1537, %dma_wait3A_1543] : memref<2x512xi32, #tpu.memory_space<vmem>> -> memref<1x128xi32, #tpu.memory_space<vmem>>
      %dma_wait3A_1545 = tpu.memref_squeeze %dma_wait3A_1544 : memref<1x128xi32, #tpu.memory_space<vmem>> -> memref<128xi32, #tpu.memory_space<vmem>>
      %dma_wait3A_1546 = arith.constant 0 : i32
      %dma_wait3A_1547 = arith.constant 0 : i32
      %dma_wait3A_1548 = tpu.memref_slice %arg3[%dma_wait3A_1546, %dma_wait3A_1547] : memref<16384x32xf32, #tpu.memory_space<hbm>> -> memref<16384x32xf32, #tpu.memory_space<hbm>>
      tpu.wait_indirect_dma semaphore(%arg10 : memref<!tpu.dma_semaphore, #tpu.memory_space<semaphore_mem>>) src(%dma_wait3A_1548 : memref<16384x32xf32, #tpu.memory_space<hbm>>) dst(%dma_wait3A_1542 : memref<128x32xf32, #tpu.memory_space<vmem>>)
      %dma_wait3A_1549 = arith.constant 1 : i32
      %dma_wait3A_1550 = arith.constant 1 : i32
      %dma_wait3A_1551 = arith.constant 128 : i32
      %dma_wait3A_1552 = arith.constant 0 : i32
      %dma_wait3A_1553 = tpu.memref_slice %arg8[%dma_wait3A_1550, %dma_wait3A_1551, %dma_wait3A_1552] : memref<2x512x32xf32, #tpu.memory_space<vmem>> -> memref<1x128x32xf32, #tpu.memory_space<vmem>>
      %dma_wait3A_1554 = tpu.memref_squeeze %dma_wait3A_1553 : memref<1x128x32xf32, #tpu.memory_space<vmem>> -> memref<128x32xf32, #tpu.memory_space<vmem>>
      %dma_wait3A_1555 = arith.constant 128 : i32
      %dma_wait3A_1556 = tpu.memref_slice %arg6[%dma_wait3A_1549, %dma_wait3A_1555] : memref<2x512xi32, #tpu.memory_space<vmem>> -> memref<1x128xi32, #tpu.memory_space<vmem>>
      %dma_wait3A_1557 = tpu.memref_squeeze %dma_wait3A_1556 : memref<1x128xi32, #tpu.memory_space<vmem>> -> memref<128xi32, #tpu.memory_space<vmem>>
      %dma_wait3A_1558 = arith.constant 0 : i32
      %dma_wait3A_1559 = arith.constant 0 : i32
      %dma_wait3A_1560 = tpu.memref_slice %arg3[%dma_wait3A_1558, %dma_wait3A_1559] : memref<16384x32xf32, #tpu.memory_space<hbm>> -> memref<16384x32xf32, #tpu.memory_space<hbm>>
      tpu.wait_indirect_dma semaphore(%arg10 : memref<!tpu.dma_semaphore, #tpu.memory_space<semaphore_mem>>) src(%dma_wait3A_1560 : memref<16384x32xf32, #tpu.memory_space<hbm>>) dst(%dma_wait3A_1554 : memref<128x32xf32, #tpu.memory_space<vmem>>)
      %dma_wait3A_1561 = arith.constant 1 : i32
      %dma_wait3A_1562 = arith.constant 1 : i32
      %dma_wait3A_1563 = arith.constant 256 : i32
      %dma_wait3A_1564 = arith.constant 0 : i32
      %dma_wait3A_1565 = tpu.memref_slice %arg8[%dma_wait3A_1562, %dma_wait3A_1563, %dma_wait3A_1564] : memref<2x512x32xf32, #tpu.memory_space<vmem>> -> memref<1x128x32xf32, #tpu.memory_space<vmem>>
      %dma_wait3A_1566 = tpu.memref_squeeze %dma_wait3A_1565 : memref<1x128x32xf32, #tpu.memory_space<vmem>> -> memref<128x32xf32, #tpu.memory_space<vmem>>
      %dma_wait3A_1567 = arith.constant 256 : i32
      %dma_wait3A_1568 = tpu.memref_slice %arg6[%dma_wait3A_1561, %dma_wait3A_1567] : memref<2x512xi32, #tpu.memory_space<vmem>> -> memref<1x128xi32, #tpu.memory_space<vmem>>
      %dma_wait3A_1569 = tpu.memref_squeeze %dma_wait3A_1568 : memref<1x128xi32, #tpu.memory_space<vmem>> -> memref<128xi32, #tpu.memory_space<vmem>>
      %dma_wait3A_1570 = arith.constant 0 : i32
      %dma_wait3A_1571 = arith.constant 0 : i32
      %dma_wait3A_1572 = tpu.memref_slice %arg3[%dma_wait3A_1570, %dma_wait3A_1571] : memref<16384x32xf32, #tpu.memory_space<hbm>> -> memref<16384x32xf32, #tpu.memory_space<hbm>>
      tpu.wait_indirect_dma semaphore(%arg10 : memref<!tpu.dma_semaphore, #tpu.memory_space<semaphore_mem>>) src(%dma_wait3A_1572 : memref<16384x32xf32, #tpu.memory_space<hbm>>) dst(%dma_wait3A_1566 : memref<128x32xf32, #tpu.memory_space<vmem>>)
      %dma_wait3A_1573 = arith.constant 1 : i32
      %dma_wait3A_1574 = arith.constant 1 : i32
      %dma_wait3A_1575 = arith.constant 384 : i32
      %dma_wait3A_1576 = arith.constant 0 : i32
      %dma_wait3A_1577 = tpu.memref_slice %arg8[%dma_wait3A_1574, %dma_wait3A_1575, %dma_wait3A_1576] : memref<2x512x32xf32, #tpu.memory_space<vmem>> -> memref<1x128x32xf32, #tpu.memory_space<vmem>>
      %dma_wait3A_1578 = tpu.memref_squeeze %dma_wait3A_1577 : memref<1x128x32xf32, #tpu.memory_space<vmem>> -> memref<128x32xf32, #tpu.memory_space<vmem>>
      %dma_wait3A_1579 = arith.constant 384 : i32
      %dma_wait3A_1580 = tpu.memref_slice %arg6[%dma_wait3A_1573, %dma_wait3A_1579] : memref<2x512xi32, #tpu.memory_space<vmem>> -> memref<1x128xi32, #tpu.memory_space<vmem>>
      %dma_wait3A_1581 = tpu.memref_squeeze %dma_wait3A_1580 : memref<1x128xi32, #tpu.memory_space<vmem>> -> memref<128xi32, #tpu.memory_space<vmem>>
      %dma_wait3A_1582 = arith.constant 0 : i32
      %dma_wait3A_1583 = arith.constant 0 : i32
      %dma_wait3A_1584 = tpu.memref_slice %arg3[%dma_wait3A_1582, %dma_wait3A_1583] : memref<16384x32xf32, #tpu.memory_space<hbm>> -> memref<16384x32xf32, #tpu.memory_space<hbm>>
      tpu.wait_indirect_dma semaphore(%arg10 : memref<!tpu.dma_semaphore, #tpu.memory_space<semaphore_mem>>) src(%dma_wait3A_1584 : memref<16384x32xf32, #tpu.memory_space<hbm>>) dst(%dma_wait3A_1578 : memref<128x32xf32, #tpu.memory_space<vmem>>)
      %mul3A_1585 = arith.constant 2 : i32
      %mul3A_1586 = arith.muli %add3A_1488, %mul3A_1585 : i32
      %add3A_1587 = arith.addi %mul3A_32, %mul3A_1586 : i32
      %dma_start3A_1588 = arith.constant 0 : i32
      %dma_start3A_1589 = arith.constant 0 : i32
      %dma_start3A_1590 = tpu.memref_slice %arg4[%select_n3A, %add3A_1587, %dma_start3A_1588, %dma_start3A_1589] : memref<8x512x512x32xf32, #tpu.memory_space<hbm>> -> memref<1x2x512x32xf32, #tpu.memory_space<hbm>>
      %dma_start3A_1591 = tpu.memref_squeeze %dma_start3A_1590 : memref<1x2x512x32xf32, #tpu.memory_space<hbm>> -> memref<2x512x32xf32, #tpu.memory_space<hbm>>
      %dma_start3A_1592 = arith.constant 0 : i32
      %dma_start3A_1593 = arith.constant 0 : i32
      %dma_start3A_1594 = tpu.memref_slice %arg4[%select_n3A, %add3A_1587, %dma_start3A_1592, %dma_start3A_1593] : memref<8x512x512x32xf32, #tpu.memory_space<hbm>> -> memref<1x2x512x32xf32, #tpu.memory_space<hbm>>
      %dma_start3A_1595 = tpu.memref_squeeze %dma_start3A_1594 : memref<1x2x512x32xf32, #tpu.memory_space<hbm>> -> memref<2x512x32xf32, #tpu.memory_space<hbm>>
      tpu.enqueue_dma source(%arg8 : memref<2x512x32xf32, #tpu.memory_space<vmem>>) target(%dma_start3A_1595 : memref<2x512x32xf32, #tpu.memory_space<hbm>>) target_semaphore(%arg12 : memref<!tpu.dma_semaphore, #tpu.memory_space<semaphore_mem>>)
      %add3A_1596 = arith.constant 1 : i32
      %add3A_1597 = arith.addi %add3A_1488, %add3A_1596 : i32
      %lt3A_1598 = arith.constant 64 : i32
      %lt3A_1599 = arith.cmpi slt, %add3A_1597, %lt3A_1598 : i32
      %convert_element_type3A_1600 = arith.extui %lt3A_1599 : i1 to i32
      %cond3A_1601 = arith.constant 0 : i32
      %cond3A_1602 = arith.cmpi ne, %convert_element_type3A_1600, %cond3A_1601 : i32
      scf.if %cond3A_1602 {
        %ge3A = arith.constant 1 : i32
        %ge3A_1604 = arith.cmpi sge, %add3A_1488, %ge3A : i32
        %convert_element_type3A_1605 = arith.extui %ge3A_1604 : i1 to i32
        %cond3A_1606 = arith.constant 0 : i32
        %cond3A_1607 = arith.cmpi ne, %convert_element_type3A_1605, %cond3A_1606 : i32
        scf.if %cond3A_1607 {
          %sub3A_2925 = arith.constant 1 : i32
          %sub3A_2926 = arith.subi %add3A_1488, %sub3A_2925 : i32
          %mul3A_2927 = arith.constant 2 : i32
          %mul3A_2928 = arith.muli %sub3A_2926, %mul3A_2927 : i32
          %add3A_2929 = arith.addi %mul3A_32, %mul3A_2928 : i32
          %dma_wait3A_2930 = arith.constant 0 : i32
          %dma_wait3A_2931 = arith.constant 0 : i32
          %dma_wait3A_2932 = tpu.memref_slice %arg4[%select_n3A, %add3A_2929, %dma_wait3A_2930, %dma_wait3A_2931] : memref<8x512x512x32xf32, #tpu.memory_space<hbm>> -> memref<1x2x512x32xf32, #tpu.memory_space<hbm>>
          %dma_wait3A_2933 = tpu.memref_squeeze %dma_wait3A_2932 : memref<1x2x512x32xf32, #tpu.memory_space<hbm>> -> memref<2x512x32xf32, #tpu.memory_space<hbm>>
          %dma_wait3A_2934 = arith.constant 0 : i32
          %dma_wait3A_2935 = arith.constant 0 : i32
          %dma_wait3A_2936 = tpu.memref_slice %arg4[%select_n3A, %add3A_2929, %dma_wait3A_2934, %dma_wait3A_2935] : memref<8x512x512x32xf32, #tpu.memory_space<hbm>> -> memref<1x2x512x32xf32, #tpu.memory_space<hbm>>
          %dma_wait3A_2937 = tpu.memref_squeeze %dma_wait3A_2936 : memref<1x2x512x32xf32, #tpu.memory_space<hbm>> -> memref<2x512x32xf32, #tpu.memory_space<hbm>>
          tpu.wait_dma2 semaphore(%arg11 : memref<!tpu.dma_semaphore, #tpu.memory_space<semaphore_mem>>) src(%arg7 : memref<2x512x32xf32, #tpu.memory_space<vmem>>) dst(%dma_wait3A_2937 : memref<2x512x32xf32, #tpu.memory_space<hbm>>)
        } else {
        }
        %add3A_1608 = arith.constant 1 : i32
        %add3A_1609 = arith.addi %add3A_1488, %add3A_1608 : i32
        %mul3A_1610 = arith.constant 2 : i32
        %mul3A_1611 = arith.muli %add3A_1609, %mul3A_1610 : i32
        %add3A_1612 = arith.addi %mul3A_32, %mul3A_1611 : i32
        "tpu.region"() ({
          %run_scoped3A = tpu.sem_alloc : memref<!tpu.dma_semaphore, #tpu.memory_space<semaphore_mem>>
          %dma_start3A_2925 = arith.constant 0 : i32
          %dma_start3A_2926 = tpu.memref_slice %arg2[%select_n3A, %add3A_1612, %dma_start3A_2925] : memref<8x512x512xi32, #tpu.memory_space<hbm>> -> memref<1x2x512xi32, #tpu.memory_space<hbm>>
          %dma_start3A_2927 = tpu.memref_squeeze %dma_start3A_2926 : memref<1x2x512xi32, #tpu.memory_space<hbm>> -> memref<2x512xi32, #tpu.memory_space<hbm>>
          %dma_start3A_2928 = arith.constant 0 : i32
          %dma_start3A_2929 = tpu.memref_slice %arg2[%select_n3A, %add3A_1612, %dma_start3A_2928] : memref<8x512x512xi32, #tpu.memory_space<hbm>> -> memref<1x2x512xi32, #tpu.memory_space<hbm>>
          %dma_start3A_2930 = tpu.memref_squeeze %dma_start3A_2929 : memref<1x2x512xi32, #tpu.memory_space<hbm>> -> memref<2x512xi32, #tpu.memory_space<hbm>>
          tpu.enqueue_dma source(%dma_start3A_2930 : memref<2x512xi32, #tpu.memory_space<hbm>>) target(%arg5 : memref<2x512xi32, #tpu.memory_space<vmem>>) target_semaphore(%run_scoped3A : memref<!tpu.dma_semaphore, #tpu.memory_space<semaphore_mem>>)
          %dma_wait3A_2931 = arith.constant 0 : i32
          %dma_wait3A_2932 = tpu.memref_slice %arg2[%select_n3A, %add3A_1612, %dma_wait3A_2931] : memref<8x512x512xi32, #tpu.memory_space<hbm>> -> memref<1x2x512xi32, #tpu.memory_space<hbm>>
          %dma_wait3A_2933 = tpu.memref_squeeze %dma_wait3A_2932 : memref<1x2x512xi32, #tpu.memory_space<hbm>> -> memref<2x512xi32, #tpu.memory_space<hbm>>
          %dma_wait3A_2934 = arith.constant 0 : i32
          %dma_wait3A_2935 = tpu.memref_slice %arg2[%select_n3A, %add3A_1612, %dma_wait3A_2934] : memref<8x512x512xi32, #tpu.memory_space<hbm>> -> memref<1x2x512xi32, #tpu.memory_space<hbm>>
          %dma_wait3A_2936 = tpu.memref_squeeze %dma_wait3A_2935 : memref<1x2x512xi32, #tpu.memory_space<hbm>> -> memref<2x512xi32, #tpu.memory_space<hbm>>
          tpu.wait_dma2 semaphore(%run_scoped3A : memref<!tpu.dma_semaphore, #tpu.memory_space<semaphore_mem>>) src(%dma_wait3A_2936 : memref<2x512xi32, #tpu.memory_space<hbm>>) dst(%arg5 : memref<2x512xi32, #tpu.memory_space<vmem>>)
          tpu.yield
        }) : () -> ()
        %get3A_1613 = arith.constant 0 : i32
        %get3A_1614 = arith.index_cast %get3A_1613 : i32 to index
        %get3A_1615 = arith.constant 0 : index
        %get3A_1616 = tpu.vector_load %arg5[%get3A_1614, %get3A_1615] {strides = array<i32>} : memref<2x512xi32, #tpu.memory_space<vmem>>, vector<1x16xi32>,
        %get3A_1617 = vector.shape_cast %get3A_1616 : vector<1x16xi32> to vector<16xi32>
        %max3A_1618 = arith.constant 0 : i32
        %max3A_1619 = vector.broadcast %max3A_1618 : i32 to vector<16xi32>
        %max3A_1620 = arith.maxsi %get3A_1617, %max3A_1619 : vector<16xi32>
        %min3A_1621 = arith.constant 511 : i32
        %min3A_1622 = vector.broadcast %min3A_1621 : i32 to vector<16xi32>
        %min3A_1623 = arith.minsi %max3A_1620, %min3A_1622 : vector<16xi32>
        %add3A_1624 = vector.broadcast %mul3A_34 : i32 to vector<16xi32>
        %add3A_1625 = arith.addi %min3A_1623, %add3A_1624 : vector<16xi32>
        %swap3A_1626 = arith.constant 0 : i32
        %swap3A_1627 = arith.index_cast %swap3A_1626 : i32 to index
        %swap3A_1628 = arith.constant 0 : index
        %swap3A_1629 = tpu.vector_load %arg5[%swap3A_1627, %swap3A_1628] {strides = array<i32>} : memref<2x512xi32, #tpu.memory_space<vmem>>, vector<1x16xi32>,
        %swap3A_1630 = vector.shape_cast %swap3A_1629 : vector<1x16xi32> to vector<16xi32>
        %swap3A_1631 = vector.shape_cast %add3A_1625 : vector<16xi32> to vector<1x16xi32>
        tpu.vector_store %arg5[%swap3A_1627, %swap3A_1628], %swap3A_1631 {strides = array<i32>} : memref<2x512xi32, #tpu.memory_space<vmem>>, vector<1x16xi32>,
        %get3A_1632 = arith.constant 0 : i32
        %get3A_1633 = arith.index_cast %get3A_1632 : i32 to index
        %get3A_1634 = arith.constant 16 : index
        %get3A_1635 = tpu.vector_load %arg5[%get3A_1633, %get3A_1634] {strides = array<i32>} : memref<2x512xi32, #tpu.memory_space<vmem>>, vector<1x16xi32>,
        %get3A_1636 = vector.shape_cast %get3A_1635 : vector<1x16xi32> to vector<16xi32>
        %max3A_1637 = arith.constant 0 : i32
        %max3A_1638 = vector.broadcast %max3A_1637 : i32 to vector<16xi32>
        %max3A_1639 = arith.maxsi %get3A_1636, %max3A_1638 : vector<16xi32>
        %min3A_1640 = arith.constant 511 : i32
        %min3A_1641 = vector.broadcast %min3A_1640 : i32 to vector<16xi32>
        %min3A_1642 = arith.minsi %max3A_1639, %min3A_1641 : vector<16xi32>
        %add3A_1643 = vector.broadcast %mul3A_34 : i32 to vector<16xi32>
        %add3A_1644 = arith.addi %min3A_1642, %add3A_1643 : vector<16xi32>
        %swap3A_1645 = arith.constant 0 : i32
        %swap3A_1646 = arith.index_cast %swap3A_1645 : i32 to index
        %swap3A_1647 = arith.constant 16 : index
        %swap3A_1648 = tpu.vector_load %arg5[%swap3A_1646, %swap3A_1647] {strides = array<i32>} : memref<2x512xi32, #tpu.memory_space<vmem>>, vector<1x16xi32>,
        %swap3A_1649 = vector.shape_cast %swap3A_1648 : vector<1x16xi32> to vector<16xi32>
        %swap3A_1650 = vector.shape_cast %add3A_1644 : vector<16xi32> to vector<1x16xi32>
        tpu.vector_store %arg5[%swap3A_1646, %swap3A_1647], %swap3A_1650 {strides = array<i32>} : memref<2x512xi32, #tpu.memory_space<vmem>>, vector<1x16xi32>,
        %get3A_1651 = arith.constant 0 : i32
        %get3A_1652 = arith.index_cast %get3A_1651 : i32 to index
        %get3A_1653 = arith.constant 32 : index
        %get3A_1654 = tpu.vector_load %arg5[%get3A_1652, %get3A_1653] {strides = array<i32>} : memref<2x512xi32, #tpu.memory_space<vmem>>, vector<1x16xi32>,
        %get3A_1655 = vector.shape_cast %get3A_1654 : vector<1x16xi32> to vector<16xi32>
        %max3A_1656 = arith.constant 0 : i32
        %max3A_1657 = vector.broadcast %max3A_1656 : i32 to vector<16xi32>
        %max3A_1658 = arith.maxsi %get3A_1655, %max3A_1657 : vector<16xi32>
        %min3A_1659 = arith.constant 511 : i32
        %min3A_1660 = vector.broadcast %min3A_1659 : i32 to vector<16xi32>
        %min3A_1661 = arith.minsi %max3A_1658, %min3A_1660 : vector<16xi32>
        %add3A_1662 = vector.broadcast %mul3A_34 : i32 to vector<16xi32>
        %add3A_1663 = arith.addi %min3A_1661, %add3A_1662 : vector<16xi32>
        %swap3A_1664 = arith.constant 0 : i32
        %swap3A_1665 = arith.index_cast %swap3A_1664 : i32 to index
        %swap3A_1666 = arith.constant 32 : index
        %swap3A_1667 = tpu.vector_load %arg5[%swap3A_1665, %swap3A_1666] {strides = array<i32>} : memref<2x512xi32, #tpu.memory_space<vmem>>, vector<1x16xi32>,
        %swap3A_1668 = vector.shape_cast %swap3A_1667 : vector<1x16xi32> to vector<16xi32>
        %swap3A_1669 = vector.shape_cast %add3A_1663 : vector<16xi32> to vector<1x16xi32>
        tpu.vector_store %arg5[%swap3A_1665, %swap3A_1666], %swap3A_1669 {strides = array<i32>} : memref<2x512xi32, #tpu.memory_space<vmem>>, vector<1x16xi32>,
        %get3A_1670 = arith.constant 0 : i32
        %get3A_1671 = arith.index_cast %get3A_1670 : i32 to index
        %get3A_1672 = arith.constant 48 : index
        %get3A_1673 = tpu.vector_load %arg5[%get3A_1671, %get3A_1672] {strides = array<i32>} : memref<2x512xi32, #tpu.memory_space<vmem>>, vector<1x16xi32>,
        %get3A_1674 = vector.shape_cast %get3A_1673 : vector<1x16xi32> to vector<16xi32>
        %max3A_1675 = arith.constant 0 : i32
        %max3A_1676 = vector.broadcast %max3A_1675 : i32 to vector<16xi32>
        %max3A_1677 = arith.maxsi %get3A_1674, %max3A_1676 : vector<16xi32>
        %min3A_1678 = arith.constant 511 : i32
        %min3A_1679 = vector.broadcast %min3A_1678 : i32 to vector<16xi32>
        %min3A_1680 = arith.minsi %max3A_1677, %min3A_1679 : vector<16xi32>
        %add3A_1681 = vector.broadcast %mul3A_34 : i32 to vector<16xi32>
        %add3A_1682 = arith.addi %min3A_1680, %add3A_1681 : vector<16xi32>
        %swap3A_1683 = arith.constant 0 : i32
        %swap3A_1684 = arith.index_cast %swap3A_1683 : i32 to index
        %swap3A_1685 = arith.constant 48 : index
        %swap3A_1686 = tpu.vector_load %arg5[%swap3A_1684, %swap3A_1685] {strides = array<i32>} : memref<2x512xi32, #tpu.memory_space<vmem>>, vector<1x16xi32>,
        %swap3A_1687 = vector.shape_cast %swap3A_1686 : vector<1x16xi32> to vector<16xi32>
        %swap3A_1688 = vector.shape_cast %add3A_1682 : vector<16xi32> to vector<1x16xi32>
        tpu.vector_store %arg5[%swap3A_1684, %swap3A_1685], %swap3A_1688 {strides = array<i32>} : memref<2x512xi32, #tpu.memory_space<vmem>>, vector<1x16xi32>,
        %get3A_1689 = arith.constant 0 : i32
        %get3A_1690 = arith.index_cast %get3A_1689 : i32 to index
        %get3A_1691 = arith.constant 64 : index
        %get3A_1692 = tpu.vector_load %arg5[%get3A_1690, %get3A_1691] {strides = array<i32>} : memref<2x512xi32, #tpu.memory_space<vmem>>, vector<1x16xi32>,
        %get3A_1693 = vector.shape_cast %get3A_1692 : vector<1x16xi32> to vector<16xi32>
        %max3A_1694 = arith.constant 0 : i32
        %max3A_1695 = vector.broadcast %max3A_1694 : i32 to vector<16xi32>
        %max3A_1696 = arith.maxsi %get3A_1693, %max3A_1695 : vector<16xi32>
        %min3A_1697 = arith.constant 511 : i32
        %min3A_1698 = vector.broadcast %min3A_1697 : i32 to vector<16xi32>
        %min3A_1699 = arith.minsi %max3A_1696, %min3A_1698 : vector<16xi32>
        %add3A_1700 = vector.broadcast %mul3A_34 : i32 to vector<16xi32>
        %add3A_1701 = arith.addi %min3A_1699, %add3A_1700 : vector<16xi32>
        %swap3A_1702 = arith.constant 0 : i32
        %swap3A_1703 = arith.index_cast %swap3A_1702 : i32 to index
        %swap3A_1704 = arith.constant 64 : index
        %swap3A_1705 = tpu.vector_load %arg5[%swap3A_1703, %swap3A_1704] {strides = array<i32>} : memref<2x512xi32, #tpu.memory_space<vmem>>, vector<1x16xi32>,
        %swap3A_1706 = vector.shape_cast %swap3A_1705 : vector<1x16xi32> to vector<16xi32>
        %swap3A_1707 = vector.shape_cast %add3A_1701 : vector<16xi32> to vector<1x16xi32>
        tpu.vector_store %arg5[%swap3A_1703, %swap3A_1704], %swap3A_1707 {strides = array<i32>} : memref<2x512xi32, #tpu.memory_space<vmem>>, vector<1x16xi32>,
        %get3A_1708 = arith.constant 0 : i32
        %get3A_1709 = arith.index_cast %get3A_1708 : i32 to index
        %get3A_1710 = arith.constant 80 : index
        %get3A_1711 = tpu.vector_load %arg5[%get3A_1709, %get3A_1710] {strides = array<i32>} : memref<2x512xi32, #tpu.memory_space<vmem>>, vector<1x16xi32>,
        %get3A_1712 = vector.shape_cast %get3A_1711 : vector<1x16xi32> to vector<16xi32>
        %max3A_1713 = arith.constant 0 : i32
        %max3A_1714 = vector.broadcast %max3A_1713 : i32 to vector<16xi32>
        %max3A_1715 = arith.maxsi %get3A_1712, %max3A_1714 : vector<16xi32>
        %min3A_1716 = arith.constant 511 : i32
        %min3A_1717 = vector.broadcast %min3A_1716 : i32 to vector<16xi32>
        %min3A_1718 = arith.minsi %max3A_1715, %min3A_1717 : vector<16xi32>
        %add3A_1719 = vector.broadcast %mul3A_34 : i32 to vector<16xi32>
        %add3A_1720 = arith.addi %min3A_1718, %add3A_1719 : vector<16xi32>
        %swap3A_1721 = arith.constant 0 : i32
        %swap3A_1722 = arith.index_cast %swap3A_1721 : i32 to index
        %swap3A_1723 = arith.constant 80 : index
        %swap3A_1724 = tpu.vector_load %arg5[%swap3A_1722, %swap3A_1723] {strides = array<i32>} : memref<2x512xi32, #tpu.memory_space<vmem>>, vector<1x16xi32>,
        %swap3A_1725 = vector.shape_cast %swap3A_1724 : vector<1x16xi32> to vector<16xi32>
        %swap3A_1726 = vector.shape_cast %add3A_1720 : vector<16xi32> to vector<1x16xi32>
        tpu.vector_store %arg5[%swap3A_1722, %swap3A_1723], %swap3A_1726 {strides = array<i32>} : memref<2x512xi32, #tpu.memory_space<vmem>>, vector<1x16xi32>,
        %get3A_1727 = arith.constant 0 : i32
        %get3A_1728 = arith.index_cast %get3A_1727 : i32 to index
        %get3A_1729 = arith.constant 96 : index
        %get3A_1730 = tpu.vector_load %arg5[%get3A_1728, %get3A_1729] {strides = array<i32>} : memref<2x512xi32, #tpu.memory_space<vmem>>, vector<1x16xi32>,
        %get3A_1731 = vector.shape_cast %get3A_1730 : vector<1x16xi32> to vector<16xi32>
        %max3A_1732 = arith.constant 0 : i32
        %max3A_1733 = vector.broadcast %max3A_1732 : i32 to vector<16xi32>
        %max3A_1734 = arith.maxsi %get3A_1731, %max3A_1733 : vector<16xi32>
        %min3A_1735 = arith.constant 511 : i32
        %min3A_1736 = vector.broadcast %min3A_1735 : i32 to vector<16xi32>
        %min3A_1737 = arith.minsi %max3A_1734, %min3A_1736 : vector<16xi32>
        %add3A_1738 = vector.broadcast %mul3A_34 : i32 to vector<16xi32>
        %add3A_1739 = arith.addi %min3A_1737, %add3A_1738 : vector<16xi32>
        %swap3A_1740 = arith.constant 0 : i32
        %swap3A_1741 = arith.index_cast %swap3A_1740 : i32 to index
        %swap3A_1742 = arith.constant 96 : index
        %swap3A_1743 = tpu.vector_load %arg5[%swap3A_1741, %swap3A_1742] {strides = array<i32>} : memref<2x512xi32, #tpu.memory_space<vmem>>, vector<1x16xi32>,
        %swap3A_1744 = vector.shape_cast %swap3A_1743 : vector<1x16xi32> to vector<16xi32>
        %swap3A_1745 = vector.shape_cast %add3A_1739 : vector<16xi32> to vector<1x16xi32>
        tpu.vector_store %arg5[%swap3A_1741, %swap3A_1742], %swap3A_1745 {strides = array<i32>} : memref<2x512xi32, #tpu.memory_space<vmem>>, vector<1x16xi32>,
        %get3A_1746 = arith.constant 0 : i32
        %get3A_1747 = arith.index_cast %get3A_1746 : i32 to index
        %get3A_1748 = arith.constant 112 : index
        %get3A_1749 = tpu.vector_load %arg5[%get3A_1747, %get3A_1748] {strides = array<i32>} : memref<2x512xi32, #tpu.memory_space<vmem>>, vector<1x16xi32>,
        %get3A_1750 = vector.shape_cast %get3A_1749 : vector<1x16xi32> to vector<16xi32>
        %max3A_1751 = arith.constant 0 : i32
        %max3A_1752 = vector.broadcast %max3A_1751 : i32 to vector<16xi32>
        %max3A_1753 = arith.maxsi %get3A_1750, %max3A_1752 : vector<16xi32>
        %min3A_1754 = arith.constant 511 : i32
        %min3A_1755 = vector.broadcast %min3A_1754 : i32 to vector<16xi32>
        %min3A_1756 = arith.minsi %max3A_1753, %min3A_1755 : vector<16xi32>
        %add3A_1757 = vector.broadcast %mul3A_34 : i32 to vector<16xi32>
        %add3A_1758 = arith.addi %min3A_1756, %add3A_1757 : vector<16xi32>
        %swap3A_1759 = arith.constant 0 : i32
        %swap3A_1760 = arith.index_cast %swap3A_1759 : i32 to index
        %swap3A_1761 = arith.constant 112 : index
        %swap3A_1762 = tpu.vector_load %arg5[%swap3A_1760, %swap3A_1761] {strides = array<i32>} : memref<2x512xi32, #tpu.memory_space<vmem>>, vector<1x16xi32>,
        %swap3A_1763 = vector.shape_cast %swap3A_1762 : vector<1x16xi32> to vector<16xi32>
        %swap3A_1764 = vector.shape_cast %add3A_1758 : vector<16xi32> to vector<1x16xi32>
        tpu.vector_store %arg5[%swap3A_1760, %swap3A_1761], %swap3A_1764 {strides = array<i32>} : memref<2x512xi32, #tpu.memory_space<vmem>>, vector<1x16xi32>,
        %get3A_1765 = arith.constant 0 : i32
        %get3A_1766 = arith.index_cast %get3A_1765 : i32 to index
        %get3A_1767 = arith.constant 128 : index
        %get3A_1768 = tpu.vector_load %arg5[%get3A_1766, %get3A_1767] {strides = array<i32>} : memref<2x512xi32, #tpu.memory_space<vmem>>, vector<1x16xi32>,
        %get3A_1769 = vector.shape_cast %get3A_1768 : vector<1x16xi32> to vector<16xi32>
        %max3A_1770 = arith.constant 0 : i32
        %max3A_1771 = vector.broadcast %max3A_1770 : i32 to vector<16xi32>
        %max3A_1772 = arith.maxsi %get3A_1769, %max3A_1771 : vector<16xi32>
        %min3A_1773 = arith.constant 511 : i32
        %min3A_1774 = vector.broadcast %min3A_1773 : i32 to vector<16xi32>
        %min3A_1775 = arith.minsi %max3A_1772, %min3A_1774 : vector<16xi32>
        %add3A_1776 = vector.broadcast %mul3A_34 : i32 to vector<16xi32>
        %add3A_1777 = arith.addi %min3A_1775, %add3A_1776 : vector<16xi32>
        %swap3A_1778 = arith.constant 0 : i32
        %swap3A_1779 = arith.index_cast %swap3A_1778 : i32 to index
        %swap3A_1780 = arith.constant 128 : index
        %swap3A_1781 = tpu.vector_load %arg5[%swap3A_1779, %swap3A_1780] {strides = array<i32>} : memref<2x512xi32, #tpu.memory_space<vmem>>, vector<1x16xi32>,
        %swap3A_1782 = vector.shape_cast %swap3A_1781 : vector<1x16xi32> to vector<16xi32>
        %swap3A_1783 = vector.shape_cast %add3A_1777 : vector<16xi32> to vector<1x16xi32>
        tpu.vector_store %arg5[%swap3A_1779, %swap3A_1780], %swap3A_1783 {strides = array<i32>} : memref<2x512xi32, #tpu.memory_space<vmem>>, vector<1x16xi32>,
        %get3A_1784 = arith.constant 0 : i32
        %get3A_1785 = arith.index_cast %get3A_1784 : i32 to index
        %get3A_1786 = arith.constant 144 : index
        %get3A_1787 = tpu.vector_load %arg5[%get3A_1785, %get3A_1786] {strides = array<i32>} : memref<2x512xi32, #tpu.memory_space<vmem>>, vector<1x16xi32>,
        %get3A_1788 = vector.shape_cast %get3A_1787 : vector<1x16xi32> to vector<16xi32>
        %max3A_1789 = arith.constant 0 : i32
        %max3A_1790 = vector.broadcast %max3A_1789 : i32 to vector<16xi32>
        %max3A_1791 = arith.maxsi %get3A_1788, %max3A_1790 : vector<16xi32>
        %min3A_1792 = arith.constant 511 : i32
        %min3A_1793 = vector.broadcast %min3A_1792 : i32 to vector<16xi32>
        %min3A_1794 = arith.minsi %max3A_1791, %min3A_1793 : vector<16xi32>
        %add3A_1795 = vector.broadcast %mul3A_34 : i32 to vector<16xi32>
        %add3A_1796 = arith.addi %min3A_1794, %add3A_1795 : vector<16xi32>
        %swap3A_1797 = arith.constant 0 : i32
        %swap3A_1798 = arith.index_cast %swap3A_1797 : i32 to index
        %swap3A_1799 = arith.constant 144 : index
        %swap3A_1800 = tpu.vector_load %arg5[%swap3A_1798, %swap3A_1799] {strides = array<i32>} : memref<2x512xi32, #tpu.memory_space<vmem>>, vector<1x16xi32>,
        %swap3A_1801 = vector.shape_cast %swap3A_1800 : vector<1x16xi32> to vector<16xi32>
        %swap3A_1802 = vector.shape_cast %add3A_1796 : vector<16xi32> to vector<1x16xi32>
        tpu.vector_store %arg5[%swap3A_1798, %swap3A_1799], %swap3A_1802 {strides = array<i32>} : memref<2x512xi32, #tpu.memory_space<vmem>>, vector<1x16xi32>,
        %get3A_1803 = arith.constant 0 : i32
        %get3A_1804 = arith.index_cast %get3A_1803 : i32 to index
        %get3A_1805 = arith.constant 160 : index
        %get3A_1806 = tpu.vector_load %arg5[%get3A_1804, %get3A_1805] {strides = array<i32>} : memref<2x512xi32, #tpu.memory_space<vmem>>, vector<1x16xi32>,
        %get3A_1807 = vector.shape_cast %get3A_1806 : vector<1x16xi32> to vector<16xi32>
        %max3A_1808 = arith.constant 0 : i32
        %max3A_1809 = vector.broadcast %max3A_1808 : i32 to vector<16xi32>
        %max3A_1810 = arith.maxsi %get3A_1807, %max3A_1809 : vector<16xi32>
        %min3A_1811 = arith.constant 511 : i32
        %min3A_1812 = vector.broadcast %min3A_1811 : i32 to vector<16xi32>
        %min3A_1813 = arith.minsi %max3A_1810, %min3A_1812 : vector<16xi32>
        %add3A_1814 = vector.broadcast %mul3A_34 : i32 to vector<16xi32>
        %add3A_1815 = arith.addi %min3A_1813, %add3A_1814 : vector<16xi32>
        %swap3A_1816 = arith.constant 0 : i32
        %swap3A_1817 = arith.index_cast %swap3A_1816 : i32 to index
        %swap3A_1818 = arith.constant 160 : index
        %swap3A_1819 = tpu.vector_load %arg5[%swap3A_1817, %swap3A_1818] {strides = array<i32>} : memref<2x512xi32, #tpu.memory_space<vmem>>, vector<1x16xi32>,
        %swap3A_1820 = vector.shape_cast %swap3A_1819 : vector<1x16xi32> to vector<16xi32>
        %swap3A_1821 = vector.shape_cast %add3A_1815 : vector<16xi32> to vector<1x16xi32>
        tpu.vector_store %arg5[%swap3A_1817, %swap3A_1818], %swap3A_1821 {strides = array<i32>} : memref<2x512xi32, #tpu.memory_space<vmem>>, vector<1x16xi32>,
        %get3A_1822 = arith.constant 0 : i32
        %get3A_1823 = arith.index_cast %get3A_1822 : i32 to index
        %get3A_1824 = arith.constant 176 : index
        %get3A_1825 = tpu.vector_load %arg5[%get3A_1823, %get3A_1824] {strides = array<i32>} : memref<2x512xi32, #tpu.memory_space<vmem>>, vector<1x16xi32>,
        %get3A_1826 = vector.shape_cast %get3A_1825 : vector<1x16xi32> to vector<16xi32>
        %max3A_1827 = arith.constant 0 : i32
        %max3A_1828 = vector.broadcast %max3A_1827 : i32 to vector<16xi32>
        %max3A_1829 = arith.maxsi %get3A_1826, %max3A_1828 : vector<16xi32>
        %min3A_1830 = arith.constant 511 : i32
        %min3A_1831 = vector.broadcast %min3A_1830 : i32 to vector<16xi32>
        %min3A_1832 = arith.minsi %max3A_1829, %min3A_1831 : vector<16xi32>
        %add3A_1833 = vector.broadcast %mul3A_34 : i32 to vector<16xi32>
        %add3A_1834 = arith.addi %min3A_1832, %add3A_1833 : vector<16xi32>
        %swap3A_1835 = arith.constant 0 : i32
        %swap3A_1836 = arith.index_cast %swap3A_1835 : i32 to index
        %swap3A_1837 = arith.constant 176 : index
        %swap3A_1838 = tpu.vector_load %arg5[%swap3A_1836, %swap3A_1837] {strides = array<i32>} : memref<2x512xi32, #tpu.memory_space<vmem>>, vector<1x16xi32>,
        %swap3A_1839 = vector.shape_cast %swap3A_1838 : vector<1x16xi32> to vector<16xi32>
        %swap3A_1840 = vector.shape_cast %add3A_1834 : vector<16xi32> to vector<1x16xi32>
        tpu.vector_store %arg5[%swap3A_1836, %swap3A_1837], %swap3A_1840 {strides = array<i32>} : memref<2x512xi32, #tpu.memory_space<vmem>>, vector<1x16xi32>,
        %get3A_1841 = arith.constant 0 : i32
        %get3A_1842 = arith.index_cast %get3A_1841 : i32 to index
        %get3A_1843 = arith.constant 192 : index
        %get3A_1844 = tpu.vector_load %arg5[%get3A_1842, %get3A_1843] {strides = array<i32>} : memref<2x512xi32, #tpu.memory_space<vmem>>, vector<1x16xi32>,
        %get3A_1845 = vector.shape_cast %get3A_1844 : vector<1x16xi32> to vector<16xi32>
        %max3A_1846 = arith.constant 0 : i32
        %max3A_1847 = vector.broadcast %max3A_1846 : i32 to vector<16xi32>
        %max3A_1848 = arith.maxsi %get3A_1845, %max3A_1847 : vector<16xi32>
        %min3A_1849 = arith.constant 511 : i32
        %min3A_1850 = vector.broadcast %min3A_1849 : i32 to vector<16xi32>
        %min3A_1851 = arith.minsi %max3A_1848, %min3A_1850 : vector<16xi32>
        %add3A_1852 = vector.broadcast %mul3A_34 : i32 to vector<16xi32>
        %add3A_1853 = arith.addi %min3A_1851, %add3A_1852 : vector<16xi32>
        %swap3A_1854 = arith.constant 0 : i32
        %swap3A_1855 = arith.index_cast %swap3A_1854 : i32 to index
        %swap3A_1856 = arith.constant 192 : index
        %swap3A_1857 = tpu.vector_load %arg5[%swap3A_1855, %swap3A_1856] {strides = array<i32>} : memref<2x512xi32, #tpu.memory_space<vmem>>, vector<1x16xi32>,
        %swap3A_1858 = vector.shape_cast %swap3A_1857 : vector<1x16xi32> to vector<16xi32>
        %swap3A_1859 = vector.shape_cast %add3A_1853 : vector<16xi32> to vector<1x16xi32>
        tpu.vector_store %arg5[%swap3A_1855, %swap3A_1856], %swap3A_1859 {strides = array<i32>} : memref<2x512xi32, #tpu.memory_space<vmem>>, vector<1x16xi32>,
        %get3A_1860 = arith.constant 0 : i32
        %get3A_1861 = arith.index_cast %get3A_1860 : i32 to index
        %get3A_1862 = arith.constant 208 : index
        %get3A_1863 = tpu.vector_load %arg5[%get3A_1861, %get3A_1862] {strides = array<i32>} : memref<2x512xi32, #tpu.memory_space<vmem>>, vector<1x16xi32>,
        %get3A_1864 = vector.shape_cast %get3A_1863 : vector<1x16xi32> to vector<16xi32>
        %max3A_1865 = arith.constant 0 : i32
        %max3A_1866 = vector.broadcast %max3A_1865 : i32 to vector<16xi32>
        %max3A_1867 = arith.maxsi %get3A_1864, %max3A_1866 : vector<16xi32>
        %min3A_1868 = arith.constant 511 : i32
        %min3A_1869 = vector.broadcast %min3A_1868 : i32 to vector<16xi32>
        %min3A_1870 = arith.minsi %max3A_1867, %min3A_1869 : vector<16xi32>
        %add3A_1871 = vector.broadcast %mul3A_34 : i32 to vector<16xi32>
        %add3A_1872 = arith.addi %min3A_1870, %add3A_1871 : vector<16xi32>
        %swap3A_1873 = arith.constant 0 : i32
        %swap3A_1874 = arith.index_cast %swap3A_1873 : i32 to index
        %swap3A_1875 = arith.constant 208 : index
        %swap3A_1876 = tpu.vector_load %arg5[%swap3A_1874, %swap3A_1875] {strides = array<i32>} : memref<2x512xi32, #tpu.memory_space<vmem>>, vector<1x16xi32>,
        %swap3A_1877 = vector.shape_cast %swap3A_1876 : vector<1x16xi32> to vector<16xi32>
        %swap3A_1878 = vector.shape_cast %add3A_1872 : vector<16xi32> to vector<1x16xi32>
        tpu.vector_store %arg5[%swap3A_1874, %swap3A_1875], %swap3A_1878 {strides = array<i32>} : memref<2x512xi32, #tpu.memory_space<vmem>>, vector<1x16xi32>,
        %get3A_1879 = arith.constant 0 : i32
        %get3A_1880 = arith.index_cast %get3A_1879 : i32 to index
        %get3A_1881 = arith.constant 224 : index
        %get3A_1882 = tpu.vector_load %arg5[%get3A_1880, %get3A_1881] {strides = array<i32>} : memref<2x512xi32, #tpu.memory_space<vmem>>, vector<1x16xi32>,
        %get3A_1883 = vector.shape_cast %get3A_1882 : vector<1x16xi32> to vector<16xi32>
        %max3A_1884 = arith.constant 0 : i32
        %max3A_1885 = vector.broadcast %max3A_1884 : i32 to vector<16xi32>
        %max3A_1886 = arith.maxsi %get3A_1883, %max3A_1885 : vector<16xi32>
        %min3A_1887 = arith.constant 511 : i32
        %min3A_1888 = vector.broadcast %min3A_1887 : i32 to vector<16xi32>
        %min3A_1889 = arith.minsi %max3A_1886, %min3A_1888 : vector<16xi32>
        %add3A_1890 = vector.broadcast %mul3A_34 : i32 to vector<16xi32>
        %add3A_1891 = arith.addi %min3A_1889, %add3A_1890 : vector<16xi32>
        %swap3A_1892 = arith.constant 0 : i32
        %swap3A_1893 = arith.index_cast %swap3A_1892 : i32 to index
        %swap3A_1894 = arith.constant 224 : index
        %swap3A_1895 = tpu.vector_load %arg5[%swap3A_1893, %swap3A_1894] {strides = array<i32>} : memref<2x512xi32, #tpu.memory_space<vmem>>, vector<1x16xi32>,
        %swap3A_1896 = vector.shape_cast %swap3A_1895 : vector<1x16xi32> to vector<16xi32>
        %swap3A_1897 = vector.shape_cast %add3A_1891 : vector<16xi32> to vector<1x16xi32>
        tpu.vector_store %arg5[%swap3A_1893, %swap3A_1894], %swap3A_1897 {strides = array<i32>} : memref<2x512xi32, #tpu.memory_space<vmem>>, vector<1x16xi32>,
        %get3A_1898 = arith.constant 0 : i32
        %get3A_1899 = arith.index_cast %get3A_1898 : i32 to index
        %get3A_1900 = arith.constant 240 : index
        %get3A_1901 = tpu.vector_load %arg5[%get3A_1899, %get3A_1900] {strides = array<i32>} : memref<2x512xi32, #tpu.memory_space<vmem>>, vector<1x16xi32>,
        %get3A_1902 = vector.shape_cast %get3A_1901 : vector<1x16xi32> to vector<16xi32>
        %max3A_1903 = arith.constant 0 : i32
        %max3A_1904 = vector.broadcast %max3A_1903 : i32 to vector<16xi32>
        %max3A_1905 = arith.maxsi %get3A_1902, %max3A_1904 : vector<16xi32>
        %min3A_1906 = arith.constant 511 : i32
        %min3A_1907 = vector.broadcast %min3A_1906 : i32 to vector<16xi32>
        %min3A_1908 = arith.minsi %max3A_1905, %min3A_1907 : vector<16xi32>
        %add3A_1909 = vector.broadcast %mul3A_34 : i32 to vector<16xi32>
        %add3A_1910 = arith.addi %min3A_1908, %add3A_1909 : vector<16xi32>
        %swap3A_1911 = arith.constant 0 : i32
        %swap3A_1912 = arith.index_cast %swap3A_1911 : i32 to index
        %swap3A_1913 = arith.constant 240 : index
        %swap3A_1914 = tpu.vector_load %arg5[%swap3A_1912, %swap3A_1913] {strides = array<i32>} : memref<2x512xi32, #tpu.memory_space<vmem>>, vector<1x16xi32>,
        %swap3A_1915 = vector.shape_cast %swap3A_1914 : vector<1x16xi32> to vector<16xi32>
        %swap3A_1916 = vector.shape_cast %add3A_1910 : vector<16xi32> to vector<1x16xi32>
        tpu.vector_store %arg5[%swap3A_1912, %swap3A_1913], %swap3A_1916 {strides = array<i32>} : memref<2x512xi32, #tpu.memory_space<vmem>>, vector<1x16xi32>,
        %get3A_1917 = arith.constant 0 : i32
        %get3A_1918 = arith.index_cast %get3A_1917 : i32 to index
        %get3A_1919 = arith.constant 256 : index
        %get3A_1920 = tpu.vector_load %arg5[%get3A_1918, %get3A_1919] {strides = array<i32>} : memref<2x512xi32, #tpu.memory_space<vmem>>, vector<1x16xi32>,
        %get3A_1921 = vector.shape_cast %get3A_1920 : vector<1x16xi32> to vector<16xi32>
        %max3A_1922 = arith.constant 0 : i32
        %max3A_1923 = vector.broadcast %max3A_1922 : i32 to vector<16xi32>
        %max3A_1924 = arith.maxsi %get3A_1921, %max3A_1923 : vector<16xi32>
        %min3A_1925 = arith.constant 511 : i32
        %min3A_1926 = vector.broadcast %min3A_1925 : i32 to vector<16xi32>
        %min3A_1927 = arith.minsi %max3A_1924, %min3A_1926 : vector<16xi32>
        %add3A_1928 = vector.broadcast %mul3A_34 : i32 to vector<16xi32>
        %add3A_1929 = arith.addi %min3A_1927, %add3A_1928 : vector<16xi32>
        %swap3A_1930 = arith.constant 0 : i32
        %swap3A_1931 = arith.index_cast %swap3A_1930 : i32 to index
        %swap3A_1932 = arith.constant 256 : index
        %swap3A_1933 = tpu.vector_load %arg5[%swap3A_1931, %swap3A_1932] {strides = array<i32>} : memref<2x512xi32, #tpu.memory_space<vmem>>, vector<1x16xi32>,
        %swap3A_1934 = vector.shape_cast %swap3A_1933 : vector<1x16xi32> to vector<16xi32>
        %swap3A_1935 = vector.shape_cast %add3A_1929 : vector<16xi32> to vector<1x16xi32>
        tpu.vector_store %arg5[%swap3A_1931, %swap3A_1932], %swap3A_1935 {strides = array<i32>} : memref<2x512xi32, #tpu.memory_space<vmem>>, vector<1x16xi32>,
        %get3A_1936 = arith.constant 0 : i32
        %get3A_1937 = arith.index_cast %get3A_1936 : i32 to index
        %get3A_1938 = arith.constant 272 : index
        %get3A_1939 = tpu.vector_load %arg5[%get3A_1937, %get3A_1938] {strides = array<i32>} : memref<2x512xi32, #tpu.memory_space<vmem>>, vector<1x16xi32>,
        %get3A_1940 = vector.shape_cast %get3A_1939 : vector<1x16xi32> to vector<16xi32>
        %max3A_1941 = arith.constant 0 : i32
        %max3A_1942 = vector.broadcast %max3A_1941 : i32 to vector<16xi32>
        %max3A_1943 = arith.maxsi %get3A_1940, %max3A_1942 : vector<16xi32>
        %min3A_1944 = arith.constant 511 : i32
        %min3A_1945 = vector.broadcast %min3A_1944 : i32 to vector<16xi32>
        %min3A_1946 = arith.minsi %max3A_1943, %min3A_1945 : vector<16xi32>
        %add3A_1947 = vector.broadcast %mul3A_34 : i32 to vector<16xi32>
        %add3A_1948 = arith.addi %min3A_1946, %add3A_1947 : vector<16xi32>
        %swap3A_1949 = arith.constant 0 : i32
        %swap3A_1950 = arith.index_cast %swap3A_1949 : i32 to index
        %swap3A_1951 = arith.constant 272 : index
        %swap3A_1952 = tpu.vector_load %arg5[%swap3A_1950, %swap3A_1951] {strides = array<i32>} : memref<2x512xi32, #tpu.memory_space<vmem>>, vector<1x16xi32>,
        %swap3A_1953 = vector.shape_cast %swap3A_1952 : vector<1x16xi32> to vector<16xi32>
        %swap3A_1954 = vector.shape_cast %add3A_1948 : vector<16xi32> to vector<1x16xi32>
        tpu.vector_store %arg5[%swap3A_1950, %swap3A_1951], %swap3A_1954 {strides = array<i32>} : memref<2x512xi32, #tpu.memory_space<vmem>>, vector<1x16xi32>,
        %get3A_1955 = arith.constant 0 : i32
        %get3A_1956 = arith.index_cast %get3A_1955 : i32 to index
        %get3A_1957 = arith.constant 288 : index
        %get3A_1958 = tpu.vector_load %arg5[%get3A_1956, %get3A_1957] {strides = array<i32>} : memref<2x512xi32, #tpu.memory_space<vmem>>, vector<1x16xi32>,
        %get3A_1959 = vector.shape_cast %get3A_1958 : vector<1x16xi32> to vector<16xi32>
        %max3A_1960 = arith.constant 0 : i32
        %max3A_1961 = vector.broadcast %max3A_1960 : i32 to vector<16xi32>
        %max3A_1962 = arith.maxsi %get3A_1959, %max3A_1961 : vector<16xi32>
        %min3A_1963 = arith.constant 511 : i32
        %min3A_1964 = vector.broadcast %min3A_1963 : i32 to vector<16xi32>
        %min3A_1965 = arith.minsi %max3A_1962, %min3A_1964 : vector<16xi32>
        %add3A_1966 = vector.broadcast %mul3A_34 : i32 to vector<16xi32>
        %add3A_1967 = arith.addi %min3A_1965, %add3A_1966 : vector<16xi32>
        %swap3A_1968 = arith.constant 0 : i32
        %swap3A_1969 = arith.index_cast %swap3A_1968 : i32 to index
        %swap3A_1970 = arith.constant 288 : index
        %swap3A_1971 = tpu.vector_load %arg5[%swap3A_1969, %swap3A_1970] {strides = array<i32>} : memref<2x512xi32, #tpu.memory_space<vmem>>, vector<1x16xi32>,
        %swap3A_1972 = vector.shape_cast %swap3A_1971 : vector<1x16xi32> to vector<16xi32>
        %swap3A_1973 = vector.shape_cast %add3A_1967 : vector<16xi32> to vector<1x16xi32>
        tpu.vector_store %arg5[%swap3A_1969, %swap3A_1970], %swap3A_1973 {strides = array<i32>} : memref<2x512xi32, #tpu.memory_space<vmem>>, vector<1x16xi32>,
        %get3A_1974 = arith.constant 0 : i32
        %get3A_1975 = arith.index_cast %get3A_1974 : i32 to index
        %get3A_1976 = arith.constant 304 : index
        %get3A_1977 = tpu.vector_load %arg5[%get3A_1975, %get3A_1976] {strides = array<i32>} : memref<2x512xi32, #tpu.memory_space<vmem>>, vector<1x16xi32>,
        %get3A_1978 = vector.shape_cast %get3A_1977 : vector<1x16xi32> to vector<16xi32>
        %max3A_1979 = arith.constant 0 : i32
        %max3A_1980 = vector.broadcast %max3A_1979 : i32 to vector<16xi32>
        %max3A_1981 = arith.maxsi %get3A_1978, %max3A_1980 : vector<16xi32>
        %min3A_1982 = arith.constant 511 : i32
        %min3A_1983 = vector.broadcast %min3A_1982 : i32 to vector<16xi32>
        %min3A_1984 = arith.minsi %max3A_1981, %min3A_1983 : vector<16xi32>
        %add3A_1985 = vector.broadcast %mul3A_34 : i32 to vector<16xi32>
        %add3A_1986 = arith.addi %min3A_1984, %add3A_1985 : vector<16xi32>
        %swap3A_1987 = arith.constant 0 : i32
        %swap3A_1988 = arith.index_cast %swap3A_1987 : i32 to index
        %swap3A_1989 = arith.constant 304 : index
        %swap3A_1990 = tpu.vector_load %arg5[%swap3A_1988, %swap3A_1989] {strides = array<i32>} : memref<2x512xi32, #tpu.memory_space<vmem>>, vector<1x16xi32>,
        %swap3A_1991 = vector.shape_cast %swap3A_1990 : vector<1x16xi32> to vector<16xi32>
        %swap3A_1992 = vector.shape_cast %add3A_1986 : vector<16xi32> to vector<1x16xi32>
        tpu.vector_store %arg5[%swap3A_1988, %swap3A_1989], %swap3A_1992 {strides = array<i32>} : memref<2x512xi32, #tpu.memory_space<vmem>>, vector<1x16xi32>,
        %get3A_1993 = arith.constant 0 : i32
        %get3A_1994 = arith.index_cast %get3A_1993 : i32 to index
        %get3A_1995 = arith.constant 320 : index
        %get3A_1996 = tpu.vector_load %arg5[%get3A_1994, %get3A_1995] {strides = array<i32>} : memref<2x512xi32, #tpu.memory_space<vmem>>, vector<1x16xi32>,
        %get3A_1997 = vector.shape_cast %get3A_1996 : vector<1x16xi32> to vector<16xi32>
        %max3A_1998 = arith.constant 0 : i32
        %max3A_1999 = vector.broadcast %max3A_1998 : i32 to vector<16xi32>
        %max3A_2000 = arith.maxsi %get3A_1997, %max3A_1999 : vector<16xi32>
        %min3A_2001 = arith.constant 511 : i32
        %min3A_2002 = vector.broadcast %min3A_2001 : i32 to vector<16xi32>
        %min3A_2003 = arith.minsi %max3A_2000, %min3A_2002 : vector<16xi32>
        %add3A_2004 = vector.broadcast %mul3A_34 : i32 to vector<16xi32>
        %add3A_2005 = arith.addi %min3A_2003, %add3A_2004 : vector<16xi32>
        %swap3A_2006 = arith.constant 0 : i32
        %swap3A_2007 = arith.index_cast %swap3A_2006 : i32 to index
        %swap3A_2008 = arith.constant 320 : index
        %swap3A_2009 = tpu.vector_load %arg5[%swap3A_2007, %swap3A_2008] {strides = array<i32>} : memref<2x512xi32, #tpu.memory_space<vmem>>, vector<1x16xi32>,
        %swap3A_2010 = vector.shape_cast %swap3A_2009 : vector<1x16xi32> to vector<16xi32>
        %swap3A_2011 = vector.shape_cast %add3A_2005 : vector<16xi32> to vector<1x16xi32>
        tpu.vector_store %arg5[%swap3A_2007, %swap3A_2008], %swap3A_2011 {strides = array<i32>} : memref<2x512xi32, #tpu.memory_space<vmem>>, vector<1x16xi32>,
        %get3A_2012 = arith.constant 0 : i32
        %get3A_2013 = arith.index_cast %get3A_2012 : i32 to index
        %get3A_2014 = arith.constant 336 : index
        %get3A_2015 = tpu.vector_load %arg5[%get3A_2013, %get3A_2014] {strides = array<i32>} : memref<2x512xi32, #tpu.memory_space<vmem>>, vector<1x16xi32>,
        %get3A_2016 = vector.shape_cast %get3A_2015 : vector<1x16xi32> to vector<16xi32>
        %max3A_2017 = arith.constant 0 : i32
        %max3A_2018 = vector.broadcast %max3A_2017 : i32 to vector<16xi32>
        %max3A_2019 = arith.maxsi %get3A_2016, %max3A_2018 : vector<16xi32>
        %min3A_2020 = arith.constant 511 : i32
        %min3A_2021 = vector.broadcast %min3A_2020 : i32 to vector<16xi32>
        %min3A_2022 = arith.minsi %max3A_2019, %min3A_2021 : vector<16xi32>
        %add3A_2023 = vector.broadcast %mul3A_34 : i32 to vector<16xi32>
        %add3A_2024 = arith.addi %min3A_2022, %add3A_2023 : vector<16xi32>
        %swap3A_2025 = arith.constant 0 : i32
        %swap3A_2026 = arith.index_cast %swap3A_2025 : i32 to index
        %swap3A_2027 = arith.constant 336 : index
        %swap3A_2028 = tpu.vector_load %arg5[%swap3A_2026, %swap3A_2027] {strides = array<i32>} : memref<2x512xi32, #tpu.memory_space<vmem>>, vector<1x16xi32>,
        %swap3A_2029 = vector.shape_cast %swap3A_2028 : vector<1x16xi32> to vector<16xi32>
        %swap3A_2030 = vector.shape_cast %add3A_2024 : vector<16xi32> to vector<1x16xi32>
        tpu.vector_store %arg5[%swap3A_2026, %swap3A_2027], %swap3A_2030 {strides = array<i32>} : memref<2x512xi32, #tpu.memory_space<vmem>>, vector<1x16xi32>,
        %get3A_2031 = arith.constant 0 : i32
        %get3A_2032 = arith.index_cast %get3A_2031 : i32 to index
        %get3A_2033 = arith.constant 352 : index
        %get3A_2034 = tpu.vector_load %arg5[%get3A_2032, %get3A_2033] {strides = array<i32>} : memref<2x512xi32, #tpu.memory_space<vmem>>, vector<1x16xi32>,
        %get3A_2035 = vector.shape_cast %get3A_2034 : vector<1x16xi32> to vector<16xi32>
        %max3A_2036 = arith.constant 0 : i32
        %max3A_2037 = vector.broadcast %max3A_2036 : i32 to vector<16xi32>
        %max3A_2038 = arith.maxsi %get3A_2035, %max3A_2037 : vector<16xi32>
        %min3A_2039 = arith.constant 511 : i32
        %min3A_2040 = vector.broadcast %min3A_2039 : i32 to vector<16xi32>
        %min3A_2041 = arith.minsi %max3A_2038, %min3A_2040 : vector<16xi32>
        %add3A_2042 = vector.broadcast %mul3A_34 : i32 to vector<16xi32>
        %add3A_2043 = arith.addi %min3A_2041, %add3A_2042 : vector<16xi32>
        %swap3A_2044 = arith.constant 0 : i32
        %swap3A_2045 = arith.index_cast %swap3A_2044 : i32 to index
        %swap3A_2046 = arith.constant 352 : index
        %swap3A_2047 = tpu.vector_load %arg5[%swap3A_2045, %swap3A_2046] {strides = array<i32>} : memref<2x512xi32, #tpu.memory_space<vmem>>, vector<1x16xi32>,
        %swap3A_2048 = vector.shape_cast %swap3A_2047 : vector<1x16xi32> to vector<16xi32>
        %swap3A_2049 = vector.shape_cast %add3A_2043 : vector<16xi32> to vector<1x16xi32>
        tpu.vector_store %arg5[%swap3A_2045, %swap3A_2046], %swap3A_2049 {strides = array<i32>} : memref<2x512xi32, #tpu.memory_space<vmem>>, vector<1x16xi32>,
        %get3A_2050 = arith.constant 0 : i32
        %get3A_2051 = arith.index_cast %get3A_2050 : i32 to index
        %get3A_2052 = arith.constant 368 : index
        %get3A_2053 = tpu.vector_load %arg5[%get3A_2051, %get3A_2052] {strides = array<i32>} : memref<2x512xi32, #tpu.memory_space<vmem>>, vector<1x16xi32>,
        %get3A_2054 = vector.shape_cast %get3A_2053 : vector<1x16xi32> to vector<16xi32>
        %max3A_2055 = arith.constant 0 : i32
        %max3A_2056 = vector.broadcast %max3A_2055 : i32 to vector<16xi32>
        %max3A_2057 = arith.maxsi %get3A_2054, %max3A_2056 : vector<16xi32>
        %min3A_2058 = arith.constant 511 : i32
        %min3A_2059 = vector.broadcast %min3A_2058 : i32 to vector<16xi32>
        %min3A_2060 = arith.minsi %max3A_2057, %min3A_2059 : vector<16xi32>
        %add3A_2061 = vector.broadcast %mul3A_34 : i32 to vector<16xi32>
        %add3A_2062 = arith.addi %min3A_2060, %add3A_2061 : vector<16xi32>
        %swap3A_2063 = arith.constant 0 : i32
        %swap3A_2064 = arith.index_cast %swap3A_2063 : i32 to index
        %swap3A_2065 = arith.constant 368 : index
        %swap3A_2066 = tpu.vector_load %arg5[%swap3A_2064, %swap3A_2065] {strides = array<i32>} : memref<2x512xi32, #tpu.memory_space<vmem>>, vector<1x16xi32>,
        %swap3A_2067 = vector.shape_cast %swap3A_2066 : vector<1x16xi32> to vector<16xi32>
        %swap3A_2068 = vector.shape_cast %add3A_2062 : vector<16xi32> to vector<1x16xi32>
        tpu.vector_store %arg5[%swap3A_2064, %swap3A_2065], %swap3A_2068 {strides = array<i32>} : memref<2x512xi32, #tpu.memory_space<vmem>>, vector<1x16xi32>,
        %get3A_2069 = arith.constant 0 : i32
        %get3A_2070 = arith.index_cast %get3A_2069 : i32 to index
        %get3A_2071 = arith.constant 384 : index
        %get3A_2072 = tpu.vector_load %arg5[%get3A_2070, %get3A_2071] {strides = array<i32>} : memref<2x512xi32, #tpu.memory_space<vmem>>, vector<1x16xi32>,
        %get3A_2073 = vector.shape_cast %get3A_2072 : vector<1x16xi32> to vector<16xi32>
        %max3A_2074 = arith.constant 0 : i32
        %max3A_2075 = vector.broadcast %max3A_2074 : i32 to vector<16xi32>
        %max3A_2076 = arith.maxsi %get3A_2073, %max3A_2075 : vector<16xi32>
        %min3A_2077 = arith.constant 511 : i32
        %min3A_2078 = vector.broadcast %min3A_2077 : i32 to vector<16xi32>
        %min3A_2079 = arith.minsi %max3A_2076, %min3A_2078 : vector<16xi32>
        %add3A_2080 = vector.broadcast %mul3A_34 : i32 to vector<16xi32>
        %add3A_2081 = arith.addi %min3A_2079, %add3A_2080 : vector<16xi32>
        %swap3A_2082 = arith.constant 0 : i32
        %swap3A_2083 = arith.index_cast %swap3A_2082 : i32 to index
        %swap3A_2084 = arith.constant 384 : index
        %swap3A_2085 = tpu.vector_load %arg5[%swap3A_2083, %swap3A_2084] {strides = array<i32>} : memref<2x512xi32, #tpu.memory_space<vmem>>, vector<1x16xi32>,
        %swap3A_2086 = vector.shape_cast %swap3A_2085 : vector<1x16xi32> to vector<16xi32>
        %swap3A_2087 = vector.shape_cast %add3A_2081 : vector<16xi32> to vector<1x16xi32>
        tpu.vector_store %arg5[%swap3A_2083, %swap3A_2084], %swap3A_2087 {strides = array<i32>} : memref<2x512xi32, #tpu.memory_space<vmem>>, vector<1x16xi32>,
        %get3A_2088 = arith.constant 0 : i32
        %get3A_2089 = arith.index_cast %get3A_2088 : i32 to index
        %get3A_2090 = arith.constant 400 : index
        %get3A_2091 = tpu.vector_load %arg5[%get3A_2089, %get3A_2090] {strides = array<i32>} : memref<2x512xi32, #tpu.memory_space<vmem>>, vector<1x16xi32>,
        %get3A_2092 = vector.shape_cast %get3A_2091 : vector<1x16xi32> to vector<16xi32>
        %max3A_2093 = arith.constant 0 : i32
        %max3A_2094 = vector.broadcast %max3A_2093 : i32 to vector<16xi32>
        %max3A_2095 = arith.maxsi %get3A_2092, %max3A_2094 : vector<16xi32>
        %min3A_2096 = arith.constant 511 : i32
        %min3A_2097 = vector.broadcast %min3A_2096 : i32 to vector<16xi32>
        %min3A_2098 = arith.minsi %max3A_2095, %min3A_2097 : vector<16xi32>
        %add3A_2099 = vector.broadcast %mul3A_34 : i32 to vector<16xi32>
        %add3A_2100 = arith.addi %min3A_2098, %add3A_2099 : vector<16xi32>
        %swap3A_2101 = arith.constant 0 : i32
        %swap3A_2102 = arith.index_cast %swap3A_2101 : i32 to index
        %swap3A_2103 = arith.constant 400 : index
        %swap3A_2104 = tpu.vector_load %arg5[%swap3A_2102, %swap3A_2103] {strides = array<i32>} : memref<2x512xi32, #tpu.memory_space<vmem>>, vector<1x16xi32>,
        %swap3A_2105 = vector.shape_cast %swap3A_2104 : vector<1x16xi32> to vector<16xi32>
        %swap3A_2106 = vector.shape_cast %add3A_2100 : vector<16xi32> to vector<1x16xi32>
        tpu.vector_store %arg5[%swap3A_2102, %swap3A_2103], %swap3A_2106 {strides = array<i32>} : memref<2x512xi32, #tpu.memory_space<vmem>>, vector<1x16xi32>,
        %get3A_2107 = arith.constant 0 : i32
        %get3A_2108 = arith.index_cast %get3A_2107 : i32 to index
        %get3A_2109 = arith.constant 416 : index
        %get3A_2110 = tpu.vector_load %arg5[%get3A_2108, %get3A_2109] {strides = array<i32>} : memref<2x512xi32, #tpu.memory_space<vmem>>, vector<1x16xi32>,
        %get3A_2111 = vector.shape_cast %get3A_2110 : vector<1x16xi32> to vector<16xi32>
        %max3A_2112 = arith.constant 0 : i32
        %max3A_2113 = vector.broadcast %max3A_2112 : i32 to vector<16xi32>
        %max3A_2114 = arith.maxsi %get3A_2111, %max3A_2113 : vector<16xi32>
        %min3A_2115 = arith.constant 511 : i32
        %min3A_2116 = vector.broadcast %min3A_2115 : i32 to vector<16xi32>
        %min3A_2117 = arith.minsi %max3A_2114, %min3A_2116 : vector<16xi32>
        %add3A_2118 = vector.broadcast %mul3A_34 : i32 to vector<16xi32>
        %add3A_2119 = arith.addi %min3A_2117, %add3A_2118 : vector<16xi32>
        %swap3A_2120 = arith.constant 0 : i32
        %swap3A_2121 = arith.index_cast %swap3A_2120 : i32 to index
        %swap3A_2122 = arith.constant 416 : index
        %swap3A_2123 = tpu.vector_load %arg5[%swap3A_2121, %swap3A_2122] {strides = array<i32>} : memref<2x512xi32, #tpu.memory_space<vmem>>, vector<1x16xi32>,
        %swap3A_2124 = vector.shape_cast %swap3A_2123 : vector<1x16xi32> to vector<16xi32>
        %swap3A_2125 = vector.shape_cast %add3A_2119 : vector<16xi32> to vector<1x16xi32>
        tpu.vector_store %arg5[%swap3A_2121, %swap3A_2122], %swap3A_2125 {strides = array<i32>} : memref<2x512xi32, #tpu.memory_space<vmem>>, vector<1x16xi32>,
        %get3A_2126 = arith.constant 0 : i32
        %get3A_2127 = arith.index_cast %get3A_2126 : i32 to index
        %get3A_2128 = arith.constant 432 : index
        %get3A_2129 = tpu.vector_load %arg5[%get3A_2127, %get3A_2128] {strides = array<i32>} : memref<2x512xi32, #tpu.memory_space<vmem>>, vector<1x16xi32>,
        %get3A_2130 = vector.shape_cast %get3A_2129 : vector<1x16xi32> to vector<16xi32>
        %max3A_2131 = arith.constant 0 : i32
        %max3A_2132 = vector.broadcast %max3A_2131 : i32 to vector<16xi32>
        %max3A_2133 = arith.maxsi %get3A_2130, %max3A_2132 : vector<16xi32>
        %min3A_2134 = arith.constant 511 : i32
        %min3A_2135 = vector.broadcast %min3A_2134 : i32 to vector<16xi32>
        %min3A_2136 = arith.minsi %max3A_2133, %min3A_2135 : vector<16xi32>
        %add3A_2137 = vector.broadcast %mul3A_34 : i32 to vector<16xi32>
        %add3A_2138 = arith.addi %min3A_2136, %add3A_2137 : vector<16xi32>
        %swap3A_2139 = arith.constant 0 : i32
        %swap3A_2140 = arith.index_cast %swap3A_2139 : i32 to index
        %swap3A_2141 = arith.constant 432 : index
        %swap3A_2142 = tpu.vector_load %arg5[%swap3A_2140, %swap3A_2141] {strides = array<i32>} : memref<2x512xi32, #tpu.memory_space<vmem>>, vector<1x16xi32>,
        %swap3A_2143 = vector.shape_cast %swap3A_2142 : vector<1x16xi32> to vector<16xi32>
        %swap3A_2144 = vector.shape_cast %add3A_2138 : vector<16xi32> to vector<1x16xi32>
        tpu.vector_store %arg5[%swap3A_2140, %swap3A_2141], %swap3A_2144 {strides = array<i32>} : memref<2x512xi32, #tpu.memory_space<vmem>>, vector<1x16xi32>,
        %get3A_2145 = arith.constant 0 : i32
        %get3A_2146 = arith.index_cast %get3A_2145 : i32 to index
        %get3A_2147 = arith.constant 448 : index
        %get3A_2148 = tpu.vector_load %arg5[%get3A_2146, %get3A_2147] {strides = array<i32>} : memref<2x512xi32, #tpu.memory_space<vmem>>, vector<1x16xi32>,
        %get3A_2149 = vector.shape_cast %get3A_2148 : vector<1x16xi32> to vector<16xi32>
        %max3A_2150 = arith.constant 0 : i32
        %max3A_2151 = vector.broadcast %max3A_2150 : i32 to vector<16xi32>
        %max3A_2152 = arith.maxsi %get3A_2149, %max3A_2151 : vector<16xi32>
        %min3A_2153 = arith.constant 511 : i32
        %min3A_2154 = vector.broadcast %min3A_2153 : i32 to vector<16xi32>
        %min3A_2155 = arith.minsi %max3A_2152, %min3A_2154 : vector<16xi32>
        %add3A_2156 = vector.broadcast %mul3A_34 : i32 to vector<16xi32>
        %add3A_2157 = arith.addi %min3A_2155, %add3A_2156 : vector<16xi32>
        %swap3A_2158 = arith.constant 0 : i32
        %swap3A_2159 = arith.index_cast %swap3A_2158 : i32 to index
        %swap3A_2160 = arith.constant 448 : index
        %swap3A_2161 = tpu.vector_load %arg5[%swap3A_2159, %swap3A_2160] {strides = array<i32>} : memref<2x512xi32, #tpu.memory_space<vmem>>, vector<1x16xi32>,
        %swap3A_2162 = vector.shape_cast %swap3A_2161 : vector<1x16xi32> to vector<16xi32>
        %swap3A_2163 = vector.shape_cast %add3A_2157 : vector<16xi32> to vector<1x16xi32>
        tpu.vector_store %arg5[%swap3A_2159, %swap3A_2160], %swap3A_2163 {strides = array<i32>} : memref<2x512xi32, #tpu.memory_space<vmem>>, vector<1x16xi32>,
        %get3A_2164 = arith.constant 0 : i32
        %get3A_2165 = arith.index_cast %get3A_2164 : i32 to index
        %get3A_2166 = arith.constant 464 : index
        %get3A_2167 = tpu.vector_load %arg5[%get3A_2165, %get3A_2166] {strides = array<i32>} : memref<2x512xi32, #tpu.memory_space<vmem>>, vector<1x16xi32>,
        %get3A_2168 = vector.shape_cast %get3A_2167 : vector<1x16xi32> to vector<16xi32>
        %max3A_2169 = arith.constant 0 : i32
        %max3A_2170 = vector.broadcast %max3A_2169 : i32 to vector<16xi32>
        %max3A_2171 = arith.maxsi %get3A_2168, %max3A_2170 : vector<16xi32>
        %min3A_2172 = arith.constant 511 : i32
        %min3A_2173 = vector.broadcast %min3A_2172 : i32 to vector<16xi32>
        %min3A_2174 = arith.minsi %max3A_2171, %min3A_2173 : vector<16xi32>
        %add3A_2175 = vector.broadcast %mul3A_34 : i32 to vector<16xi32>
        %add3A_2176 = arith.addi %min3A_2174, %add3A_2175 : vector<16xi32>
        %swap3A_2177 = arith.constant 0 : i32
        %swap3A_2178 = arith.index_cast %swap3A_2177 : i32 to index
        %swap3A_2179 = arith.constant 464 : index
        %swap3A_2180 = tpu.vector_load %arg5[%swap3A_2178, %swap3A_2179] {strides = array<i32>} : memref<2x512xi32, #tpu.memory_space<vmem>>, vector<1x16xi32>,
        %swap3A_2181 = vector.shape_cast %swap3A_2180 : vector<1x16xi32> to vector<16xi32>
        %swap3A_2182 = vector.shape_cast %add3A_2176 : vector<16xi32> to vector<1x16xi32>
        tpu.vector_store %arg5[%swap3A_2178, %swap3A_2179], %swap3A_2182 {strides = array<i32>} : memref<2x512xi32, #tpu.memory_space<vmem>>, vector<1x16xi32>,
        %get3A_2183 = arith.constant 0 : i32
        %get3A_2184 = arith.index_cast %get3A_2183 : i32 to index
        %get3A_2185 = arith.constant 480 : index
        %get3A_2186 = tpu.vector_load %arg5[%get3A_2184, %get3A_2185] {strides = array<i32>} : memref<2x512xi32, #tpu.memory_space<vmem>>, vector<1x16xi32>,
        %get3A_2187 = vector.shape_cast %get3A_2186 : vector<1x16xi32> to vector<16xi32>
        %max3A_2188 = arith.constant 0 : i32
        %max3A_2189 = vector.broadcast %max3A_2188 : i32 to vector<16xi32>
        %max3A_2190 = arith.maxsi %get3A_2187, %max3A_2189 : vector<16xi32>
        %min3A_2191 = arith.constant 511 : i32
        %min3A_2192 = vector.broadcast %min3A_2191 : i32 to vector<16xi32>
        %min3A_2193 = arith.minsi %max3A_2190, %min3A_2192 : vector<16xi32>
        %add3A_2194 = vector.broadcast %mul3A_34 : i32 to vector<16xi32>
        %add3A_2195 = arith.addi %min3A_2193, %add3A_2194 : vector<16xi32>
        %swap3A_2196 = arith.constant 0 : i32
        %swap3A_2197 = arith.index_cast %swap3A_2196 : i32 to index
        %swap3A_2198 = arith.constant 480 : index
        %swap3A_2199 = tpu.vector_load %arg5[%swap3A_2197, %swap3A_2198] {strides = array<i32>} : memref<2x512xi32, #tpu.memory_space<vmem>>, vector<1x16xi32>,
        %swap3A_2200 = vector.shape_cast %swap3A_2199 : vector<1x16xi32> to vector<16xi32>
        %swap3A_2201 = vector.shape_cast %add3A_2195 : vector<16xi32> to vector<1x16xi32>
        tpu.vector_store %arg5[%swap3A_2197, %swap3A_2198], %swap3A_2201 {strides = array<i32>} : memref<2x512xi32, #tpu.memory_space<vmem>>, vector<1x16xi32>,
        %get3A_2202 = arith.constant 0 : i32
        %get3A_2203 = arith.index_cast %get3A_2202 : i32 to index
        %get3A_2204 = arith.constant 496 : index
        %get3A_2205 = tpu.vector_load %arg5[%get3A_2203, %get3A_2204] {strides = array<i32>} : memref<2x512xi32, #tpu.memory_space<vmem>>, vector<1x16xi32>,
        %get3A_2206 = vector.shape_cast %get3A_2205 : vector<1x16xi32> to vector<16xi32>
        %max3A_2207 = arith.constant 0 : i32
        %max3A_2208 = vector.broadcast %max3A_2207 : i32 to vector<16xi32>
        %max3A_2209 = arith.maxsi %get3A_2206, %max3A_2208 : vector<16xi32>
        %min3A_2210 = arith.constant 511 : i32
        %min3A_2211 = vector.broadcast %min3A_2210 : i32 to vector<16xi32>
        %min3A_2212 = arith.minsi %max3A_2209, %min3A_2211 : vector<16xi32>
        %add3A_2213 = vector.broadcast %mul3A_34 : i32 to vector<16xi32>
        %add3A_2214 = arith.addi %min3A_2212, %add3A_2213 : vector<16xi32>
        %swap3A_2215 = arith.constant 0 : i32
        %swap3A_2216 = arith.index_cast %swap3A_2215 : i32 to index
        %swap3A_2217 = arith.constant 496 : index
        %swap3A_2218 = tpu.vector_load %arg5[%swap3A_2216, %swap3A_2217] {strides = array<i32>} : memref<2x512xi32, #tpu.memory_space<vmem>>, vector<1x16xi32>,
        %swap3A_2219 = vector.shape_cast %swap3A_2218 : vector<1x16xi32> to vector<16xi32>
        %swap3A_2220 = vector.shape_cast %add3A_2214 : vector<16xi32> to vector<1x16xi32>
        tpu.vector_store %arg5[%swap3A_2216, %swap3A_2217], %swap3A_2220 {strides = array<i32>} : memref<2x512xi32, #tpu.memory_space<vmem>>, vector<1x16xi32>,
        %get3A_2221 = arith.constant 1 : i32
        %get3A_2222 = arith.index_cast %get3A_2221 : i32 to index
        %get3A_2223 = arith.constant 0 : index
        %get3A_2224 = tpu.vector_load %arg5[%get3A_2222, %get3A_2223] {strides = array<i32>} : memref<2x512xi32, #tpu.memory_space<vmem>>, vector<1x16xi32>,
        %get3A_2225 = vector.shape_cast %get3A_2224 : vector<1x16xi32> to vector<16xi32>
        %max3A_2226 = arith.constant 0 : i32
        %max3A_2227 = vector.broadcast %max3A_2226 : i32 to vector<16xi32>
        %max3A_2228 = arith.maxsi %get3A_2225, %max3A_2227 : vector<16xi32>
        %min3A_2229 = arith.constant 511 : i32
        %min3A_2230 = vector.broadcast %min3A_2229 : i32 to vector<16xi32>
        %min3A_2231 = arith.minsi %max3A_2228, %min3A_2230 : vector<16xi32>
        %add3A_2232 = vector.broadcast %mul3A_34 : i32 to vector<16xi32>
        %add3A_2233 = arith.addi %min3A_2231, %add3A_2232 : vector<16xi32>
        %swap3A_2234 = arith.constant 1 : i32
        %swap3A_2235 = arith.index_cast %swap3A_2234 : i32 to index
        %swap3A_2236 = arith.constant 0 : index
        %swap3A_2237 = tpu.vector_load %arg5[%swap3A_2235, %swap3A_2236] {strides = array<i32>} : memref<2x512xi32, #tpu.memory_space<vmem>>, vector<1x16xi32>,
        %swap3A_2238 = vector.shape_cast %swap3A_2237 : vector<1x16xi32> to vector<16xi32>
        %swap3A_2239 = vector.shape_cast %add3A_2233 : vector<16xi32> to vector<1x16xi32>
        tpu.vector_store %arg5[%swap3A_2235, %swap3A_2236], %swap3A_2239 {strides = array<i32>} : memref<2x512xi32, #tpu.memory_space<vmem>>, vector<1x16xi32>,
        %get3A_2240 = arith.constant 1 : i32
        %get3A_2241 = arith.index_cast %get3A_2240 : i32 to index
        %get3A_2242 = arith.constant 16 : index
        %get3A_2243 = tpu.vector_load %arg5[%get3A_2241, %get3A_2242] {strides = array<i32>} : memref<2x512xi32, #tpu.memory_space<vmem>>, vector<1x16xi32>,
        %get3A_2244 = vector.shape_cast %get3A_2243 : vector<1x16xi32> to vector<16xi32>
        %max3A_2245 = arith.constant 0 : i32
        %max3A_2246 = vector.broadcast %max3A_2245 : i32 to vector<16xi32>
        %max3A_2247 = arith.maxsi %get3A_2244, %max3A_2246 : vector<16xi32>
        %min3A_2248 = arith.constant 511 : i32
        %min3A_2249 = vector.broadcast %min3A_2248 : i32 to vector<16xi32>
        %min3A_2250 = arith.minsi %max3A_2247, %min3A_2249 : vector<16xi32>
        %add3A_2251 = vector.broadcast %mul3A_34 : i32 to vector<16xi32>
        %add3A_2252 = arith.addi %min3A_2250, %add3A_2251 : vector<16xi32>
        %swap3A_2253 = arith.constant 1 : i32
        %swap3A_2254 = arith.index_cast %swap3A_2253 : i32 to index
        %swap3A_2255 = arith.constant 16 : index
        %swap3A_2256 = tpu.vector_load %arg5[%swap3A_2254, %swap3A_2255] {strides = array<i32>} : memref<2x512xi32, #tpu.memory_space<vmem>>, vector<1x16xi32>,
        %swap3A_2257 = vector.shape_cast %swap3A_2256 : vector<1x16xi32> to vector<16xi32>
        %swap3A_2258 = vector.shape_cast %add3A_2252 : vector<16xi32> to vector<1x16xi32>
        tpu.vector_store %arg5[%swap3A_2254, %swap3A_2255], %swap3A_2258 {strides = array<i32>} : memref<2x512xi32, #tpu.memory_space<vmem>>, vector<1x16xi32>,
        %get3A_2259 = arith.constant 1 : i32
        %get3A_2260 = arith.index_cast %get3A_2259 : i32 to index
        %get3A_2261 = arith.constant 32 : index
        %get3A_2262 = tpu.vector_load %arg5[%get3A_2260, %get3A_2261] {strides = array<i32>} : memref<2x512xi32, #tpu.memory_space<vmem>>, vector<1x16xi32>,
        %get3A_2263 = vector.shape_cast %get3A_2262 : vector<1x16xi32> to vector<16xi32>
        %max3A_2264 = arith.constant 0 : i32
        %max3A_2265 = vector.broadcast %max3A_2264 : i32 to vector<16xi32>
        %max3A_2266 = arith.maxsi %get3A_2263, %max3A_2265 : vector<16xi32>
        %min3A_2267 = arith.constant 511 : i32
        %min3A_2268 = vector.broadcast %min3A_2267 : i32 to vector<16xi32>
        %min3A_2269 = arith.minsi %max3A_2266, %min3A_2268 : vector<16xi32>
        %add3A_2270 = vector.broadcast %mul3A_34 : i32 to vector<16xi32>
        %add3A_2271 = arith.addi %min3A_2269, %add3A_2270 : vector<16xi32>
        %swap3A_2272 = arith.constant 1 : i32
        %swap3A_2273 = arith.index_cast %swap3A_2272 : i32 to index
        %swap3A_2274 = arith.constant 32 : index
        %swap3A_2275 = tpu.vector_load %arg5[%swap3A_2273, %swap3A_2274] {strides = array<i32>} : memref<2x512xi32, #tpu.memory_space<vmem>>, vector<1x16xi32>,
        %swap3A_2276 = vector.shape_cast %swap3A_2275 : vector<1x16xi32> to vector<16xi32>
        %swap3A_2277 = vector.shape_cast %add3A_2271 : vector<16xi32> to vector<1x16xi32>
        tpu.vector_store %arg5[%swap3A_2273, %swap3A_2274], %swap3A_2277 {strides = array<i32>} : memref<2x512xi32, #tpu.memory_space<vmem>>, vector<1x16xi32>,
        %get3A_2278 = arith.constant 1 : i32
        %get3A_2279 = arith.index_cast %get3A_2278 : i32 to index
        %get3A_2280 = arith.constant 48 : index
        %get3A_2281 = tpu.vector_load %arg5[%get3A_2279, %get3A_2280] {strides = array<i32>} : memref<2x512xi32, #tpu.memory_space<vmem>>, vector<1x16xi32>,
        %get3A_2282 = vector.shape_cast %get3A_2281 : vector<1x16xi32> to vector<16xi32>
        %max3A_2283 = arith.constant 0 : i32
        %max3A_2284 = vector.broadcast %max3A_2283 : i32 to vector<16xi32>
        %max3A_2285 = arith.maxsi %get3A_2282, %max3A_2284 : vector<16xi32>
        %min3A_2286 = arith.constant 511 : i32
        %min3A_2287 = vector.broadcast %min3A_2286 : i32 to vector<16xi32>
        %min3A_2288 = arith.minsi %max3A_2285, %min3A_2287 : vector<16xi32>
        %add3A_2289 = vector.broadcast %mul3A_34 : i32 to vector<16xi32>
        %add3A_2290 = arith.addi %min3A_2288, %add3A_2289 : vector<16xi32>
        %swap3A_2291 = arith.constant 1 : i32
        %swap3A_2292 = arith.index_cast %swap3A_2291 : i32 to index
        %swap3A_2293 = arith.constant 48 : index
        %swap3A_2294 = tpu.vector_load %arg5[%swap3A_2292, %swap3A_2293] {strides = array<i32>} : memref<2x512xi32, #tpu.memory_space<vmem>>, vector<1x16xi32>,
        %swap3A_2295 = vector.shape_cast %swap3A_2294 : vector<1x16xi32> to vector<16xi32>
        %swap3A_2296 = vector.shape_cast %add3A_2290 : vector<16xi32> to vector<1x16xi32>
        tpu.vector_store %arg5[%swap3A_2292, %swap3A_2293], %swap3A_2296 {strides = array<i32>} : memref<2x512xi32, #tpu.memory_space<vmem>>, vector<1x16xi32>,
        %get3A_2297 = arith.constant 1 : i32
        %get3A_2298 = arith.index_cast %get3A_2297 : i32 to index
        %get3A_2299 = arith.constant 64 : index
        %get3A_2300 = tpu.vector_load %arg5[%get3A_2298, %get3A_2299] {strides = array<i32>} : memref<2x512xi32, #tpu.memory_space<vmem>>, vector<1x16xi32>,
        %get3A_2301 = vector.shape_cast %get3A_2300 : vector<1x16xi32> to vector<16xi32>
        %max3A_2302 = arith.constant 0 : i32
        %max3A_2303 = vector.broadcast %max3A_2302 : i32 to vector<16xi32>
        %max3A_2304 = arith.maxsi %get3A_2301, %max3A_2303 : vector<16xi32>
        %min3A_2305 = arith.constant 511 : i32
        %min3A_2306 = vector.broadcast %min3A_2305 : i32 to vector<16xi32>
        %min3A_2307 = arith.minsi %max3A_2304, %min3A_2306 : vector<16xi32>
        %add3A_2308 = vector.broadcast %mul3A_34 : i32 to vector<16xi32>
        %add3A_2309 = arith.addi %min3A_2307, %add3A_2308 : vector<16xi32>
        %swap3A_2310 = arith.constant 1 : i32
        %swap3A_2311 = arith.index_cast %swap3A_2310 : i32 to index
        %swap3A_2312 = arith.constant 64 : index
        %swap3A_2313 = tpu.vector_load %arg5[%swap3A_2311, %swap3A_2312] {strides = array<i32>} : memref<2x512xi32, #tpu.memory_space<vmem>>, vector<1x16xi32>,
        %swap3A_2314 = vector.shape_cast %swap3A_2313 : vector<1x16xi32> to vector<16xi32>
        %swap3A_2315 = vector.shape_cast %add3A_2309 : vector<16xi32> to vector<1x16xi32>
        tpu.vector_store %arg5[%swap3A_2311, %swap3A_2312], %swap3A_2315 {strides = array<i32>} : memref<2x512xi32, #tpu.memory_space<vmem>>, vector<1x16xi32>,
        %get3A_2316 = arith.constant 1 : i32
        %get3A_2317 = arith.index_cast %get3A_2316 : i32 to index
        %get3A_2318 = arith.constant 80 : index
        %get3A_2319 = tpu.vector_load %arg5[%get3A_2317, %get3A_2318] {strides = array<i32>} : memref<2x512xi32, #tpu.memory_space<vmem>>, vector<1x16xi32>,
        %get3A_2320 = vector.shape_cast %get3A_2319 : vector<1x16xi32> to vector<16xi32>
        %max3A_2321 = arith.constant 0 : i32
        %max3A_2322 = vector.broadcast %max3A_2321 : i32 to vector<16xi32>
        %max3A_2323 = arith.maxsi %get3A_2320, %max3A_2322 : vector<16xi32>
        %min3A_2324 = arith.constant 511 : i32
        %min3A_2325 = vector.broadcast %min3A_2324 : i32 to vector<16xi32>
        %min3A_2326 = arith.minsi %max3A_2323, %min3A_2325 : vector<16xi32>
        %add3A_2327 = vector.broadcast %mul3A_34 : i32 to vector<16xi32>
        %add3A_2328 = arith.addi %min3A_2326, %add3A_2327 : vector<16xi32>
        %swap3A_2329 = arith.constant 1 : i32
        %swap3A_2330 = arith.index_cast %swap3A_2329 : i32 to index
        %swap3A_2331 = arith.constant 80 : index
        %swap3A_2332 = tpu.vector_load %arg5[%swap3A_2330, %swap3A_2331] {strides = array<i32>} : memref<2x512xi32, #tpu.memory_space<vmem>>, vector<1x16xi32>,
        %swap3A_2333 = vector.shape_cast %swap3A_2332 : vector<1x16xi32> to vector<16xi32>
        %swap3A_2334 = vector.shape_cast %add3A_2328 : vector<16xi32> to vector<1x16xi32>
        tpu.vector_store %arg5[%swap3A_2330, %swap3A_2331], %swap3A_2334 {strides = array<i32>} : memref<2x512xi32, #tpu.memory_space<vmem>>, vector<1x16xi32>,
        %get3A_2335 = arith.constant 1 : i32
        %get3A_2336 = arith.index_cast %get3A_2335 : i32 to index
        %get3A_2337 = arith.constant 96 : index
        %get3A_2338 = tpu.vector_load %arg5[%get3A_2336, %get3A_2337] {strides = array<i32>} : memref<2x512xi32, #tpu.memory_space<vmem>>, vector<1x16xi32>,
        %get3A_2339 = vector.shape_cast %get3A_2338 : vector<1x16xi32> to vector<16xi32>
        %max3A_2340 = arith.constant 0 : i32
        %max3A_2341 = vector.broadcast %max3A_2340 : i32 to vector<16xi32>
        %max3A_2342 = arith.maxsi %get3A_2339, %max3A_2341 : vector<16xi32>
        %min3A_2343 = arith.constant 511 : i32
        %min3A_2344 = vector.broadcast %min3A_2343 : i32 to vector<16xi32>
        %min3A_2345 = arith.minsi %max3A_2342, %min3A_2344 : vector<16xi32>
        %add3A_2346 = vector.broadcast %mul3A_34 : i32 to vector<16xi32>
        %add3A_2347 = arith.addi %min3A_2345, %add3A_2346 : vector<16xi32>
        %swap3A_2348 = arith.constant 1 : i32
        %swap3A_2349 = arith.index_cast %swap3A_2348 : i32 to index
        %swap3A_2350 = arith.constant 96 : index
        %swap3A_2351 = tpu.vector_load %arg5[%swap3A_2349, %swap3A_2350] {strides = array<i32>} : memref<2x512xi32, #tpu.memory_space<vmem>>, vector<1x16xi32>,
        %swap3A_2352 = vector.shape_cast %swap3A_2351 : vector<1x16xi32> to vector<16xi32>
        %swap3A_2353 = vector.shape_cast %add3A_2347 : vector<16xi32> to vector<1x16xi32>
        tpu.vector_store %arg5[%swap3A_2349, %swap3A_2350], %swap3A_2353 {strides = array<i32>} : memref<2x512xi32, #tpu.memory_space<vmem>>, vector<1x16xi32>,
        %get3A_2354 = arith.constant 1 : i32
        %get3A_2355 = arith.index_cast %get3A_2354 : i32 to index
        %get3A_2356 = arith.constant 112 : index
        %get3A_2357 = tpu.vector_load %arg5[%get3A_2355, %get3A_2356] {strides = array<i32>} : memref<2x512xi32, #tpu.memory_space<vmem>>, vector<1x16xi32>,
        %get3A_2358 = vector.shape_cast %get3A_2357 : vector<1x16xi32> to vector<16xi32>
        %max3A_2359 = arith.constant 0 : i32
        %max3A_2360 = vector.broadcast %max3A_2359 : i32 to vector<16xi32>
        %max3A_2361 = arith.maxsi %get3A_2358, %max3A_2360 : vector<16xi32>
        %min3A_2362 = arith.constant 511 : i32
        %min3A_2363 = vector.broadcast %min3A_2362 : i32 to vector<16xi32>
        %min3A_2364 = arith.minsi %max3A_2361, %min3A_2363 : vector<16xi32>
        %add3A_2365 = vector.broadcast %mul3A_34 : i32 to vector<16xi32>
        %add3A_2366 = arith.addi %min3A_2364, %add3A_2365 : vector<16xi32>
        %swap3A_2367 = arith.constant 1 : i32
        %swap3A_2368 = arith.index_cast %swap3A_2367 : i32 to index
        %swap3A_2369 = arith.constant 112 : index
        %swap3A_2370 = tpu.vector_load %arg5[%swap3A_2368, %swap3A_2369] {strides = array<i32>} : memref<2x512xi32, #tpu.memory_space<vmem>>, vector<1x16xi32>,
        %swap3A_2371 = vector.shape_cast %swap3A_2370 : vector<1x16xi32> to vector<16xi32>
        %swap3A_2372 = vector.shape_cast %add3A_2366 : vector<16xi32> to vector<1x16xi32>
        tpu.vector_store %arg5[%swap3A_2368, %swap3A_2369], %swap3A_2372 {strides = array<i32>} : memref<2x512xi32, #tpu.memory_space<vmem>>, vector<1x16xi32>,
        %get3A_2373 = arith.constant 1 : i32
        %get3A_2374 = arith.index_cast %get3A_2373 : i32 to index
        %get3A_2375 = arith.constant 128 : index
        %get3A_2376 = tpu.vector_load %arg5[%get3A_2374, %get3A_2375] {strides = array<i32>} : memref<2x512xi32, #tpu.memory_space<vmem>>, vector<1x16xi32>,
        %get3A_2377 = vector.shape_cast %get3A_2376 : vector<1x16xi32> to vector<16xi32>
        %max3A_2378 = arith.constant 0 : i32
        %max3A_2379 = vector.broadcast %max3A_2378 : i32 to vector<16xi32>
        %max3A_2380 = arith.maxsi %get3A_2377, %max3A_2379 : vector<16xi32>
        %min3A_2381 = arith.constant 511 : i32
        %min3A_2382 = vector.broadcast %min3A_2381 : i32 to vector<16xi32>
        %min3A_2383 = arith.minsi %max3A_2380, %min3A_2382 : vector<16xi32>
        %add3A_2384 = vector.broadcast %mul3A_34 : i32 to vector<16xi32>
        %add3A_2385 = arith.addi %min3A_2383, %add3A_2384 : vector<16xi32>
        %swap3A_2386 = arith.constant 1 : i32
        %swap3A_2387 = arith.index_cast %swap3A_2386 : i32 to index
        %swap3A_2388 = arith.constant 128 : index
        %swap3A_2389 = tpu.vector_load %arg5[%swap3A_2387, %swap3A_2388] {strides = array<i32>} : memref<2x512xi32, #tpu.memory_space<vmem>>, vector<1x16xi32>,
        %swap3A_2390 = vector.shape_cast %swap3A_2389 : vector<1x16xi32> to vector<16xi32>
        %swap3A_2391 = vector.shape_cast %add3A_2385 : vector<16xi32> to vector<1x16xi32>
        tpu.vector_store %arg5[%swap3A_2387, %swap3A_2388], %swap3A_2391 {strides = array<i32>} : memref<2x512xi32, #tpu.memory_space<vmem>>, vector<1x16xi32>,
        %get3A_2392 = arith.constant 1 : i32
        %get3A_2393 = arith.index_cast %get3A_2392 : i32 to index
        %get3A_2394 = arith.constant 144 : index
        %get3A_2395 = tpu.vector_load %arg5[%get3A_2393, %get3A_2394] {strides = array<i32>} : memref<2x512xi32, #tpu.memory_space<vmem>>, vector<1x16xi32>,
        %get3A_2396 = vector.shape_cast %get3A_2395 : vector<1x16xi32> to vector<16xi32>
        %max3A_2397 = arith.constant 0 : i32
        %max3A_2398 = vector.broadcast %max3A_2397 : i32 to vector<16xi32>
        %max3A_2399 = arith.maxsi %get3A_2396, %max3A_2398 : vector<16xi32>
        %min3A_2400 = arith.constant 511 : i32
        %min3A_2401 = vector.broadcast %min3A_2400 : i32 to vector<16xi32>
        %min3A_2402 = arith.minsi %max3A_2399, %min3A_2401 : vector<16xi32>
        %add3A_2403 = vector.broadcast %mul3A_34 : i32 to vector<16xi32>
        %add3A_2404 = arith.addi %min3A_2402, %add3A_2403 : vector<16xi32>
        %swap3A_2405 = arith.constant 1 : i32
        %swap3A_2406 = arith.index_cast %swap3A_2405 : i32 to index
        %swap3A_2407 = arith.constant 144 : index
        %swap3A_2408 = tpu.vector_load %arg5[%swap3A_2406, %swap3A_2407] {strides = array<i32>} : memref<2x512xi32, #tpu.memory_space<vmem>>, vector<1x16xi32>,
        %swap3A_2409 = vector.shape_cast %swap3A_2408 : vector<1x16xi32> to vector<16xi32>
        %swap3A_2410 = vector.shape_cast %add3A_2404 : vector<16xi32> to vector<1x16xi32>
        tpu.vector_store %arg5[%swap3A_2406, %swap3A_2407], %swap3A_2410 {strides = array<i32>} : memref<2x512xi32, #tpu.memory_space<vmem>>, vector<1x16xi32>,
        %get3A_2411 = arith.constant 1 : i32
        %get3A_2412 = arith.index_cast %get3A_2411 : i32 to index
        %get3A_2413 = arith.constant 160 : index
        %get3A_2414 = tpu.vector_load %arg5[%get3A_2412, %get3A_2413] {strides = array<i32>} : memref<2x512xi32, #tpu.memory_space<vmem>>, vector<1x16xi32>,
        %get3A_2415 = vector.shape_cast %get3A_2414 : vector<1x16xi32> to vector<16xi32>
        %max3A_2416 = arith.constant 0 : i32
        %max3A_2417 = vector.broadcast %max3A_2416 : i32 to vector<16xi32>
        %max3A_2418 = arith.maxsi %get3A_2415, %max3A_2417 : vector<16xi32>
        %min3A_2419 = arith.constant 511 : i32
        %min3A_2420 = vector.broadcast %min3A_2419 : i32 to vector<16xi32>
        %min3A_2421 = arith.minsi %max3A_2418, %min3A_2420 : vector<16xi32>
        %add3A_2422 = vector.broadcast %mul3A_34 : i32 to vector<16xi32>
        %add3A_2423 = arith.addi %min3A_2421, %add3A_2422 : vector<16xi32>
        %swap3A_2424 = arith.constant 1 : i32
        %swap3A_2425 = arith.index_cast %swap3A_2424 : i32 to index
        %swap3A_2426 = arith.constant 160 : index
        %swap3A_2427 = tpu.vector_load %arg5[%swap3A_2425, %swap3A_2426] {strides = array<i32>} : memref<2x512xi32, #tpu.memory_space<vmem>>, vector<1x16xi32>,
        %swap3A_2428 = vector.shape_cast %swap3A_2427 : vector<1x16xi32> to vector<16xi32>
        %swap3A_2429 = vector.shape_cast %add3A_2423 : vector<16xi32> to vector<1x16xi32>
        tpu.vector_store %arg5[%swap3A_2425, %swap3A_2426], %swap3A_2429 {strides = array<i32>} : memref<2x512xi32, #tpu.memory_space<vmem>>, vector<1x16xi32>,
        %get3A_2430 = arith.constant 1 : i32
        %get3A_2431 = arith.index_cast %get3A_2430 : i32 to index
        %get3A_2432 = arith.constant 176 : index
        %get3A_2433 = tpu.vector_load %arg5[%get3A_2431, %get3A_2432] {strides = array<i32>} : memref<2x512xi32, #tpu.memory_space<vmem>>, vector<1x16xi32>,
        %get3A_2434 = vector.shape_cast %get3A_2433 : vector<1x16xi32> to vector<16xi32>
        %max3A_2435 = arith.constant 0 : i32
        %max3A_2436 = vector.broadcast %max3A_2435 : i32 to vector<16xi32>
        %max3A_2437 = arith.maxsi %get3A_2434, %max3A_2436 : vector<16xi32>
        %min3A_2438 = arith.constant 511 : i32
        %min3A_2439 = vector.broadcast %min3A_2438 : i32 to vector<16xi32>
        %min3A_2440 = arith.minsi %max3A_2437, %min3A_2439 : vector<16xi32>
        %add3A_2441 = vector.broadcast %mul3A_34 : i32 to vector<16xi32>
        %add3A_2442 = arith.addi %min3A_2440, %add3A_2441 : vector<16xi32>
        %swap3A_2443 = arith.constant 1 : i32
        %swap3A_2444 = arith.index_cast %swap3A_2443 : i32 to index
        %swap3A_2445 = arith.constant 176 : index
        %swap3A_2446 = tpu.vector_load %arg5[%swap3A_2444, %swap3A_2445] {strides = array<i32>} : memref<2x512xi32, #tpu.memory_space<vmem>>, vector<1x16xi32>,
        %swap3A_2447 = vector.shape_cast %swap3A_2446 : vector<1x16xi32> to vector<16xi32>
        %swap3A_2448 = vector.shape_cast %add3A_2442 : vector<16xi32> to vector<1x16xi32>
        tpu.vector_store %arg5[%swap3A_2444, %swap3A_2445], %swap3A_2448 {strides = array<i32>} : memref<2x512xi32, #tpu.memory_space<vmem>>, vector<1x16xi32>,
        %get3A_2449 = arith.constant 1 : i32
        %get3A_2450 = arith.index_cast %get3A_2449 : i32 to index
        %get3A_2451 = arith.constant 192 : index
        %get3A_2452 = tpu.vector_load %arg5[%get3A_2450, %get3A_2451] {strides = array<i32>} : memref<2x512xi32, #tpu.memory_space<vmem>>, vector<1x16xi32>,
        %get3A_2453 = vector.shape_cast %get3A_2452 : vector<1x16xi32> to vector<16xi32>
        %max3A_2454 = arith.constant 0 : i32
        %max3A_2455 = vector.broadcast %max3A_2454 : i32 to vector<16xi32>
        %max3A_2456 = arith.maxsi %get3A_2453, %max3A_2455 : vector<16xi32>
        %min3A_2457 = arith.constant 511 : i32
        %min3A_2458 = vector.broadcast %min3A_2457 : i32 to vector<16xi32>
        %min3A_2459 = arith.minsi %max3A_2456, %min3A_2458 : vector<16xi32>
        %add3A_2460 = vector.broadcast %mul3A_34 : i32 to vector<16xi32>
        %add3A_2461 = arith.addi %min3A_2459, %add3A_2460 : vector<16xi32>
        %swap3A_2462 = arith.constant 1 : i32
        %swap3A_2463 = arith.index_cast %swap3A_2462 : i32 to index
        %swap3A_2464 = arith.constant 192 : index
        %swap3A_2465 = tpu.vector_load %arg5[%swap3A_2463, %swap3A_2464] {strides = array<i32>} : memref<2x512xi32, #tpu.memory_space<vmem>>, vector<1x16xi32>,
        %swap3A_2466 = vector.shape_cast %swap3A_2465 : vector<1x16xi32> to vector<16xi32>
        %swap3A_2467 = vector.shape_cast %add3A_2461 : vector<16xi32> to vector<1x16xi32>
        tpu.vector_store %arg5[%swap3A_2463, %swap3A_2464], %swap3A_2467 {strides = array<i32>} : memref<2x512xi32, #tpu.memory_space<vmem>>, vector<1x16xi32>,
        %get3A_2468 = arith.constant 1 : i32
        %get3A_2469 = arith.index_cast %get3A_2468 : i32 to index
        %get3A_2470 = arith.constant 208 : index
        %get3A_2471 = tpu.vector_load %arg5[%get3A_2469, %get3A_2470] {strides = array<i32>} : memref<2x512xi32, #tpu.memory_space<vmem>>, vector<1x16xi32>,
        %get3A_2472 = vector.shape_cast %get3A_2471 : vector<1x16xi32> to vector<16xi32>
        %max3A_2473 = arith.constant 0 : i32
        %max3A_2474 = vector.broadcast %max3A_2473 : i32 to vector<16xi32>
        %max3A_2475 = arith.maxsi %get3A_2472, %max3A_2474 : vector<16xi32>
        %min3A_2476 = arith.constant 511 : i32
        %min3A_2477 = vector.broadcast %min3A_2476 : i32 to vector<16xi32>
        %min3A_2478 = arith.minsi %max3A_2475, %min3A_2477 : vector<16xi32>
        %add3A_2479 = vector.broadcast %mul3A_34 : i32 to vector<16xi32>
        %add3A_2480 = arith.addi %min3A_2478, %add3A_2479 : vector<16xi32>
        %swap3A_2481 = arith.constant 1 : i32
        %swap3A_2482 = arith.index_cast %swap3A_2481 : i32 to index
        %swap3A_2483 = arith.constant 208 : index
        %swap3A_2484 = tpu.vector_load %arg5[%swap3A_2482, %swap3A_2483] {strides = array<i32>} : memref<2x512xi32, #tpu.memory_space<vmem>>, vector<1x16xi32>,
        %swap3A_2485 = vector.shape_cast %swap3A_2484 : vector<1x16xi32> to vector<16xi32>
        %swap3A_2486 = vector.shape_cast %add3A_2480 : vector<16xi32> to vector<1x16xi32>
        tpu.vector_store %arg5[%swap3A_2482, %swap3A_2483], %swap3A_2486 {strides = array<i32>} : memref<2x512xi32, #tpu.memory_space<vmem>>, vector<1x16xi32>,
        %get3A_2487 = arith.constant 1 : i32
        %get3A_2488 = arith.index_cast %get3A_2487 : i32 to index
        %get3A_2489 = arith.constant 224 : index
        %get3A_2490 = tpu.vector_load %arg5[%get3A_2488, %get3A_2489] {strides = array<i32>} : memref<2x512xi32, #tpu.memory_space<vmem>>, vector<1x16xi32>,
        %get3A_2491 = vector.shape_cast %get3A_2490 : vector<1x16xi32> to vector<16xi32>
        %max3A_2492 = arith.constant 0 : i32
        %max3A_2493 = vector.broadcast %max3A_2492 : i32 to vector<16xi32>
        %max3A_2494 = arith.maxsi %get3A_2491, %max3A_2493 : vector<16xi32>
        %min3A_2495 = arith.constant 511 : i32
        %min3A_2496 = vector.broadcast %min3A_2495 : i32 to vector<16xi32>
        %min3A_2497 = arith.minsi %max3A_2494, %min3A_2496 : vector<16xi32>
        %add3A_2498 = vector.broadcast %mul3A_34 : i32 to vector<16xi32>
        %add3A_2499 = arith.addi %min3A_2497, %add3A_2498 : vector<16xi32>
        %swap3A_2500 = arith.constant 1 : i32
        %swap3A_2501 = arith.index_cast %swap3A_2500 : i32 to index
        %swap3A_2502 = arith.constant 224 : index
        %swap3A_2503 = tpu.vector_load %arg5[%swap3A_2501, %swap3A_2502] {strides = array<i32>} : memref<2x512xi32, #tpu.memory_space<vmem>>, vector<1x16xi32>,
        %swap3A_2504 = vector.shape_cast %swap3A_2503 : vector<1x16xi32> to vector<16xi32>
        %swap3A_2505 = vector.shape_cast %add3A_2499 : vector<16xi32> to vector<1x16xi32>
        tpu.vector_store %arg5[%swap3A_2501, %swap3A_2502], %swap3A_2505 {strides = array<i32>} : memref<2x512xi32, #tpu.memory_space<vmem>>, vector<1x16xi32>,
        %get3A_2506 = arith.constant 1 : i32
        %get3A_2507 = arith.index_cast %get3A_2506 : i32 to index
        %get3A_2508 = arith.constant 240 : index
        %get3A_2509 = tpu.vector_load %arg5[%get3A_2507, %get3A_2508] {strides = array<i32>} : memref<2x512xi32, #tpu.memory_space<vmem>>, vector<1x16xi32>,
        %get3A_2510 = vector.shape_cast %get3A_2509 : vector<1x16xi32> to vector<16xi32>
        %max3A_2511 = arith.constant 0 : i32
        %max3A_2512 = vector.broadcast %max3A_2511 : i32 to vector<16xi32>
        %max3A_2513 = arith.maxsi %get3A_2510, %max3A_2512 : vector<16xi32>
        %min3A_2514 = arith.constant 511 : i32
        %min3A_2515 = vector.broadcast %min3A_2514 : i32 to vector<16xi32>
        %min3A_2516 = arith.minsi %max3A_2513, %min3A_2515 : vector<16xi32>
        %add3A_2517 = vector.broadcast %mul3A_34 : i32 to vector<16xi32>
        %add3A_2518 = arith.addi %min3A_2516, %add3A_2517 : vector<16xi32>
        %swap3A_2519 = arith.constant 1 : i32
        %swap3A_2520 = arith.index_cast %swap3A_2519 : i32 to index
        %swap3A_2521 = arith.constant 240 : index
        %swap3A_2522 = tpu.vector_load %arg5[%swap3A_2520, %swap3A_2521] {strides = array<i32>} : memref<2x512xi32, #tpu.memory_space<vmem>>, vector<1x16xi32>,
        %swap3A_2523 = vector.shape_cast %swap3A_2522 : vector<1x16xi32> to vector<16xi32>
        %swap3A_2524 = vector.shape_cast %add3A_2518 : vector<16xi32> to vector<1x16xi32>
        tpu.vector_store %arg5[%swap3A_2520, %swap3A_2521], %swap3A_2524 {strides = array<i32>} : memref<2x512xi32, #tpu.memory_space<vmem>>, vector<1x16xi32>,
        %get3A_2525 = arith.constant 1 : i32
        %get3A_2526 = arith.index_cast %get3A_2525 : i32 to index
        %get3A_2527 = arith.constant 256 : index
        %get3A_2528 = tpu.vector_load %arg5[%get3A_2526, %get3A_2527] {strides = array<i32>} : memref<2x512xi32, #tpu.memory_space<vmem>>, vector<1x16xi32>,
        %get3A_2529 = vector.shape_cast %get3A_2528 : vector<1x16xi32> to vector<16xi32>
        %max3A_2530 = arith.constant 0 : i32
        %max3A_2531 = vector.broadcast %max3A_2530 : i32 to vector<16xi32>
        %max3A_2532 = arith.maxsi %get3A_2529, %max3A_2531 : vector<16xi32>
        %min3A_2533 = arith.constant 511 : i32
        %min3A_2534 = vector.broadcast %min3A_2533 : i32 to vector<16xi32>
        %min3A_2535 = arith.minsi %max3A_2532, %min3A_2534 : vector<16xi32>
        %add3A_2536 = vector.broadcast %mul3A_34 : i32 to vector<16xi32>
        %add3A_2537 = arith.addi %min3A_2535, %add3A_2536 : vector<16xi32>
        %swap3A_2538 = arith.constant 1 : i32
        %swap3A_2539 = arith.index_cast %swap3A_2538 : i32 to index
        %swap3A_2540 = arith.constant 256 : index
        %swap3A_2541 = tpu.vector_load %arg5[%swap3A_2539, %swap3A_2540] {strides = array<i32>} : memref<2x512xi32, #tpu.memory_space<vmem>>, vector<1x16xi32>,
        %swap3A_2542 = vector.shape_cast %swap3A_2541 : vector<1x16xi32> to vector<16xi32>
        %swap3A_2543 = vector.shape_cast %add3A_2537 : vector<16xi32> to vector<1x16xi32>
        tpu.vector_store %arg5[%swap3A_2539, %swap3A_2540], %swap3A_2543 {strides = array<i32>} : memref<2x512xi32, #tpu.memory_space<vmem>>, vector<1x16xi32>,
        %get3A_2544 = arith.constant 1 : i32
        %get3A_2545 = arith.index_cast %get3A_2544 : i32 to index
        %get3A_2546 = arith.constant 272 : index
        %get3A_2547 = tpu.vector_load %arg5[%get3A_2545, %get3A_2546] {strides = array<i32>} : memref<2x512xi32, #tpu.memory_space<vmem>>, vector<1x16xi32>,
        %get3A_2548 = vector.shape_cast %get3A_2547 : vector<1x16xi32> to vector<16xi32>
        %max3A_2549 = arith.constant 0 : i32
        %max3A_2550 = vector.broadcast %max3A_2549 : i32 to vector<16xi32>
        %max3A_2551 = arith.maxsi %get3A_2548, %max3A_2550 : vector<16xi32>
        %min3A_2552 = arith.constant 511 : i32
        %min3A_2553 = vector.broadcast %min3A_2552 : i32 to vector<16xi32>
        %min3A_2554 = arith.minsi %max3A_2551, %min3A_2553 : vector<16xi32>
        %add3A_2555 = vector.broadcast %mul3A_34 : i32 to vector<16xi32>
        %add3A_2556 = arith.addi %min3A_2554, %add3A_2555 : vector<16xi32>
        %swap3A_2557 = arith.constant 1 : i32
        %swap3A_2558 = arith.index_cast %swap3A_2557 : i32 to index
        %swap3A_2559 = arith.constant 272 : index
        %swap3A_2560 = tpu.vector_load %arg5[%swap3A_2558, %swap3A_2559] {strides = array<i32>} : memref<2x512xi32, #tpu.memory_space<vmem>>, vector<1x16xi32>,
        %swap3A_2561 = vector.shape_cast %swap3A_2560 : vector<1x16xi32> to vector<16xi32>
        %swap3A_2562 = vector.shape_cast %add3A_2556 : vector<16xi32> to vector<1x16xi32>
        tpu.vector_store %arg5[%swap3A_2558, %swap3A_2559], %swap3A_2562 {strides = array<i32>} : memref<2x512xi32, #tpu.memory_space<vmem>>, vector<1x16xi32>,
        %get3A_2563 = arith.constant 1 : i32
        %get3A_2564 = arith.index_cast %get3A_2563 : i32 to index
        %get3A_2565 = arith.constant 288 : index
        %get3A_2566 = tpu.vector_load %arg5[%get3A_2564, %get3A_2565] {strides = array<i32>} : memref<2x512xi32, #tpu.memory_space<vmem>>, vector<1x16xi32>,
        %get3A_2567 = vector.shape_cast %get3A_2566 : vector<1x16xi32> to vector<16xi32>
        %max3A_2568 = arith.constant 0 : i32
        %max3A_2569 = vector.broadcast %max3A_2568 : i32 to vector<16xi32>
        %max3A_2570 = arith.maxsi %get3A_2567, %max3A_2569 : vector<16xi32>
        %min3A_2571 = arith.constant 511 : i32
        %min3A_2572 = vector.broadcast %min3A_2571 : i32 to vector<16xi32>
        %min3A_2573 = arith.minsi %max3A_2570, %min3A_2572 : vector<16xi32>
        %add3A_2574 = vector.broadcast %mul3A_34 : i32 to vector<16xi32>
        %add3A_2575 = arith.addi %min3A_2573, %add3A_2574 : vector<16xi32>
        %swap3A_2576 = arith.constant 1 : i32
        %swap3A_2577 = arith.index_cast %swap3A_2576 : i32 to index
        %swap3A_2578 = arith.constant 288 : index
        %swap3A_2579 = tpu.vector_load %arg5[%swap3A_2577, %swap3A_2578] {strides = array<i32>} : memref<2x512xi32, #tpu.memory_space<vmem>>, vector<1x16xi32>,
        %swap3A_2580 = vector.shape_cast %swap3A_2579 : vector<1x16xi32> to vector<16xi32>
        %swap3A_2581 = vector.shape_cast %add3A_2575 : vector<16xi32> to vector<1x16xi32>
        tpu.vector_store %arg5[%swap3A_2577, %swap3A_2578], %swap3A_2581 {strides = array<i32>} : memref<2x512xi32, #tpu.memory_space<vmem>>, vector<1x16xi32>,
        %get3A_2582 = arith.constant 1 : i32
        %get3A_2583 = arith.index_cast %get3A_2582 : i32 to index
        %get3A_2584 = arith.constant 304 : index
        %get3A_2585 = tpu.vector_load %arg5[%get3A_2583, %get3A_2584] {strides = array<i32>} : memref<2x512xi32, #tpu.memory_space<vmem>>, vector<1x16xi32>,
        %get3A_2586 = vector.shape_cast %get3A_2585 : vector<1x16xi32> to vector<16xi32>
        %max3A_2587 = arith.constant 0 : i32
        %max3A_2588 = vector.broadcast %max3A_2587 : i32 to vector<16xi32>
        %max3A_2589 = arith.maxsi %get3A_2586, %max3A_2588 : vector<16xi32>
        %min3A_2590 = arith.constant 511 : i32
        %min3A_2591 = vector.broadcast %min3A_2590 : i32 to vector<16xi32>
        %min3A_2592 = arith.minsi %max3A_2589, %min3A_2591 : vector<16xi32>
        %add3A_2593 = vector.broadcast %mul3A_34 : i32 to vector<16xi32>
        %add3A_2594 = arith.addi %min3A_2592, %add3A_2593 : vector<16xi32>
        %swap3A_2595 = arith.constant 1 : i32
        %swap3A_2596 = arith.index_cast %swap3A_2595 : i32 to index
        %swap3A_2597 = arith.constant 304 : index
        %swap3A_2598 = tpu.vector_load %arg5[%swap3A_2596, %swap3A_2597] {strides = array<i32>} : memref<2x512xi32, #tpu.memory_space<vmem>>, vector<1x16xi32>,
        %swap3A_2599 = vector.shape_cast %swap3A_2598 : vector<1x16xi32> to vector<16xi32>
        %swap3A_2600 = vector.shape_cast %add3A_2594 : vector<16xi32> to vector<1x16xi32>
        tpu.vector_store %arg5[%swap3A_2596, %swap3A_2597], %swap3A_2600 {strides = array<i32>} : memref<2x512xi32, #tpu.memory_space<vmem>>, vector<1x16xi32>,
        %get3A_2601 = arith.constant 1 : i32
        %get3A_2602 = arith.index_cast %get3A_2601 : i32 to index
        %get3A_2603 = arith.constant 320 : index
        %get3A_2604 = tpu.vector_load %arg5[%get3A_2602, %get3A_2603] {strides = array<i32>} : memref<2x512xi32, #tpu.memory_space<vmem>>, vector<1x16xi32>,
        %get3A_2605 = vector.shape_cast %get3A_2604 : vector<1x16xi32> to vector<16xi32>
        %max3A_2606 = arith.constant 0 : i32
        %max3A_2607 = vector.broadcast %max3A_2606 : i32 to vector<16xi32>
        %max3A_2608 = arith.maxsi %get3A_2605, %max3A_2607 : vector<16xi32>
        %min3A_2609 = arith.constant 511 : i32
        %min3A_2610 = vector.broadcast %min3A_2609 : i32 to vector<16xi32>
        %min3A_2611 = arith.minsi %max3A_2608, %min3A_2610 : vector<16xi32>
        %add3A_2612 = vector.broadcast %mul3A_34 : i32 to vector<16xi32>
        %add3A_2613 = arith.addi %min3A_2611, %add3A_2612 : vector<16xi32>
        %swap3A_2614 = arith.constant 1 : i32
        %swap3A_2615 = arith.index_cast %swap3A_2614 : i32 to index
        %swap3A_2616 = arith.constant 320 : index
        %swap3A_2617 = tpu.vector_load %arg5[%swap3A_2615, %swap3A_2616] {strides = array<i32>} : memref<2x512xi32, #tpu.memory_space<vmem>>, vector<1x16xi32>,
        %swap3A_2618 = vector.shape_cast %swap3A_2617 : vector<1x16xi32> to vector<16xi32>
        %swap3A_2619 = vector.shape_cast %add3A_2613 : vector<16xi32> to vector<1x16xi32>
        tpu.vector_store %arg5[%swap3A_2615, %swap3A_2616], %swap3A_2619 {strides = array<i32>} : memref<2x512xi32, #tpu.memory_space<vmem>>, vector<1x16xi32>,
        %get3A_2620 = arith.constant 1 : i32
        %get3A_2621 = arith.index_cast %get3A_2620 : i32 to index
        %get3A_2622 = arith.constant 336 : index
        %get3A_2623 = tpu.vector_load %arg5[%get3A_2621, %get3A_2622] {strides = array<i32>} : memref<2x512xi32, #tpu.memory_space<vmem>>, vector<1x16xi32>,
        %get3A_2624 = vector.shape_cast %get3A_2623 : vector<1x16xi32> to vector<16xi32>
        %max3A_2625 = arith.constant 0 : i32
        %max3A_2626 = vector.broadcast %max3A_2625 : i32 to vector<16xi32>
        %max3A_2627 = arith.maxsi %get3A_2624, %max3A_2626 : vector<16xi32>
        %min3A_2628 = arith.constant 511 : i32
        %min3A_2629 = vector.broadcast %min3A_2628 : i32 to vector<16xi32>
        %min3A_2630 = arith.minsi %max3A_2627, %min3A_2629 : vector<16xi32>
        %add3A_2631 = vector.broadcast %mul3A_34 : i32 to vector<16xi32>
        %add3A_2632 = arith.addi %min3A_2630, %add3A_2631 : vector<16xi32>
        %swap3A_2633 = arith.constant 1 : i32
        %swap3A_2634 = arith.index_cast %swap3A_2633 : i32 to index
        %swap3A_2635 = arith.constant 336 : index
        %swap3A_2636 = tpu.vector_load %arg5[%swap3A_2634, %swap3A_2635] {strides = array<i32>} : memref<2x512xi32, #tpu.memory_space<vmem>>, vector<1x16xi32>,
        %swap3A_2637 = vector.shape_cast %swap3A_2636 : vector<1x16xi32> to vector<16xi32>
        %swap3A_2638 = vector.shape_cast %add3A_2632 : vector<16xi32> to vector<1x16xi32>
        tpu.vector_store %arg5[%swap3A_2634, %swap3A_2635], %swap3A_2638 {strides = array<i32>} : memref<2x512xi32, #tpu.memory_space<vmem>>, vector<1x16xi32>,
        %get3A_2639 = arith.constant 1 : i32
        %get3A_2640 = arith.index_cast %get3A_2639 : i32 to index
        %get3A_2641 = arith.constant 352 : index
        %get3A_2642 = tpu.vector_load %arg5[%get3A_2640, %get3A_2641] {strides = array<i32>} : memref<2x512xi32, #tpu.memory_space<vmem>>, vector<1x16xi32>,
        %get3A_2643 = vector.shape_cast %get3A_2642 : vector<1x16xi32> to vector<16xi32>
        %max3A_2644 = arith.constant 0 : i32
        %max3A_2645 = vector.broadcast %max3A_2644 : i32 to vector<16xi32>
        %max3A_2646 = arith.maxsi %get3A_2643, %max3A_2645 : vector<16xi32>
        %min3A_2647 = arith.constant 511 : i32
        %min3A_2648 = vector.broadcast %min3A_2647 : i32 to vector<16xi32>
        %min3A_2649 = arith.minsi %max3A_2646, %min3A_2648 : vector<16xi32>
        %add3A_2650 = vector.broadcast %mul3A_34 : i32 to vector<16xi32>
        %add3A_2651 = arith.addi %min3A_2649, %add3A_2650 : vector<16xi32>
        %swap3A_2652 = arith.constant 1 : i32
        %swap3A_2653 = arith.index_cast %swap3A_2652 : i32 to index
        %swap3A_2654 = arith.constant 352 : index
        %swap3A_2655 = tpu.vector_load %arg5[%swap3A_2653, %swap3A_2654] {strides = array<i32>} : memref<2x512xi32, #tpu.memory_space<vmem>>, vector<1x16xi32>,
        %swap3A_2656 = vector.shape_cast %swap3A_2655 : vector<1x16xi32> to vector<16xi32>
        %swap3A_2657 = vector.shape_cast %add3A_2651 : vector<16xi32> to vector<1x16xi32>
        tpu.vector_store %arg5[%swap3A_2653, %swap3A_2654], %swap3A_2657 {strides = array<i32>} : memref<2x512xi32, #tpu.memory_space<vmem>>, vector<1x16xi32>,
        %get3A_2658 = arith.constant 1 : i32
        %get3A_2659 = arith.index_cast %get3A_2658 : i32 to index
        %get3A_2660 = arith.constant 368 : index
        %get3A_2661 = tpu.vector_load %arg5[%get3A_2659, %get3A_2660] {strides = array<i32>} : memref<2x512xi32, #tpu.memory_space<vmem>>, vector<1x16xi32>,
        %get3A_2662 = vector.shape_cast %get3A_2661 : vector<1x16xi32> to vector<16xi32>
        %max3A_2663 = arith.constant 0 : i32
        %max3A_2664 = vector.broadcast %max3A_2663 : i32 to vector<16xi32>
        %max3A_2665 = arith.maxsi %get3A_2662, %max3A_2664 : vector<16xi32>
        %min3A_2666 = arith.constant 511 : i32
        %min3A_2667 = vector.broadcast %min3A_2666 : i32 to vector<16xi32>
        %min3A_2668 = arith.minsi %max3A_2665, %min3A_2667 : vector<16xi32>
        %add3A_2669 = vector.broadcast %mul3A_34 : i32 to vector<16xi32>
        %add3A_2670 = arith.addi %min3A_2668, %add3A_2669 : vector<16xi32>
        %swap3A_2671 = arith.constant 1 : i32
        %swap3A_2672 = arith.index_cast %swap3A_2671 : i32 to index
        %swap3A_2673 = arith.constant 368 : index
        %swap3A_2674 = tpu.vector_load %arg5[%swap3A_2672, %swap3A_2673] {strides = array<i32>} : memref<2x512xi32, #tpu.memory_space<vmem>>, vector<1x16xi32>,
        %swap3A_2675 = vector.shape_cast %swap3A_2674 : vector<1x16xi32> to vector<16xi32>
        %swap3A_2676 = vector.shape_cast %add3A_2670 : vector<16xi32> to vector<1x16xi32>
        tpu.vector_store %arg5[%swap3A_2672, %swap3A_2673], %swap3A_2676 {strides = array<i32>} : memref<2x512xi32, #tpu.memory_space<vmem>>, vector<1x16xi32>,
        %get3A_2677 = arith.constant 1 : i32
        %get3A_2678 = arith.index_cast %get3A_2677 : i32 to index
        %get3A_2679 = arith.constant 384 : index
        %get3A_2680 = tpu.vector_load %arg5[%get3A_2678, %get3A_2679] {strides = array<i32>} : memref<2x512xi32, #tpu.memory_space<vmem>>, vector<1x16xi32>,
        %get3A_2681 = vector.shape_cast %get3A_2680 : vector<1x16xi32> to vector<16xi32>
        %max3A_2682 = arith.constant 0 : i32
        %max3A_2683 = vector.broadcast %max3A_2682 : i32 to vector<16xi32>
        %max3A_2684 = arith.maxsi %get3A_2681, %max3A_2683 : vector<16xi32>
        %min3A_2685 = arith.constant 511 : i32
        %min3A_2686 = vector.broadcast %min3A_2685 : i32 to vector<16xi32>
        %min3A_2687 = arith.minsi %max3A_2684, %min3A_2686 : vector<16xi32>
        %add3A_2688 = vector.broadcast %mul3A_34 : i32 to vector<16xi32>
        %add3A_2689 = arith.addi %min3A_2687, %add3A_2688 : vector<16xi32>
        %swap3A_2690 = arith.constant 1 : i32
        %swap3A_2691 = arith.index_cast %swap3A_2690 : i32 to index
        %swap3A_2692 = arith.constant 384 : index
        %swap3A_2693 = tpu.vector_load %arg5[%swap3A_2691, %swap3A_2692] {strides = array<i32>} : memref<2x512xi32, #tpu.memory_space<vmem>>, vector<1x16xi32>,
        %swap3A_2694 = vector.shape_cast %swap3A_2693 : vector<1x16xi32> to vector<16xi32>
        %swap3A_2695 = vector.shape_cast %add3A_2689 : vector<16xi32> to vector<1x16xi32>
        tpu.vector_store %arg5[%swap3A_2691, %swap3A_2692], %swap3A_2695 {strides = array<i32>} : memref<2x512xi32, #tpu.memory_space<vmem>>, vector<1x16xi32>,
        %get3A_2696 = arith.constant 1 : i32
        %get3A_2697 = arith.index_cast %get3A_2696 : i32 to index
        %get3A_2698 = arith.constant 400 : index
        %get3A_2699 = tpu.vector_load %arg5[%get3A_2697, %get3A_2698] {strides = array<i32>} : memref<2x512xi32, #tpu.memory_space<vmem>>, vector<1x16xi32>,
        %get3A_2700 = vector.shape_cast %get3A_2699 : vector<1x16xi32> to vector<16xi32>
        %max3A_2701 = arith.constant 0 : i32
        %max3A_2702 = vector.broadcast %max3A_2701 : i32 to vector<16xi32>
        %max3A_2703 = arith.maxsi %get3A_2700, %max3A_2702 : vector<16xi32>
        %min3A_2704 = arith.constant 511 : i32
        %min3A_2705 = vector.broadcast %min3A_2704 : i32 to vector<16xi32>
        %min3A_2706 = arith.minsi %max3A_2703, %min3A_2705 : vector<16xi32>
        %add3A_2707 = vector.broadcast %mul3A_34 : i32 to vector<16xi32>
        %add3A_2708 = arith.addi %min3A_2706, %add3A_2707 : vector<16xi32>
        %swap3A_2709 = arith.constant 1 : i32
        %swap3A_2710 = arith.index_cast %swap3A_2709 : i32 to index
        %swap3A_2711 = arith.constant 400 : index
        %swap3A_2712 = tpu.vector_load %arg5[%swap3A_2710, %swap3A_2711] {strides = array<i32>} : memref<2x512xi32, #tpu.memory_space<vmem>>, vector<1x16xi32>,
        %swap3A_2713 = vector.shape_cast %swap3A_2712 : vector<1x16xi32> to vector<16xi32>
        %swap3A_2714 = vector.shape_cast %add3A_2708 : vector<16xi32> to vector<1x16xi32>
        tpu.vector_store %arg5[%swap3A_2710, %swap3A_2711], %swap3A_2714 {strides = array<i32>} : memref<2x512xi32, #tpu.memory_space<vmem>>, vector<1x16xi32>,
        %get3A_2715 = arith.constant 1 : i32
        %get3A_2716 = arith.index_cast %get3A_2715 : i32 to index
        %get3A_2717 = arith.constant 416 : index
        %get3A_2718 = tpu.vector_load %arg5[%get3A_2716, %get3A_2717] {strides = array<i32>} : memref<2x512xi32, #tpu.memory_space<vmem>>, vector<1x16xi32>,
        %get3A_2719 = vector.shape_cast %get3A_2718 : vector<1x16xi32> to vector<16xi32>
        %max3A_2720 = arith.constant 0 : i32
        %max3A_2721 = vector.broadcast %max3A_2720 : i32 to vector<16xi32>
        %max3A_2722 = arith.maxsi %get3A_2719, %max3A_2721 : vector<16xi32>
        %min3A_2723 = arith.constant 511 : i32
        %min3A_2724 = vector.broadcast %min3A_2723 : i32 to vector<16xi32>
        %min3A_2725 = arith.minsi %max3A_2722, %min3A_2724 : vector<16xi32>
        %add3A_2726 = vector.broadcast %mul3A_34 : i32 to vector<16xi32>
        %add3A_2727 = arith.addi %min3A_2725, %add3A_2726 : vector<16xi32>
        %swap3A_2728 = arith.constant 1 : i32
        %swap3A_2729 = arith.index_cast %swap3A_2728 : i32 to index
        %swap3A_2730 = arith.constant 416 : index
        %swap3A_2731 = tpu.vector_load %arg5[%swap3A_2729, %swap3A_2730] {strides = array<i32>} : memref<2x512xi32, #tpu.memory_space<vmem>>, vector<1x16xi32>,
        %swap3A_2732 = vector.shape_cast %swap3A_2731 : vector<1x16xi32> to vector<16xi32>
        %swap3A_2733 = vector.shape_cast %add3A_2727 : vector<16xi32> to vector<1x16xi32>
        tpu.vector_store %arg5[%swap3A_2729, %swap3A_2730], %swap3A_2733 {strides = array<i32>} : memref<2x512xi32, #tpu.memory_space<vmem>>, vector<1x16xi32>,
        %get3A_2734 = arith.constant 1 : i32
        %get3A_2735 = arith.index_cast %get3A_2734 : i32 to index
        %get3A_2736 = arith.constant 432 : index
        %get3A_2737 = tpu.vector_load %arg5[%get3A_2735, %get3A_2736] {strides = array<i32>} : memref<2x512xi32, #tpu.memory_space<vmem>>, vector<1x16xi32>,
        %get3A_2738 = vector.shape_cast %get3A_2737 : vector<1x16xi32> to vector<16xi32>
        %max3A_2739 = arith.constant 0 : i32
        %max3A_2740 = vector.broadcast %max3A_2739 : i32 to vector<16xi32>
        %max3A_2741 = arith.maxsi %get3A_2738, %max3A_2740 : vector<16xi32>
        %min3A_2742 = arith.constant 511 : i32
        %min3A_2743 = vector.broadcast %min3A_2742 : i32 to vector<16xi32>
        %min3A_2744 = arith.minsi %max3A_2741, %min3A_2743 : vector<16xi32>
        %add3A_2745 = vector.broadcast %mul3A_34 : i32 to vector<16xi32>
        %add3A_2746 = arith.addi %min3A_2744, %add3A_2745 : vector<16xi32>
        %swap3A_2747 = arith.constant 1 : i32
        %swap3A_2748 = arith.index_cast %swap3A_2747 : i32 to index
        %swap3A_2749 = arith.constant 432 : index
        %swap3A_2750 = tpu.vector_load %arg5[%swap3A_2748, %swap3A_2749] {strides = array<i32>} : memref<2x512xi32, #tpu.memory_space<vmem>>, vector<1x16xi32>,
        %swap3A_2751 = vector.shape_cast %swap3A_2750 : vector<1x16xi32> to vector<16xi32>
        %swap3A_2752 = vector.shape_cast %add3A_2746 : vector<16xi32> to vector<1x16xi32>
        tpu.vector_store %arg5[%swap3A_2748, %swap3A_2749], %swap3A_2752 {strides = array<i32>} : memref<2x512xi32, #tpu.memory_space<vmem>>, vector<1x16xi32>,
        %get3A_2753 = arith.constant 1 : i32
        %get3A_2754 = arith.index_cast %get3A_2753 : i32 to index
        %get3A_2755 = arith.constant 448 : index
        %get3A_2756 = tpu.vector_load %arg5[%get3A_2754, %get3A_2755] {strides = array<i32>} : memref<2x512xi32, #tpu.memory_space<vmem>>, vector<1x16xi32>,
        %get3A_2757 = vector.shape_cast %get3A_2756 : vector<1x16xi32> to vector<16xi32>
        %max3A_2758 = arith.constant 0 : i32
        %max3A_2759 = vector.broadcast %max3A_2758 : i32 to vector<16xi32>
        %max3A_2760 = arith.maxsi %get3A_2757, %max3A_2759 : vector<16xi32>
        %min3A_2761 = arith.constant 511 : i32
        %min3A_2762 = vector.broadcast %min3A_2761 : i32 to vector<16xi32>
        %min3A_2763 = arith.minsi %max3A_2760, %min3A_2762 : vector<16xi32>
        %add3A_2764 = vector.broadcast %mul3A_34 : i32 to vector<16xi32>
        %add3A_2765 = arith.addi %min3A_2763, %add3A_2764 : vector<16xi32>
        %swap3A_2766 = arith.constant 1 : i32
        %swap3A_2767 = arith.index_cast %swap3A_2766 : i32 to index
        %swap3A_2768 = arith.constant 448 : index
        %swap3A_2769 = tpu.vector_load %arg5[%swap3A_2767, %swap3A_2768] {strides = array<i32>} : memref<2x512xi32, #tpu.memory_space<vmem>>, vector<1x16xi32>,
        %swap3A_2770 = vector.shape_cast %swap3A_2769 : vector<1x16xi32> to vector<16xi32>
        %swap3A_2771 = vector.shape_cast %add3A_2765 : vector<16xi32> to vector<1x16xi32>
        tpu.vector_store %arg5[%swap3A_2767, %swap3A_2768], %swap3A_2771 {strides = array<i32>} : memref<2x512xi32, #tpu.memory_space<vmem>>, vector<1x16xi32>,
        %get3A_2772 = arith.constant 1 : i32
        %get3A_2773 = arith.index_cast %get3A_2772 : i32 to index
        %get3A_2774 = arith.constant 464 : index
        %get3A_2775 = tpu.vector_load %arg5[%get3A_2773, %get3A_2774] {strides = array<i32>} : memref<2x512xi32, #tpu.memory_space<vmem>>, vector<1x16xi32>,
        %get3A_2776 = vector.shape_cast %get3A_2775 : vector<1x16xi32> to vector<16xi32>
        %max3A_2777 = arith.constant 0 : i32
        %max3A_2778 = vector.broadcast %max3A_2777 : i32 to vector<16xi32>
        %max3A_2779 = arith.maxsi %get3A_2776, %max3A_2778 : vector<16xi32>
        %min3A_2780 = arith.constant 511 : i32
        %min3A_2781 = vector.broadcast %min3A_2780 : i32 to vector<16xi32>
        %min3A_2782 = arith.minsi %max3A_2779, %min3A_2781 : vector<16xi32>
        %add3A_2783 = vector.broadcast %mul3A_34 : i32 to vector<16xi32>
        %add3A_2784 = arith.addi %min3A_2782, %add3A_2783 : vector<16xi32>
        %swap3A_2785 = arith.constant 1 : i32
        %swap3A_2786 = arith.index_cast %swap3A_2785 : i32 to index
        %swap3A_2787 = arith.constant 464 : index
        %swap3A_2788 = tpu.vector_load %arg5[%swap3A_2786, %swap3A_2787] {strides = array<i32>} : memref<2x512xi32, #tpu.memory_space<vmem>>, vector<1x16xi32>,
        %swap3A_2789 = vector.shape_cast %swap3A_2788 : vector<1x16xi32> to vector<16xi32>
        %swap3A_2790 = vector.shape_cast %add3A_2784 : vector<16xi32> to vector<1x16xi32>
        tpu.vector_store %arg5[%swap3A_2786, %swap3A_2787], %swap3A_2790 {strides = array<i32>} : memref<2x512xi32, #tpu.memory_space<vmem>>, vector<1x16xi32>,
        %get3A_2791 = arith.constant 1 : i32
        %get3A_2792 = arith.index_cast %get3A_2791 : i32 to index
        %get3A_2793 = arith.constant 480 : index
        %get3A_2794 = tpu.vector_load %arg5[%get3A_2792, %get3A_2793] {strides = array<i32>} : memref<2x512xi32, #tpu.memory_space<vmem>>, vector<1x16xi32>,
        %get3A_2795 = vector.shape_cast %get3A_2794 : vector<1x16xi32> to vector<16xi32>
        %max3A_2796 = arith.constant 0 : i32
        %max3A_2797 = vector.broadcast %max3A_2796 : i32 to vector<16xi32>
        %max3A_2798 = arith.maxsi %get3A_2795, %max3A_2797 : vector<16xi32>
        %min3A_2799 = arith.constant 511 : i32
        %min3A_2800 = vector.broadcast %min3A_2799 : i32 to vector<16xi32>
        %min3A_2801 = arith.minsi %max3A_2798, %min3A_2800 : vector<16xi32>
        %add3A_2802 = vector.broadcast %mul3A_34 : i32 to vector<16xi32>
        %add3A_2803 = arith.addi %min3A_2801, %add3A_2802 : vector<16xi32>
        %swap3A_2804 = arith.constant 1 : i32
        %swap3A_2805 = arith.index_cast %swap3A_2804 : i32 to index
        %swap3A_2806 = arith.constant 480 : index
        %swap3A_2807 = tpu.vector_load %arg5[%swap3A_2805, %swap3A_2806] {strides = array<i32>} : memref<2x512xi32, #tpu.memory_space<vmem>>, vector<1x16xi32>,
        %swap3A_2808 = vector.shape_cast %swap3A_2807 : vector<1x16xi32> to vector<16xi32>
        %swap3A_2809 = vector.shape_cast %add3A_2803 : vector<16xi32> to vector<1x16xi32>
        tpu.vector_store %arg5[%swap3A_2805, %swap3A_2806], %swap3A_2809 {strides = array<i32>} : memref<2x512xi32, #tpu.memory_space<vmem>>, vector<1x16xi32>,
        %get3A_2810 = arith.constant 1 : i32
        %get3A_2811 = arith.index_cast %get3A_2810 : i32 to index
        %get3A_2812 = arith.constant 496 : index
        %get3A_2813 = tpu.vector_load %arg5[%get3A_2811, %get3A_2812] {strides = array<i32>} : memref<2x512xi32, #tpu.memory_space<vmem>>, vector<1x16xi32>,
        %get3A_2814 = vector.shape_cast %get3A_2813 : vector<1x16xi32> to vector<16xi32>
        %max3A_2815 = arith.constant 0 : i32
        %max3A_2816 = vector.broadcast %max3A_2815 : i32 to vector<16xi32>
        %max3A_2817 = arith.maxsi %get3A_2814, %max3A_2816 : vector<16xi32>
        %min3A_2818 = arith.constant 511 : i32
        %min3A_2819 = vector.broadcast %min3A_2818 : i32 to vector<16xi32>
        %min3A_2820 = arith.minsi %max3A_2817, %min3A_2819 : vector<16xi32>
        %add3A_2821 = vector.broadcast %mul3A_34 : i32 to vector<16xi32>
        %add3A_2822 = arith.addi %min3A_2820, %add3A_2821 : vector<16xi32>
        %swap3A_2823 = arith.constant 1 : i32
        %swap3A_2824 = arith.index_cast %swap3A_2823 : i32 to index
        %swap3A_2825 = arith.constant 496 : index
        %swap3A_2826 = tpu.vector_load %arg5[%swap3A_2824, %swap3A_2825] {strides = array<i32>} : memref<2x512xi32, #tpu.memory_space<vmem>>, vector<1x16xi32>,
        %swap3A_2827 = vector.shape_cast %swap3A_2826 : vector<1x16xi32> to vector<16xi32>
        %swap3A_2828 = vector.shape_cast %add3A_2822 : vector<16xi32> to vector<1x16xi32>
        tpu.vector_store %arg5[%swap3A_2824, %swap3A_2825], %swap3A_2828 {strides = array<i32>} : memref<2x512xi32, #tpu.memory_space<vmem>>, vector<1x16xi32>,
        %dma_start3A_2829 = arith.constant 0 : i32
        %dma_start3A_2830 = arith.constant 0 : i32
        %dma_start3A_2831 = arith.constant 0 : i32
        %dma_start3A_2832 = arith.constant 0 : i32
        %dma_start3A_2833 = tpu.memref_slice %arg7[%dma_start3A_2830, %dma_start3A_2831, %dma_start3A_2832] : memref<2x512x32xf32, #tpu.memory_space<vmem>> -> memref<1x128x32xf32, #tpu.memory_space<vmem>>
        %dma_start3A_2834 = tpu.memref_squeeze %dma_start3A_2833 : memref<1x128x32xf32, #tpu.memory_space<vmem>> -> memref<128x32xf32, #tpu.memory_space<vmem>>
        %dma_start3A_2835 = arith.constant 0 : i32
        %dma_start3A_2836 = tpu.memref_slice %arg5[%dma_start3A_2829, %dma_start3A_2835] : memref<2x512xi32, #tpu.memory_space<vmem>> -> memref<1x128xi32, #tpu.memory_space<vmem>>
        %dma_start3A_2837 = tpu.memref_squeeze %dma_start3A_2836 : memref<1x128xi32, #tpu.memory_space<vmem>> -> memref<128xi32, #tpu.memory_space<vmem>>
        %dma_start3A_2838 = arith.constant 0 : i32
        %dma_start3A_2839 = arith.constant 0 : i32
        %dma_start3A_2840 = tpu.memref_slice %arg3[%dma_start3A_2838, %dma_start3A_2839] : memref<16384x32xf32, #tpu.memory_space<hbm>> -> memref<16384x32xf32, #tpu.memory_space<hbm>>
        tpu.enqueue_indirect_dma source(%dma_start3A_2840 : memref<16384x32xf32, #tpu.memory_space<hbm>>) target(%dma_start3A_2834 : memref<128x32xf32, #tpu.memory_space<vmem>>) offsets(%dma_start3A_2837 : memref<128xi32, #tpu.memory_space<vmem>>) semaphore(%arg9 : memref<!tpu.dma_semaphore, #tpu.memory_space<semaphore_mem>>)
        %dma_start3A_2841 = arith.constant 0 : i32
        %dma_start3A_2842 = arith.constant 0 : i32
        %dma_start3A_2843 = arith.constant 128 : i32
        %dma_start3A_2844 = arith.constant 0 : i32
        %dma_start3A_2845 = tpu.memref_slice %arg7[%dma_start3A_2842, %dma_start3A_2843, %dma_start3A_2844] : memref<2x512x32xf32, #tpu.memory_space<vmem>> -> memref<1x128x32xf32, #tpu.memory_space<vmem>>
        %dma_start3A_2846 = tpu.memref_squeeze %dma_start3A_2845 : memref<1x128x32xf32, #tpu.memory_space<vmem>> -> memref<128x32xf32, #tpu.memory_space<vmem>>
        %dma_start3A_2847 = arith.constant 128 : i32
        %dma_start3A_2848 = tpu.memref_slice %arg5[%dma_start3A_2841, %dma_start3A_2847] : memref<2x512xi32, #tpu.memory_space<vmem>> -> memref<1x128xi32, #tpu.memory_space<vmem>>
        %dma_start3A_2849 = tpu.memref_squeeze %dma_start3A_2848 : memref<1x128xi32, #tpu.memory_space<vmem>> -> memref<128xi32, #tpu.memory_space<vmem>>
        %dma_start3A_2850 = arith.constant 0 : i32
        %dma_start3A_2851 = arith.constant 0 : i32
        %dma_start3A_2852 = tpu.memref_slice %arg3[%dma_start3A_2850, %dma_start3A_2851] : memref<16384x32xf32, #tpu.memory_space<hbm>> -> memref<16384x32xf32, #tpu.memory_space<hbm>>
        tpu.enqueue_indirect_dma source(%dma_start3A_2852 : memref<16384x32xf32, #tpu.memory_space<hbm>>) target(%dma_start3A_2846 : memref<128x32xf32, #tpu.memory_space<vmem>>) offsets(%dma_start3A_2849 : memref<128xi32, #tpu.memory_space<vmem>>) semaphore(%arg9 : memref<!tpu.dma_semaphore, #tpu.memory_space<semaphore_mem>>)
        %dma_start3A_2853 = arith.constant 0 : i32
        %dma_start3A_2854 = arith.constant 0 : i32
        %dma_start3A_2855 = arith.constant 256 : i32
        %dma_start3A_2856 = arith.constant 0 : i32
        %dma_start3A_2857 = tpu.memref_slice %arg7[%dma_start3A_2854, %dma_start3A_2855, %dma_start3A_2856] : memref<2x512x32xf32, #tpu.memory_space<vmem>> -> memref<1x128x32xf32, #tpu.memory_space<vmem>>
        %dma_start3A_2858 = tpu.memref_squeeze %dma_start3A_2857 : memref<1x128x32xf32, #tpu.memory_space<vmem>> -> memref<128x32xf32, #tpu.memory_space<vmem>>
        %dma_start3A_2859 = arith.constant 256 : i32
        %dma_start3A_2860 = tpu.memref_slice %arg5[%dma_start3A_2853, %dma_start3A_2859] : memref<2x512xi32, #tpu.memory_space<vmem>> -> memref<1x128xi32, #tpu.memory_space<vmem>>
        %dma_start3A_2861 = tpu.memref_squeeze %dma_start3A_2860 : memref<1x128xi32, #tpu.memory_space<vmem>> -> memref<128xi32, #tpu.memory_space<vmem>>
        %dma_start3A_2862 = arith.constant 0 : i32
        %dma_start3A_2863 = arith.constant 0 : i32
        %dma_start3A_2864 = tpu.memref_slice %arg3[%dma_start3A_2862, %dma_start3A_2863] : memref<16384x32xf32, #tpu.memory_space<hbm>> -> memref<16384x32xf32, #tpu.memory_space<hbm>>
        tpu.enqueue_indirect_dma source(%dma_start3A_2864 : memref<16384x32xf32, #tpu.memory_space<hbm>>) target(%dma_start3A_2858 : memref<128x32xf32, #tpu.memory_space<vmem>>) offsets(%dma_start3A_2861 : memref<128xi32, #tpu.memory_space<vmem>>) semaphore(%arg9 : memref<!tpu.dma_semaphore, #tpu.memory_space<semaphore_mem>>)
        %dma_start3A_2865 = arith.constant 0 : i32
        %dma_start3A_2866 = arith.constant 0 : i32
        %dma_start3A_2867 = arith.constant 384 : i32
        %dma_start3A_2868 = arith.constant 0 : i32
        %dma_start3A_2869 = tpu.memref_slice %arg7[%dma_start3A_2866, %dma_start3A_2867, %dma_start3A_2868] : memref<2x512x32xf32, #tpu.memory_space<vmem>> -> memref<1x128x32xf32, #tpu.memory_space<vmem>>
        %dma_start3A_2870 = tpu.memref_squeeze %dma_start3A_2869 : memref<1x128x32xf32, #tpu.memory_space<vmem>> -> memref<128x32xf32, #tpu.memory_space<vmem>>
        %dma_start3A_2871 = arith.constant 384 : i32
        %dma_start3A_2872 = tpu.memref_slice %arg5[%dma_start3A_2865, %dma_start3A_2871] : memref<2x512xi32, #tpu.memory_space<vmem>> -> memref<1x128xi32, #tpu.memory_space<vmem>>
        %dma_start3A_2873 = tpu.memref_squeeze %dma_start3A_2872 : memref<1x128xi32, #tpu.memory_space<vmem>> -> memref<128xi32, #tpu.memory_space<vmem>>
        %dma_start3A_2874 = arith.constant 0 : i32
        %dma_start3A_2875 = arith.constant 0 : i32
        %dma_start3A_2876 = tpu.memref_slice %arg3[%dma_start3A_2874, %dma_start3A_2875] : memref<16384x32xf32, #tpu.memory_space<hbm>> -> memref<16384x32xf32, #tpu.memory_space<hbm>>
        tpu.enqueue_indirect_dma source(%dma_start3A_2876 : memref<16384x32xf32, #tpu.memory_space<hbm>>) target(%dma_start3A_2870 : memref<128x32xf32, #tpu.memory_space<vmem>>) offsets(%dma_start3A_2873 : memref<128xi32, #tpu.memory_space<vmem>>) semaphore(%arg9 : memref<!tpu.dma_semaphore, #tpu.memory_space<semaphore_mem>>)
        %dma_start3A_2877 = arith.constant 1 : i32
        %dma_start3A_2878 = arith.constant 1 : i32
        %dma_start3A_2879 = arith.constant 0 : i32
        %dma_start3A_2880 = arith.constant 0 : i32
        %dma_start3A_2881 = tpu.memref_slice %arg7[%dma_start3A_2878, %dma_start3A_2879, %dma_start3A_2880] : memref<2x512x32xf32, #tpu.memory_space<vmem>> -> memref<1x128x32xf32, #tpu.memory_space<vmem>>
        %dma_start3A_2882 = tpu.memref_squeeze %dma_start3A_2881 : memref<1x128x32xf32, #tpu.memory_space<vmem>> -> memref<128x32xf32, #tpu.memory_space<vmem>>
        %dma_start3A_2883 = arith.constant 0 : i32
        %dma_start3A_2884 = tpu.memref_slice %arg5[%dma_start3A_2877, %dma_start3A_2883] : memref<2x512xi32, #tpu.memory_space<vmem>> -> memref<1x128xi32, #tpu.memory_space<vmem>>
        %dma_start3A_2885 = tpu.memref_squeeze %dma_start3A_2884 : memref<1x128xi32, #tpu.memory_space<vmem>> -> memref<128xi32, #tpu.memory_space<vmem>>
        %dma_start3A_2886 = arith.constant 0 : i32
        %dma_start3A_2887 = arith.constant 0 : i32
        %dma_start3A_2888 = tpu.memref_slice %arg3[%dma_start3A_2886, %dma_start3A_2887] : memref<16384x32xf32, #tpu.memory_space<hbm>> -> memref<16384x32xf32, #tpu.memory_space<hbm>>
        tpu.enqueue_indirect_dma source(%dma_start3A_2888 : memref<16384x32xf32, #tpu.memory_space<hbm>>) target(%dma_start3A_2882 : memref<128x32xf32, #tpu.memory_space<vmem>>) offsets(%dma_start3A_2885 : memref<128xi32, #tpu.memory_space<vmem>>) semaphore(%arg9 : memref<!tpu.dma_semaphore, #tpu.memory_space<semaphore_mem>>)
        %dma_start3A_2889 = arith.constant 1 : i32
        %dma_start3A_2890 = arith.constant 1 : i32
        %dma_start3A_2891 = arith.constant 128 : i32
        %dma_start3A_2892 = arith.constant 0 : i32
        %dma_start3A_2893 = tpu.memref_slice %arg7[%dma_start3A_2890, %dma_start3A_2891, %dma_start3A_2892] : memref<2x512x32xf32, #tpu.memory_space<vmem>> -> memref<1x128x32xf32, #tpu.memory_space<vmem>>
        %dma_start3A_2894 = tpu.memref_squeeze %dma_start3A_2893 : memref<1x128x32xf32, #tpu.memory_space<vmem>> -> memref<128x32xf32, #tpu.memory_space<vmem>>
        %dma_start3A_2895 = arith.constant 128 : i32
        %dma_start3A_2896 = tpu.memref_slice %arg5[%dma_start3A_2889, %dma_start3A_2895] : memref<2x512xi32, #tpu.memory_space<vmem>> -> memref<1x128xi32, #tpu.memory_space<vmem>>
        %dma_start3A_2897 = tpu.memref_squeeze %dma_start3A_2896 : memref<1x128xi32, #tpu.memory_space<vmem>> -> memref<128xi32, #tpu.memory_space<vmem>>
        %dma_start3A_2898 = arith.constant 0 : i32
        %dma_start3A_2899 = arith.constant 0 : i32
        %dma_start3A_2900 = tpu.memref_slice %arg3[%dma_start3A_2898, %dma_start3A_2899] : memref<16384x32xf32, #tpu.memory_space<hbm>> -> memref<16384x32xf32, #tpu.memory_space<hbm>>
        tpu.enqueue_indirect_dma source(%dma_start3A_2900 : memref<16384x32xf32, #tpu.memory_space<hbm>>) target(%dma_start3A_2894 : memref<128x32xf32, #tpu.memory_space<vmem>>) offsets(%dma_start3A_2897 : memref<128xi32, #tpu.memory_space<vmem>>) semaphore(%arg9 : memref<!tpu.dma_semaphore, #tpu.memory_space<semaphore_mem>>)
        %dma_start3A_2901 = arith.constant 1 : i32
        %dma_start3A_2902 = arith.constant 1 : i32
        %dma_start3A_2903 = arith.constant 256 : i32
        %dma_start3A_2904 = arith.constant 0 : i32
        %dma_start3A_2905 = tpu.memref_slice %arg7[%dma_start3A_2902, %dma_start3A_2903, %dma_start3A_2904] : memref<2x512x32xf32, #tpu.memory_space<vmem>> -> memref<1x128x32xf32, #tpu.memory_space<vmem>>
        %dma_start3A_2906 = tpu.memref_squeeze %dma_start3A_2905 : memref<1x128x32xf32, #tpu.memory_space<vmem>> -> memref<128x32xf32, #tpu.memory_space<vmem>>
        %dma_start3A_2907 = arith.constant 256 : i32
        %dma_start3A_2908 = tpu.memref_slice %arg5[%dma_start3A_2901, %dma_start3A_2907] : memref<2x512xi32, #tpu.memory_space<vmem>> -> memref<1x128xi32, #tpu.memory_space<vmem>>
        %dma_start3A_2909 = tpu.memref_squeeze %dma_start3A_2908 : memref<1x128xi32, #tpu.memory_space<vmem>> -> memref<128xi32, #tpu.memory_space<vmem>>
        %dma_start3A_2910 = arith.constant 0 : i32
        %dma_start3A_2911 = arith.constant 0 : i32
        %dma_start3A_2912 = tpu.memref_slice %arg3[%dma_start3A_2910, %dma_start3A_2911] : memref<16384x32xf32, #tpu.memory_space<hbm>> -> memref<16384x32xf32, #tpu.memory_space<hbm>>
        tpu.enqueue_indirect_dma source(%dma_start3A_2912 : memref<16384x32xf32, #tpu.memory_space<hbm>>) target(%dma_start3A_2906 : memref<128x32xf32, #tpu.memory_space<vmem>>) offsets(%dma_start3A_2909 : memref<128xi32, #tpu.memory_space<vmem>>) semaphore(%arg9 : memref<!tpu.dma_semaphore, #tpu.memory_space<semaphore_mem>>)
        %dma_start3A_2913 = arith.constant 1 : i32
        %dma_start3A_2914 = arith.constant 1 : i32
        %dma_start3A_2915 = arith.constant 384 : i32
        %dma_start3A_2916 = arith.constant 0 : i32
        %dma_start3A_2917 = tpu.memref_slice %arg7[%dma_start3A_2914, %dma_start3A_2915, %dma_start3A_2916] : memref<2x512x32xf32, #tpu.memory_space<vmem>> -> memref<1x128x32xf32, #tpu.memory_space<vmem>>
        %dma_start3A_2918 = tpu.memref_squeeze %dma_start3A_2917 : memref<1x128x32xf32, #tpu.memory_space<vmem>> -> memref<128x32xf32, #tpu.memory_space<vmem>>
        %dma_start3A_2919 = arith.constant 384 : i32
        %dma_start3A_2920 = tpu.memref_slice %arg5[%dma_start3A_2913, %dma_start3A_2919] : memref<2x512xi32, #tpu.memory_space<vmem>> -> memref<1x128xi32, #tpu.memory_space<vmem>>
        %dma_start3A_2921 = tpu.memref_squeeze %dma_start3A_2920 : memref<1x128xi32, #tpu.memory_space<vmem>> -> memref<128xi32, #tpu.memory_space<vmem>>
        %dma_start3A_2922 = arith.constant 0 : i32
        %dma_start3A_2923 = arith.constant 0 : i32
        %dma_start3A_2924 = tpu.memref_slice %arg3[%dma_start3A_2922, %dma_start3A_2923] : memref<16384x32xf32, #tpu.memory_space<hbm>> -> memref<16384x32xf32, #tpu.memory_space<hbm>>
        tpu.enqueue_indirect_dma source(%dma_start3A_2924 : memref<16384x32xf32, #tpu.memory_space<hbm>>) target(%dma_start3A_2918 : memref<128x32xf32, #tpu.memory_space<vmem>>) offsets(%dma_start3A_2921 : memref<128xi32, #tpu.memory_space<vmem>>) semaphore(%arg9 : memref<!tpu.dma_semaphore, #tpu.memory_space<semaphore_mem>>)
      } else {
      }
      %scan3A_1603 = arith.constant 0 : i32
      scf.yield %scan3A_1603 : i32
    }
    %scan3A_1349 = arith.constant 32 : i32
    %add3A_1350 = arith.constant 124 : i32
    %add3A_1351 = arith.addi %mul3A_32, %add3A_1350 : i32
    %dma_wait3A = arith.constant 0 : i32
    %dma_wait3A_1352 = arith.constant 0 : i32
    %dma_wait3A_1353 = tpu.memref_slice %arg4[%select_n3A, %add3A_1351, %dma_wait3A, %dma_wait3A_1352] : memref<8x512x512x32xf32, #tpu.memory_space<hbm>> -> memref<1x2x512x32xf32, #tpu.memory_space<hbm>>
    %dma_wait3A_1354 = tpu.memref_squeeze %dma_wait3A_1353 : memref<1x2x512x32xf32, #tpu.memory_space<hbm>> -> memref<2x512x32xf32, #tpu.memory_space<hbm>>
    %dma_wait3A_1355 = arith.constant 0 : i32
    %dma_wait3A_1356 = arith.constant 0 : i32
    %dma_wait3A_1357 = tpu.memref_slice %arg4[%select_n3A, %add3A_1351, %dma_wait3A_1355, %dma_wait3A_1356] : memref<8x512x512x32xf32, #tpu.memory_space<hbm>> -> memref<1x2x512x32xf32, #tpu.memory_space<hbm>>
    %dma_wait3A_1358 = tpu.memref_squeeze %dma_wait3A_1357 : memref<1x2x512x32xf32, #tpu.memory_space<hbm>> -> memref<2x512x32xf32, #tpu.memory_space<hbm>>
    tpu.wait_dma2 semaphore(%arg11 : memref<!tpu.dma_semaphore, #tpu.memory_space<semaphore_mem>>) src(%arg7 : memref<2x512x32xf32, #tpu.memory_space<vmem>>) dst(%dma_wait3A_1358 : memref<2x512x32xf32, #tpu.memory_space<hbm>>)
    %add3A_1359 = arith.constant 126 : i32
    %add3A_1360 = arith.addi %mul3A_32, %add3A_1359 : i32
    %dma_wait3A_1361 = arith.constant 0 : i32
    %dma_wait3A_1362 = arith.constant 0 : i32
    %dma_wait3A_1363 = tpu.memref_slice %arg4[%select_n3A, %add3A_1360, %dma_wait3A_1361, %dma_wait3A_1362] : memref<8x512x512x32xf32, #tpu.memory_space<hbm>> -> memref<1x2x512x32xf32, #tpu.memory_space<hbm>>
    %dma_wait3A_1364 = tpu.memref_squeeze %dma_wait3A_1363 : memref<1x2x512x32xf32, #tpu.memory_space<hbm>> -> memref<2x512x32xf32, #tpu.memory_space<hbm>>
    %dma_wait3A_1365 = arith.constant 0 : i32
    %dma_wait3A_1366 = arith.constant 0 : i32
    %dma_wait3A_1367 = tpu.memref_slice %arg4[%select_n3A, %add3A_1360, %dma_wait3A_1365, %dma_wait3A_1366] : memref<8x512x512x32xf32, #tpu.memory_space<hbm>> -> memref<1x2x512x32xf32, #tpu.memory_space<hbm>>
    %dma_wait3A_1368 = tpu.memref_squeeze %dma_wait3A_1367 : memref<1x2x512x32xf32, #tpu.memory_space<hbm>> -> memref<2x512x32xf32, #tpu.memory_space<hbm>>
    tpu.wait_dma2 semaphore(%arg12 : memref<!tpu.dma_semaphore, #tpu.memory_space<semaphore_mem>>) src(%arg8 : memref<2x512x32xf32, #tpu.memory_space<vmem>>) dst(%dma_wait3A_1368 : memref<2x512x32xf32, #tpu.memory_space<hbm>>)
    return
  }
}

</mosaic_0001>

<sc_bundles>
// kernel: kernel.3.cloned.1.call-start
scs
__scs_entry_jumppad:
0x0: {  	(pc) =	sbr.rel $0x88, $3  }
0x1: {  	(tag) =	ssettag $0x0;
	lr =	simm.s32 $0x1  }
0x2: {  	[smem:$0x3F9F] =	sst lr;
	_ =	strace $0xD0000000  }
0x3: {  	_ = 	snop  }
0x4: {  	_ = 	snop  }
0x5: {  	_ = 	snop  }
0x6: {  	_ = 	snop  }
0x7: {  	_ = 	snop  }
__scs_overlays_trampoline_lowered:
0x8: {  	[smem:$0x3FAE] =	sst s0  }
0x9: {  	[smem:$0x3FAF] =	sst s1  }
0xa: {  	[smem:$0x3FB0] =	sst s2  }
0xb: {  	[smem:$0x3FB1] =	sst s3  }
0xc: {  	[smem:$0x3FB2] =	sst s4  }
0xd: {  	[smem:$0x3FB3] =	sst s5  }
0xe: {  	[smem:$0x3FB4] =	sst s6  }
0xf: {  	[smem:$0x3FB5] =	sst s7  }
0x10: {  	[smem:$0x3FB6] =	sst s8  }
0x11: {  	[smem:$0x3FB7] =	sst s9;
	s0 =	simm.s32 @!p0 $0x0  }
0x12: {  	s1 =	sld [smem:$0x3F9D];
	s0 =	simm.s32 @p0 $0x1  }
0x13: {  	[smem:$0x3FB8] =	sst s0;
	s0 =	simm.s32 @!p1 $0x0  }
0x14: {  	s2 =	sld [smem:$0x3F9C];
	s0 =	simm.s32 @p1 $0x1  }
0x15: {  	[smem:$0x3FB9] =	sst s0;
	s0 =	simm.s32 @!p2 $0x0  }
0x16: {  	s3 =	sld [smem:$0x3FDB];
	s0 =	simm.s32 @p2 $0x1  }
0x17: {  	s4 =	simm.s32 $0x1BF5;
	[smem:$0x3FBB] =	sst s0  }
0x18: {  	s0 =	sld [smem:$0x3F9E];
	_ =	swait.ge [sflag:s4], $0x0  }
0x19: {  	s7 =	sld [smem:$0x3F9F]  }
0x1a: {  	s8 =	sadd.s32 $0xFFFFE003, lr  }
0x1b: {  	s9 =	sadd.s32 $0xFFFFFEF7, lr;
	s5 =	simm.s32 $0xFFFFFFFF;
	p2 =	slt.u32 s8, $0xFFFFF086  }
0x1c: {  	p1 =	slt.u32 s9, $0xF7A;
	s5 =	simm.s32 @!p2 $0x0  }
0x1d: {  	s5 =	simm.s32 @p1 $0x1;
	p0 =	seq.s32 s7, s2  }
0x1e: {  	s7 =	smul.u32 @!p0 $0xF7A, s2;
	p2 =	seq.s32 @!p0 s5, $0x0  }
0x1f: {  	s9 =	smul.u32 $0xF7A, s1;
	s8 =	simm.s32 @!p0 $0x1BF5;
	p2 =	por !p2, p0  }
0x20: {  	[sflag:s8] =	ssyncset.s32 @!p0 $0xFFFFF086;
	s6 =	sadd.s32 @!p0 s3, s7;
	s7 =	simm.s32 @!p0 $0x108  }
0x21: {  	s3 =	sadd.s32 s3, s9;
	s6 =	sadd.s32 @!p0 $0x88, s6;
	s7 =	simm.s32 @p2 $0x1082  }
0x22: {  	[simem:s7], [sflag:s8] =	dma.local @!p0 [hbm:s6], $0xF7A  }
0x23: {  	s9 =	sor.u32 $0xD0000000, s2;
	s6 =	simm.s32 $0x108;
	_ =	swait.ge @!p0 [sflag:s8], $0x0  }
0x24: {  	s3 =	sadd.s32 $0x88, s3;
	s6 =	simm.s32 @!p1 $0x1082;
	[sflag:s4] =	ssyncset.s32 $0xFFFFF086  }
0x25: {  	[simem:s6], [sflag:s4] =	dma.local [hbm:s3], $0xF7A  }
0x26: {  	[smem:$0x3F9F] =	sst s1;
	(tag) =	ssettag s2;
	_ =	strace s9  }
0x27: {  	s1 =	sld [smem:$0x3FAF]  }
0x28: {  	s2 =	sld [smem:$0x3FB0]  }
0x29: {  	s4 =	sld [smem:$0x3FB2]  }
0x2a: {  	p0 =	seq.s32 s5, $0x0;
	s5 =	sld [smem:$0x3FB3]  }
0x2b: {  	s6 =	sld [smem:$0x3FB4]  }
0x2c: {  	s7 =	sld [smem:$0x3FB5]  }
0x2d: {  	s3 =	simm.s32 $0x108;
	s8 =	sld [smem:$0x3FB6]  }
0x2e: {  	s3 =	simm.s32 @!p0 $0x1082;
	s9 =	sld [smem:$0x3FB7]  }
0x2f: {  	lr =	sadd.s32 s0, s3;
	s0 =	sld [smem:$0x3FAE]  }
0x30: {  	s3 =	sld [smem:$0x3FB1]  }
0x31: {  	[smem:$0x3FBA] =	sst s10  }
0x32: {  	s10 =	sld [smem:$0x3FB8];
	_ =	sdelay $0x3  }
0x33: {  	p0 =	seq.s32 s10, $0x1;
	s10 =	sld [smem:$0x3FBA];
	_ =	sdelay $0x3  }
0x34: {  	[smem:$0x3FBA] =	sst s10  }
0x35: {  	s10 =	sld [smem:$0x3FB9];
	_ =	sdelay $0x3  }
0x36: {  	p1 =	seq.s32 s10, $0x1;
	s10 =	sld [smem:$0x3FBA];
	_ =	sdelay $0x3  }
0x37: {  	[smem:$0x3FBA] =	sst s10  }
0x38: {  	s10 =	sld [smem:$0x3FBB]  }
0x39: {  	_ = 	snop;
	(pc) =	sbr.ind lr, $3  }
0x3a: {  	_ = 	snop  }
0x3b: {  	_ = 	snop  }
0x3c: {  	p2 =	seq.s32 s10, $0x1;
	s10 =	sld [smem:$0x3FBA]  }
0x3d: {  	_ =	shalt  }
0x3e: {  	_ =	shalt  }
0x3f: {  	_ =	shalt  }
0x40: {  	_ =	shalt  }
0x41: {  	_ =	shalt  }
0x42: {  	_ =	shalt  }
0x43: {  	_ =	shalt  }
0x44: {  	_ =	shalt  }
0x45: {  	_ =	shalt  }
0x46: {  	_ =	shalt  }
0x47: {  	_ =	shalt  }
0x48: {  	_ =	shalt  }
0x49: {  	_ =	shalt  }
0x4a: {  	_ =	shalt  }
0x4b: {  	_ =	shalt  }
0x4c: {  	_ =	shalt  }
0x4d: {  	_ =	shalt  }
0x4e: {  	_ =	shalt  }
0x4f: {  	_ =	shalt  }
0x50: {  	_ =	shalt  }
0x51: {  	_ =	shalt  }
0x52: {  	_ =	shalt  }
0x53: {  	_ =	shalt  }
0x54: {  	_ =	shalt  }
0x55: {  	_ =	shalt  }
0x56: {  	_ =	shalt  }
0x57: {  	_ =	shalt  }
0x58: {  	_ =	shalt  }
0x59: {  	_ =	shalt  }
0x5a: {  	_ =	shalt  }
0x5b: {  	_ =	shalt  }
0x5c: {  	_ =	shalt  }
0x5d: {  	_ =	shalt  }
0x5e: {  	_ =	shalt  }
0x5f: {  	_ =	shalt  }
0x60: {  	_ =	shalt  }
0x61: {  	_ =	shalt  }
0x62: {  	_ =	shalt  }
0x63: {  	_ =	shalt  }
0x64: {  	_ =	shalt  }
0x65: {  	_ =	shalt  }
0x66: {  	_ =	shalt  }
0x67: {  	_ =	shalt  }
0x68: {  	_ =	shalt  }
0x69: {  	_ =	shalt  }
0x6a: {  	_ =	shalt  }
0x6b: {  	_ =	shalt  }
0x6c: {  	_ =	shalt  }
0x6d: {  	_ =	shalt  }
0x6e: {  	_ =	shalt  }
0x6f: {  	_ =	shalt  }
0x70: {  	_ =	shalt  }
0x71: {  	_ =	shalt  }
0x72: {  	_ =	shalt  }
0x73: {  	_ =	shalt  }
0x74: {  	_ =	shalt  }
0x75: {  	_ =	shalt  }
0x76: {  	_ =	shalt  }
0x77: {  	_ =	shalt  }
0x78: {  	_ =	shalt  }
0x79: {  	_ =	shalt  }
0x7a: {  	_ =	shalt  }
0x7b: {  	_ =	shalt  }
0x7c: {  	_ =	shalt  }
0x7d: {  	_ =	shalt  }
0x7e: {  	_ =	shalt  }
0x7f: {  	_ =	shalt  }
0x80: {  	_ =	shalt  }
0x81: {  	_ =	shalt  }
0x82: {  	_ =	shalt  }
0x83: {  	_ =	shalt  }
0x84: {  	_ =	shalt  }
0x85: {  	_ =	shalt  }
0x86: {  	_ =	shalt  }
0x87: {  	_ =	shalt  }
.Lfunc_end0:
.L_simem_size_0:
called_computation.1_lowered:
.L_overlay_start_0:
0x88: {  	s2 =	sld [smem:$0x3FD9]  }
0x89: {  	s3 =	sld [smem:$0x3FFE];
	_ =	sdelay $0x1  }
0x8a: {  	s1 =	srdreg.scid  }
0x8b: {  	s0 =	sand.u32 $0x1, s1  }
0x8c: {  	s17 =	sshll.u32 s0, $0xA;
	s2 =	sadd.s32 s3, s2  }
0x8d: {  	s2 =	sadd.s32 s2, s17  }
0x8e: {  	[smem:$0x3FC6] =	sst s2  }
0x8f: {  	_ = 	snop  }
0x90: {  	s2 =	sld [smem:$0x3FD0];
	(tm) =	ssettm $0x1  }
0x91: {  	s18 =	sld [smem:$0x3FFB];
	_ =	sdelay $0x3  }
0x92: {  	_ =	strace s18  }
0x93: {  	s3 =	sld [smem:$0x3FFC];
	_ =	sdelay $0x3  }
0x94: {  	_ =	strace s3  }
0x95: {  	s3 =	sld [smem:$0x3FFD];
	_ =	sdelay $0x3  }
0x96: {  	_ =	strace s3  }
0x97: {  	_ =	strace $0x8FFFFFFF  }
0x98: {  	s19 =	sld [smem:$0x3FDB];
	_ =	sdelay $0x1  }
0x99: {  	s4 =	simm.s32 $_scs_section_size  }
0x9a: {  	s5 =	simm.s32 $_size__tile_overlayer_lowered;
	s6 =	simm.s32 $_tile_overlayer_lowered  }
0x9b: {  	s22 =	simm.s32 $0x1BFF;
	s21 =	sshll.u32 s6, $0x1;
	s3 =	sadd.s32 s4, s19  }
0x9c: {  	s7 =	simm.s32 $0x0;
	s20 =	sshll.u32 s5, $0x1;
	s5 =	sadd.s32 s21, s3  }
0x9d: {  	[timem:s7], [sflag:s22] =	dma.local [hbm:s5], s20  }
0x9e: {  	_ =	swait.ge [sflag:s22], s20  }
0x9f: {  	s4 =	ssub.s32 $0x0, s20;
	[sflag:s22] =	ssyncset.done $0x0  }
0xa0: {  	[sflag:s22] =	ssyncadd.s32 s4;
	_ =	sdelay $0x1  }
0xa1: {  	s23 =	simm.s32 $0x1B8B  }
0xa2: {  	_ =	swait.ge [sflag:s23], $0x1  }
0xa3: {  	[sflag:s23] =	ssyncset.done $0x0  }
0xa4: {  	s25 =	simm.s32 $0x1B8E;
	s24 =	sld [smem:$0x3FFE];
	[sflag:s23] =	ssyncadd.s32 $0xFFFFFFFF  }
0xa5: {  	s26 =	simm.s32 $execute0_lowered;
	[smem:$0x3FD2] =	sst s25  }
0xa6: {  	s5 =	sshll.u32 s26, $0x1;
	_ =	strace $0x80000046;
	[dreg:$0x1] =	wrdreg $0xFFFFFFFF  }
0xa7: {  	s28 =	simm.s32 $_size_execute0_lowered;
	s3 =	sadd.s32 s3, s5;
	[dreg:$0x0] =	wrdreg $0x0  }
0xa8: {  	s5 =	sshll.u32 s28, $0x1;
	[dreg:$0x2] =	wrdreg s3  }
0xa9: {  	[dreg:$0x3] =	wrdreg s5  }
0xaa: {  	[dreg:$0x4] =	wrdreg $0xC0  }
0xab: {  	_ =	task [dreg:s7], $0x5FFFF  }
0xac: {  	[dreg:$0x1] =	wrdreg $0xFFFFFFFF  }
0xad: {  	[dreg:$0x0] =	wrdreg $0x60  }
0xae: {  	[dreg:$0x2] =	wrdreg s24  }
0xaf: {  	[dreg:$0x3] =	wrdreg s2  }
0xb0: {  	[dreg:$0x4] =	wrdreg $0x9  }
0xb1: {  	_ =	task.clear_ibuf [dreg:s7], $0x5FFFF;
	_ =	strace $0x90000046  }
0xb2: {  	s29 =	simm.s32 $0x9;
	_ =	strace $0x80000048  }
0xb3: {  	_ =	swait.ge [sflag:s29], $0x1  }
0xb4: {  	[sflag:s29] =	ssyncadd.s32 $0xFFFFFFFF  }
0xb5: {  	_ =	strace $0x90000048  }
0xb6: {  	_ =	sfence  }
0xb7: {  	s30 =	sld [smem:$0x0];
	_ =	sdelay $0x2  }
0xb8: {  	s31 =	sshll.u32 s1, $0xD;
	s1 =	sshrl.u32 s1, $0x2  }
0xb9: {  	s3 =	sand.u32 $0x4000, s31;
	s1 =	sadd.s32 s1, s30  }
0xba: {  	s0 =	sor.u32 s3, s0;
	s1 =	sshll.u32 s1, $0x11  }
0xbb: {  	s0 =	sor.u32 s1, s0  }
0xbc: {  	s0 =	sadd.s32 $0x8F2B, s0  }
0xbd: {  	[sflag:s0] =	ssyncadd.remote.s32 $0x1  }
0xbe: {  	_ =	sfence.sel $0xFFFF  }
0xbf: {  	[dreg:$0x0] =	wrdreg $0xFFFFFFFF;
	(pc) =	sbr.abs _section_cstart, $3  }
0xc0: {  	[dreg:$0x1] =	wrdreg $0xFFFFFFFF  }
0xc1: {  	_ =	task.clear_ibuf [dreg:s7], $0x2FFFF;
	_ =	strace $0x9FFFFFFF  }
0xc2: {  	(tm) =	ssettm $0x7FFFFFFF  }
0xc3: {  	_ =	shalt  }
tec
execute0_lowered:
.L_overlay_start_1:
0x0: {  	(tag) =	ssettag $0x1  }
0x1: {  	s0 =	rddreg [dreg:$0x0]  }
0x2: {  	s1 =	rddreg [dreg:$0x1];
	s3 =	srdreg.scid  }
0x3: {  	s5 =	stileid.u32;
	s2 =	simm.s32 $0x0;
	s11 =	simm.s32 $0x80  }
0x4: {  	s12 =	simm.s32 $0x800;
	s28 =	simm.s32 $0x400;
	s29 =	simm.s32 $0x8800  }
0x5: {  	s30 =	simm.s32 $0x480;
	s31 =	simm.s32 $0x9800;
	s13 =	simm.s32 $0x680  }
0x6: {  	s14 =	simm.s32 $0xD800;
	s15 =	simm.s32 $0x700;
	s3 =	sand.u32 $0x1, s3  }
0x7: {  	s4 =	sshll.u32 s5, $0x1;
	[smem:$0x7FF] =	sst s2;
	s5 =	sshrl.u32 s5, $0x1  }
0x8: {  	s9 =	sadd.s32 $0x11000, s0;
	s4 =	sor.u32 s3, s4;
	_ =	strace $0x80000047  }
0x9: {  	s7 =	ssub.s32 $0x2, s3;
	s8 =	sshll.u32 s5, $0x12;
	s3 =	sadd.s32 $0x1000, s0  }
0xa: {  	s5 =	sshll.u32 s5, $0x17;
	s6 =	sand.u32 $0x3, s4;
	s10 =	sshrl.u32 s7, $0x1  }
0xb: {  	s20 =	sshll.u32 s4, $0x9;
	s16 =	sshll.u32 s6, $0x10;
	s17 =	ssub.s32 s7, s10  }
0xc: {  	s22 =	sshll.u32 s6, $0x15;
	s10 =	simm.s32 $0x5;
	s7 =	simm.s32 $0x600  }
0xd: {  	v0 =	vmov s20;
	s20 =	simm.s32 $0x3;
	s8 =	sor.u32 s8, s16;
	s0 =	smax.u32 s17, $0x1  }
0xe: {  	s23 =	sor.u32 s22, s5;
	s5 =	simm.s32 $0xB800;
	s16 =	simm.s32 $0xE800  }
0xf: {  	s17 =	simm.s32 $0x780;
	s18 =	sshrl.u32 s8, $0x3;
	s21 =	sor.u32 $0x800, s8  }
0x10: {  	[dreg:$0x4] =	wrdreg s0;
	s24 =	sshrl.u32 s23, $0x3;
	s25 =	sor.u32 $0x400, s8  }
0x11: {  	s0 =	sor.u32 $0x8000, s23;
	s23 =	simm.s32 $0x0;
	s19 =	sadd.s32 s9, s18  }
0x12: {  	s4 =	sshrl.u32 s21, $0x3;
	s26 =	sshrl.u32 s25, $0x3;
	s0 =	sshrl.u32 s0, $0x3  }
.Ltmp0:
0x13: {  	s18 =	simm.s32 $0xF800;
	[dreg:$0x3] =	wrdreg s19;
	(pc) =	sbr.rel .LBB2_1-.Ltmp0, $4  }
0x14: {  	s6 =	sadd.s32 s4, s9;
	s4 =	sadd.s32 s24, s1;
	s8 =	sadd.s32 s26, s9  }
0x15: {  	s0 =	sadd.s32 s0, s1;
	s26 =	simm.s32 $0x1;
	s1 =	simm.s32 $0xA800  }
0x16: {  	s9 =	simm.s32 $0xC800;
	s19 =	simm.s32 $0x2;
	[dreg:$0x5] =	wrdreg s4  }
0x17: {  	[dreg:$0x6] =	wrdreg s0;
	s0 =	simm.s32 $0x500;
	s4 =	simm.s32 $0x580  }
.LBB2_4:
0x18: {  	s22 =	simm.s32 $0x4  }
0x19: {  	_ =	swait.ge [sflag:s22], $0x8000  }
0x1a: {  	s23 =	rddreg [dreg:$0x7]  }
0x1b: {  	s21 =	rddreg [dreg:$0x4];
	s23 =	sadd.s32 $0x1, s23  }
0x1c: {  	p0 =	sne.s32 s23, s21  }
.Ltmp1:
0x1d: {  	_ = 	snop;
	(pc) =	sbr.rel @!p0 .LBB2_5-.Ltmp1, $3  }
0x1e: {  	_ =	sdelay $0x1  }
0x1f: {  	[sflag:s22] =	ssyncset.done $0x0  }
0x20: {  	[sflag:s22] =	ssyncadd.s32 $0xFFFF8000  }
.LBB2_1:
0x21: {  	[dreg:$0x7] =	wrdreg s23  }
0x22: {  	s21 =	rddreg [dreg:$0x3]  }
0x23: {  	[tilespmem:s2], [sflag:$0x5] =	stream.linear.gather [hbm4b:s21+s2], $0x400, $0x38;
	[tilespmem:$0x10800] =	vst v63  }
0x24: {  	_ =	swait.ge [sflag:s10], $0x400  }
0x25: {  	[sflag:s10] =	ssyncset.done $0x0  }
0x26: {  	[sflag:s10] =	ssyncadd.s32 $0xFFFFFC00  }
0x27: {  	v1 =	vld [tilespmem:$0x0]  }
0x28: {  	v2 =	vld [tilespmem:$0x10]  }
0x29: {  	v3 =	vld [tilespmem:$0x20]  }
0x2a: {  	v4 =	vld [tilespmem:$0x30]  }
0x2b: {  	v5 =	vld [tilespmem:$0x40]  }
0x2c: {  	v6 =	vld [tilespmem:$0x50]  }
0x2d: {  	v7 =	vld [tilespmem:$0x60]  }
0x2e: {  	v8 =	vld [tilespmem:$0x70]  }
0x2f: {  	v9 =	vld [tilespmem:$0x80]  }
0x30: {  	v10 =	vld [tilespmem:$0x90]  }
0x31: {  	v11 =	vld [tilespmem:$0xA0]  }
0x32: {  	v12 =	vld [tilespmem:$0xB0]  }
0x33: {  	v13 =	vld [tilespmem:$0xC0]  }
0x34: {  	v14 =	vld [tilespmem:$0xD0]  }
0x35: {  	v15 =	vld [tilespmem:$0xE0]  }
0x36: {  	v16 =	vld [tilespmem:$0xF0]  }
0x37: {  	v17 =	vld [tilespmem:$0x100];
	vm0 =	vgt.s32 v1, $0x0  }
0x38: {  	v18 =	vld [tilespmem:$0x110];
	vm13 =	vgt.s32 v2, $0x0;
	vm14 =	vgt.s32 v3, $0x0;
	vm15 =	vgt.s32 v4, $0x0  }
0x39: {  	v19 =	vld [tilespmem:$0x120];
	vm4 =	vgt.s32 v5, $0x0;
	vm5 =	vgt.s32 v6, $0x0;
	vm6 =	vgt.s32 v7, $0x0  }
0x3a: {  	v20 =	vld [tilespmem:$0x130];
	vm7 =	vgt.s32 v8, $0x0;
	vm8 =	vgt.s32 v9, $0x0;
	vm9 =	vgt.s32 v10, $0x0  }
0x3b: {  	v21 =	vld [tilespmem:$0x140];
	vm10 =	vgt.s32 v11, $0x0;
	vm11 =	vgt.s32 v12, $0x0;
	vm12 =	vgt.s32 v13, $0x0  }
0x3c: {  	v22 =	vld [tilespmem:$0x150];
	v1 =	vnsel vm0, $0x0, v1;
	v2 =	vnsel vm13, $0x0, v2;
	v3 =	vnsel vm14, $0x0, v3  }
0x3d: {  	v52 =	vld [tilespmem:$0x160];
	v4 =	vnsel vm15, $0x0, v4;
	v5 =	vnsel vm4, $0x0, v5;
	v6 =	vnsel vm5, $0x0, v6  }
0x3e: {  	v54 =	vld [tilespmem:$0x170];
	v7 =	vnsel vm6, $0x0, v7;
	v8 =	vnsel vm7, $0x0, v8;
	v9 =	vnsel vm8, $0x0, v9  }
0x3f: {  	v56 =	vld [tilespmem:$0x180];
	v10 =	vnsel vm9, $0x0, v10;
	v11 =	vnsel vm10, $0x0, v11;
	v12 =	vnsel vm11, $0x0, v12  }
0x40: {  	v13 =	vnsel vm12, $0x0, v13;
	vm13 =	vgt.s32 v14, $0x0;
	vm14 =	vgt.s32 v15, $0x0  }
0x41: {  	v61 =	vld [tilespmem:$0x190];
	vm15 =	vgt.s32 v16, $0x0;
	vm4 =	vgt.s32 v17, $0x0;
	vm5 =	vgt.s32 v18, $0x0  }
0x42: {  	v63 =	vld [tilespmem:$0x1A0];
	vm6 =	vgt.s32 v19, $0x0;
	vm7 =	vgt.s32 v20, $0x0;
	vm8 =	vgt.s32 v21, $0x0  }
0x43: {  	v24 =	vld [tilespmem:$0x1B0];
	vm9 =	vgt.s32 v22, $0x0;
	vm10 =	vgt.s32 v52, $0x0;
	vm11 =	vgt.s32 v54, $0x0  }
0x44: {  	v27 =	vld [tilespmem:$0x1C0];
	vm12 =	vgt.s32 v56, $0x0;
	v1 =	vmin.u32 v1, $0x1FF;
	v2 =	vmin.u32 v2, $0x1FF  }
0x45: {  	v28 =	vld [tilespmem:$0x1D0];
	v3 =	vmin.u32 v3, $0x1FF;
	v4 =	vmin.u32 v4, $0x1FF;
	v5 =	vmin.u32 v5, $0x1FF  }
0x46: {  	v30 =	vld [tilespmem:$0x1E0];
	v6 =	vmin.u32 v6, $0x1FF;
	v7 =	vmin.u32 v7, $0x1FF;
	v8 =	vmin.u32 v8, $0x1FF  }
0x47: {  	v33 =	vld [tilespmem:$0x1F0];
	v9 =	vmin.u32 v9, $0x1FF;
	v10 =	vmin.u32 v10, $0x1FF;
	v11 =	vmin.u32 v11, $0x1FF  }
0x48: {  	v34 =	vld [tilespmem:$0x200];
	v12 =	vmin.u32 v12, $0x1FF;
	v13 =	vmin.u32 v13, $0x1FF;
	v14 =	vnsel vm13, $0x0, v14  }
0x49: {  	v36 =	vld [tilespmem:$0x210];
	v15 =	vnsel vm14, $0x0, v15;
	v16 =	vnsel vm15, $0x0, v16;
	v17 =	vnsel vm4, $0x0, v17  }
0x4a: {  	v38 =	vld [tilespmem:$0x220];
	v18 =	vnsel vm5, $0x0, v18;
	v51 =	vnsel vm6, $0x0, v19;
	v55 =	vnsel vm7, $0x0, v20  }
0x4b: {  	v40 =	vld [tilespmem:$0x230];
	v58 =	vnsel vm8, $0x0, v21;
	v60 =	vnsel vm9, $0x0, v22;
	v23 =	vnsel vm10, $0x0, v52  }
0x4c: {  	v42 =	vld [tilespmem:$0x240];
	v25 =	vnsel vm11, $0x0, v54;
	v26 =	vnsel vm12, $0x0, v56;
	vm13 =	vgt.s32 v61, $0x0  }
0x4d: {  	vm14 =	vgt.s32 v63, $0x0;
	vm15 =	vgt.s32 v24, $0x0;
	vm4 =	vgt.s32 v27, $0x0  }
0x4e: {  	vm5 =	vgt.s32 v28, $0x0;
	vm6 =	vgt.s32 v30, $0x0;
	v1 =	vor.u32 v0, v1  }
0x4f: {  	vm7 =	vgt.s32 v33, $0x0;
	vm8 =	vgt.s32 v34, $0x0;
	v2 =	vor.u32 v0, v2;
	[tilespmem:$0x0] =	vst v1  }
0x50: {  	vm9 =	vgt.s32 v36, $0x0;
	vm10 =	vgt.s32 v38, $0x0;
	v3 =	vor.u32 v0, v3;
	[tilespmem:$0x10] =	vst v2  }
0x51: {  	vm11 =	vgt.s32 v40, $0x0;
	vm12 =	vgt.s32 v42, $0x0;
	v4 =	vor.u32 v0, v4;
	[tilespmem:$0x20] =	vst v3  }
0x52: {  	v5 =	vor.u32 v0, v5;
	v6 =	vor.u32 v0, v6;
	v7 =	vor.u32 v0, v7;
	[tilespmem:$0x30] =	vst v4  }
0x53: {  	v8 =	vor.u32 v0, v8;
	v9 =	vor.u32 v0, v9;
	v10 =	vor.u32 v0, v10;
	[tilespmem:$0x40] =	vst v5  }
0x54: {  	v11 =	vor.u32 v0, v11;
	v12 =	vor.u32 v0, v12;
	v13 =	vor.u32 v0, v13;
	[tilespmem:$0x50] =	vst v6  }
0x55: {  	v47 =	vld [tilespmem:$0x250];
	v14 =	vmin.u32 v14, $0x1FF;
	v15 =	vmin.u32 v15, $0x1FF;
	v16 =	vmin.u32 v16, $0x1FF;
	[tilespmem:$0x60] =	vst v7  }
0x56: {  	v49 =	vld [tilespmem:$0x260];
	v17 =	vmin.u32 v17, $0x1FF;
	v50 =	vmin.u32 v18, $0x1FF;
	v53 =	vmin.u32 v51, $0x1FF;
	[tilespmem:$0x70] =	vst v8  }
0x57: {  	v57 =	vmin.u32 v55, $0x1FF;
	v59 =	vmin.u32 v58, $0x1FF;
	v62 =	vmin.u32 v60, $0x1FF;
	[tilespmem:$0x80] =	vst v9  }
0x58: {  	v29 =	vnsel vm13, $0x0, v61;
	v31 =	vnsel vm14, $0x0, v63;
	v32 =	vnsel vm15, $0x0, v24;
	[tilespmem:$0x90] =	vst v10  }
0x59: {  	v35 =	vnsel vm4, $0x0, v27;
	v37 =	vnsel vm6, $0x0, v30;
	v41 =	vnsel vm7, $0x0, v33;
	[tilespmem:$0xA0] =	vst v11  }
0x5a: {  	v44 =	vnsel vm8, $0x0, v34;
	v46 =	vnsel vm9, $0x0, v36;
	v52 =	vnsel vm11, $0x0, v40;
	[tilespmem:$0xB0] =	vst v12  }
0x5b: {  	vm13 =	vgt.s32 v47, $0x0;
	vm14 =	vgt.s32 v49, $0x0;
	v14 =	vor.u32 v0, v14;
	[tilespmem:$0xC0] =	vst v13  }
0x5c: {  	v15 =	vor.u32 v0, v15;
	v16 =	vor.u32 v0, v16;
	v1 =	vor.u32 v0, v17;
	[tilespmem:$0xD0] =	vst v14  }
0x5d: {  	v2 =	vor.u32 v0, v50;
	v3 =	vor.u32 v0, v53;
	v4 =	vor.u32 v0, v57;
	[tilespmem:$0xE0] =	vst v15  }
0x5e: {  	v5 =	vor.u32 v0, v59;
	v6 =	vor.u32 v0, v62;
	v7 =	vmin.u32 v23, $0x1FF;
	[tilespmem:$0xF0] =	vst v16  }
0x5f: {  	v8 =	vmin.u32 v25, $0x1FF;
	v9 =	vmin.u32 v26, $0x1FF;
	v11 =	vmin.u32 v29, $0x1FF;
	[tilespmem:$0x100] =	vst v1  }
0x60: {  	v54 =	vld [tilespmem:$0x280];
	v12 =	vmin.u32 v31, $0x1FF;
	v13 =	vmin.u32 v32, $0x1FF;
	v10 =	vnsel vm5, $0x0, v28;
	[tilespmem:$0x110] =	vst v2  }
0x61: {  	v22 =	vld [tilespmem:$0x2E0];
	v39 =	vmin.u32 v37, $0x1FF;
	v43 =	vmin.u32 v41, $0x1FF;
	v45 =	vmin.u32 v44, $0x1FF;
	[tilespmem:$0x120] =	vst v3  }
0x62: {  	v51 =	vld [tilespmem:$0x270];
	v48 =	vmin.u32 v46, $0x1FF;
	v50 =	vnsel vm10, $0x0, v38;
	v53 =	vnsel vm12, $0x0, v42;
	[tilespmem:$0x130] =	vst v4  }
0x63: {  	v55 =	vld [tilespmem:$0x290];
	v56 =	vnsel vm13, $0x0, v47;
	v7 =	vor.u32 v0, v7;
	v8 =	vor.u32 v0, v8;
	[tilespmem:$0x140] =	vst v5  }
0x64: {  	v61 =	vld [tilespmem:$0x2C0];
	v9 =	vor.u32 v0, v9;
	v11 =	vor.u32 v0, v11;
	v12 =	vor.u32 v0, v12;
	[tilespmem:$0x150] =	vst v6  }
0x65: {  	v63 =	vld [tilespmem:$0x2D0];
	v13 =	vor.u32 v0, v13;
	v15 =	vmin.u32 v35, $0x1FF;
	v10 =	vmin.u32 v10, $0x1FF;
	[tilespmem:$0x160] =	vst v7  }
0x66: {  	v24 =	vld [tilespmem:$0x2F0];
	v3 =	vor.u32 v0, v39;
	v4 =	vor.u32 v0, v43;
	v5 =	vor.u32 v0, v45;
	[tilespmem:$0x170] =	vst v8  }
0x67: {  	v33 =	vld [tilespmem:$0x330];
	v6 =	vor.u32 v0, v48;
	v1 =	vor.u32 v0, v15;
	v2 =	vor.u32 v0, v10;
	[tilespmem:$0x180] =	vst v9  }
0x68: {  	v57 =	vld [tilespmem:$0x2A0];
	v7 =	vmin.u32 v50, $0x1FF;
	v8 =	vmin.u32 v52, $0x1FF;
	[tilespmem:$0x190] =	vst v11;
	v9 =	vmin.u32 v53, $0x1FF  }
0x69: {  	v59 =	vld [tilespmem:$0x2B0];
	[tilespmem:$0x1A0] =	vst v12;
	v12 =	vmin.u32 v56, $0x1FF;
	v10 =	vnsel vm14, $0x0, v49;
	v7 =	vor.u32 v0, v7  }
0x6a: {  	v26 =	vld [tilespmem:$0x300];
	v8 =	vor.u32 v0, v8;
	v9 =	vor.u32 v0, v9;
	[tilespmem:$0x1C0] =	vst v1;
	v1 =	vor.u32 v0, v12  }
0x6b: {  	v29 =	vld [tilespmem:$0x310];
	[tilespmem:$0x1B0] =	vst v13;
	v10 =	vmin.u32 v10, $0x1FF;
	vm4 =	vgt.s32 v54, $0x0;
	vm10 =	vgt.s32 v22, $0x0  }
0x6c: {  	v31 =	vld [tilespmem:$0x320];
	[tilespmem:$0x1D0] =	vst v2;
	vm15 =	vgt.s32 v51, $0x0;
	v2 =	vor.u32 v0, v10;
	v62 =	vnsel vm4, $0x0, v54  }
0x6d: {  	v37 =	vld [tilespmem:$0x340];
	[tilespmem:$0x1E0] =	vst v3;
	vm5 =	vgt.s32 v55, $0x0;
	vm8 =	vgt.s32 v61, $0x0;
	vm9 =	vgt.s32 v63, $0x0  }
0x6e: {  	v46 =	vld [tilespmem:$0x380];
	[tilespmem:$0x1F0] =	vst v4;
	v32 =	vnsel vm10, $0x0, v22;
	vm11 =	vgt.s32 v24, $0x0;
	v58 =	vnsel vm15, $0x0, v51  }
0x6f: {  	[tilespmem:$0x200] =	vst v5;
	v18 =	vmin.u32 v62, $0x1FF;
	v19 =	vnsel vm5, $0x0, v55;
	vm6 =	vgt.s32 v57, $0x0  }
0x70: {  	[tilespmem:$0x210] =	vst v6;
	vm7 =	vgt.s32 v59, $0x0;
	v27 =	vnsel vm8, $0x0, v61;
	v28 =	vnsel vm9, $0x0, v63  }
0x71: {  	[tilespmem:$0x220] =	vst v7;
	v34 =	vnsel vm11, $0x0, v24;
	vm12 =	vgt.s32 v26, $0x0;
	vm13 =	vgt.s32 v29, $0x0  }
0x72: {  	v41 =	vld [tilespmem:$0x360];
	[tilespmem:$0x230] =	vst v8;
	vm14 =	vgt.s32 v31, $0x0;
	vm15 =	vgt.s32 v33, $0x0;
	vm4 =	vgt.s32 v37, $0x0  }
0x73: {  	v39 =	vld [tilespmem:$0x350];
	[tilespmem:$0x240] =	vst v9;
	vm8 =	vgt.s32 v46, $0x0;
	v60 =	vmin.u32 v58, $0x1FF;
	v4 =	vor.u32 v0, v18  }
0x74: {  	v43 =	vld [tilespmem:$0x370];
	[tilespmem:$0x250] =	vst v1;
	v20 =	vmin.u32 v19, $0x1FF;
	v21 =	vnsel vm6, $0x0, v57;
	v25 =	vnsel vm7, $0x0, v59  }
0x75: {  	v48 =	vld [tilespmem:$0x390];
	[tilespmem:$0x260] =	vst v2;
	v8 =	vmin.u32 v27, $0x1FF;
	v30 =	vmin.u32 v28, $0x1FF;
	v35 =	vmin.u32 v34, $0x1FF  }
0x76: {  	v36 =	vnsel vm12, $0x0, v26;
	v40 =	vnsel vm13, $0x0, v29;
	v3 =	vor.u32 v0, v60;
	[tilespmem:$0x280] =	vst v4  }
0x77: {  	v42 =	vnsel vm14, $0x0, v31;
	v45 =	vnsel vm15, $0x0, v33;
	v5 =	vor.u32 v0, v20;
	[tilespmem:$0x270] =	vst v3  }
0x78: {  	v49 =	vnsel vm4, $0x0, v37;
	vm5 =	vgt.s32 v39, $0x0;
	v1 =	vor.u32 v0, v8;
	[tilespmem:$0x290] =	vst v5  }
0x79: {  	vm6 =	vgt.s32 v41, $0x0;
	vm7 =	vgt.s32 v43, $0x0;
	v2 =	vor.u32 v0, v30;
	[tilespmem:$0x2C0] =	vst v1  }
0x7a: {  	vm9 =	vgt.s32 v48, $0x0;
	v23 =	vmin.u32 v21, $0x1FF;
	v4 =	vor.u32 v0, v35;
	[tilespmem:$0x2D0] =	vst v2  }
0x7b: {  	v50 =	vld [tilespmem:$0x3A0];
	v7 =	vmin.u32 v25, $0x1FF;
	v38 =	vmin.u32 v36, $0x1FF;
	v6 =	vor.u32 v0, v23;
	[tilespmem:$0x2F0] =	vst v4  }
0x7c: {  	v53 =	vld [tilespmem:$0x3B0];
	v44 =	vmin.u32 v42, $0x1FF;
	v47 =	vmin.u32 v45, $0x1FF;
	v7 =	vor.u32 v0, v7;
	[tilespmem:$0x2A0] =	vst v6  }
0x7d: {  	v51 =	vmin.u32 v49, $0x1FF;
	v52 =	vnsel vm5, $0x0, v39;
	v5 =	vor.u32 v0, v38;
	[tilespmem:$0x2B0] =	vst v7  }
0x7e: {  	v54 =	vnsel vm6, $0x0, v41;
	v56 =	vnsel vm7, $0x0, v43;
	v2 =	vor.u32 v0, v44;
	[tilespmem:$0x300] =	vst v5  }
0x7f: {  	v57 =	vnsel vm9, $0x0, v48;
	v3 =	vmin.u32 v32, $0x1FF;
	v4 =	vor.u32 v0, v51;
	[tilespmem:$0x320] =	vst v2  }
0x80: {  	vm10 =	vgt.s32 v50, $0x0;
	v3 =	vor.u32 v0, v3;
	v6 =	vmin.u32 v40, $0x1FF;
	[tilespmem:$0x340] =	vst v4  }
0x81: {  	v55 =	vld [tilespmem:$0x3C0];
	vm11 =	vgt.s32 v53, $0x0;
	v58 =	vnsel vm10, $0x0, v50;
	v1 =	vor.u32 v0, v6;
	[tilespmem:$0x2E0] =	vst v3  }
0x82: {  	v61 =	vld [tilespmem:$0x3E0];
	v60 =	vnsel vm11, $0x0, v53;
	v3 =	vor.u32 v0, v47;
	[tilespmem:$0x310] =	vst v1;
	v1 =	vmin.u32 v52, $0x1FF  }
0x83: {  	v59 =	vld [tilespmem:$0x3D0];
	v2 =	vnsel vm8, $0x0, v46;
	[tilespmem:$0x330] =	vst v3;
	v3 =	vmin.u32 v54, $0x1FF;
	v1 =	vor.u32 v0, v1  }
0x84: {  	v4 =	vmin.u32 v58, $0x1FF;
	v3 =	vor.u32 v0, v3;
	[tilespmem:$0x350] =	vst v1;
	v1 =	vmin.u32 v56, $0x1FF  }
0x85: {  	v62 =	vld [tilespmem:$0x3F0];
	v63 =	vmin.u32 v60, $0x1FF;
	v2 =	vmin.u32 v2, $0x1FF;
	[tilespmem:$0x360] =	vst v3;
	v1 =	vor.u32 v0, v1  }
0x86: {  	vm12 =	vgt.s32 v55, $0x0;
	[tilespmem:$0x370] =	vst v1;
	v1 =	vor.u32 v0, v2;
	v2 =	vmin.u32 v57, $0x1FF  }
0x87: {  	vm14 =	vgt.s32 v61, $0x0;
	v3 =	vnsel vm12, $0x0, v55;
	[tilespmem:$0x380] =	vst v1;
	v1 =	vor.u32 v0, v2  }
0x88: {  	vm13 =	vgt.s32 v59, $0x0;
	v3 =	vmin.u32 v3, $0x1FF;
	v2 =	vor.u32 v0, v4;
	[tilespmem:$0x390] =	vst v1  }
0x89: {  	v1 =	vor.u32 v0, v63;
	[tilespmem:$0x3A0] =	vst v2;
	v2 =	vor.u32 v0, v3;
	v3 =	vnsel vm13, $0x0, v59  }
0x8a: {  	vm15 =	vgt.s32 v62, $0x0;
	[tilespmem:$0x3B0] =	vst v1;
	v1 =	vmin.u32 v3, $0x1FF;
	v3 =	vnsel vm14, $0x0, v61  }
0x8b: {  	[tilespmem:$0x3C0] =	vst v2;
	v2 =	vnsel vm15, $0x0, v62;
	v1 =	vor.u32 v0, v1;
	v3 =	vmin.u32 v3, $0x1FF  }
0x8c: {  	v2 =	vmin.u32 v2, $0x1FF;
	[tilespmem:$0x3D0] =	vst v1;
	v1 =	vor.u32 v0, v3  }
0x8d: {  	[tilespmem:$0x3E0] =	vst v1;
	v1 =	vor.u32 v0, v2  }
0x8e: {  	[tilespmem:$0x3F0] =	vst v1  }
0x8f: {  	[tilespmem:s12], [sflag:$0x1] =	stream.indirect.gather [hbm4b:s3+s11], $0x20, s2, s11, $0xb8;
	[tilespmem:$0x10800] =	vst v63  }
0x90: {  	s22 =	simm.s32 $0x1800  }
0x91: {  	[tilespmem:s22], [sflag:$0x1] =	stream.indirect.gather [hbm4b:s3+s11], $0x20, s11, s11, $0xb8;
	[tilespmem:$0x10800] =	vst v63  }
0x92: {  	s23 =	simm.s32 $0x100;
	s22 =	simm.s32 $0x2800  }
0x93: {  	[tilespmem:s22], [sflag:$0x1] =	stream.indirect.gather [hbm4b:s3+s11], $0x20, s23, s11, $0xb8;
	[tilespmem:$0x10800] =	vst v63  }
0x94: {  	s24 =	simm.s32 $0x180;
	s25 =	simm.s32 $0x3800  }
0x95: {  	[tilespmem:s25], [sflag:$0x1] =	stream.indirect.gather [hbm4b:s3+s11], $0x20, s24, s11, $0xb8;
	[tilespmem:$0x10800] =	vst v63  }
0x96: {  	s22 =	simm.s32 $0x200;
	s23 =	simm.s32 $0x4800  }
0x97: {  	[tilespmem:s23], [sflag:$0x1] =	stream.indirect.gather [hbm4b:s3+s11], $0x20, s22, s11, $0xb8;
	[tilespmem:$0x10800] =	vst v63  }
0x98: {  	s21 =	rddreg [dreg:$0x6];
	s24 =	simm.s32 $0x280;
	s25 =	simm.s32 $0x5800  }
0x99: {  	[tilespmem:s25], [sflag:$0x1] =	stream.indirect.gather [hbm4b:s3+s11], $0x20, s24, s11, $0xb8;
	[tilespmem:$0x10800] =	vst v63  }
0x9a: {  	s22 =	simm.s32 $0x300;
	s23 =	simm.s32 $0x6800;
	s24 =	simm.s32 $0x380  }
0x9b: {  	[tilespmem:s23], [sflag:$0x1] =	stream.indirect.gather [hbm4b:s3+s11], $0x20, s22, s11, $0xb8;
	[tilespmem:$0x10800] =	vst v63  }
0x9c: {  	s25 =	simm.s32 $0x7800;
	s22 =	rddreg [dreg:$0x5];
	s23 =	simm.s32 $0x0  }
0x9d: {  	[tilespmem:s25], [sflag:$0x1] =	stream.indirect.gather [hbm4b:s3+s11], $0x20, s24, s11, $0xb8;
	[tilespmem:$0x10800] =	vst v63  }
.LBB2_2:
0x9e: {  	_ =	swait.ge [sflag:s26], $0x1000  }
0x9f: {  	[sflag:s26] =	ssyncset.done $0x0  }
0xa0: {  	[sflag:s26] =	ssyncadd.s32 $0xFFFFF000  }
0xa1: {  	_ =	swait.ge [sflag:s26], $0x1000  }
0xa2: {  	[sflag:s26] =	ssyncset.done $0x0  }
0xa3: {  	[sflag:s26] =	ssyncadd.s32 $0xFFFFF000  }
0xa4: {  	_ =	swait.ge [sflag:s26], $0x1000  }
0xa5: {  	[sflag:s26] =	ssyncset.done $0x0  }
0xa6: {  	[sflag:s26] =	ssyncadd.s32 $0xFFFFF000  }
0xa7: {  	_ =	swait.ge [sflag:s26], $0x1000  }
0xa8: {  	[sflag:s26] =	ssyncset.done $0x0  }
0xa9: {  	[sflag:s26] =	ssyncadd.s32 $0xFFFFF000  }
0xaa: {  	_ =	swait.ge [sflag:s26], $0x1000  }
0xab: {  	[sflag:s26] =	ssyncset.done $0x0  }
0xac: {  	[sflag:s26] =	ssyncadd.s32 $0xFFFFF000  }
0xad: {  	_ =	swait.ge [sflag:s26], $0x1000  }
0xae: {  	[sflag:s26] =	ssyncset.done $0x0  }
0xaf: {  	[sflag:s26] =	ssyncadd.s32 $0xFFFFF000  }
0xb0: {  	_ =	swait.ge [sflag:s26], $0x1000  }
0xb1: {  	[sflag:s26] =	ssyncset.done $0x0  }
0xb2: {  	[sflag:s26] =	ssyncadd.s32 $0xFFFFF000  }
0xb3: {  	_ =	swait.ge [sflag:s26], $0x1000  }
0xb4: {  	p0 =	seq.s32 s23, $0x0;
	[sflag:s26] =	ssyncset.done $0x0  }
0xb5: {  	s24 =	simm.s32 @!p0 $0x4;
	[sflag:s26] =	ssyncadd.s32 $0xFFFFF000  }
0xb6: {  	[hbm4b:s22+s2] =	stream.linear.scatter [tilespmem:s12], [sflag:$0x3], $0x8000, $0x38;
	[tilespmem:$0x10800] =	vst v63  }
0xb7: {  	_ =	swait.ge @!p0 [sflag:s24], $0x8000  }
0xb8: {  	[sflag:s24] =	ssyncset.done @!p0 $0x0  }
0xb9: {  	s25 =	sadd.s32 s23, s8;
	[sflag:s24] =	ssyncadd.s32 @!p0 $0xFFFF8000  }
0xba: {  	[tilespmem:s28], [sflag:$0x5] =	stream.linear.gather [hbm4b:s25+s2], $0x400, $0x38;
	[tilespmem:$0x10800] =	vst v63  }
0xbb: {  	_ =	swait.ge [sflag:s10], $0x400  }
0xbc: {  	[sflag:s10] =	ssyncset.done $0x0  }
0xbd: {  	[sflag:s10] =	ssyncadd.s32 $0xFFFFFC00  }
0xbe: {  	v1 =	vld [tilespmem:$0x400]  }
0xbf: {  	v2 =	vld [tilespmem:$0x410]  }
0xc0: {  	v3 =	vld [tilespmem:$0x420]  }
0xc1: {  	v4 =	vld [tilespmem:$0x430]  }
0xc2: {  	v5 =	vld [tilespmem:$0x440]  }
0xc3: {  	v6 =	vld [tilespmem:$0x450]  }
0xc4: {  	v7 =	vld [tilespmem:$0x460]  }
0xc5: {  	v8 =	vld [tilespmem:$0x470]  }
0xc6: {  	v9 =	vld [tilespmem:$0x480]  }
0xc7: {  	v10 =	vld [tilespmem:$0x490]  }
0xc8: {  	v11 =	vld [tilespmem:$0x4A0]  }
0xc9: {  	v12 =	vld [tilespmem:$0x4B0]  }
0xca: {  	v13 =	vld [tilespmem:$0x4C0]  }
0xcb: {  	v14 =	vld [tilespmem:$0x4D0]  }
0xcc: {  	v15 =	vld [tilespmem:$0x4E0]  }
0xcd: {  	v16 =	vld [tilespmem:$0x4F0]  }
0xce: {  	v17 =	vld [tilespmem:$0x500];
	vm0 =	vgt.s32 v1, $0x0  }
0xcf: {  	v18 =	vld [tilespmem:$0x510];
	vm13 =	vgt.s32 v2, $0x0;
	vm14 =	vgt.s32 v3, $0x0;
	vm15 =	vgt.s32 v4, $0x0  }
0xd0: {  	v19 =	vld [tilespmem:$0x520];
	vm4 =	vgt.s32 v5, $0x0;
	vm5 =	vgt.s32 v6, $0x0;
	vm6 =	vgt.s32 v7, $0x0  }
0xd1: {  	v20 =	vld [tilespmem:$0x530];
	vm7 =	vgt.s32 v8, $0x0;
	vm8 =	vgt.s32 v9, $0x0;
	vm9 =	vgt.s32 v10, $0x0  }
0xd2: {  	v21 =	vld [tilespmem:$0x540];
	vm10 =	vgt.s32 v11, $0x0;
	vm11 =	vgt.s32 v12, $0x0;
	vm12 =	vgt.s32 v13, $0x0  }
0xd3: {  	v22 =	vld [tilespmem:$0x550];
	v1 =	vnsel vm0, $0x0, v1;
	v2 =	vnsel vm13, $0x0, v2;
	v3 =	vnsel vm14, $0x0, v3  }
0xd4: {  	v52 =	vld [tilespmem:$0x560];
	v4 =	vnsel vm15, $0x0, v4;
	v5 =	vnsel vm4, $0x0, v5;
	v6 =	vnsel vm5, $0x0, v6  }
0xd5: {  	v54 =	vld [tilespmem:$0x570];
	v7 =	vnsel vm6, $0x0, v7;
	v8 =	vnsel vm7, $0x0, v8;
	v9 =	vnsel vm8, $0x0, v9  }
0xd6: {  	v56 =	vld [tilespmem:$0x580];
	v10 =	vnsel vm9, $0x0, v10;
	v11 =	vnsel vm10, $0x0, v11;
	v12 =	vnsel vm11, $0x0, v12  }
0xd7: {  	v13 =	vnsel vm12, $0x0, v13;
	vm13 =	vgt.s32 v14, $0x0;
	vm14 =	vgt.s32 v15, $0x0  }
0xd8: {  	v61 =	vld [tilespmem:$0x590];
	vm15 =	vgt.s32 v16, $0x0;
	vm4 =	vgt.s32 v17, $0x0;
	vm5 =	vgt.s32 v18, $0x0  }
0xd9: {  	v63 =	vld [tilespmem:$0x5A0];
	vm6 =	vgt.s32 v19, $0x0;
	vm7 =	vgt.s32 v20, $0x0;
	vm8 =	vgt.s32 v21, $0x0  }
0xda: {  	v24 =	vld [tilespmem:$0x5B0];
	vm9 =	vgt.s32 v22, $0x0;
	vm10 =	vgt.s32 v52, $0x0;
	vm11 =	vgt.s32 v54, $0x0  }
0xdb: {  	v27 =	vld [tilespmem:$0x5C0];
	vm12 =	vgt.s32 v56, $0x0;
	v1 =	vmin.u32 v1, $0x1FF;
	v2 =	vmin.u32 v2, $0x1FF  }
0xdc: {  	v28 =	vld [tilespmem:$0x5D0];
	v3 =	vmin.u32 v3, $0x1FF;
	v4 =	vmin.u32 v4, $0x1FF;
	v5 =	vmin.u32 v5, $0x1FF  }
0xdd: {  	v30 =	vld [tilespmem:$0x5E0];
	v6 =	vmin.u32 v6, $0x1FF;
	v7 =	vmin.u32 v7, $0x1FF;
	v8 =	vmin.u32 v8, $0x1FF  }
0xde: {  	v33 =	vld [tilespmem:$0x5F0];
	v9 =	vmin.u32 v9, $0x1FF;
	v10 =	vmin.u32 v10, $0x1FF;
	v11 =	vmin.u32 v11, $0x1FF  }
0xdf: {  	v34 =	vld [tilespmem:$0x600];
	v12 =	vmin.u32 v12, $0x1FF;
	v13 =	vmin.u32 v13, $0x1FF;
	v14 =	vnsel vm13, $0x0, v14  }
0xe0: {  	v36 =	vld [tilespmem:$0x610];
	v15 =	vnsel vm14, $0x0, v15;
	v16 =	vnsel vm15, $0x0, v16;
	v17 =	vnsel vm4, $0x0, v17  }
0xe1: {  	v38 =	vld [tilespmem:$0x620];
	v18 =	vnsel vm5, $0x0, v18;
	v51 =	vnsel vm6, $0x0, v19;
	v55 =	vnsel vm7, $0x0, v20  }
0xe2: {  	v40 =	vld [tilespmem:$0x630];
	v58 =	vnsel vm8, $0x0, v21;
	v60 =	vnsel vm9, $0x0, v22;
	v23 =	vnsel vm10, $0x0, v52  }
0xe3: {  	v42 =	vld [tilespmem:$0x640];
	v25 =	vnsel vm11, $0x0, v54;
	v26 =	vnsel vm12, $0x0, v56;
	vm13 =	vgt.s32 v61, $0x0  }
0xe4: {  	vm14 =	vgt.s32 v63, $0x0;
	vm15 =	vgt.s32 v24, $0x0;
	vm4 =	vgt.s32 v27, $0x0  }
0xe5: {  	vm5 =	vgt.s32 v28, $0x0;
	vm6 =	vgt.s32 v30, $0x0;
	v1 =	vor.u32 v0, v1  }
0xe6: {  	vm7 =	vgt.s32 v33, $0x0;
	vm8 =	vgt.s32 v34, $0x0;
	v2 =	vor.u32 v0, v2;
	[tilespmem:$0x400] =	vst v1  }
0xe7: {  	vm9 =	vgt.s32 v36, $0x0;
	vm10 =	vgt.s32 v38, $0x0;
	v3 =	vor.u32 v0, v3;
	[tilespmem:$0x410] =	vst v2  }
0xe8: {  	vm11 =	vgt.s32 v40, $0x0;
	vm12 =	vgt.s32 v42, $0x0;
	v4 =	vor.u32 v0, v4;
	[tilespmem:$0x420] =	vst v3  }
0xe9: {  	v5 =	vor.u32 v0, v5;
	v6 =	vor.u32 v0, v6;
	v7 =	vor.u32 v0, v7;
	[tilespmem:$0x430] =	vst v4  }
0xea: {  	v8 =	vor.u32 v0, v8;
	v9 =	vor.u32 v0, v9;
	v10 =	vor.u32 v0, v10;
	[tilespmem:$0x440] =	vst v5  }
0xeb: {  	v11 =	vor.u32 v0, v11;
	v12 =	vor.u32 v0, v12;
	v13 =	vor.u32 v0, v13;
	[tilespmem:$0x450] =	vst v6  }
0xec: {  	v47 =	vld [tilespmem:$0x650];
	v14 =	vmin.u32 v14, $0x1FF;
	v15 =	vmin.u32 v15, $0x1FF;
	v16 =	vmin.u32 v16, $0x1FF;
	[tilespmem:$0x460] =	vst v7  }
0xed: {  	v49 =	vld [tilespmem:$0x660];
	v17 =	vmin.u32 v17, $0x1FF;
	v50 =	vmin.u32 v18, $0x1FF;
	v53 =	vmin.u32 v51, $0x1FF;
	[tilespmem:$0x470] =	vst v8  }
0xee: {  	v57 =	vmin.u32 v55, $0x1FF;
	v59 =	vmin.u32 v58, $0x1FF;
	v62 =	vmin.u32 v60, $0x1FF;
	[tilespmem:$0x480] =	vst v9  }
0xef: {  	v29 =	vnsel vm13, $0x0, v61;
	v31 =	vnsel vm14, $0x0, v63;
	v32 =	vnsel vm15, $0x0, v24;
	[tilespmem:$0x490] =	vst v10  }
0xf0: {  	v35 =	vnsel vm4, $0x0, v27;
	v37 =	vnsel vm6, $0x0, v30;
	v41 =	vnsel vm7, $0x0, v33;
	[tilespmem:$0x4A0] =	vst v11  }
0xf1: {  	v44 =	vnsel vm8, $0x0, v34;
	v46 =	vnsel vm9, $0x0, v36;
	v52 =	vnsel vm11, $0x0, v40;
	[tilespmem:$0x4B0] =	vst v12  }
0xf2: {  	vm13 =	vgt.s32 v47, $0x0;
	vm14 =	vgt.s32 v49, $0x0;
	v14 =	vor.u32 v0, v14;
	[tilespmem:$0x4C0] =	vst v13  }
0xf3: {  	v15 =	vor.u32 v0, v15;
	v16 =	vor.u32 v0, v16;
	v1 =	vor.u32 v0, v17;
	[tilespmem:$0x4D0] =	vst v14  }
0xf4: {  	v2 =	vor.u32 v0, v50;
	v3 =	vor.u32 v0, v53;
	v4 =	vor.u32 v0, v57;
	[tilespmem:$0x4E0] =	vst v15  }
0xf5: {  	v5 =	vor.u32 v0, v59;
	v6 =	vor.u32 v0, v62;
	v7 =	vmin.u32 v23, $0x1FF;
	[tilespmem:$0x4F0] =	vst v16  }
0xf6: {  	v8 =	vmin.u32 v25, $0x1FF;
	v9 =	vmin.u32 v26, $0x1FF;
	v11 =	vmin.u32 v29, $0x1FF;
	[tilespmem:$0x500] =	vst v1  }
0xf7: {  	v54 =	vld [tilespmem:$0x680];
	v12 =	vmin.u32 v31, $0x1FF;
	v13 =	vmin.u32 v32, $0x1FF;
	v10 =	vnsel vm5, $0x0, v28;
	[tilespmem:$0x510] =	vst v2  }
0xf8: {  	v22 =	vld [tilespmem:$0x6E0];
	v39 =	vmin.u32 v37, $0x1FF;
	v43 =	vmin.u32 v41, $0x1FF;
	v45 =	vmin.u32 v44, $0x1FF;
	[tilespmem:$0x520] =	vst v3  }
0xf9: {  	v51 =	vld [tilespmem:$0x670];
	v48 =	vmin.u32 v46, $0x1FF;
	v50 =	vnsel vm10, $0x0, v38;
	v53 =	vnsel vm12, $0x0, v42;
	[tilespmem:$0x530] =	vst v4  }
0xfa: {  	v55 =	vld [tilespmem:$0x690];
	v56 =	vnsel vm13, $0x0, v47;
	v7 =	vor.u32 v0, v7;
	v8 =	vor.u32 v0, v8;
	[tilespmem:$0x540] =	vst v5  }
0xfb: {  	v61 =	vld [tilespmem:$0x6C0];
	v9 =	vor.u32 v0, v9;
	v11 =	vor.u32 v0, v11;
	v12 =	vor.u32 v0, v12;
	[tilespmem:$0x550] =	vst v6  }
0xfc: {  	v63 =	vld [tilespmem:$0x6D0];
	v13 =	vor.u32 v0, v13;
	v15 =	vmin.u32 v35, $0x1FF;
	v10 =	vmin.u32 v10, $0x1FF;
	[tilespmem:$0x560] =	vst v7  }
0xfd: {  	v24 =	vld [tilespmem:$0x6F0];
	v3 =	vor.u32 v0, v39;
	v4 =	vor.u32 v0, v43;
	v5 =	vor.u32 v0, v45;
	[tilespmem:$0x570] =	vst v8  }
0xfe: {  	v33 =	vld [tilespmem:$0x730];
	v6 =	vor.u32 v0, v48;
	v1 =	vor.u32 v0, v15;
	v2 =	vor.u32 v0, v10;
	[tilespmem:$0x580] =	vst v9  }
0xff: {  	v57 =	vld [tilespmem:$0x6A0];
	v7 =	vmin.u32 v50, $0x1FF;
	v8 =	vmin.u32 v52, $0x1FF;
	[tilespmem:$0x590] =	vst v11;
	v9 =	vmin.u32 v53, $0x1FF  }
0x100: {  	v59 =	vld [tilespmem:$0x6B0];
	[tilespmem:$0x5A0] =	vst v12;
	v12 =	vmin.u32 v56, $0x1FF;
	v10 =	vnsel vm14, $0x0, v49;
	v7 =	vor.u32 v0, v7  }
0x101: {  	v26 =	vld [tilespmem:$0x700];
	v8 =	vor.u32 v0, v8;
	v9 =	vor.u32 v0, v9;
	[tilespmem:$0x5C0] =	vst v1;
	v1 =	vor.u32 v0, v12  }
0x102: {  	v29 =	vld [tilespmem:$0x710];
	[tilespmem:$0x5B0] =	vst v13;
	v10 =	vmin.u32 v10, $0x1FF;
	vm4 =	vgt.s32 v54, $0x0;
	vm10 =	vgt.s32 v22, $0x0  }
0x103: {  	v31 =	vld [tilespmem:$0x720];
	[tilespmem:$0x5D0] =	vst v2;
	vm15 =	vgt.s32 v51, $0x0;
	v2 =	vor.u32 v0, v10;
	v62 =	vnsel vm4, $0x0, v54  }
0x104: {  	v37 =	vld [tilespmem:$0x740];
	[tilespmem:$0x5E0] =	vst v3;
	vm5 =	vgt.s32 v55, $0x0;
	vm8 =	vgt.s32 v61, $0x0;
	vm9 =	vgt.s32 v63, $0x0  }
0x105: {  	v46 =	vld [tilespmem:$0x780];
	[tilespmem:$0x5F0] =	vst v4;
	v32 =	vnsel vm10, $0x0, v22;
	vm11 =	vgt.s32 v24, $0x0;
	v58 =	vnsel vm15, $0x0, v51  }
0x106: {  	[tilespmem:$0x600] =	vst v5;
	v18 =	vmin.u32 v62, $0x1FF;
	v19 =	vnsel vm5, $0x0, v55;
	vm6 =	vgt.s32 v57, $0x0  }
0x107: {  	[tilespmem:$0x610] =	vst v6;
	vm7 =	vgt.s32 v59, $0x0;
	v27 =	vnsel vm8, $0x0, v61;
	v28 =	vnsel vm9, $0x0, v63  }
0x108: {  	[tilespmem:$0x620] =	vst v7;
	v34 =	vnsel vm11, $0x0, v24;
	vm12 =	vgt.s32 v26, $0x0;
	vm13 =	vgt.s32 v29, $0x0  }
0x109: {  	v41 =	vld [tilespmem:$0x760];
	[tilespmem:$0x630] =	vst v8;
	vm14 =	vgt.s32 v31, $0x0;
	vm15 =	vgt.s32 v33, $0x0;
	vm4 =	vgt.s32 v37, $0x0  }
0x10a: {  	v39 =	vld [tilespmem:$0x750];
	[tilespmem:$0x640] =	vst v9;
	vm8 =	vgt.s32 v46, $0x0;
	v60 =	vmin.u32 v58, $0x1FF;
	v4 =	vor.u32 v0, v18  }
0x10b: {  	v43 =	vld [tilespmem:$0x770];
	[tilespmem:$0x650] =	vst v1;
	v20 =	vmin.u32 v19, $0x1FF;
	v21 =	vnsel vm6, $0x0, v57;
	v25 =	vnsel vm7, $0x0, v59  }
0x10c: {  	v48 =	vld [tilespmem:$0x790];
	[tilespmem:$0x660] =	vst v2;
	v8 =	vmin.u32 v27, $0x1FF;
	v30 =	vmin.u32 v28, $0x1FF;
	v35 =	vmin.u32 v34, $0x1FF  }
0x10d: {  	v36 =	vnsel vm12, $0x0, v26;
	v40 =	vnsel vm13, $0x0, v29;
	v3 =	vor.u32 v0, v60;
	[tilespmem:$0x680] =	vst v4  }
0x10e: {  	v42 =	vnsel vm14, $0x0, v31;
	v45 =	vnsel vm15, $0x0, v33;
	v5 =	vor.u32 v0, v20;
	[tilespmem:$0x670] =	vst v3  }
0x10f: {  	v49 =	vnsel vm4, $0x0, v37;
	vm5 =	vgt.s32 v39, $0x0;
	v1 =	vor.u32 v0, v8;
	[tilespmem:$0x690] =	vst v5  }
0x110: {  	vm6 =	vgt.s32 v41, $0x0;
	vm7 =	vgt.s32 v43, $0x0;
	v2 =	vor.u32 v0, v30;
	[tilespmem:$0x6C0] =	vst v1  }
0x111: {  	vm9 =	vgt.s32 v48, $0x0;
	v23 =	vmin.u32 v21, $0x1FF;
	v4 =	vor.u32 v0, v35;
	[tilespmem:$0x6D0] =	vst v2  }
0x112: {  	v50 =	vld [tilespmem:$0x7A0];
	v7 =	vmin.u32 v25, $0x1FF;
	v38 =	vmin.u32 v36, $0x1FF;
	v6 =	vor.u32 v0, v23;
	[tilespmem:$0x6F0] =	vst v4  }
0x113: {  	v53 =	vld [tilespmem:$0x7B0];
	v44 =	vmin.u32 v42, $0x1FF;
	v47 =	vmin.u32 v45, $0x1FF;
	v7 =	vor.u32 v0, v7;
	[tilespmem:$0x6A0] =	vst v6  }
0x114: {  	v51 =	vmin.u32 v49, $0x1FF;
	v52 =	vnsel vm5, $0x0, v39;
	v5 =	vor.u32 v0, v38;
	[tilespmem:$0x6B0] =	vst v7  }
0x115: {  	v54 =	vnsel vm6, $0x0, v41;
	v56 =	vnsel vm7, $0x0, v43;
	v2 =	vor.u32 v0, v44;
	[tilespmem:$0x700] =	vst v5  }
0x116: {  	v57 =	vnsel vm9, $0x0, v48;
	v3 =	vmin.u32 v32, $0x1FF;
	v4 =	vor.u32 v0, v51;
	[tilespmem:$0x720] =	vst v2  }
0x117: {  	vm10 =	vgt.s32 v50, $0x0;
	v3 =	vor.u32 v0, v3;
	v6 =	vmin.u32 v40, $0x1FF;
	[tilespmem:$0x740] =	vst v4  }
0x118: {  	v55 =	vld [tilespmem:$0x7C0];
	vm11 =	vgt.s32 v53, $0x0;
	v58 =	vnsel vm10, $0x0, v50;
	v1 =	vor.u32 v0, v6;
	[tilespmem:$0x6E0] =	vst v3  }
0x119: {  	v61 =	vld [tilespmem:$0x7E0];
	v60 =	vnsel vm11, $0x0, v53;
	v3 =	vor.u32 v0, v47;
	[tilespmem:$0x710] =	vst v1;
	v1 =	vmin.u32 v52, $0x1FF  }
0x11a: {  	v59 =	vld [tilespmem:$0x7D0];
	v2 =	vnsel vm8, $0x0, v46;
	[tilespmem:$0x730] =	vst v3;
	v3 =	vmin.u32 v54, $0x1FF;
	v1 =	vor.u32 v0, v1  }
0x11b: {  	v4 =	vmin.u32 v58, $0x1FF;
	v3 =	vor.u32 v0, v3;
	[tilespmem:$0x750] =	vst v1;
	v1 =	vmin.u32 v56, $0x1FF  }
0x11c: {  	v62 =	vld [tilespmem:$0x7F0];
	v63 =	vmin.u32 v60, $0x1FF;
	v2 =	vmin.u32 v2, $0x1FF;
	[tilespmem:$0x760] =	vst v3;
	v1 =	vor.u32 v0, v1  }
0x11d: {  	vm12 =	vgt.s32 v55, $0x0;
	[tilespmem:$0x770] =	vst v1;
	v1 =	vor.u32 v0, v2;
	v2 =	vmin.u32 v57, $0x1FF  }
0x11e: {  	vm14 =	vgt.s32 v61, $0x0;
	v3 =	vnsel vm12, $0x0, v55;
	[tilespmem:$0x780] =	vst v1;
	v1 =	vor.u32 v0, v2  }
0x11f: {  	vm13 =	vgt.s32 v59, $0x0;
	v3 =	vmin.u32 v3, $0x1FF;
	v2 =	vor.u32 v0, v4;
	[tilespmem:$0x790] =	vst v1  }
0x120: {  	v1 =	vor.u32 v0, v63;
	[tilespmem:$0x7A0] =	vst v2;
	v2 =	vor.u32 v0, v3;
	v3 =	vnsel vm13, $0x0, v59  }
0x121: {  	vm15 =	vgt.s32 v62, $0x0;
	[tilespmem:$0x7B0] =	vst v1;
	v1 =	vmin.u32 v3, $0x1FF;
	v3 =	vnsel vm14, $0x0, v61  }
0x122: {  	[tilespmem:$0x7C0] =	vst v2;
	v2 =	vnsel vm15, $0x0, v62;
	v1 =	vor.u32 v0, v1;
	v3 =	vmin.u32 v3, $0x1FF  }
0x123: {  	v2 =	vmin.u32 v2, $0x1FF;
	[tilespmem:$0x7D0] =	vst v1;
	v1 =	vor.u32 v0, v3  }
0x124: {  	[tilespmem:$0x7E0] =	vst v1;
	v1 =	vor.u32 v0, v2  }
0x125: {  	[tilespmem:$0x7F0] =	vst v1  }
0x126: {  	[tilespmem:s29], [sflag:$0x2] =	stream.indirect.gather [hbm4b:s3+s11], $0x20, s28, s11, $0xb8;
	[tilespmem:$0x10800] =	vst v63  }
0x127: {  	_ = 	snop  }
0x128: {  	[tilespmem:s31], [sflag:$0x2] =	stream.indirect.gather [hbm4b:s3+s11], $0x20, s30, s11, $0xb8;
	[tilespmem:$0x10800] =	vst v63  }
0x129: {  	_ = 	snop  }
0x12a: {  	[tilespmem:s1], [sflag:$0x2] =	stream.indirect.gather [hbm4b:s3+s11], $0x20, s0, s11, $0xb8;
	[tilespmem:$0x10800] =	vst v63  }
0x12b: {  	_ = 	snop  }
0x12c: {  	[tilespmem:s5], [sflag:$0x2] =	stream.indirect.gather [hbm4b:s3+s11], $0x20, s4, s11, $0xb8;
	[tilespmem:$0x10800] =	vst v63  }
0x12d: {  	_ = 	snop  }
0x12e: {  	[tilespmem:s9], [sflag:$0x2] =	stream.indirect.gather [hbm4b:s3+s11], $0x20, s7, s11, $0xb8;
	[tilespmem:$0x10800] =	vst v63  }
0x12f: {  	_ = 	snop  }
0x130: {  	[tilespmem:s14], [sflag:$0x2] =	stream.indirect.gather [hbm4b:s3+s11], $0x20, s13, s11, $0xb8;
	[tilespmem:$0x10800] =	vst v63  }
0x131: {  	_ = 	snop  }
0x132: {  	[tilespmem:s16], [sflag:$0x2] =	stream.indirect.gather [hbm4b:s3+s11], $0x20, s15, s11, $0xb8;
	[tilespmem:$0x10800] =	vst v63  }
0x133: {  	_ = 	snop  }
0x134: {  	[tilespmem:s18], [sflag:$0x2] =	stream.indirect.gather [hbm4b:s3+s11], $0x20, s17, s11, $0xb8;
	[tilespmem:$0x10800] =	vst v63  }
0x135: {  	_ =	swait.ge [sflag:s19], $0x1000  }
0x136: {  	[sflag:s19] =	ssyncset.done $0x0  }
0x137: {  	[sflag:s19] =	ssyncadd.s32 $0xFFFFF000  }
0x138: {  	_ =	swait.ge [sflag:s19], $0x1000  }
0x139: {  	[sflag:s19] =	ssyncset.done $0x0  }
0x13a: {  	[sflag:s19] =	ssyncadd.s32 $0xFFFFF000  }
0x13b: {  	_ =	swait.ge [sflag:s19], $0x1000  }
0x13c: {  	[sflag:s19] =	ssyncset.done $0x0  }
0x13d: {  	[sflag:s19] =	ssyncadd.s32 $0xFFFFF000  }
0x13e: {  	_ =	swait.ge [sflag:s19], $0x1000  }
0x13f: {  	[sflag:s19] =	ssyncset.done $0x0  }
0x140: {  	[sflag:s19] =	ssyncadd.s32 $0xFFFFF000  }
0x141: {  	_ =	swait.ge [sflag:s19], $0x1000  }
0x142: {  	[sflag:s19] =	ssyncset.done $0x0  }
0x143: {  	[sflag:s19] =	ssyncadd.s32 $0xFFFFF000  }
0x144: {  	_ =	swait.ge [sflag:s19], $0x1000  }
0x145: {  	[sflag:s19] =	ssyncset.done $0x0  }
0x146: {  	[sflag:s19] =	ssyncadd.s32 $0xFFFFF000  }
0x147: {  	_ =	swait.ge [sflag:s19], $0x1000  }
0x148: {  	[sflag:s19] =	ssyncset.done $0x0  }
0x149: {  	[sflag:s19] =	ssyncadd.s32 $0xFFFFF000  }
0x14a: {  	_ =	swait.ge [sflag:s19], $0x1000  }
0x14b: {  	p0 =	seq.s32 s23, $0x1F00;
	[sflag:s19] =	ssyncset.done $0x0  }
.Ltmp2:
0x14c: {  	[sflag:s19] =	ssyncadd.s32 $0xFFFFF000;
	(pc) =	sbr.rel @p0 .LBB2_4-.Ltmp2, $4  }
0x14d: {  	[hbm4b:s21+s2] =	stream.linear.scatter [tilespmem:s29], [sflag:$0x4], $0x8000, $0x38;
	[tilespmem:$0x10800] =	vst v63  }
0x14e: {  	_ =	swait.ge [sflag:s20], $0x8000  }
0x14f: {  	[sflag:s20] =	ssyncset.done $0x0  }
0x150: {  	[sflag:s20] =	ssyncadd.s32 $0xFFFF8000  }
0x151: {  	s24 =	sadd.s32 s23, s6  }
0x152: {  	[tilespmem:s2], [sflag:$0x5] =	stream.linear.gather [hbm4b:s24+s2], $0x400, $0x38;
	[tilespmem:$0x10800] =	vst v63  }
0x153: {  	_ =	swait.ge [sflag:s10], $0x400  }
0x154: {  	[sflag:s10] =	ssyncset.done $0x0  }
0x155: {  	[sflag:s10] =	ssyncadd.s32 $0xFFFFFC00  }
0x156: {  	v1 =	vld [tilespmem:$0x0]  }
0x157: {  	v2 =	vld [tilespmem:$0x10]  }
0x158: {  	v3 =	vld [tilespmem:$0x20]  }
0x159: {  	v4 =	vld [tilespmem:$0x30]  }
0x15a: {  	v5 =	vld [tilespmem:$0x40]  }
0x15b: {  	v6 =	vld [tilespmem:$0x50]  }
0x15c: {  	v7 =	vld [tilespmem:$0x60]  }
0x15d: {  	v8 =	vld [tilespmem:$0x70]  }
0x15e: {  	v9 =	vld [tilespmem:$0x80]  }
0x15f: {  	v10 =	vld [tilespmem:$0x90]  }
0x160: {  	v11 =	vld [tilespmem:$0xA0]  }
0x161: {  	v12 =	vld [tilespmem:$0xB0]  }
0x162: {  	v13 =	vld [tilespmem:$0xC0]  }
0x163: {  	v14 =	vld [tilespmem:$0xD0]  }
0x164: {  	v15 =	vld [tilespmem:$0xE0]  }
0x165: {  	v16 =	vld [tilespmem:$0xF0]  }
0x166: {  	v17 =	vld [tilespmem:$0x100];
	vm0 =	vgt.s32 v1, $0x0  }
0x167: {  	v18 =	vld [tilespmem:$0x110];
	vm13 =	vgt.s32 v2, $0x0;
	vm14 =	vgt.s32 v3, $0x0;
	vm15 =	vgt.s32 v4, $0x0  }
0x168: {  	v19 =	vld [tilespmem:$0x120];
	vm4 =	vgt.s32 v5, $0x0;
	vm5 =	vgt.s32 v6, $0x0;
	vm6 =	vgt.s32 v7, $0x0  }
0x169: {  	v20 =	vld [tilespmem:$0x130];
	vm7 =	vgt.s32 v8, $0x0;
	vm8 =	vgt.s32 v9, $0x0;
	vm9 =	vgt.s32 v10, $0x0  }
0x16a: {  	v21 =	vld [tilespmem:$0x140];
	vm10 =	vgt.s32 v11, $0x0;
	vm11 =	vgt.s32 v12, $0x0;
	vm12 =	vgt.s32 v13, $0x0  }
0x16b: {  	v22 =	vld [tilespmem:$0x150];
	v1 =	vnsel vm0, $0x0, v1;
	v2 =	vnsel vm13, $0x0, v2;
	v3 =	vnsel vm14, $0x0, v3  }
0x16c: {  	v52 =	vld [tilespmem:$0x160];
	v4 =	vnsel vm15, $0x0, v4;
	v5 =	vnsel vm4, $0x0, v5;
	v6 =	vnsel vm5, $0x0, v6  }
0x16d: {  	v54 =	vld [tilespmem:$0x170];
	v7 =	vnsel vm6, $0x0, v7;
	v8 =	vnsel vm7, $0x0, v8;
	v9 =	vnsel vm8, $0x0, v9  }
0x16e: {  	v56 =	vld [tilespmem:$0x180];
	v10 =	vnsel vm9, $0x0, v10;
	v11 =	vnsel vm10, $0x0, v11;
	v12 =	vnsel vm11, $0x0, v12  }
0x16f: {  	v13 =	vnsel vm12, $0x0, v13;
	vm13 =	vgt.s32 v14, $0x0;
	vm14 =	vgt.s32 v15, $0x0  }
0x170: {  	v61 =	vld [tilespmem:$0x190];
	vm15 =	vgt.s32 v16, $0x0;
	vm4 =	vgt.s32 v17, $0x0;
	vm5 =	vgt.s32 v18, $0x0  }
0x171: {  	v63 =	vld [tilespmem:$0x1A0];
	vm6 =	vgt.s32 v19, $0x0;
	vm7 =	vgt.s32 v20, $0x0;
	vm8 =	vgt.s32 v21, $0x0  }
0x172: {  	v24 =	vld [tilespmem:$0x1B0];
	vm9 =	vgt.s32 v22, $0x0;
	vm10 =	vgt.s32 v52, $0x0;
	vm11 =	vgt.s32 v54, $0x0  }
0x173: {  	v27 =	vld [tilespmem:$0x1C0];
	vm12 =	vgt.s32 v56, $0x0;
	v1 =	vmin.u32 v1, $0x1FF;
	v2 =	vmin.u32 v2, $0x1FF  }
0x174: {  	v28 =	vld [tilespmem:$0x1D0];
	v3 =	vmin.u32 v3, $0x1FF;
	v4 =	vmin.u32 v4, $0x1FF;
	v5 =	vmin.u32 v5, $0x1FF  }
0x175: {  	v30 =	vld [tilespmem:$0x1E0];
	v6 =	vmin.u32 v6, $0x1FF;
	v7 =	vmin.u32 v7, $0x1FF;
	v8 =	vmin.u32 v8, $0x1FF  }
0x176: {  	v33 =	vld [tilespmem:$0x1F0];
	v9 =	vmin.u32 v9, $0x1FF;
	v10 =	vmin.u32 v10, $0x1FF;
	v11 =	vmin.u32 v11, $0x1FF  }
0x177: {  	v34 =	vld [tilespmem:$0x200];
	v12 =	vmin.u32 v12, $0x1FF;
	v13 =	vmin.u32 v13, $0x1FF;
	v14 =	vnsel vm13, $0x0, v14  }
0x178: {  	v36 =	vld [tilespmem:$0x210];
	v15 =	vnsel vm14, $0x0, v15;
	v16 =	vnsel vm15, $0x0, v16;
	v17 =	vnsel vm4, $0x0, v17  }
0x179: {  	v38 =	vld [tilespmem:$0x220];
	v18 =	vnsel vm5, $0x0, v18;
	v51 =	vnsel vm6, $0x0, v19;
	v55 =	vnsel vm7, $0x0, v20  }
0x17a: {  	v40 =	vld [tilespmem:$0x230];
	v58 =	vnsel vm8, $0x0, v21;
	v60 =	vnsel vm9, $0x0, v22;
	v23 =	vnsel vm10, $0x0, v52  }
0x17b: {  	v42 =	vld [tilespmem:$0x240];
	v25 =	vnsel vm11, $0x0, v54;
	v26 =	vnsel vm12, $0x0, v56;
	vm13 =	vgt.s32 v61, $0x0  }
0x17c: {  	vm14 =	vgt.s32 v63, $0x0;
	vm15 =	vgt.s32 v24, $0x0;
	vm4 =	vgt.s32 v27, $0x0  }
0x17d: {  	vm5 =	vgt.s32 v28, $0x0;
	vm6 =	vgt.s32 v30, $0x0;
	v1 =	vor.u32 v0, v1  }
0x17e: {  	vm7 =	vgt.s32 v33, $0x0;
	vm8 =	vgt.s32 v34, $0x0;
	v2 =	vor.u32 v0, v2;
	[tilespmem:$0x0] =	vst v1  }
0x17f: {  	vm9 =	vgt.s32 v36, $0x0;
	vm10 =	vgt.s32 v38, $0x0;
	v3 =	vor.u32 v0, v3;
	[tilespmem:$0x10] =	vst v2  }
0x180: {  	vm11 =	vgt.s32 v40, $0x0;
	vm12 =	vgt.s32 v42, $0x0;
	v4 =	vor.u32 v0, v4;
	[tilespmem:$0x20] =	vst v3  }
0x181: {  	v5 =	vor.u32 v0, v5;
	v6 =	vor.u32 v0, v6;
	v7 =	vor.u32 v0, v7;
	[tilespmem:$0x30] =	vst v4  }
0x182: {  	v8 =	vor.u32 v0, v8;
	v9 =	vor.u32 v0, v9;
	v10 =	vor.u32 v0, v10;
	[tilespmem:$0x40] =	vst v5  }
0x183: {  	v11 =	vor.u32 v0, v11;
	v12 =	vor.u32 v0, v12;
	v13 =	vor.u32 v0, v13;
	[tilespmem:$0x50] =	vst v6  }
0x184: {  	v47 =	vld [tilespmem:$0x250];
	v14 =	vmin.u32 v14, $0x1FF;
	v15 =	vmin.u32 v15, $0x1FF;
	v16 =	vmin.u32 v16, $0x1FF;
	[tilespmem:$0x60] =	vst v7  }
0x185: {  	v49 =	vld [tilespmem:$0x260];
	v17 =	vmin.u32 v17, $0x1FF;
	v50 =	vmin.u32 v18, $0x1FF;
	v53 =	vmin.u32 v51, $0x1FF;
	[tilespmem:$0x70] =	vst v8  }
0x186: {  	v57 =	vmin.u32 v55, $0x1FF;
	v59 =	vmin.u32 v58, $0x1FF;
	v62 =	vmin.u32 v60, $0x1FF;
	[tilespmem:$0x80] =	vst v9  }
0x187: {  	v29 =	vnsel vm13, $0x0, v61;
	v31 =	vnsel vm14, $0x0, v63;
	v32 =	vnsel vm15, $0x0, v24;
	[tilespmem:$0x90] =	vst v10  }
0x188: {  	v35 =	vnsel vm4, $0x0, v27;
	v37 =	vnsel vm6, $0x0, v30;
	v41 =	vnsel vm7, $0x0, v33;
	[tilespmem:$0xA0] =	vst v11  }
0x189: {  	v44 =	vnsel vm8, $0x0, v34;
	v46 =	vnsel vm9, $0x0, v36;
	v52 =	vnsel vm11, $0x0, v40;
	[tilespmem:$0xB0] =	vst v12  }
0x18a: {  	vm13 =	vgt.s32 v47, $0x0;
	vm14 =	vgt.s32 v49, $0x0;
	v14 =	vor.u32 v0, v14;
	[tilespmem:$0xC0] =	vst v13  }
0x18b: {  	v15 =	vor.u32 v0, v15;
	v16 =	vor.u32 v0, v16;
	v1 =	vor.u32 v0, v17;
	[tilespmem:$0xD0] =	vst v14  }
0x18c: {  	v2 =	vor.u32 v0, v50;
	v3 =	vor.u32 v0, v53;
	v4 =	vor.u32 v0, v57;
	[tilespmem:$0xE0] =	vst v15  }
0x18d: {  	v5 =	vor.u32 v0, v59;
	v6 =	vor.u32 v0, v62;
	v7 =	vmin.u32 v23, $0x1FF;
	[tilespmem:$0xF0] =	vst v16  }
0x18e: {  	v8 =	vmin.u32 v25, $0x1FF;
	v9 =	vmin.u32 v26, $0x1FF;
	v11 =	vmin.u32 v29, $0x1FF;
	[tilespmem:$0x100] =	vst v1  }
0x18f: {  	v54 =	vld [tilespmem:$0x280];
	v12 =	vmin.u32 v31, $0x1FF;
	v13 =	vmin.u32 v32, $0x1FF;
	v10 =	vnsel vm5, $0x0, v28;
	[tilespmem:$0x110] =	vst v2  }
0x190: {  	v22 =	vld [tilespmem:$0x2E0];
	v39 =	vmin.u32 v37, $0x1FF;
	v43 =	vmin.u32 v41, $0x1FF;
	v45 =	vmin.u32 v44, $0x1FF;
	[tilespmem:$0x120] =	vst v3  }
0x191: {  	v51 =	vld [tilespmem:$0x270];
	v48 =	vmin.u32 v46, $0x1FF;
	v50 =	vnsel vm10, $0x0, v38;
	v53 =	vnsel vm12, $0x0, v42;
	[tilespmem:$0x130] =	vst v4  }
0x192: {  	v55 =	vld [tilespmem:$0x290];
	v56 =	vnsel vm13, $0x0, v47;
	v7 =	vor.u32 v0, v7;
	v8 =	vor.u32 v0, v8;
	[tilespmem:$0x140] =	vst v5  }
0x193: {  	v61 =	vld [tilespmem:$0x2C0];
	v9 =	vor.u32 v0, v9;
	v11 =	vor.u32 v0, v11;
	v12 =	vor.u32 v0, v12;
	[tilespmem:$0x150] =	vst v6  }
0x194: {  	v63 =	vld [tilespmem:$0x2D0];
	v13 =	vor.u32 v0, v13;
	v15 =	vmin.u32 v35, $0x1FF;
	v10 =	vmin.u32 v10, $0x1FF;
	[tilespmem:$0x160] =	vst v7  }
0x195: {  	v24 =	vld [tilespmem:$0x2F0];
	v3 =	vor.u32 v0, v39;
	v4 =	vor.u32 v0, v43;
	v5 =	vor.u32 v0, v45;
	[tilespmem:$0x170] =	vst v8  }
0x196: {  	v33 =	vld [tilespmem:$0x330];
	v6 =	vor.u32 v0, v48;
	v1 =	vor.u32 v0, v15;
	v2 =	vor.u32 v0, v10;
	[tilespmem:$0x180] =	vst v9  }
0x197: {  	v57 =	vld [tilespmem:$0x2A0];
	v7 =	vmin.u32 v50, $0x1FF;
	v8 =	vmin.u32 v52, $0x1FF;
	[tilespmem:$0x190] =	vst v11;
	v9 =	vmin.u32 v53, $0x1FF  }
0x198: {  	v59 =	vld [tilespmem:$0x2B0];
	[tilespmem:$0x1A0] =	vst v12;
	v12 =	vmin.u32 v56, $0x1FF;
	v10 =	vnsel vm14, $0x0, v49;
	v7 =	vor.u32 v0, v7  }
0x199: {  	v26 =	vld [tilespmem:$0x300];
	v8 =	vor.u32 v0, v8;
	v9 =	vor.u32 v0, v9;
	[tilespmem:$0x1C0] =	vst v1;
	v1 =	vor.u32 v0, v12  }
0x19a: {  	v29 =	vld [tilespmem:$0x310];
	[tilespmem:$0x1B0] =	vst v13;
	v10 =	vmin.u32 v10, $0x1FF;
	vm4 =	vgt.s32 v54, $0x0;
	vm10 =	vgt.s32 v22, $0x0  }
0x19b: {  	v31 =	vld [tilespmem:$0x320];
	[tilespmem:$0x1D0] =	vst v2;
	vm15 =	vgt.s32 v51, $0x0;
	v2 =	vor.u32 v0, v10;
	v62 =	vnsel vm4, $0x0, v54  }
0x19c: {  	v37 =	vld [tilespmem:$0x340];
	[tilespmem:$0x1E0] =	vst v3;
	vm5 =	vgt.s32 v55, $0x0;
	vm8 =	vgt.s32 v61, $0x0;
	vm9 =	vgt.s32 v63, $0x0  }
0x19d: {  	v46 =	vld [tilespmem:$0x380];
	[tilespmem:$0x1F0] =	vst v4;
	v32 =	vnsel vm10, $0x0, v22;
	vm11 =	vgt.s32 v24, $0x0;
	v58 =	vnsel vm15, $0x0, v51  }
0x19e: {  	[tilespmem:$0x200] =	vst v5;
	v18 =	vmin.u32 v62, $0x1FF;
	v19 =	vnsel vm5, $0x0, v55;
	vm6 =	vgt.s32 v57, $0x0  }
0x19f: {  	[tilespmem:$0x210] =	vst v6;
	vm7 =	vgt.s32 v59, $0x0;
	v27 =	vnsel vm8, $0x0, v61;
	v28 =	vnsel vm9, $0x0, v63  }
0x1a0: {  	[tilespmem:$0x220] =	vst v7;
	v34 =	vnsel vm11, $0x0, v24;
	vm12 =	vgt.s32 v26, $0x0;
	vm13 =	vgt.s32 v29, $0x0  }
0x1a1: {  	v41 =	vld [tilespmem:$0x360];
	[tilespmem:$0x230] =	vst v8;
	vm14 =	vgt.s32 v31, $0x0;
	vm15 =	vgt.s32 v33, $0x0;
	vm4 =	vgt.s32 v37, $0x0  }
0x1a2: {  	v39 =	vld [tilespmem:$0x350];
	[tilespmem:$0x240] =	vst v9;
	vm8 =	vgt.s32 v46, $0x0;
	v60 =	vmin.u32 v58, $0x1FF;
	v4 =	vor.u32 v0, v18  }
0x1a3: {  	v43 =	vld [tilespmem:$0x370];
	[tilespmem:$0x250] =	vst v1;
	v20 =	vmin.u32 v19, $0x1FF;
	v21 =	vnsel vm6, $0x0, v57;
	v25 =	vnsel vm7, $0x0, v59  }
0x1a4: {  	v48 =	vld [tilespmem:$0x390];
	[tilespmem:$0x260] =	vst v2;
	v8 =	vmin.u32 v27, $0x1FF;
	v30 =	vmin.u32 v28, $0x1FF;
	v35 =	vmin.u32 v34, $0x1FF  }
0x1a5: {  	v36 =	vnsel vm12, $0x0, v26;
	v40 =	vnsel vm13, $0x0, v29;
	v3 =	vor.u32 v0, v60;
	[tilespmem:$0x280] =	vst v4  }
0x1a6: {  	v42 =	vnsel vm14, $0x0, v31;
	v45 =	vnsel vm15, $0x0, v33;
	v5 =	vor.u32 v0, v20;
	[tilespmem:$0x270] =	vst v3  }
0x1a7: {  	v49 =	vnsel vm4, $0x0, v37;
	vm5 =	vgt.s32 v39, $0x0;
	v1 =	vor.u32 v0, v8;
	[tilespmem:$0x290] =	vst v5  }
0x1a8: {  	vm6 =	vgt.s32 v41, $0x0;
	vm7 =	vgt.s32 v43, $0x0;
	v2 =	vor.u32 v0, v30;
	[tilespmem:$0x2C0] =	vst v1  }
0x1a9: {  	vm9 =	vgt.s32 v48, $0x0;
	v23 =	vmin.u32 v21, $0x1FF;
	v4 =	vor.u32 v0, v35;
	[tilespmem:$0x2D0] =	vst v2  }
0x1aa: {  	v50 =	vld [tilespmem:$0x3A0];
	v7 =	vmin.u32 v25, $0x1FF;
	v38 =	vmin.u32 v36, $0x1FF;
	v6 =	vor.u32 v0, v23;
	[tilespmem:$0x2F0] =	vst v4  }
0x1ab: {  	v53 =	vld [tilespmem:$0x3B0];
	v44 =	vmin.u32 v42, $0x1FF;
	v47 =	vmin.u32 v45, $0x1FF;
	v7 =	vor.u32 v0, v7;
	[tilespmem:$0x2A0] =	vst v6  }
0x1ac: {  	v51 =	vmin.u32 v49, $0x1FF;
	v52 =	vnsel vm5, $0x0, v39;
	v5 =	vor.u32 v0, v38;
	[tilespmem:$0x2B0] =	vst v7  }
0x1ad: {  	v54 =	vnsel vm6, $0x0, v41;
	v56 =	vnsel vm7, $0x0, v43;
	v2 =	vor.u32 v0, v44;
	[tilespmem:$0x300] =	vst v5  }
0x1ae: {  	v57 =	vnsel vm9, $0x0, v48;
	v3 =	vmin.u32 v32, $0x1FF;
	v4 =	vor.u32 v0, v51;
	[tilespmem:$0x320] =	vst v2  }
0x1af: {  	vm10 =	vgt.s32 v50, $0x0;
	v3 =	vor.u32 v0, v3;
	v6 =	vmin.u32 v40, $0x1FF;
	[tilespmem:$0x340] =	vst v4  }
0x1b0: {  	v55 =	vld [tilespmem:$0x3C0];
	vm11 =	vgt.s32 v53, $0x0;
	v58 =	vnsel vm10, $0x0, v50;
	v1 =	vor.u32 v0, v6;
	[tilespmem:$0x2E0] =	vst v3  }
0x1b1: {  	v61 =	vld [tilespmem:$0x3E0];
	v60 =	vnsel vm11, $0x0, v53;
	v3 =	vor.u32 v0, v47;
	[tilespmem:$0x310] =	vst v1;
	v1 =	vmin.u32 v52, $0x1FF  }
0x1b2: {  	v59 =	vld [tilespmem:$0x3D0];
	v2 =	vnsel vm8, $0x0, v46;
	[tilespmem:$0x330] =	vst v3;
	v3 =	vmin.u32 v54, $0x1FF;
	v1 =	vor.u32 v0, v1  }
0x1b3: {  	v4 =	vmin.u32 v58, $0x1FF;
	v3 =	vor.u32 v0, v3;
	[tilespmem:$0x350] =	vst v1;
	v1 =	vmin.u32 v56, $0x1FF  }
0x1b4: {  	v62 =	vld [tilespmem:$0x3F0];
	v63 =	vmin.u32 v60, $0x1FF;
	v2 =	vmin.u32 v2, $0x1FF;
	[tilespmem:$0x360] =	vst v3;
	v1 =	vor.u32 v0, v1  }
0x1b5: {  	vm12 =	vgt.s32 v55, $0x0;
	[tilespmem:$0x370] =	vst v1;
	v1 =	vor.u32 v0, v2;
	v2 =	vmin.u32 v57, $0x1FF  }
0x1b6: {  	vm14 =	vgt.s32 v61, $0x0;
	v3 =	vnsel vm12, $0x0, v55;
	[tilespmem:$0x380] =	vst v1;
	v1 =	vor.u32 v0, v2  }
0x1b7: {  	vm13 =	vgt.s32 v59, $0x0;
	v3 =	vmin.u32 v3, $0x1FF;
	v2 =	vor.u32 v0, v4;
	[tilespmem:$0x390] =	vst v1  }
0x1b8: {  	v1 =	vor.u32 v0, v63;
	[tilespmem:$0x3A0] =	vst v2;
	v2 =	vor.u32 v0, v3;
	v3 =	vnsel vm13, $0x0, v59  }
0x1b9: {  	vm15 =	vgt.s32 v62, $0x0;
	[tilespmem:$0x3B0] =	vst v1;
	v1 =	vmin.u32 v3, $0x1FF;
	v3 =	vnsel vm14, $0x0, v61  }
0x1ba: {  	[tilespmem:$0x3C0] =	vst v2;
	v2 =	vnsel vm15, $0x0, v62;
	v1 =	vor.u32 v0, v1;
	v3 =	vmin.u32 v3, $0x1FF  }
0x1bb: {  	v2 =	vmin.u32 v2, $0x1FF;
	[tilespmem:$0x3D0] =	vst v1;
	v1 =	vor.u32 v0, v3  }
0x1bc: {  	[tilespmem:$0x3E0] =	vst v1;
	v1 =	vor.u32 v0, v2  }
0x1bd: {  	[tilespmem:$0x3F0] =	vst v1  }
0x1be: {  	[tilespmem:s12], [sflag:$0x1] =	stream.indirect.gather [hbm4b:s3+s11], $0x20, s2, s11, $0xb8;
	[tilespmem:$0x10800] =	vst v63  }
0x1bf: {  	s25 =	simm.s32 $0x1800  }
0x1c0: {  	[tilespmem:s25], [sflag:$0x1] =	stream.indirect.gather [hbm4b:s3+s11], $0x20, s11, s11, $0xb8;
	[tilespmem:$0x10800] =	vst v63  }
0x1c1: {  	s24 =	simm.s32 $0x100;
	s25 =	simm.s32 $0x2800  }
0x1c2: {  	[tilespmem:s25], [sflag:$0x1] =	stream.indirect.gather [hbm4b:s3+s11], $0x20, s24, s11, $0xb8;
	[tilespmem:$0x10800] =	vst v63  }
0x1c3: {  	s24 =	simm.s32 $0x180;
	s25 =	simm.s32 $0x3800  }
0x1c4: {  	[tilespmem:s25], [sflag:$0x1] =	stream.indirect.gather [hbm4b:s3+s11], $0x20, s24, s11, $0xb8;
	[tilespmem:$0x10800] =	vst v63  }
0x1c5: {  	s24 =	simm.s32 $0x200;
	s25 =	simm.s32 $0x4800  }
0x1c6: {  	[tilespmem:s25], [sflag:$0x1] =	stream.indirect.gather [hbm4b:s3+s11], $0x20, s24, s11, $0xb8;
	[tilespmem:$0x10800] =	vst v63  }
0x1c7: {  	s24 =	simm.s32 $0x280;
	s25 =	simm.s32 $0x5800  }
0x1c8: {  	[tilespmem:s25], [sflag:$0x1] =	stream.indirect.gather [hbm4b:s3+s11], $0x20, s24, s11, $0xb8;
	[tilespmem:$0x10800] =	vst v63  }
.Ltmp3:
0x1c9: {  	s23 =	sadd.s32 $0x100, s23;
	(pc) =	sbr.rel .LBB2_2-.Ltmp3, $4  }
0x1ca: {  	s22 =	sadd.s32 $0x2000, s22;
	s24 =	simm.s32 $0x300;
	s25 =	simm.s32 $0x6800  }
0x1cb: {  	[tilespmem:s25], [sflag:$0x1] =	stream.indirect.gather [hbm4b:s3+s11], $0x20, s24, s11, $0xb8;
	[tilespmem:$0x10800] =	vst v63  }
0x1cc: {  	s21 =	sadd.s32 $0x2000, s21;
	s24 =	simm.s32 $0x380;
	s25 =	simm.s32 $0x7800  }
0x1cd: {  	[tilespmem:s25], [sflag:$0x1] =	stream.indirect.gather [hbm4b:s3+s11], $0x20, s24, s11, $0xb8;
	[tilespmem:$0x10800] =	vst v63  }
.LBB2_5:
0x1ce: {  	_ =	sfence.sel $0x180000  }
0x1cf: {  	[bflag:$0x0] =	sbarrier.arrive $0xFFFF  }
0x1d0: {  	_ =	strace $0x90000047  }
0x1d1: {  	s0 =	stileid.u32;
	[bflag:$0x2] =	sbarrier.arrive $0xFFFF  }
0x1d2: {  	p0 =	sne.s32 s0, $0x0;
	s0 =	rddreg [dreg:$0x2]  }
0x1d3: {  	s0 =	sadd.s32 @!p0 $0x100000, s0  }
0x1d4: {  	[sflag:s0] =	ssyncadd.tile.s32 @!p0 $0x1;
	_ =	shalt  }
.Lfunc_end2:
_tile_overlayer_lowered:
.L_overlay_start_2:
0x1d5: {  	(tag) =	ssettag $0x2  }
0x1d6: {  	s0 =	rddreg [dreg:$0x0];
	s2 =	stileid.u32  }
0x1d7: {  	s1 =	rddreg [dreg:$0x1];
	p0 =	sne.s32 s2, $0x0  }
0x1d8: {  	s3 =	rddreg [dreg:$0x2];
	[bflag:$0x3] =	sbarrier.arrive $0xFFFF;
	s2 =	simm.s32 @!p0 $0x1C05  }
0x1d9: {  	[timem:s3], [sflag:s2] =	dma.local @!p0 [hbm:s0], s1  }
0x1da: {  	s0 =	simm.s32 @!p0 $0x5  }
0x1db: {  	_ =	swait.ge @!p0 [sflag:s0], s1  }
0x1dc: {  	s1 =	ssub.s32 @!p0 $0x0, s1;
	[sflag:s0] =	ssyncset.done @!p0 $0x0  }
0x1dd: {  	[sflag:s0] =	ssyncadd.s32 @!p0 s1  }
0x1de: {  	[bflag:$0x3] =	sbarrier.arrive $0xFFFF  }
0x1df: {  	_ =	shalt  }

// kernel: sparse-core-data-format-call.cloned.1.call-start
scs
called_computation_lowered:
.L_overlay_start_0:
0x0: {  	s2 =	sld [smem:$0x3FD9]  }
0x1: {  	s3 =	sld [smem:$0x3FFE];
	_ =	sdelay $0x1  }
0x2: {  	s1 =	srdreg.scid  }
0x3: {  	s0 =	sand.u32 $0x1, s1  }
0x4: {  	s18 =	sshll.u32 s0, $0xA;
	s2 =	sadd.s32 s3, s2  }
0x5: {  	s2 =	sadd.s32 s2, s18  }
0x6: {  	[smem:$0x3FC6] =	sst s2  }
0x7: {  	_ = 	snop  }
0x8: {  	s2 =	sld [smem:$0x3FD0];
	(tm) =	ssettm $0x1  }
0x9: {  	s19 =	sld [smem:$0x3FFB];
	_ =	sdelay $0x3  }
0xa: {  	_ =	strace s19  }
0xb: {  	s3 =	sld [smem:$0x3FFC];
	_ =	sdelay $0x3  }
0xc: {  	_ =	strace s3  }
0xd: {  	s3 =	sld [smem:$0x3FFD];
	_ =	sdelay $0x3  }
0xe: {  	_ =	strace s3  }
0xf: {  	_ =	strace $0x8FFFFFFF  }
0x10: {  	s20 =	sld [smem:$0x3FDB];
	_ =	sdelay $0x1  }
0x11: {  	s4 =	simm.s32 $_scs_section_size  }
0x12: {  	s5 =	simm.s32 $_size__tile_overlayer_lowered;
	s6 =	simm.s32 $_tile_overlayer_lowered  }
0x13: {  	s23 =	simm.s32 $0x1BFF;
	s22 =	sshll.u32 s6, $0x1;
	s3 =	sadd.s32 s4, s20  }
0x14: {  	s7 =	simm.s32 $0x0;
	s21 =	sshll.u32 s5, $0x1;
	s5 =	sadd.s32 s22, s3  }
0x15: {  	[timem:s7], [sflag:s23] =	dma.local [hbm:s5], s21  }
0x16: {  	_ =	swait.ge [sflag:s23], s21  }
0x17: {  	s4 =	ssub.s32 $0x0, s21;
	[sflag:s23] =	ssyncset.done $0x0  }
0x18: {  	[sflag:s23] =	ssyncadd.s32 s4;
	_ =	sdelay $0x1  }
0x19: {  	s24 =	simm.s32 $0x1B8B  }
0x1a: {  	_ =	swait.ge [sflag:s24], $0x1  }
0x1b: {  	[sflag:s24] =	ssyncset.done $0x0  }
0x1c: {  	s26 =	simm.s32 $0x1B8E;
	s25 =	sld [smem:$0x3FFE];
	[sflag:s24] =	ssyncadd.s32 $0xFFFFFFFF  }
0x1d: {  	s27 =	simm.s32 $execute0_lowered;
	[smem:$0x3FD2] =	sst s26  }
0x1e: {  	s5 =	sshll.u32 s27, $0x1;
	_ =	strace $0x80000049;
	[dreg:$0x1] =	wrdreg $0xFFFFFFFF  }
0x1f: {  	s28 =	simm.s32 $_size_execute0_lowered;
	s3 =	sadd.s32 s3, s5;
	[dreg:$0x0] =	wrdreg $0x0  }
0x20: {  	s5 =	sshll.u32 s28, $0x1;
	[dreg:$0x2] =	wrdreg s3  }
0x21: {  	[dreg:$0x3] =	wrdreg s5  }
0x22: {  	[dreg:$0x4] =	wrdreg $0xC0  }
0x23: {  	_ =	task [dreg:s7], $0x5FFFF  }
0x24: {  	[dreg:$0x1] =	wrdreg $0xFFFFFFFF  }
0x25: {  	[dreg:$0x0] =	wrdreg $0x60  }
0x26: {  	[dreg:$0x2] =	wrdreg s25  }
0x27: {  	[dreg:$0x3] =	wrdreg s2  }
0x28: {  	[dreg:$0x4] =	wrdreg $0x9  }
0x29: {  	_ =	task.clear_ibuf [dreg:s7], $0x5FFFF;
	_ =	strace $0x90000049  }
0x2a: {  	s29 =	simm.s32 $0x9;
	_ =	strace $0x8000004B  }
0x2b: {  	_ =	swait.ge [sflag:s29], $0x1  }
0x2c: {  	[sflag:s29] =	ssyncadd.s32 $0xFFFFFFFF  }
0x2d: {  	_ =	strace $0x9000004B  }
0x2e: {  	_ =	sfence  }
0x2f: {  	s30 =	sld [smem:$0x0];
	_ =	sdelay $0x2  }
0x30: {  	s31 =	sshll.u32 s1, $0xD;
	s1 =	sshrl.u32 s1, $0x2  }
0x31: {  	s3 =	sand.u32 $0x4000, s31;
	s1 =	sadd.s32 s1, s30  }
0x32: {  	s0 =	sor.u32 s3, s0;
	s1 =	sshll.u32 s1, $0x11  }
0x33: {  	s0 =	sor.u32 s1, s0  }
0x34: {  	s0 =	sadd.s32 $0x8F2B, s0  }
0x35: {  	[sflag:s0] =	ssyncadd.remote.s32 $0x1  }
0x36: {  	_ =	sfence.sel $0xFFFF  }
0x37: {  	[dreg:$0x0] =	wrdreg $0xFFFFFFFF;
	(pc) =	sbr.abs _section_cstart, $3  }
0x38: {  	[dreg:$0x1] =	wrdreg $0xFFFFFFFF  }
0x39: {  	_ =	task.clear_ibuf [dreg:s7], $0x2FFFF;
	_ =	strace $0x9FFFFFFF  }
0x3a: {  	(tm) =	ssettm $0x7FFFFFFF  }
0x3b: {  	_ =	shalt  }
tec
execute0_lowered:
.L_overlay_start_1:
0x0: {  	(tag) =	ssettag $0x1  }
0x1: {  	s1 =	srdreg.scid;
	s10 =	rddreg [dreg:$0x0]  }
0x2: {  	s0 =	stileid.u32;
	s2 =	rddreg [dreg:$0x1];
	s5 =	simm.s32 $0x1  }
0x3: {  	s8 =	simm.s32 $0x2;
	s17 =	simm.s32 $0x0;
	s1 =	sshll.u32 s1, $0x4  }
0x4: {  	s12 =	simm.s32 $0x1000;
	s18 =	simm.s32 $0x0;
	s1 =	sor.u32 s0, s1  }
0x5: {  	s19 =	simm.s32 $0x0;
	s13 =	simm.s32 $0x0;
	s3 =	sshrl.u32 s1, $0x1  }
0x6: {  	s1 =	rddreg [dreg:$0x2];
	_ =	strace $0x8000004A;
	s3 =	sand.u32 $0xC, s3  }
0x7: {  	s16 =	simm.s32 $0x0;
	[sflag:s5] =	ssyncpa.u1 $0x0;
	s6 =	ssub.s32 $0x200, s3  }
0x8: {  	s4 =	sadd.s32 $0x1000, s10;
	[sflag:s8] =	ssyncpa.u1 $0x0;
	s7 =	sand.u32 $0xC, s6  }
.Ltmp0:
0x9: {  	p0 =	sne.s32 s7, $0x0;
	s7 =	simm.s32 $0x1;
	(pc) =	sbr.rel .LBB1_1-.Ltmp0, $4  }
0xa: {  	s8 =	sadd.s32 $0x3000, s10;
	s9 =	sshrl.u32 s6, $0x4;
	s7 =	simm.s32 @!p0 $0x0  }
0xb: {  	s14 =	smov.u32 s3;
	s6 =	sand.u32 $0x7, s0;
	s7 =	sadd.s32 s7, s9  }
0xc: {  	s15 =	smov.u32 s6;
	p0 =	por $0x0, $0x0;
	s7 =	sshll.u32 s7, $0x2  }
0xd: {  	s9 =	sadd.s32 $0x5000, s10;
	s10 =	sadd.s32 $0x7000, s10;
	s11 =	sor.u32 $0x1, s7  }
.LBB1_7:
0xe: {  	s20 =	sadd.s32 $0x80, s13  }
0xf: {  	s17 =	sadd.s32 $0x10, s14;
	s21 =	smov.u32 s14;
	p2 =	sgt.s32 s20, $0x1FF  }
0x10: {  	s21 =	smov.u32 @p2 s17  }
0x11: {  	s23 =	smov.u32 s15;
	s17 =	sadd.s32 $0x8, s15;
	p3 =	sgt.s32 s21, $0x1FF  }
0x12: {  	s23 =	smov.u32 @p3 s17  }
0x13: {  	s20 =	simm.s32 @p2 $0x0;
	p2 =	sgt.s32 s23, $0x7  }
0x14: {  	p1 =	slt.u32 s16, $0x2;
	s23 =	smov.u32 @p2 s6;
	p2 =	sne.s32 s16, s11  }
.Ltmp1:
0x15: {  	s22 =	simm.s32 @!p1 $0x2;
	(pc) =	sbr.rel @!p2 .LBB1_8-.Ltmp1, $4  }
0x16: {  	s18 =	smov.u32 s14;
	s19 =	smov.u32 s15;
	_ =	swait.ge @!p1 [sflag:s22], $0x4000  }
0x17: {  	p0 =	por !p0, !p0;
	[sflag:s22] =	ssyncset.done @!p1 $0x0;
	s21 =	smov.u32 @p3 s3  }
0x18: {  	s17 =	smov.u32 s13;
	[sflag:s22] =	ssyncadd.s32 @!p1 $0xFFFFC000;
	s13 =	smov.u32 s20  }
0x19: {  	s14 =	smov.u32 s21;
	s16 =	sadd.s32 $0x1, s16;
	s15 =	smov.u32 s23  }
.LBB1_1:
0x1a: {  	p1 =	sge.u32 s16, s7  }
0x1b: {  	s20 =	sxor.u32 @!p1 $0xFFFFFFFF, s16;
	s21 =	sshll.u32 @!p1 s15, $0x16;
	s22 =	sshll.u32 @!p1 s14, $0xD  }
0x1c: {  	s24 =	sshll.u32 @!p1 s13, $0x4;
	s25 =	simm.s32 @!p1 $0x20;
	s23 =	sadd.s32 @!p1 s21, s22  }
0x1d: {  	s20 =	sshll.u32 @!p1 s20, $0xE;
	s24 =	sand.u32 @!p1 $0x1FF0, s24;
	s23 =	sadd.s32 @!p1 s4, s23  }
0x1e: {  	s26 =	simm.s32 @!p1 $0x80;
	s20 =	sand.u32 @!p1 $0x4000, s20;
	s23 =	sadd.s32 @!p1 s24, s23  }
0x1f: {  	[tilespmem:s20], [sflag:$0x1] =	stream.strided.gather @!p1 [hbm4b:s23+s25], $0x1000, s26, s25, $0x38;
	[tilespmem:$0x10100] =	vst v63  }
0x20: {  	s23 =	sadd.s32 @!p1 s21, s8  }
0x21: {  	s23 =	sadd.s32 @!p1 s22, s23  }
0x22: {  	s27 =	sor.u32 @!p1 $0x1000, s20;
	s23 =	sadd.s32 @!p1 s24, s23  }
0x23: {  	[tilespmem:s27], [sflag:$0x1] =	stream.strided.gather @!p1 [hbm4b:s23+s25], $0x1000, s26, s25, $0x38;
	[tilespmem:$0x10100] =	vst v63  }
0x24: {  	s23 =	sadd.s32 @!p1 s21, s9  }
0x25: {  	s21 =	sadd.s32 @!p1 s21, s10;
	s23 =	sadd.s32 @!p1 s22, s23  }
0x26: {  	s27 =	sor.u32 @!p1 $0x2000, s20;
	s21 =	sadd.s32 @!p1 s22, s21;
	s23 =	sadd.s32 @!p1 s24, s23  }
0x27: {  	[tilespmem:s27], [sflag:$0x1] =	stream.strided.gather @!p1 [hbm4b:s23+s25], $0x1000, s26, s25, $0x38;
	[tilespmem:$0x10100] =	vst v63  }
0x28: {  	s31 =	sadd.s32 $0xFFFFFFFF, s16;
	s20 =	sor.u32 @!p1 $0x3000, s20;
	s21 =	sadd.s32 @!p1 s24, s21  }
0x29: {  	[tilespmem:s20], [sflag:$0x1] =	stream.strided.gather @!p1 [hbm4b:s21+s25], $0x1000, s26, s25, $0x38;
	[tilespmem:$0x10100] =	vst v63  }
0x2a: {  	p1 =	sge.u32 s31, s7  }
.Ltmp2:
0x2b: {  	_ = 	snop;
	(pc) =	sbr.rel @p1 .LBB1_7-.Ltmp2, $1  }
0x2c: {  	_ =	sdelay $0x3  }
0x2d: {  	s20 =	simm.s32 $0x1;
	s22 =	sand.u32 $0x1, s16  }
0x2e: {  	_ =	swait.ge [sflag:s5], $0x4000;
	s20 =	simm.s32 @!p0 $0x0;
	s23 =	smul.u32 $0x10200, s22  }
0x2f: {  	[sflag:s5] =	ssyncset.done $0x0;
	s21 =	smul.u32 $0x10200, s20  }
0x30: {  	s20 =	sshll.u32 s20, $0xE;
	[sflag:s5] =	ssyncadd.s32 $0xFFFFC000  }
0x31: {  	s22 =	sor.u32 $0x10, s20;
	s31 =	sshrl.u32 s23, $0x2;
	s21 =	sshrl.u32 s21, $0x2  }
0x32: {  	s23 =	simm.s32 $0x0;
	s20 =	sor.u32 $0x8000, s31;
	s21 =	sor.u32 $0x8000, s21  }
.LBB1_3:
0x33: {  	v1 =	vld [tilespmem:s22+$0x0]  }
0x34: {  	v0 =	vld [tilespmem:s22+$0xFFFFFFF0];
	_ =	sdelay $0x2  }
0x35: {  	s26 =	sadd.s32 $0x0, s21  }
0x36: {  	s24 =	simm.s32 $0x4;
	s25 =	sadd.s32 $0x20, s22;
	[tilespmem:s26+$0x810 ss:$0x81] =	vst.msk $0xffff, v1  }
.LBB1_4:
0x37: {  	v1 =	vld [tilespmem:s25+$0x0];
	p1 =	sne.s32 s24, $0x1FC;
	[tilespmem:s26+$0x0 ss:$0x81] =	vst.msk $0xffff, v0;
	s26 =	smov.u32 s24;
	s24 =	sadd.s32 $0x4, s24  }
.Ltmp3:
0x38: {  	v0 =	vld [tilespmem:s25+$0xFFFFFFF0];
	(pc) =	sbr.rel @p1 .LBB1_4-.Ltmp3, $4  }
0x39: {  	_ = 	snop  }
0x3a: {  	s26 =	sshra.s32 s26, $0x2  }
0x3b: {  	s26 =	sadd.s32 s26, s21  }
0x3c: {  	s25 =	sadd.s32 $0x20, s25;
	[tilespmem:s26+$0x810 ss:$0x81] =	vst.msk $0xffff, v1  }
0x3d: {  	s23 =	sadd.s32 $0x1, s23  }
0x3e: {  	p1 =	sne.s32 s23, $0x4  }
.Ltmp4:
0x3f: {  	_ = 	snop;
	(pc) =	sbr.rel @p1 .LBB1_3-.Ltmp4, $2  }
0x40: {  	_ =	sdelay $0x2  }
0x41: {  	[tilespmem:s26+$0x0 ss:$0x81] =	vst.msk $0xffff, v0;
	s21 =	sadd.s32 $0x1020, s21;
	s22 =	sadd.s32 $0x1000, s22  }
0x42: {  	s19 =	sshll.u32 s19, $0x14;
	s21 =	sand.u32 $0x780, s17  }
.Ltmp5:
0x43: {  	s18 =	sshll.u32 s18, $0xB;
	s19 =	sadd.s32 s2, s19;
	(pc) =	sbr.rel .LBB1_7-.Ltmp5, $4  }
0x44: {  	s22 =	sshrl.u32 s17, $0x3;
	s30 =	sand.u32 $0x7, s17;
	s18 =	sadd.s32 s18, s19  }
0x45: {  	s31 =	sand.u32 $0xF, s22;
	s17 =	sshll.u32 s30, $0x12;
	s18 =	sadd.s32 s21, s18  }
0x46: {  	s17 =	sor.u32 $0x400, s17;
	s18 =	sadd.s32 s31, s18  }
0x47: {  	[hbm4b:s18+s17] =	stream.strided.scatter [tilespmem:s20], [sflag:$0x2], $0x4000, s12, s17, $0x20;
	[tilespmem:$0x10100] =	vst v63  }
.LBB1_8:
0x48: {  	_ =	sfence.sel $0x180000  }
0x49: {  	s2 =	simm.s32 $0x1;
	[bflag:$0x0] =	sbarrier.arrive $0xFFFF  }
0x4a: {  	s31 =	simm.s32 $0x2;
	[sflag:s2] =	ssyncpa.u1 $0x1  }
0x4b: {  	[sflag:s31] =	ssyncpa.u1 $0x1  }
0x4c: {  	p0 =	sne.s32 s0, $0x0;
	_ =	strace $0x9000004A  }
0x4d: {  	s0 =	sadd.s32 @!p0 $0x100000, s1;
	[bflag:$0x2] =	sbarrier.arrive $0xFFFF  }
0x4e: {  	[sflag:s0] =	ssyncadd.tile.s32 @!p0 $0x1;
	_ =	shalt  }
.Lfunc_end1:
_tile_overlayer_lowered:
.L_overlay_start_2:
0x4f: {  	(tag) =	ssettag $0x2  }
0x50: {  	s0 =	rddreg [dreg:$0x0];
	s2 =	stileid.u32  }
0x51: {  	s1 =	rddreg [dreg:$0x1];
	p0 =	sne.s32 s2, $0x0  }
0x52: {  	s3 =	rddreg [dreg:$0x2];
	[bflag:$0x3] =	sbarrier.arrive $0xFFFF;
	s2 =	simm.s32 @!p0 $0x1C01  }
0x53: {  	[timem:s3], [sflag:s2] =	dma.local @!p0 [hbm:s0], s1  }
0x54: {  	s0 =	simm.s32 @!p0 $0x1  }
0x55: {  	_ =	swait.ge @!p0 [sflag:s0], s1  }
0x56: {  	s1 =	ssub.s32 @!p0 $0x0, s1;
	[sflag:s0] =	ssyncset.done @!p0 $0x0  }
0x57: {  	[sflag:s0] =	ssyncadd.s32 @!p0 s1  }
0x58: {  	[bflag:$0x3] =	sbarrier.arrive $0xFFFF  }
0x59: {  	_ =	shalt  }

</sc_bundles>
